<compile_context>
chip_gen: v7x
topology: tpu7x:2x2x1
jax: 0.10.2.dev20260603
libtpu: 0.0.44.dev20260713+nightly
codegen_flags: <defaults>
</compile_context>

<pallas_src>
import functools

import jax
import jax.numpy as jnp
from jax import lax
from jax.experimental import pallas as pl
from jax.experimental.pallas import tpu as pltpu
from jax.experimental.pallas import tpu_sc as plsc

N_C, N_S = 2, 16
N_W = N_C * N_S
CHUNK = 80
ECH = 32
N_BUF = 5


def _mesh():
    return plsc.VectorSubcoreMesh(
        core_axis_name="c", subcore_axis_name="s",
        num_cores=N_C, num_subcores=N_S)


def _make_deg(N, E):
    e_per_sub = E // N_W
    n_ec = e_per_sub // ECH
    seg = (-(-N // N_S) + 127) // 128 * 128
    n_pad = seg * N_S

    @functools.partial(
        pl.kernel,
        out_type=jax.ShapeDtypeStruct((N_C * n_pad,), jnp.float32),
        mesh=_mesh(),
        scratch_types=[
            pltpu.VMEM((n_ec, ECH), jnp.int32),
            pltpu.VMEM((ECH,), jnp.float32),
            pltpu.VMEM((seg,), jnp.float32),
            pltpu.VMEM_SHARED((n_pad,), jnp.float32),
            pltpu.SemaphoreType.DMA,
        ],
    )
    def deg(dst3_hbm, ones_hbm, zseg_hbm, out_hbm, idx_v, ones_v, seg_v, acc_sh, sem):
        c = lax.axis_index("c")
        s = lax.axis_index("s")
        w = c * N_S + s
        pltpu.sync_copy(dst3_hbm.at[w], idx_v)
        pltpu.sync_copy(ones_hbm, ones_v)
        pltpu.sync_copy(zseg_hbm, seg_v)
        pltpu.sync_copy(seg_v, acc_sh.at[pl.ds(s * seg, seg)])
        plsc.subcore_barrier()

        def fire(i, carry):
            pltpu.async_copy(ones_v, acc_sh.at[idx_v.at[i]], sem, add=True)
            return carry

        lax.fori_loop(0, n_ec, fire, 0)

        def drain(i, carry):
            pltpu.make_async_copy(ones_v, acc_sh.at[pl.ds(0, ECH)], sem).wait()
            return carry

        lax.fori_loop(0, n_ec, drain, 0)
        plsc.subcore_barrier()
        pltpu.sync_copy(acc_sh.at[pl.ds(s * seg, seg)], seg_v)
        pltpu.sync_copy(seg_v, out_hbm.at[pl.ds(c * n_pad + s * seg, seg)])

    return deg, n_pad


def _make_agg(N, e0ps, e1ps, C):
    rows_per_sub = (-(-N // N_S) + 127) // 128 * 128
    n_padr = rows_per_sub * N_S

    @functools.partial(
        pl.kernel,
        out_type=jax.ShapeDtypeStruct((N_C, n_padr, C), jnp.float32),
        mesh=_mesh(),
        scratch_types=[
            pltpu.VMEM((max(e0ps, e1ps),), jnp.int32),
            pltpu.VMEM((max(e0ps, e1ps),), jnp.int32),
            [pltpu.VMEM((ECH, C), jnp.float32) for _ in range(N_BUF)],
            pltpu.VMEM_SHARED((n_padr, C), jnp.float32),
            [pltpu.SemaphoreType.DMA for _ in range(N_BUF)],
            pltpu.SemaphoreType.DMA,
            pltpu.SemaphoreType.DMA,
        ],
    )
    def agg(g_hbm, src_hbm, dst_hbm, out_hbm,
            sidx_v, didx_v, rows_v, acc_sh, gsem, ssem_a, ssem_b):
        c = lax.axis_index("c")
        s = lax.axis_index("s")
        row0 = s * rows_per_sub
        n_ec = jnp.where(c == 0, e0ps // ECH, e1ps // ECH)

        @pl.when(c == 0)
        def _():
            base = s * e0ps
            pltpu.sync_copy(src_hbm.at[pl.ds(base, e0ps)],
                            sidx_v.at[pl.ds(0, e0ps)])
            pltpu.sync_copy(dst_hbm.at[pl.ds(base, e0ps)],
                            didx_v.at[pl.ds(0, e0ps)])
            pltpu.sync_copy(g_hbm.at[pl.ds(row0, rows_per_sub)],
                            acc_sh.at[pl.ds(row0, rows_per_sub)])

        @pl.when(c == 1)
        def _():
            base = N_S * e0ps + s * e1ps
            pltpu.sync_copy(src_hbm.at[pl.ds(base, e1ps)],
                            sidx_v.at[pl.ds(0, e1ps)])
            pltpu.sync_copy(dst_hbm.at[pl.ds(base, e1ps)],
                            didx_v.at[pl.ds(0, e1ps)])
            zv = jnp.zeros((16,), jnp.float32)

            def zrow(i, carry):
                for k in range(C // 16):
                    rows_v[0][i, pl.ds(k * 16, 16)] = zv
                return carry

            lax.fori_loop(0, ECH, zrow, 0)
            for j in range(rows_per_sub // ECH):
                pltpu.sync_copy(rows_v[0],
                                acc_sh.at[pl.ds(row0 + j * ECH, ECH)])

        plsc.subcore_barrier()

        for b in range(N_BUF):
            pltpu.async_copy(
                g_hbm.at[sidx_v.at[pl.ds(b * ECH, ECH)]], rows_v[b], gsem[b])

        def outer(o, carry):
            for b in range(N_BUF):
                ci = o * N_BUF + b
                pltpu.make_async_copy(
                    g_hbm.at[pl.ds(0, ECH)], rows_v[b], gsem[b]).wait()
                ia = didx_v[pl.ds(ci * ECH, 16)]
                ib = didx_v[pl.ds(ci * ECH + 16, 16)]
                da = pltpu.async_copy(
                    rows_v[b].at[pl.ds(0, 16)], acc_sh.at[ia], ssem_a, add=True)
                db = pltpu.async_copy(
                    rows_v[b].at[pl.ds(16, 16)], acc_sh.at[ib], ssem_b, add=True)
                da.wait()
                db.wait()
                nxt = ci + N_BUF

                @pl.when(nxt < n_ec)
                def _():
                    pltpu.async_copy(
                        g_hbm.at[sidx_v.at[pl.ds(nxt * ECH, ECH)]],
                        rows_v[b], gsem[b])

            return carry

        lax.fori_loop(0, n_ec // N_BUF, outer, 0)
        plsc.subcore_barrier()
        pltpu.sync_copy(acc_sh.at[pl.ds(row0, rows_per_sub)],
                        out_hbm.at[c, pl.ds(row0, rows_per_sub)])

    return agg


def _make_decode(N, P, C):
    n_pc = P // CHUNK
    per = -(-n_pc // N_W)

    @functools.partial(
        pl.kernel,
        out_type=jax.ShapeDtypeStruct((P, 16), jnp.float32),
        mesh=_mesh(),
        scratch_types=[
            pltpu.VMEM((CHUNK,), jnp.int32),
            pltpu.VMEM((CHUNK,), jnp.int32),
            pltpu.VMEM((CHUNK, C), jnp.float32),
            pltpu.VMEM((CHUNK, C), jnp.float32),
            pltpu.VMEM((CHUNK, 16), jnp.float32),
            pltpu.SemaphoreType.DMA,
            pltpu.SemaphoreType.DMA,
        ],
    )
    def dec(z_hbm, ea_hbm, eb_hbm, out_hbm, ia_v, ib_v, za_v, zb_v, sc_v, sem, sem2):
        c = lax.axis_index("c")
        s = lax.axis_index("s")
        wid = c * N_S + s

        def chunk_step(t, carry):
            ci = wid + t * N_W

            @pl.when(ci < n_pc)
            def _():
                off = ci * CHUNK
                pltpu.sync_copy(ea_hbm.at[pl.ds(off, CHUNK)], ia_v)
                pltpu.sync_copy(eb_hbm.at[pl.ds(off, CHUNK)], ib_v)
                da = pltpu.async_copy(z_hbm.at[ia_v], za_v, sem)
                db = pltpu.async_copy(z_hbm.at[ib_v], zb_v, sem2)
                da.wait()
                db.wait()

                def pair_step(p, carry2):
                    v = za_v[p, pl.ds(0, 16)] * zb_v[p, pl.ds(0, 16)]
                    for k in range(1, C // 16):
                        v = v + (za_v[p, pl.ds(k * 16, 16)]
                                 * zb_v[p, pl.ds(k * 16, 16)])
                    sc_v[p, pl.ds(0, 16)] = v
                    return carry2

                lax.fori_loop(0, CHUNK, pair_step, 0)
                pltpu.sync_copy(sc_v, out_hbm.at[pl.ds(off, CHUNK)])

            return carry

        lax.fori_loop(0, per, chunk_step, 0)

    return dec


def _tc4_body(ps_ref, o_ref):
    o_ref[...] = jnp.sum(ps_ref[...], axis=-1, keepdims=True)


def _tc1_body(cnta_ref, cntb_ref, x_ref, w_ref, o_ref):
    dinv = lax.rsqrt(cnta_ref[...] + cntb_ref[...] + 1.0)
    o_ref[...] = jnp.dot(x_ref[...], w_ref[...],
                         preferred_element_type=jnp.float32) * dinv


def _tc2_body(part_ref, cnta_ref, cntb_ref, b1_ref, w2_ref, o_ref):
    dinv = lax.rsqrt(cnta_ref[...] + cntb_ref[...] + 1.0)
    t = (part_ref[0] + part_ref[1]) * dinv + b1_ref[...]
    t = jnp.maximum(t, 0.0)
    o_ref[...] = jnp.dot(t, w2_ref[...],
                         preferred_element_type=jnp.float32) * dinv


def _tc3_body(part_ref, cnta_ref, cntb_ref, b2_ref, o_ref):
    dinv = lax.rsqrt(cnta_ref[...] + cntb_ref[...] + 1.0)
    o_ref[...] = (part_ref[0] + part_ref[1]) * dinv + b2_ref[...]


def kernel(x, edge_index, edge_label_index, W1, b1, W2, b2):
    N, C = x.shape
    E = edge_index.shape[1]
    P = edge_label_index.shape[1]
    n_padr = (-(-N // N_S) + 127) // 128 * 128 * N_S
    B = 1024
    grid = (n_padr // B,)

    quant = ECH * N_BUF
    t_ps = -(-E // (N_W * quant)) * quant
    e_pad = N_W * t_ps - E
    pad_row = (-(-N // N_S) + 127) // 128 * 128 * N_S - 1
    src_f = jnp.concatenate(
        [edge_index[0], jnp.zeros((e_pad,), jnp.int32)])
    dst_f = jnp.concatenate(
        [edge_index[1], jnp.full((e_pad,), pad_row, jnp.int32)])
    E_p = N_W * t_ps
    dst3 = dst_f.reshape(N_W, t_ps // ECH, ECH)
    ea, eb = edge_label_index[0], edge_label_index[1]

    e0ps = int(round(2 * t_ps * 0.70 / quant)) * quant
    e1ps = 2 * t_ps - e0ps

    deg_call, n_pad = _make_deg(N, E_p)
    agg_call = _make_agg(N, e0ps, e1ps, C)
    dec_call = _make_decode(N, P, C)

    ones_e = jnp.ones((ECH,), jnp.float32)
    zseg = jnp.zeros((n_pad // N_S,), jnp.float32)

    cnt = deg_call(dst3, ones_e, zseg).reshape(N_C, n_pad)
    cnta = cnt[0].reshape(n_pad, 1)
    cntb = cnt[1].reshape(n_pad, 1)

    col = pl.BlockSpec((B, 1), lambda i: (i, 0))
    mat = pl.BlockSpec((B, C), lambda i: (i, 0))
    wts = pl.BlockSpec((C, C), lambda i: (0, 0))
    bias = pl.BlockSpec((1, C), lambda i: (0, 0))
    parts = pl.BlockSpec((N_C, B, C), lambda i: (0, i, 0))
    out_sds = jax.ShapeDtypeStruct((n_padr, C), jnp.float32)

    g1 = pl.pallas_call(
        _tc1_body, grid=grid,
        in_specs=[col, col, mat, wts],
        out_specs=mat, out_shape=out_sds,
    )(cnta, cntb, x, W1)

    part1 = agg_call(g1, src_f, dst_f)

    g2 = pl.pallas_call(
        _tc2_body, grid=grid,
        in_specs=[parts, col, col, bias, wts],
        out_specs=mat, out_shape=out_sds,
    )(part1, cnta, cntb, b1.reshape(1, C), W2)

    part2 = agg_call(g2, src_f, dst_f)

    z = pl.pallas_call(
        _tc3_body, grid=grid,
        in_specs=[parts, col, col, bias],
        out_specs=mat, out_shape=out_sds,
    )(part2, cnta, cntb, b2.reshape(1, C))

    partial_dots = dec_call(z, ea, eb)

    BP = 2000
    scores = pl.pallas_call(
        _tc4_body, grid=(P // BP,),
        in_specs=[pl.BlockSpec((BP, 16), lambda i: (i, 0))],
        out_specs=pl.BlockSpec((BP, 1), lambda i: (i, 0)),
        out_shape=jax.ShapeDtypeStruct((P, 1), jnp.float32),
    )(partial_dots)
    return scores.reshape(P)

# --- scband reference (transcript-rebuilt; emitter-appended) ---
"""Pipeline reference for scband-link-prediction-model-79714593014200 (READ-ONLY COPY).

The authoritative reference and input builder live on the scoring server;
editing this copy changes nothing except your own understanding.
"""

import jax, jax.numpy as jnp
import numpy as np

N_NODES = 10000
N_EDGES = 320000
N_PAIRS = 10000
C_IN = 128
C_HID = 128
C_OUT = 128


def _gcn_conv(x, src, dst, W, b):
    # PyG GCNConv: add self loops, symmetric normalization, linear, scatter-add, bias
    N = x.shape[0]
    loop = jnp.arange(N, dtype=src.dtype)
    s = jnp.concatenate([src, loop])
    d = jnp.concatenate([dst, loop])
    h = x @ W
    deg = jnp.zeros((N,), dtype=h.dtype).at[d].add(1.0)
    dinv = jnp.where(deg > 0, jax.lax.rsqrt(deg), 0.0)
    norm = dinv[s] * dinv[d]
    msg = h[s] * norm[:, None]
    out = jnp.zeros_like(h).at[d].add(msg)
    return out + b


def setup_inputs(seed: int = 0) -> dict:
    key = jax.random.key(seed)
    ks = jax.random.split(key, 8)
    x = jax.random.normal(ks[0], (N_NODES, C_IN), dtype=jnp.float32)
    edge_index = jax.random.randint(ks[1], (2, N_EDGES), 0, N_NODES, dtype=jnp.int32)
    edge_label_index = jax.random.randint(ks[2], (2, N_PAIRS), 0, N_NODES, dtype=jnp.int32)
    s1 = float(np.sqrt(2.0 / (C_IN + C_HID)))
    s2 = float(np.sqrt(2.0 / (C_HID + C_OUT)))
    W1 = jax.random.normal(ks[3], (C_IN, C_HID), dtype=jnp.float32) * s1
    b1 = jnp.zeros((C_HID,), dtype=jnp.float32)
    W2 = jax.random.normal(ks[4], (C_HID, C_OUT), dtype=jnp.float32) * s2
    b2 = jnp.zeros((C_OUT,), dtype=jnp.float32)
    return {"x": x, "edge_index": edge_index, "edge_label_index": edge_label_index,
            "W1": W1, "b1": b1, "W2": W2, "b2": b2}


def reference(x, edge_index, edge_label_index, W1, b1, W2, b2):
    src, dst = edge_index[0], edge_index[1]
    # encode (eval mode: dropout is identity)
    h = _gcn_conv(x, src, dst, W1, b1)
    h = jax.nn.relu(h)
    z = _gcn_conv(h, src, dst, W2, b2)
    # decode: inner product scores on candidate edges
    scores = (z[edge_label_index[0]] * z[edge_label_index[1]]).sum(axis=-1)
    return scores

if __name__ == "__main__":
    import jax
    _d = setup_inputs()
    print(jax.jit(kernel)(*tuple(_d.values())))

</pallas_src>

<mosaic_0001>
#map = affine_map<(d0, d1) -> (0, 0)>
#map1 = affine_map<(d0, d1) -> (0)>
#map2 = affine_map<(d0, d1) -> (0, 0, 0)>
module attributes {stable_mosaic.version = 14 : i64} {
  func.func @agg(%arg0: i32, %arg1: i32, %arg2: memref<10240x128xf32, #tpu.memory_space<hbm>>, %arg3: memref<322560xi32, #tpu.memory_space<hbm>>, %arg4: memref<322560xi32, #tpu.memory_space<hbm>>, %arg5: memref<2x10240x128xf32, #tpu.memory_space<hbm>>, %arg6: memref<14080xi32, #tpu.memory_space<vmem>>, %arg7: memref<14080xi32, #tpu.memory_space<vmem>>, %arg8: memref<32x128xf32, #tpu.memory_space<vmem>>, %arg9: memref<32x128xf32, #tpu.memory_space<vmem>>, %arg10: memref<32x128xf32, #tpu.memory_space<vmem>>, %arg11: memref<32x128xf32, #tpu.memory_space<vmem>>, %arg12: memref<32x128xf32, #tpu.memory_space<vmem>>, %arg13: memref<10240x128xf32, #tpu.memory_space<vmem_shared>>, %arg14: memref<!tpu.dma_semaphore, #tpu.memory_space<semaphore_mem>>, %arg15: memref<!tpu.dma_semaphore, #tpu.memory_space<semaphore_mem>>, %arg16: memref<!tpu.dma_semaphore, #tpu.memory_space<semaphore_mem>>, %arg17: memref<!tpu.dma_semaphore, #tpu.memory_space<semaphore_mem>>, %arg18: memref<!tpu.dma_semaphore, #tpu.memory_space<semaphore_mem>>, %arg19: memref<!tpu.dma_semaphore, #tpu.memory_space<semaphore_mem>>, %arg20: memref<!tpu.dma_semaphore, #tpu.memory_space<semaphore_mem>>) attributes {dimension_semantics = [#tpu.dimension_semantics<core_parallel>, #tpu.dimension_semantics<subcore_parallel>], iteration_bounds = array<i64: 2, 16>, scalar_prefetch = 0 : i64, scratch_operands = 15 : i64, tpu.core_type = #tpu.core_type<sc_vector_subcore>, window_params = [{transform_indices = #map}, {transform_indices = #map1}, {transform_indices = #map1}, {transform_indices = #map2}]} {
    %mul3A = arith.constant 640 : i32
    %mul3A_0 = arith.muli %arg1, %mul3A : i32
    %eq3A = arith.constant 0 : i32
    %eq3A_1 = arith.cmpi eq, %arg0, %eq3A : i32
    %jit3A = arith.constant 440 : i32
    %jit3A_2 = arith.constant 190 : i32
    %select_n3A = arith.select %eq3A_1, %jit3A, %jit3A_2 : i32
    %eq3A_3 = arith.constant 0 : i32
    %eq3A_4 = arith.cmpi eq, %arg0, %eq3A_3 : i32
    %convert_element_type3A = arith.extui %eq3A_4 : i1 to i32
    %cond3A = arith.constant 0 : i32
    %cond3A_5 = arith.cmpi ne, %convert_element_type3A, %cond3A : i32
    scf.if %cond3A_5 {
      %mul3A_63 = arith.constant 14080 : i32
      %mul3A_64 = arith.muli %arg1, %mul3A_63 : i32
      "tpu.region"() ({
        %run_scoped3A = tpu.sem_alloc : memref<!tpu.dma_semaphore, #tpu.memory_space<semaphore_mem>>
        %dma_start3A_65 = arith.constant 0 : i32
        %dma_start3A_66 = tpu.memref_slice %arg6[%dma_start3A_65] : memref<14080xi32, #tpu.memory_space<vmem>> -> memref<14080xi32, #tpu.memory_space<vmem>>
        %dma_start3A_67 = tpu.memref_slice %arg3[%mul3A_64] : memref<322560xi32, #tpu.memory_space<hbm>> -> memref<14080xi32, #tpu.memory_space<hbm>>
        %dma_start3A_68 = arith.constant 0 : i32
        %dma_start3A_69 = tpu.memref_slice %arg6[%dma_start3A_68] : memref<14080xi32, #tpu.memory_space<vmem>> -> memref<14080xi32, #tpu.memory_space<vmem>>
        %dma_start3A_70 = tpu.memref_slice %arg3[%mul3A_64] : memref<322560xi32, #tpu.memory_space<hbm>> -> memref<14080xi32, #tpu.memory_space<hbm>>
        tpu.enqueue_dma source(%dma_start3A_70 : memref<14080xi32, #tpu.memory_space<hbm>>) target(%dma_start3A_69 : memref<14080xi32, #tpu.memory_space<vmem>>) target_semaphore(%run_scoped3A : memref<!tpu.dma_semaphore, #tpu.memory_space<semaphore_mem>>)
        %dma_wait3A = arith.constant 0 : i32
        %dma_wait3A_71 = tpu.memref_slice %arg6[%dma_wait3A] : memref<14080xi32, #tpu.memory_space<vmem>> -> memref<14080xi32, #tpu.memory_space<vmem>>
        %dma_wait3A_72 = tpu.memref_slice %arg3[%mul3A_64] : memref<322560xi32, #tpu.memory_space<hbm>> -> memref<14080xi32, #tpu.memory_space<hbm>>
        %dma_wait3A_73 = arith.constant 0 : i32
        %dma_wait3A_74 = tpu.memref_slice %arg6[%dma_wait3A_73] : memref<14080xi32, #tpu.memory_space<vmem>> -> memref<14080xi32, #tpu.memory_space<vmem>>
        %dma_wait3A_75 = tpu.memref_slice %arg3[%mul3A_64] : memref<322560xi32, #tpu.memory_space<hbm>> -> memref<14080xi32, #tpu.memory_space<hbm>>
        tpu.wait_dma2 semaphore(%run_scoped3A : memref<!tpu.dma_semaphore, #tpu.memory_space<semaphore_mem>>) src(%dma_wait3A_75 : memref<14080xi32, #tpu.memory_space<hbm>>) dst(%dma_wait3A_74 : memref<14080xi32, #tpu.memory_space<vmem>>)
        tpu.yield
      }) : () -> ()
      "tpu.region"() ({
        %run_scoped3A = tpu.sem_alloc : memref<!tpu.dma_semaphore, #tpu.memory_space<semaphore_mem>>
        %dma_start3A_65 = arith.constant 0 : i32
        %dma_start3A_66 = tpu.memref_slice %arg7[%dma_start3A_65] : memref<14080xi32, #tpu.memory_space<vmem>> -> memref<14080xi32, #tpu.memory_space<vmem>>
        %dma_start3A_67 = tpu.memref_slice %arg4[%mul3A_64] : memref<322560xi32, #tpu.memory_space<hbm>> -> memref<14080xi32, #tpu.memory_space<hbm>>
        %dma_start3A_68 = arith.constant 0 : i32
        %dma_start3A_69 = tpu.memref_slice %arg7[%dma_start3A_68] : memref<14080xi32, #tpu.memory_space<vmem>> -> memref<14080xi32, #tpu.memory_space<vmem>>
        %dma_start3A_70 = tpu.memref_slice %arg4[%mul3A_64] : memref<322560xi32, #tpu.memory_space<hbm>> -> memref<14080xi32, #tpu.memory_space<hbm>>
        tpu.enqueue_dma source(%dma_start3A_70 : memref<14080xi32, #tpu.memory_space<hbm>>) target(%dma_start3A_69 : memref<14080xi32, #tpu.memory_space<vmem>>) target_semaphore(%run_scoped3A : memref<!tpu.dma_semaphore, #tpu.memory_space<semaphore_mem>>)
        %dma_wait3A = arith.constant 0 : i32
        %dma_wait3A_71 = tpu.memref_slice %arg7[%dma_wait3A] : memref<14080xi32, #tpu.memory_space<vmem>> -> memref<14080xi32, #tpu.memory_space<vmem>>
        %dma_wait3A_72 = tpu.memref_slice %arg4[%mul3A_64] : memref<322560xi32, #tpu.memory_space<hbm>> -> memref<14080xi32, #tpu.memory_space<hbm>>
        %dma_wait3A_73 = arith.constant 0 : i32
        %dma_wait3A_74 = tpu.memref_slice %arg7[%dma_wait3A_73] : memref<14080xi32, #tpu.memory_space<vmem>> -> memref<14080xi32, #tpu.memory_space<vmem>>
        %dma_wait3A_75 = tpu.memref_slice %arg4[%mul3A_64] : memref<322560xi32, #tpu.memory_space<hbm>> -> memref<14080xi32, #tpu.memory_space<hbm>>
        tpu.wait_dma2 semaphore(%run_scoped3A : memref<!tpu.dma_semaphore, #tpu.memory_space<semaphore_mem>>) src(%dma_wait3A_75 : memref<14080xi32, #tpu.memory_space<hbm>>) dst(%dma_wait3A_74 : memref<14080xi32, #tpu.memory_space<vmem>>)
        tpu.yield
      }) : () -> ()
      "tpu.region"() ({
        %run_scoped3A = tpu.sem_alloc : memref<!tpu.dma_semaphore, #tpu.memory_space<semaphore_mem>>
        %dma_start3A_65 = arith.constant 0 : i32
        %dma_start3A_66 = tpu.memref_slice %arg13[%mul3A_0, %dma_start3A_65] : memref<10240x128xf32, #tpu.memory_space<vmem_shared>> -> memref<640x128xf32, #tpu.memory_space<vmem_shared>>
        %dma_start3A_67 = arith.constant 0 : i32
        %dma_start3A_68 = tpu.memref_slice %arg2[%mul3A_0, %dma_start3A_67] : memref<10240x128xf32, #tpu.memory_space<hbm>> -> memref<640x128xf32, #tpu.memory_space<hbm>>
        tpu.enqueue_dma source(%dma_start3A_68 : memref<640x128xf32, #tpu.memory_space<hbm>>) target(%dma_start3A_66 : memref<640x128xf32, #tpu.memory_space<vmem_shared>>) target_semaphore(%run_scoped3A : memref<!tpu.dma_semaphore, #tpu.memory_space<semaphore_mem>>)
        %dma_wait3A = arith.constant 0 : i32
        %dma_wait3A_69 = tpu.memref_slice %arg13[%mul3A_0, %dma_wait3A] : memref<10240x128xf32, #tpu.memory_space<vmem_shared>> -> memref<640x128xf32, #tpu.memory_space<vmem_shared>>
        %dma_wait3A_70 = arith.constant 0 : i32
        %dma_wait3A_71 = tpu.memref_slice %arg2[%mul3A_0, %dma_wait3A_70] : memref<10240x128xf32, #tpu.memory_space<hbm>> -> memref<640x128xf32, #tpu.memory_space<hbm>>
        tpu.wait_dma2 semaphore(%run_scoped3A : memref<!tpu.dma_semaphore, #tpu.memory_space<semaphore_mem>>) src(%dma_wait3A_71 : memref<640x128xf32, #tpu.memory_space<hbm>>) dst(%dma_wait3A_69 : memref<640x128xf32, #tpu.memory_space<vmem_shared>>)
        tpu.yield
      }) : () -> ()
    } else {
    }
    %eq3A_6 = arith.constant 1 : i32
    %eq3A_7 = arith.cmpi eq, %arg0, %eq3A_6 : i32
    %convert_element_type3A_8 = arith.extui %eq3A_7 : i1 to i32
    %cond3A_9 = arith.constant 0 : i32
    %cond3A_10 = arith.cmpi ne, %convert_element_type3A_8, %cond3A_9 : i32
    scf.if %cond3A_10 {
      %mul3A_63 = arith.constant 6080 : i32
      %mul3A_64 = arith.muli %arg1, %mul3A_63 : i32
      %add3A = arith.constant 225280 : i32
      %add3A_65 = arith.addi %add3A, %mul3A_64 : i32
      "tpu.region"() ({
        %run_scoped3A = tpu.sem_alloc : memref<!tpu.dma_semaphore, #tpu.memory_space<semaphore_mem>>
        %dma_start3A_112 = arith.constant 0 : i32
        %dma_start3A_113 = tpu.memref_slice %arg6[%dma_start3A_112] : memref<14080xi32, #tpu.memory_space<vmem>> -> memref<6080xi32, #tpu.memory_space<vmem>>
        %dma_start3A_114 = tpu.memref_slice %arg3[%add3A_65] : memref<322560xi32, #tpu.memory_space<hbm>> -> memref<6080xi32, #tpu.memory_space<hbm>>
        %dma_start3A_115 = arith.constant 0 : i32
        %dma_start3A_116 = tpu.memref_slice %arg6[%dma_start3A_115] : memref<14080xi32, #tpu.memory_space<vmem>> -> memref<6080xi32, #tpu.memory_space<vmem>>
        %dma_start3A_117 = tpu.memref_slice %arg3[%add3A_65] : memref<322560xi32, #tpu.memory_space<hbm>> -> memref<6080xi32, #tpu.memory_space<hbm>>
        tpu.enqueue_dma source(%dma_start3A_117 : memref<6080xi32, #tpu.memory_space<hbm>>) target(%dma_start3A_116 : memref<6080xi32, #tpu.memory_space<vmem>>) target_semaphore(%run_scoped3A : memref<!tpu.dma_semaphore, #tpu.memory_space<semaphore_mem>>)
        %dma_wait3A = arith.constant 0 : i32
        %dma_wait3A_118 = tpu.memref_slice %arg6[%dma_wait3A] : memref<14080xi32, #tpu.memory_space<vmem>> -> memref<6080xi32, #tpu.memory_space<vmem>>
        %dma_wait3A_119 = tpu.memref_slice %arg3[%add3A_65] : memref<322560xi32, #tpu.memory_space<hbm>> -> memref<6080xi32, #tpu.memory_space<hbm>>
        %dma_wait3A_120 = arith.constant 0 : i32
        %dma_wait3A_121 = tpu.memref_slice %arg6[%dma_wait3A_120] : memref<14080xi32, #tpu.memory_space<vmem>> -> memref<6080xi32, #tpu.memory_space<vmem>>
        %dma_wait3A_122 = tpu.memref_slice %arg3[%add3A_65] : memref<322560xi32, #tpu.memory_space<hbm>> -> memref<6080xi32, #tpu.memory_space<hbm>>
        tpu.wait_dma2 semaphore(%run_scoped3A : memref<!tpu.dma_semaphore, #tpu.memory_space<semaphore_mem>>) src(%dma_wait3A_122 : memref<6080xi32, #tpu.memory_space<hbm>>) dst(%dma_wait3A_121 : memref<6080xi32, #tpu.memory_space<vmem>>)
        tpu.yield
      }) : () -> ()
      "tpu.region"() ({
        %run_scoped3A = tpu.sem_alloc : memref<!tpu.dma_semaphore, #tpu.memory_space<semaphore_mem>>
        %dma_start3A_112 = arith.constant 0 : i32
        %dma_start3A_113 = tpu.memref_slice %arg7[%dma_start3A_112] : memref<14080xi32, #tpu.memory_space<vmem>> -> memref<6080xi32, #tpu.memory_space<vmem>>
        %dma_start3A_114 = tpu.memref_slice %arg4[%add3A_65] : memref<322560xi32, #tpu.memory_space<hbm>> -> memref<6080xi32, #tpu.memory_space<hbm>>
        %dma_start3A_115 = arith.constant 0 : i32
        %dma_start3A_116 = tpu.memref_slice %arg7[%dma_start3A_115] : memref<14080xi32, #tpu.memory_space<vmem>> -> memref<6080xi32, #tpu.memory_space<vmem>>
        %dma_start3A_117 = tpu.memref_slice %arg4[%add3A_65] : memref<322560xi32, #tpu.memory_space<hbm>> -> memref<6080xi32, #tpu.memory_space<hbm>>
        tpu.enqueue_dma source(%dma_start3A_117 : memref<6080xi32, #tpu.memory_space<hbm>>) target(%dma_start3A_116 : memref<6080xi32, #tpu.memory_space<vmem>>) target_semaphore(%run_scoped3A : memref<!tpu.dma_semaphore, #tpu.memory_space<semaphore_mem>>)
        %dma_wait3A = arith.constant 0 : i32
        %dma_wait3A_118 = tpu.memref_slice %arg7[%dma_wait3A] : memref<14080xi32, #tpu.memory_space<vmem>> -> memref<6080xi32, #tpu.memory_space<vmem>>
        %dma_wait3A_119 = tpu.memref_slice %arg4[%add3A_65] : memref<322560xi32, #tpu.memory_space<hbm>> -> memref<6080xi32, #tpu.memory_space<hbm>>
        %dma_wait3A_120 = arith.constant 0 : i32
        %dma_wait3A_121 = tpu.memref_slice %arg7[%dma_wait3A_120] : memref<14080xi32, #tpu.memory_space<vmem>> -> memref<6080xi32, #tpu.memory_space<vmem>>
        %dma_wait3A_122 = tpu.memref_slice %arg4[%add3A_65] : memref<322560xi32, #tpu.memory_space<hbm>> -> memref<6080xi32, #tpu.memory_space<hbm>>
        tpu.wait_dma2 semaphore(%run_scoped3A : memref<!tpu.dma_semaphore, #tpu.memory_space<semaphore_mem>>) src(%dma_wait3A_122 : memref<6080xi32, #tpu.memory_space<hbm>>) dst(%dma_wait3A_121 : memref<6080xi32, #tpu.memory_space<vmem>>)
        tpu.yield
      }) : () -> ()
      %broadcast_in_dim3A = arith.constant 0.000000e+00 : f32
      %broadcast_in_dim3A_66 = vector.broadcast %broadcast_in_dim3A : f32 to vector<16xf32>
      %scan3A = arith.constant 0 : i32
      %scan3A_67 = arith.constant 0 : i32
      %scan3A_68 = arith.constant 32 : i32
      %scan3A_69 = arith.addi %scan3A_67, %scan3A_68 : i32
      %scan3A_70 = arith.constant 1 : i32
      scf.for %scan3A_112 = %scan3A_67 to %scan3A_69 step %scan3A_70  : i32 {
        %swap3A = arith.index_cast %scan3A_112 : i32 to index
        %swap3A_113 = arith.constant 0 : index
        %swap3A_114 = tpu.vector_load %arg8[%swap3A, %swap3A_113] {strides = array<i32>} : memref<32x128xf32, #tpu.memory_space<vmem>>, vector<1x16xf32>,
        %swap3A_115 = vector.shape_cast %swap3A_114 : vector<1x16xf32> to vector<16xf32>
        %swap3A_116 = vector.shape_cast %broadcast_in_dim3A_66 : vector<16xf32> to vector<1x16xf32>
        tpu.vector_store %arg8[%swap3A, %swap3A_113], %swap3A_116 {strides = array<i32>} : memref<32x128xf32, #tpu.memory_space<vmem>>, vector<1x16xf32>,
        %swap3A_117 = arith.index_cast %scan3A_112 : i32 to index
        %swap3A_118 = arith.constant 16 : index
        %swap3A_119 = tpu.vector_load %arg8[%swap3A_117, %swap3A_118] {strides = array<i32>} : memref<32x128xf32, #tpu.memory_space<vmem>>, vector<1x16xf32>,
        %swap3A_120 = vector.shape_cast %swap3A_119 : vector<1x16xf32> to vector<16xf32>
        %swap3A_121 = vector.shape_cast %broadcast_in_dim3A_66 : vector<16xf32> to vector<1x16xf32>
        tpu.vector_store %arg8[%swap3A_117, %swap3A_118], %swap3A_121 {strides = array<i32>} : memref<32x128xf32, #tpu.memory_space<vmem>>, vector<1x16xf32>,
        %swap3A_122 = arith.index_cast %scan3A_112 : i32 to index
        %swap3A_123 = arith.constant 32 : index
        %swap3A_124 = tpu.vector_load %arg8[%swap3A_122, %swap3A_123] {strides = array<i32>} : memref<32x128xf32, #tpu.memory_space<vmem>>, vector<1x16xf32>,
        %swap3A_125 = vector.shape_cast %swap3A_124 : vector<1x16xf32> to vector<16xf32>
        %swap3A_126 = vector.shape_cast %broadcast_in_dim3A_66 : vector<16xf32> to vector<1x16xf32>
        tpu.vector_store %arg8[%swap3A_122, %swap3A_123], %swap3A_126 {strides = array<i32>} : memref<32x128xf32, #tpu.memory_space<vmem>>, vector<1x16xf32>,
        %swap3A_127 = arith.index_cast %scan3A_112 : i32 to index
        %swap3A_128 = arith.constant 48 : index
        %swap3A_129 = tpu.vector_load %arg8[%swap3A_127, %swap3A_128] {strides = array<i32>} : memref<32x128xf32, #tpu.memory_space<vmem>>, vector<1x16xf32>,
        %swap3A_130 = vector.shape_cast %swap3A_129 : vector<1x16xf32> to vector<16xf32>
        %swap3A_131 = vector.shape_cast %broadcast_in_dim3A_66 : vector<16xf32> to vector<1x16xf32>
        tpu.vector_store %arg8[%swap3A_127, %swap3A_128], %swap3A_131 {strides = array<i32>} : memref<32x128xf32, #tpu.memory_space<vmem>>, vector<1x16xf32>,
        %swap3A_132 = arith.index_cast %scan3A_112 : i32 to index
        %swap3A_133 = arith.constant 64 : index
        %swap3A_134 = tpu.vector_load %arg8[%swap3A_132, %swap3A_133] {strides = array<i32>} : memref<32x128xf32, #tpu.memory_space<vmem>>, vector<1x16xf32>,
        %swap3A_135 = vector.shape_cast %swap3A_134 : vector<1x16xf32> to vector<16xf32>
        %swap3A_136 = vector.shape_cast %broadcast_in_dim3A_66 : vector<16xf32> to vector<1x16xf32>
        tpu.vector_store %arg8[%swap3A_132, %swap3A_133], %swap3A_136 {strides = array<i32>} : memref<32x128xf32, #tpu.memory_space<vmem>>, vector<1x16xf32>,
        %swap3A_137 = arith.index_cast %scan3A_112 : i32 to index
        %swap3A_138 = arith.constant 80 : index
        %swap3A_139 = tpu.vector_load %arg8[%swap3A_137, %swap3A_138] {strides = array<i32>} : memref<32x128xf32, #tpu.memory_space<vmem>>, vector<1x16xf32>,
        %swap3A_140 = vector.shape_cast %swap3A_139 : vector<1x16xf32> to vector<16xf32>
        %swap3A_141 = vector.shape_cast %broadcast_in_dim3A_66 : vector<16xf32> to vector<1x16xf32>
        tpu.vector_store %arg8[%swap3A_137, %swap3A_138], %swap3A_141 {strides = array<i32>} : memref<32x128xf32, #tpu.memory_space<vmem>>, vector<1x16xf32>,
        %swap3A_142 = arith.index_cast %scan3A_112 : i32 to index
        %swap3A_143 = arith.constant 96 : index
        %swap3A_144 = tpu.vector_load %arg8[%swap3A_142, %swap3A_143] {strides = array<i32>} : memref<32x128xf32, #tpu.memory_space<vmem>>, vector<1x16xf32>,
        %swap3A_145 = vector.shape_cast %swap3A_144 : vector<1x16xf32> to vector<16xf32>
        %swap3A_146 = vector.shape_cast %broadcast_in_dim3A_66 : vector<16xf32> to vector<1x16xf32>
        tpu.vector_store %arg8[%swap3A_142, %swap3A_143], %swap3A_146 {strides = array<i32>} : memref<32x128xf32, #tpu.memory_space<vmem>>, vector<1x16xf32>,
        %swap3A_147 = arith.index_cast %scan3A_112 : i32 to index
        %swap3A_148 = arith.constant 112 : index
        %swap3A_149 = tpu.vector_load %arg8[%swap3A_147, %swap3A_148] {strides = array<i32>} : memref<32x128xf32, #tpu.memory_space<vmem>>, vector<1x16xf32>,
        %swap3A_150 = vector.shape_cast %swap3A_149 : vector<1x16xf32> to vector<16xf32>
        %swap3A_151 = vector.shape_cast %broadcast_in_dim3A_66 : vector<16xf32> to vector<1x16xf32>
        tpu.vector_store %arg8[%swap3A_147, %swap3A_148], %swap3A_151 {strides = array<i32>} : memref<32x128xf32, #tpu.memory_space<vmem>>, vector<1x16xf32>,
      }
      %scan3A_71 = arith.constant 32 : i32
      %add3A_72 = arith.constant 0 : i32
      %add3A_73 = arith.addi %mul3A_0, %add3A_72 : i32
      "tpu.region"() ({
        %run_scoped3A = tpu.sem_alloc : memref<!tpu.dma_semaphore, #tpu.memory_space<semaphore_mem>>
        %dma_start3A_112 = arith.constant 0 : i32
        %dma_start3A_113 = tpu.memref_slice %arg13[%add3A_73, %dma_start3A_112] : memref<10240x128xf32, #tpu.memory_space<vmem_shared>> -> memref<32x128xf32, #tpu.memory_space<vmem_shared>>
        %dma_start3A_114 = arith.constant 0 : i32
        %dma_start3A_115 = tpu.memref_slice %arg13[%add3A_73, %dma_start3A_114] : memref<10240x128xf32, #tpu.memory_space<vmem_shared>> -> memref<32x128xf32, #tpu.memory_space<vmem_shared>>
        tpu.enqueue_dma source(%arg8 : memref<32x128xf32, #tpu.memory_space<vmem>>) target(%dma_start3A_115 : memref<32x128xf32, #tpu.memory_space<vmem_shared>>) target_semaphore(%run_scoped3A : memref<!tpu.dma_semaphore, #tpu.memory_space<semaphore_mem>>)
        %dma_wait3A = arith.constant 0 : i32
        %dma_wait3A_116 = tpu.memref_slice %arg13[%add3A_73, %dma_wait3A] : memref<10240x128xf32, #tpu.memory_space<vmem_shared>> -> memref<32x128xf32, #tpu.memory_space<vmem_shared>>
        %dma_wait3A_117 = arith.constant 0 : i32
        %dma_wait3A_118 = tpu.memref_slice %arg13[%add3A_73, %dma_wait3A_117] : memref<10240x128xf32, #tpu.memory_space<vmem_shared>> -> memref<32x128xf32, #tpu.memory_space<vmem_shared>>
        tpu.wait_dma2 semaphore(%run_scoped3A : memref<!tpu.dma_semaphore, #tpu.memory_space<semaphore_mem>>) src(%arg8 : memref<32x128xf32, #tpu.memory_space<vmem>>) dst(%dma_wait3A_118 : memref<32x128xf32, #tpu.memory_space<vmem_shared>>)
        tpu.yield
      }) : () -> ()
      %add3A_74 = arith.constant 32 : i32
      %add3A_75 = arith.addi %mul3A_0, %add3A_74 : i32
      "tpu.region"() ({
        %run_scoped3A = tpu.sem_alloc : memref<!tpu.dma_semaphore, #tpu.memory_space<semaphore_mem>>
        %dma_start3A_112 = arith.constant 0 : i32
        %dma_start3A_113 = tpu.memref_slice %arg13[%add3A_75, %dma_start3A_112] : memref<10240x128xf32, #tpu.memory_space<vmem_shared>> -> memref<32x128xf32, #tpu.memory_space<vmem_shared>>
        %dma_start3A_114 = arith.constant 0 : i32
        %dma_start3A_115 = tpu.memref_slice %arg13[%add3A_75, %dma_start3A_114] : memref<10240x128xf32, #tpu.memory_space<vmem_shared>> -> memref<32x128xf32, #tpu.memory_space<vmem_shared>>
        tpu.enqueue_dma source(%arg8 : memref<32x128xf32, #tpu.memory_space<vmem>>) target(%dma_start3A_115 : memref<32x128xf32, #tpu.memory_space<vmem_shared>>) target_semaphore(%run_scoped3A : memref<!tpu.dma_semaphore, #tpu.memory_space<semaphore_mem>>)
        %dma_wait3A = arith.constant 0 : i32
        %dma_wait3A_116 = tpu.memref_slice %arg13[%add3A_75, %dma_wait3A] : memref<10240x128xf32, #tpu.memory_space<vmem_shared>> -> memref<32x128xf32, #tpu.memory_space<vmem_shared>>
        %dma_wait3A_117 = arith.constant 0 : i32
        %dma_wait3A_118 = tpu.memref_slice %arg13[%add3A_75, %dma_wait3A_117] : memref<10240x128xf32, #tpu.memory_space<vmem_shared>> -> memref<32x128xf32, #tpu.memory_space<vmem_shared>>
        tpu.wait_dma2 semaphore(%run_scoped3A : memref<!tpu.dma_semaphore, #tpu.memory_space<semaphore_mem>>) src(%arg8 : memref<32x128xf32, #tpu.memory_space<vmem>>) dst(%dma_wait3A_118 : memref<32x128xf32, #tpu.memory_space<vmem_shared>>)
        tpu.yield
      }) : () -> ()
      %add3A_76 = arith.constant 64 : i32
      %add3A_77 = arith.addi %mul3A_0, %add3A_76 : i32
      "tpu.region"() ({
        %run_scoped3A = tpu.sem_alloc : memref<!tpu.dma_semaphore, #tpu.memory_space<semaphore_mem>>
        %dma_start3A_112 = arith.constant 0 : i32
        %dma_start3A_113 = tpu.memref_slice %arg13[%add3A_77, %dma_start3A_112] : memref<10240x128xf32, #tpu.memory_space<vmem_shared>> -> memref<32x128xf32, #tpu.memory_space<vmem_shared>>
        %dma_start3A_114 = arith.constant 0 : i32
        %dma_start3A_115 = tpu.memref_slice %arg13[%add3A_77, %dma_start3A_114] : memref<10240x128xf32, #tpu.memory_space<vmem_shared>> -> memref<32x128xf32, #tpu.memory_space<vmem_shared>>
        tpu.enqueue_dma source(%arg8 : memref<32x128xf32, #tpu.memory_space<vmem>>) target(%dma_start3A_115 : memref<32x128xf32, #tpu.memory_space<vmem_shared>>) target_semaphore(%run_scoped3A : memref<!tpu.dma_semaphore, #tpu.memory_space<semaphore_mem>>)
        %dma_wait3A = arith.constant 0 : i32
        %dma_wait3A_116 = tpu.memref_slice %arg13[%add3A_77, %dma_wait3A] : memref<10240x128xf32, #tpu.memory_space<vmem_shared>> -> memref<32x128xf32, #tpu.memory_space<vmem_shared>>
        %dma_wait3A_117 = arith.constant 0 : i32
        %dma_wait3A_118 = tpu.memref_slice %arg13[%add3A_77, %dma_wait3A_117] : memref<10240x128xf32, #tpu.memory_space<vmem_shared>> -> memref<32x128xf32, #tpu.memory_space<vmem_shared>>
        tpu.wait_dma2 semaphore(%run_scoped3A : memref<!tpu.dma_semaphore, #tpu.memory_space<semaphore_mem>>) src(%arg8 : memref<32x128xf32, #tpu.memory_space<vmem>>) dst(%dma_wait3A_118 : memref<32x128xf32, #tpu.memory_space<vmem_shared>>)
        tpu.yield
      }) : () -> ()
      %add3A_78 = arith.constant 96 : i32
      %add3A_79 = arith.addi %mul3A_0, %add3A_78 : i32
      "tpu.region"() ({
        %run_scoped3A = tpu.sem_alloc : memref<!tpu.dma_semaphore, #tpu.memory_space<semaphore_mem>>
        %dma_start3A_112 = arith.constant 0 : i32
        %dma_start3A_113 = tpu.memref_slice %arg13[%add3A_79, %dma_start3A_112] : memref<10240x128xf32, #tpu.memory_space<vmem_shared>> -> memref<32x128xf32, #tpu.memory_space<vmem_shared>>
        %dma_start3A_114 = arith.constant 0 : i32
        %dma_start3A_115 = tpu.memref_slice %arg13[%add3A_79, %dma_start3A_114] : memref<10240x128xf32, #tpu.memory_space<vmem_shared>> -> memref<32x128xf32, #tpu.memory_space<vmem_shared>>
        tpu.enqueue_dma source(%arg8 : memref<32x128xf32, #tpu.memory_space<vmem>>) target(%dma_start3A_115 : memref<32x128xf32, #tpu.memory_space<vmem_shared>>) target_semaphore(%run_scoped3A : memref<!tpu.dma_semaphore, #tpu.memory_space<semaphore_mem>>)
        %dma_wait3A = arith.constant 0 : i32
        %dma_wait3A_116 = tpu.memref_slice %arg13[%add3A_79, %dma_wait3A] : memref<10240x128xf32, #tpu.memory_space<vmem_shared>> -> memref<32x128xf32, #tpu.memory_space<vmem_shared>>
        %dma_wait3A_117 = arith.constant 0 : i32
        %dma_wait3A_118 = tpu.memref_slice %arg13[%add3A_79, %dma_wait3A_117] : memref<10240x128xf32, #tpu.memory_space<vmem_shared>> -> memref<32x128xf32, #tpu.memory_space<vmem_shared>>
        tpu.wait_dma2 semaphore(%run_scoped3A : memref<!tpu.dma_semaphore, #tpu.memory_space<semaphore_mem>>) src(%arg8 : memref<32x128xf32, #tpu.memory_space<vmem>>) dst(%dma_wait3A_118 : memref<32x128xf32, #tpu.memory_space<vmem_shared>>)
        tpu.yield
      }) : () -> ()
      %add3A_80 = arith.constant 128 : i32
      %add3A_81 = arith.addi %mul3A_0, %add3A_80 : i32
      "tpu.region"() ({
        %run_scoped3A = tpu.sem_alloc : memref<!tpu.dma_semaphore, #tpu.memory_space<semaphore_mem>>
        %dma_start3A_112 = arith.constant 0 : i32
        %dma_start3A_113 = tpu.memref_slice %arg13[%add3A_81, %dma_start3A_112] : memref<10240x128xf32, #tpu.memory_space<vmem_shared>> -> memref<32x128xf32, #tpu.memory_space<vmem_shared>>
        %dma_start3A_114 = arith.constant 0 : i32
        %dma_start3A_115 = tpu.memref_slice %arg13[%add3A_81, %dma_start3A_114] : memref<10240x128xf32, #tpu.memory_space<vmem_shared>> -> memref<32x128xf32, #tpu.memory_space<vmem_shared>>
        tpu.enqueue_dma source(%arg8 : memref<32x128xf32, #tpu.memory_space<vmem>>) target(%dma_start3A_115 : memref<32x128xf32, #tpu.memory_space<vmem_shared>>) target_semaphore(%run_scoped3A : memref<!tpu.dma_semaphore, #tpu.memory_space<semaphore_mem>>)
        %dma_wait3A = arith.constant 0 : i32
        %dma_wait3A_116 = tpu.memref_slice %arg13[%add3A_81, %dma_wait3A] : memref<10240x128xf32, #tpu.memory_space<vmem_shared>> -> memref<32x128xf32, #tpu.memory_space<vmem_shared>>
        %dma_wait3A_117 = arith.constant 0 : i32
        %dma_wait3A_118 = tpu.memref_slice %arg13[%add3A_81, %dma_wait3A_117] : memref<10240x128xf32, #tpu.memory_space<vmem_shared>> -> memref<32x128xf32, #tpu.memory_space<vmem_shared>>
        tpu.wait_dma2 semaphore(%run_scoped3A : memref<!tpu.dma_semaphore, #tpu.memory_space<semaphore_mem>>) src(%arg8 : memref<32x128xf32, #tpu.memory_space<vmem>>) dst(%dma_wait3A_118 : memref<32x128xf32, #tpu.memory_space<vmem_shared>>)
        tpu.yield
      }) : () -> ()
      %add3A_82 = arith.constant 160 : i32
      %add3A_83 = arith.addi %mul3A_0, %add3A_82 : i32
      "tpu.region"() ({
        %run_scoped3A = tpu.sem_alloc : memref<!tpu.dma_semaphore, #tpu.memory_space<semaphore_mem>>
        %dma_start3A_112 = arith.constant 0 : i32
        %dma_start3A_113 = tpu.memref_slice %arg13[%add3A_83, %dma_start3A_112] : memref<10240x128xf32, #tpu.memory_space<vmem_shared>> -> memref<32x128xf32, #tpu.memory_space<vmem_shared>>
        %dma_start3A_114 = arith.constant 0 : i32
        %dma_start3A_115 = tpu.memref_slice %arg13[%add3A_83, %dma_start3A_114] : memref<10240x128xf32, #tpu.memory_space<vmem_shared>> -> memref<32x128xf32, #tpu.memory_space<vmem_shared>>
        tpu.enqueue_dma source(%arg8 : memref<32x128xf32, #tpu.memory_space<vmem>>) target(%dma_start3A_115 : memref<32x128xf32, #tpu.memory_space<vmem_shared>>) target_semaphore(%run_scoped3A : memref<!tpu.dma_semaphore, #tpu.memory_space<semaphore_mem>>)
        %dma_wait3A = arith.constant 0 : i32
        %dma_wait3A_116 = tpu.memref_slice %arg13[%add3A_83, %dma_wait3A] : memref<10240x128xf32, #tpu.memory_space<vmem_shared>> -> memref<32x128xf32, #tpu.memory_space<vmem_shared>>
        %dma_wait3A_117 = arith.constant 0 : i32
        %dma_wait3A_118 = tpu.memref_slice %arg13[%add3A_83, %dma_wait3A_117] : memref<10240x128xf32, #tpu.memory_space<vmem_shared>> -> memref<32x128xf32, #tpu.memory_space<vmem_shared>>
        tpu.wait_dma2 semaphore(%run_scoped3A : memref<!tpu.dma_semaphore, #tpu.memory_space<semaphore_mem>>) src(%arg8 : memref<32x128xf32, #tpu.memory_space<vmem>>) dst(%dma_wait3A_118 : memref<32x128xf32, #tpu.memory_space<vmem_shared>>)
        tpu.yield
      }) : () -> ()
      %add3A_84 = arith.constant 192 : i32
      %add3A_85 = arith.addi %mul3A_0, %add3A_84 : i32
      "tpu.region"() ({
        %run_scoped3A = tpu.sem_alloc : memref<!tpu.dma_semaphore, #tpu.memory_space<semaphore_mem>>
        %dma_start3A_112 = arith.constant 0 : i32
        %dma_start3A_113 = tpu.memref_slice %arg13[%add3A_85, %dma_start3A_112] : memref<10240x128xf32, #tpu.memory_space<vmem_shared>> -> memref<32x128xf32, #tpu.memory_space<vmem_shared>>
        %dma_start3A_114 = arith.constant 0 : i32
        %dma_start3A_115 = tpu.memref_slice %arg13[%add3A_85, %dma_start3A_114] : memref<10240x128xf32, #tpu.memory_space<vmem_shared>> -> memref<32x128xf32, #tpu.memory_space<vmem_shared>>
        tpu.enqueue_dma source(%arg8 : memref<32x128xf32, #tpu.memory_space<vmem>>) target(%dma_start3A_115 : memref<32x128xf32, #tpu.memory_space<vmem_shared>>) target_semaphore(%run_scoped3A : memref<!tpu.dma_semaphore, #tpu.memory_space<semaphore_mem>>)
        %dma_wait3A = arith.constant 0 : i32
        %dma_wait3A_116 = tpu.memref_slice %arg13[%add3A_85, %dma_wait3A] : memref<10240x128xf32, #tpu.memory_space<vmem_shared>> -> memref<32x128xf32, #tpu.memory_space<vmem_shared>>
        %dma_wait3A_117 = arith.constant 0 : i32
        %dma_wait3A_118 = tpu.memref_slice %arg13[%add3A_85, %dma_wait3A_117] : memref<10240x128xf32, #tpu.memory_space<vmem_shared>> -> memref<32x128xf32, #tpu.memory_space<vmem_shared>>
        tpu.wait_dma2 semaphore(%run_scoped3A : memref<!tpu.dma_semaphore, #tpu.memory_space<semaphore_mem>>) src(%arg8 : memref<32x128xf32, #tpu.memory_space<vmem>>) dst(%dma_wait3A_118 : memref<32x128xf32, #tpu.memory_space<vmem_shared>>)
        tpu.yield
      }) : () -> ()
      %add3A_86 = arith.constant 224 : i32
      %add3A_87 = arith.addi %mul3A_0, %add3A_86 : i32
      "tpu.region"() ({
        %run_scoped3A = tpu.sem_alloc : memref<!tpu.dma_semaphore, #tpu.memory_space<semaphore_mem>>
        %dma_start3A_112 = arith.constant 0 : i32
        %dma_start3A_113 = tpu.memref_slice %arg13[%add3A_87, %dma_start3A_112] : memref<10240x128xf32, #tpu.memory_space<vmem_shared>> -> memref<32x128xf32, #tpu.memory_space<vmem_shared>>
        %dma_start3A_114 = arith.constant 0 : i32
        %dma_start3A_115 = tpu.memref_slice %arg13[%add3A_87, %dma_start3A_114] : memref<10240x128xf32, #tpu.memory_space<vmem_shared>> -> memref<32x128xf32, #tpu.memory_space<vmem_shared>>
        tpu.enqueue_dma source(%arg8 : memref<32x128xf32, #tpu.memory_space<vmem>>) target(%dma_start3A_115 : memref<32x128xf32, #tpu.memory_space<vmem_shared>>) target_semaphore(%run_scoped3A : memref<!tpu.dma_semaphore, #tpu.memory_space<semaphore_mem>>)
        %dma_wait3A = arith.constant 0 : i32
        %dma_wait3A_116 = tpu.memref_slice %arg13[%add3A_87, %dma_wait3A] : memref<10240x128xf32, #tpu.memory_space<vmem_shared>> -> memref<32x128xf32, #tpu.memory_space<vmem_shared>>
        %dma_wait3A_117 = arith.constant 0 : i32
        %dma_wait3A_118 = tpu.memref_slice %arg13[%add3A_87, %dma_wait3A_117] : memref<10240x128xf32, #tpu.memory_space<vmem_shared>> -> memref<32x128xf32, #tpu.memory_space<vmem_shared>>
        tpu.wait_dma2 semaphore(%run_scoped3A : memref<!tpu.dma_semaphore, #tpu.memory_space<semaphore_mem>>) src(%arg8 : memref<32x128xf32, #tpu.memory_space<vmem>>) dst(%dma_wait3A_118 : memref<32x128xf32, #tpu.memory_space<vmem_shared>>)
        tpu.yield
      }) : () -> ()
      %add3A_88 = arith.constant 256 : i32
      %add3A_89 = arith.addi %mul3A_0, %add3A_88 : i32
      "tpu.region"() ({
        %run_scoped3A = tpu.sem_alloc : memref<!tpu.dma_semaphore, #tpu.memory_space<semaphore_mem>>
        %dma_start3A_112 = arith.constant 0 : i32
        %dma_start3A_113 = tpu.memref_slice %arg13[%add3A_89, %dma_start3A_112] : memref<10240x128xf32, #tpu.memory_space<vmem_shared>> -> memref<32x128xf32, #tpu.memory_space<vmem_shared>>
        %dma_start3A_114 = arith.constant 0 : i32
        %dma_start3A_115 = tpu.memref_slice %arg13[%add3A_89, %dma_start3A_114] : memref<10240x128xf32, #tpu.memory_space<vmem_shared>> -> memref<32x128xf32, #tpu.memory_space<vmem_shared>>
        tpu.enqueue_dma source(%arg8 : memref<32x128xf32, #tpu.memory_space<vmem>>) target(%dma_start3A_115 : memref<32x128xf32, #tpu.memory_space<vmem_shared>>) target_semaphore(%run_scoped3A : memref<!tpu.dma_semaphore, #tpu.memory_space<semaphore_mem>>)
        %dma_wait3A = arith.constant 0 : i32
        %dma_wait3A_116 = tpu.memref_slice %arg13[%add3A_89, %dma_wait3A] : memref<10240x128xf32, #tpu.memory_space<vmem_shared>> -> memref<32x128xf32, #tpu.memory_space<vmem_shared>>
        %dma_wait3A_117 = arith.constant 0 : i32
        %dma_wait3A_118 = tpu.memref_slice %arg13[%add3A_89, %dma_wait3A_117] : memref<10240x128xf32, #tpu.memory_space<vmem_shared>> -> memref<32x128xf32, #tpu.memory_space<vmem_shared>>
        tpu.wait_dma2 semaphore(%run_scoped3A : memref<!tpu.dma_semaphore, #tpu.memory_space<semaphore_mem>>) src(%arg8 : memref<32x128xf32, #tpu.memory_space<vmem>>) dst(%dma_wait3A_118 : memref<32x128xf32, #tpu.memory_space<vmem_shared>>)
        tpu.yield
      }) : () -> ()
      %add3A_90 = arith.constant 288 : i32
      %add3A_91 = arith.addi %mul3A_0, %add3A_90 : i32
      "tpu.region"() ({
        %run_scoped3A = tpu.sem_alloc : memref<!tpu.dma_semaphore, #tpu.memory_space<semaphore_mem>>
        %dma_start3A_112 = arith.constant 0 : i32
        %dma_start3A_113 = tpu.memref_slice %arg13[%add3A_91, %dma_start3A_112] : memref<10240x128xf32, #tpu.memory_space<vmem_shared>> -> memref<32x128xf32, #tpu.memory_space<vmem_shared>>
        %dma_start3A_114 = arith.constant 0 : i32
        %dma_start3A_115 = tpu.memref_slice %arg13[%add3A_91, %dma_start3A_114] : memref<10240x128xf32, #tpu.memory_space<vmem_shared>> -> memref<32x128xf32, #tpu.memory_space<vmem_shared>>
        tpu.enqueue_dma source(%arg8 : memref<32x128xf32, #tpu.memory_space<vmem>>) target(%dma_start3A_115 : memref<32x128xf32, #tpu.memory_space<vmem_shared>>) target_semaphore(%run_scoped3A : memref<!tpu.dma_semaphore, #tpu.memory_space<semaphore_mem>>)
        %dma_wait3A = arith.constant 0 : i32
        %dma_wait3A_116 = tpu.memref_slice %arg13[%add3A_91, %dma_wait3A] : memref<10240x128xf32, #tpu.memory_space<vmem_shared>> -> memref<32x128xf32, #tpu.memory_space<vmem_shared>>
        %dma_wait3A_117 = arith.constant 0 : i32
        %dma_wait3A_118 = tpu.memref_slice %arg13[%add3A_91, %dma_wait3A_117] : memref<10240x128xf32, #tpu.memory_space<vmem_shared>> -> memref<32x128xf32, #tpu.memory_space<vmem_shared>>
        tpu.wait_dma2 semaphore(%run_scoped3A : memref<!tpu.dma_semaphore, #tpu.memory_space<semaphore_mem>>) src(%arg8 : memref<32x128xf32, #tpu.memory_space<vmem>>) dst(%dma_wait3A_118 : memref<32x128xf32, #tpu.memory_space<vmem_shared>>)
        tpu.yield
      }) : () -> ()
      %add3A_92 = arith.constant 320 : i32
      %add3A_93 = arith.addi %mul3A_0, %add3A_92 : i32
      "tpu.region"() ({
        %run_scoped3A = tpu.sem_alloc : memref<!tpu.dma_semaphore, #tpu.memory_space<semaphore_mem>>
        %dma_start3A_112 = arith.constant 0 : i32
        %dma_start3A_113 = tpu.memref_slice %arg13[%add3A_93, %dma_start3A_112] : memref<10240x128xf32, #tpu.memory_space<vmem_shared>> -> memref<32x128xf32, #tpu.memory_space<vmem_shared>>
        %dma_start3A_114 = arith.constant 0 : i32
        %dma_start3A_115 = tpu.memref_slice %arg13[%add3A_93, %dma_start3A_114] : memref<10240x128xf32, #tpu.memory_space<vmem_shared>> -> memref<32x128xf32, #tpu.memory_space<vmem_shared>>
        tpu.enqueue_dma source(%arg8 : memref<32x128xf32, #tpu.memory_space<vmem>>) target(%dma_start3A_115 : memref<32x128xf32, #tpu.memory_space<vmem_shared>>) target_semaphore(%run_scoped3A : memref<!tpu.dma_semaphore, #tpu.memory_space<semaphore_mem>>)
        %dma_wait3A = arith.constant 0 : i32
        %dma_wait3A_116 = tpu.memref_slice %arg13[%add3A_93, %dma_wait3A] : memref<10240x128xf32, #tpu.memory_space<vmem_shared>> -> memref<32x128xf32, #tpu.memory_space<vmem_shared>>
        %dma_wait3A_117 = arith.constant 0 : i32
        %dma_wait3A_118 = tpu.memref_slice %arg13[%add3A_93, %dma_wait3A_117] : memref<10240x128xf32, #tpu.memory_space<vmem_shared>> -> memref<32x128xf32, #tpu.memory_space<vmem_shared>>
        tpu.wait_dma2 semaphore(%run_scoped3A : memref<!tpu.dma_semaphore, #tpu.memory_space<semaphore_mem>>) src(%arg8 : memref<32x128xf32, #tpu.memory_space<vmem>>) dst(%dma_wait3A_118 : memref<32x128xf32, #tpu.memory_space<vmem_shared>>)
        tpu.yield
      }) : () -> ()
      %add3A_94 = arith.constant 352 : i32
      %add3A_95 = arith.addi %mul3A_0, %add3A_94 : i32
      "tpu.region"() ({
        %run_scoped3A = tpu.sem_alloc : memref<!tpu.dma_semaphore, #tpu.memory_space<semaphore_mem>>
        %dma_start3A_112 = arith.constant 0 : i32
        %dma_start3A_113 = tpu.memref_slice %arg13[%add3A_95, %dma_start3A_112] : memref<10240x128xf32, #tpu.memory_space<vmem_shared>> -> memref<32x128xf32, #tpu.memory_space<vmem_shared>>
        %dma_start3A_114 = arith.constant 0 : i32
        %dma_start3A_115 = tpu.memref_slice %arg13[%add3A_95, %dma_start3A_114] : memref<10240x128xf32, #tpu.memory_space<vmem_shared>> -> memref<32x128xf32, #tpu.memory_space<vmem_shared>>
        tpu.enqueue_dma source(%arg8 : memref<32x128xf32, #tpu.memory_space<vmem>>) target(%dma_start3A_115 : memref<32x128xf32, #tpu.memory_space<vmem_shared>>) target_semaphore(%run_scoped3A : memref<!tpu.dma_semaphore, #tpu.memory_space<semaphore_mem>>)
        %dma_wait3A = arith.constant 0 : i32
        %dma_wait3A_116 = tpu.memref_slice %arg13[%add3A_95, %dma_wait3A] : memref<10240x128xf32, #tpu.memory_space<vmem_shared>> -> memref<32x128xf32, #tpu.memory_space<vmem_shared>>
        %dma_wait3A_117 = arith.constant 0 : i32
        %dma_wait3A_118 = tpu.memref_slice %arg13[%add3A_95, %dma_wait3A_117] : memref<10240x128xf32, #tpu.memory_space<vmem_shared>> -> memref<32x128xf32, #tpu.memory_space<vmem_shared>>
        tpu.wait_dma2 semaphore(%run_scoped3A : memref<!tpu.dma_semaphore, #tpu.memory_space<semaphore_mem>>) src(%arg8 : memref<32x128xf32, #tpu.memory_space<vmem>>) dst(%dma_wait3A_118 : memref<32x128xf32, #tpu.memory_space<vmem_shared>>)
        tpu.yield
      }) : () -> ()
      %add3A_96 = arith.constant 384 : i32
      %add3A_97 = arith.addi %mul3A_0, %add3A_96 : i32
      "tpu.region"() ({
        %run_scoped3A = tpu.sem_alloc : memref<!tpu.dma_semaphore, #tpu.memory_space<semaphore_mem>>
        %dma_start3A_112 = arith.constant 0 : i32
        %dma_start3A_113 = tpu.memref_slice %arg13[%add3A_97, %dma_start3A_112] : memref<10240x128xf32, #tpu.memory_space<vmem_shared>> -> memref<32x128xf32, #tpu.memory_space<vmem_shared>>
        %dma_start3A_114 = arith.constant 0 : i32
        %dma_start3A_115 = tpu.memref_slice %arg13[%add3A_97, %dma_start3A_114] : memref<10240x128xf32, #tpu.memory_space<vmem_shared>> -> memref<32x128xf32, #tpu.memory_space<vmem_shared>>
        tpu.enqueue_dma source(%arg8 : memref<32x128xf32, #tpu.memory_space<vmem>>) target(%dma_start3A_115 : memref<32x128xf32, #tpu.memory_space<vmem_shared>>) target_semaphore(%run_scoped3A : memref<!tpu.dma_semaphore, #tpu.memory_space<semaphore_mem>>)
        %dma_wait3A = arith.constant 0 : i32
        %dma_wait3A_116 = tpu.memref_slice %arg13[%add3A_97, %dma_wait3A] : memref<10240x128xf32, #tpu.memory_space<vmem_shared>> -> memref<32x128xf32, #tpu.memory_space<vmem_shared>>
        %dma_wait3A_117 = arith.constant 0 : i32
        %dma_wait3A_118 = tpu.memref_slice %arg13[%add3A_97, %dma_wait3A_117] : memref<10240x128xf32, #tpu.memory_space<vmem_shared>> -> memref<32x128xf32, #tpu.memory_space<vmem_shared>>
        tpu.wait_dma2 semaphore(%run_scoped3A : memref<!tpu.dma_semaphore, #tpu.memory_space<semaphore_mem>>) src(%arg8 : memref<32x128xf32, #tpu.memory_space<vmem>>) dst(%dma_wait3A_118 : memref<32x128xf32, #tpu.memory_space<vmem_shared>>)
        tpu.yield
      }) : () -> ()
      %add3A_98 = arith.constant 416 : i32
      %add3A_99 = arith.addi %mul3A_0, %add3A_98 : i32
      "tpu.region"() ({
        %run_scoped3A = tpu.sem_alloc : memref<!tpu.dma_semaphore, #tpu.memory_space<semaphore_mem>>
        %dma_start3A_112 = arith.constant 0 : i32
        %dma_start3A_113 = tpu.memref_slice %arg13[%add3A_99, %dma_start3A_112] : memref<10240x128xf32, #tpu.memory_space<vmem_shared>> -> memref<32x128xf32, #tpu.memory_space<vmem_shared>>
        %dma_start3A_114 = arith.constant 0 : i32
        %dma_start3A_115 = tpu.memref_slice %arg13[%add3A_99, %dma_start3A_114] : memref<10240x128xf32, #tpu.memory_space<vmem_shared>> -> memref<32x128xf32, #tpu.memory_space<vmem_shared>>
        tpu.enqueue_dma source(%arg8 : memref<32x128xf32, #tpu.memory_space<vmem>>) target(%dma_start3A_115 : memref<32x128xf32, #tpu.memory_space<vmem_shared>>) target_semaphore(%run_scoped3A : memref<!tpu.dma_semaphore, #tpu.memory_space<semaphore_mem>>)
        %dma_wait3A = arith.constant 0 : i32
        %dma_wait3A_116 = tpu.memref_slice %arg13[%add3A_99, %dma_wait3A] : memref<10240x128xf32, #tpu.memory_space<vmem_shared>> -> memref<32x128xf32, #tpu.memory_space<vmem_shared>>
        %dma_wait3A_117 = arith.constant 0 : i32
        %dma_wait3A_118 = tpu.memref_slice %arg13[%add3A_99, %dma_wait3A_117] : memref<10240x128xf32, #tpu.memory_space<vmem_shared>> -> memref<32x128xf32, #tpu.memory_space<vmem_shared>>
        tpu.wait_dma2 semaphore(%run_scoped3A : memref<!tpu.dma_semaphore, #tpu.memory_space<semaphore_mem>>) src(%arg8 : memref<32x128xf32, #tpu.memory_space<vmem>>) dst(%dma_wait3A_118 : memref<32x128xf32, #tpu.memory_space<vmem_shared>>)
        tpu.yield
      }) : () -> ()
      %add3A_100 = arith.constant 448 : i32
      %add3A_101 = arith.addi %mul3A_0, %add3A_100 : i32
      "tpu.region"() ({
        %run_scoped3A = tpu.sem_alloc : memref<!tpu.dma_semaphore, #tpu.memory_space<semaphore_mem>>
        %dma_start3A_112 = arith.constant 0 : i32
        %dma_start3A_113 = tpu.memref_slice %arg13[%add3A_101, %dma_start3A_112] : memref<10240x128xf32, #tpu.memory_space<vmem_shared>> -> memref<32x128xf32, #tpu.memory_space<vmem_shared>>
        %dma_start3A_114 = arith.constant 0 : i32
        %dma_start3A_115 = tpu.memref_slice %arg13[%add3A_101, %dma_start3A_114] : memref<10240x128xf32, #tpu.memory_space<vmem_shared>> -> memref<32x128xf32, #tpu.memory_space<vmem_shared>>
        tpu.enqueue_dma source(%arg8 : memref<32x128xf32, #tpu.memory_space<vmem>>) target(%dma_start3A_115 : memref<32x128xf32, #tpu.memory_space<vmem_shared>>) target_semaphore(%run_scoped3A : memref<!tpu.dma_semaphore, #tpu.memory_space<semaphore_mem>>)
        %dma_wait3A = arith.constant 0 : i32
        %dma_wait3A_116 = tpu.memref_slice %arg13[%add3A_101, %dma_wait3A] : memref<10240x128xf32, #tpu.memory_space<vmem_shared>> -> memref<32x128xf32, #tpu.memory_space<vmem_shared>>
        %dma_wait3A_117 = arith.constant 0 : i32
        %dma_wait3A_118 = tpu.memref_slice %arg13[%add3A_101, %dma_wait3A_117] : memref<10240x128xf32, #tpu.memory_space<vmem_shared>> -> memref<32x128xf32, #tpu.memory_space<vmem_shared>>
        tpu.wait_dma2 semaphore(%run_scoped3A : memref<!tpu.dma_semaphore, #tpu.memory_space<semaphore_mem>>) src(%arg8 : memref<32x128xf32, #tpu.memory_space<vmem>>) dst(%dma_wait3A_118 : memref<32x128xf32, #tpu.memory_space<vmem_shared>>)
        tpu.yield
      }) : () -> ()
      %add3A_102 = arith.constant 480 : i32
      %add3A_103 = arith.addi %mul3A_0, %add3A_102 : i32
      "tpu.region"() ({
        %run_scoped3A = tpu.sem_alloc : memref<!tpu.dma_semaphore, #tpu.memory_space<semaphore_mem>>
        %dma_start3A_112 = arith.constant 0 : i32
        %dma_start3A_113 = tpu.memref_slice %arg13[%add3A_103, %dma_start3A_112] : memref<10240x128xf32, #tpu.memory_space<vmem_shared>> -> memref<32x128xf32, #tpu.memory_space<vmem_shared>>
        %dma_start3A_114 = arith.constant 0 : i32
        %dma_start3A_115 = tpu.memref_slice %arg13[%add3A_103, %dma_start3A_114] : memref<10240x128xf32, #tpu.memory_space<vmem_shared>> -> memref<32x128xf32, #tpu.memory_space<vmem_shared>>
        tpu.enqueue_dma source(%arg8 : memref<32x128xf32, #tpu.memory_space<vmem>>) target(%dma_start3A_115 : memref<32x128xf32, #tpu.memory_space<vmem_shared>>) target_semaphore(%run_scoped3A : memref<!tpu.dma_semaphore, #tpu.memory_space<semaphore_mem>>)
        %dma_wait3A = arith.constant 0 : i32
        %dma_wait3A_116 = tpu.memref_slice %arg13[%add3A_103, %dma_wait3A] : memref<10240x128xf32, #tpu.memory_space<vmem_shared>> -> memref<32x128xf32, #tpu.memory_space<vmem_shared>>
        %dma_wait3A_117 = arith.constant 0 : i32
        %dma_wait3A_118 = tpu.memref_slice %arg13[%add3A_103, %dma_wait3A_117] : memref<10240x128xf32, #tpu.memory_space<vmem_shared>> -> memref<32x128xf32, #tpu.memory_space<vmem_shared>>
        tpu.wait_dma2 semaphore(%run_scoped3A : memref<!tpu.dma_semaphore, #tpu.memory_space<semaphore_mem>>) src(%arg8 : memref<32x128xf32, #tpu.memory_space<vmem>>) dst(%dma_wait3A_118 : memref<32x128xf32, #tpu.memory_space<vmem_shared>>)
        tpu.yield
      }) : () -> ()
      %add3A_104 = arith.constant 512 : i32
      %add3A_105 = arith.addi %mul3A_0, %add3A_104 : i32
      "tpu.region"() ({
        %run_scoped3A = tpu.sem_alloc : memref<!tpu.dma_semaphore, #tpu.memory_space<semaphore_mem>>
        %dma_start3A_112 = arith.constant 0 : i32
        %dma_start3A_113 = tpu.memref_slice %arg13[%add3A_105, %dma_start3A_112] : memref<10240x128xf32, #tpu.memory_space<vmem_shared>> -> memref<32x128xf32, #tpu.memory_space<vmem_shared>>
        %dma_start3A_114 = arith.constant 0 : i32
        %dma_start3A_115 = tpu.memref_slice %arg13[%add3A_105, %dma_start3A_114] : memref<10240x128xf32, #tpu.memory_space<vmem_shared>> -> memref<32x128xf32, #tpu.memory_space<vmem_shared>>
        tpu.enqueue_dma source(%arg8 : memref<32x128xf32, #tpu.memory_space<vmem>>) target(%dma_start3A_115 : memref<32x128xf32, #tpu.memory_space<vmem_shared>>) target_semaphore(%run_scoped3A : memref<!tpu.dma_semaphore, #tpu.memory_space<semaphore_mem>>)
        %dma_wait3A = arith.constant 0 : i32
        %dma_wait3A_116 = tpu.memref_slice %arg13[%add3A_105, %dma_wait3A] : memref<10240x128xf32, #tpu.memory_space<vmem_shared>> -> memref<32x128xf32, #tpu.memory_space<vmem_shared>>
        %dma_wait3A_117 = arith.constant 0 : i32
        %dma_wait3A_118 = tpu.memref_slice %arg13[%add3A_105, %dma_wait3A_117] : memref<10240x128xf32, #tpu.memory_space<vmem_shared>> -> memref<32x128xf32, #tpu.memory_space<vmem_shared>>
        tpu.wait_dma2 semaphore(%run_scoped3A : memref<!tpu.dma_semaphore, #tpu.memory_space<semaphore_mem>>) src(%arg8 : memref<32x128xf32, #tpu.memory_space<vmem>>) dst(%dma_wait3A_118 : memref<32x128xf32, #tpu.memory_space<vmem_shared>>)
        tpu.yield
      }) : () -> ()
      %add3A_106 = arith.constant 544 : i32
      %add3A_107 = arith.addi %mul3A_0, %add3A_106 : i32
      "tpu.region"() ({
        %run_scoped3A = tpu.sem_alloc : memref<!tpu.dma_semaphore, #tpu.memory_space<semaphore_mem>>
        %dma_start3A_112 = arith.constant 0 : i32
        %dma_start3A_113 = tpu.memref_slice %arg13[%add3A_107, %dma_start3A_112] : memref<10240x128xf32, #tpu.memory_space<vmem_shared>> -> memref<32x128xf32, #tpu.memory_space<vmem_shared>>
        %dma_start3A_114 = arith.constant 0 : i32
        %dma_start3A_115 = tpu.memref_slice %arg13[%add3A_107, %dma_start3A_114] : memref<10240x128xf32, #tpu.memory_space<vmem_shared>> -> memref<32x128xf32, #tpu.memory_space<vmem_shared>>
        tpu.enqueue_dma source(%arg8 : memref<32x128xf32, #tpu.memory_space<vmem>>) target(%dma_start3A_115 : memref<32x128xf32, #tpu.memory_space<vmem_shared>>) target_semaphore(%run_scoped3A : memref<!tpu.dma_semaphore, #tpu.memory_space<semaphore_mem>>)
        %dma_wait3A = arith.constant 0 : i32
        %dma_wait3A_116 = tpu.memref_slice %arg13[%add3A_107, %dma_wait3A] : memref<10240x128xf32, #tpu.memory_space<vmem_shared>> -> memref<32x128xf32, #tpu.memory_space<vmem_shared>>
        %dma_wait3A_117 = arith.constant 0 : i32
        %dma_wait3A_118 = tpu.memref_slice %arg13[%add3A_107, %dma_wait3A_117] : memref<10240x128xf32, #tpu.memory_space<vmem_shared>> -> memref<32x128xf32, #tpu.memory_space<vmem_shared>>
        tpu.wait_dma2 semaphore(%run_scoped3A : memref<!tpu.dma_semaphore, #tpu.memory_space<semaphore_mem>>) src(%arg8 : memref<32x128xf32, #tpu.memory_space<vmem>>) dst(%dma_wait3A_118 : memref<32x128xf32, #tpu.memory_space<vmem_shared>>)
        tpu.yield
      }) : () -> ()
      %add3A_108 = arith.constant 576 : i32
      %add3A_109 = arith.addi %mul3A_0, %add3A_108 : i32
      "tpu.region"() ({
        %run_scoped3A = tpu.sem_alloc : memref<!tpu.dma_semaphore, #tpu.memory_space<semaphore_mem>>
        %dma_start3A_112 = arith.constant 0 : i32
        %dma_start3A_113 = tpu.memref_slice %arg13[%add3A_109, %dma_start3A_112] : memref<10240x128xf32, #tpu.memory_space<vmem_shared>> -> memref<32x128xf32, #tpu.memory_space<vmem_shared>>
        %dma_start3A_114 = arith.constant 0 : i32
        %dma_start3A_115 = tpu.memref_slice %arg13[%add3A_109, %dma_start3A_114] : memref<10240x128xf32, #tpu.memory_space<vmem_shared>> -> memref<32x128xf32, #tpu.memory_space<vmem_shared>>
        tpu.enqueue_dma source(%arg8 : memref<32x128xf32, #tpu.memory_space<vmem>>) target(%dma_start3A_115 : memref<32x128xf32, #tpu.memory_space<vmem_shared>>) target_semaphore(%run_scoped3A : memref<!tpu.dma_semaphore, #tpu.memory_space<semaphore_mem>>)
        %dma_wait3A = arith.constant 0 : i32
        %dma_wait3A_116 = tpu.memref_slice %arg13[%add3A_109, %dma_wait3A] : memref<10240x128xf32, #tpu.memory_space<vmem_shared>> -> memref<32x128xf32, #tpu.memory_space<vmem_shared>>
        %dma_wait3A_117 = arith.constant 0 : i32
        %dma_wait3A_118 = tpu.memref_slice %arg13[%add3A_109, %dma_wait3A_117] : memref<10240x128xf32, #tpu.memory_space<vmem_shared>> -> memref<32x128xf32, #tpu.memory_space<vmem_shared>>
        tpu.wait_dma2 semaphore(%run_scoped3A : memref<!tpu.dma_semaphore, #tpu.memory_space<semaphore_mem>>) src(%arg8 : memref<32x128xf32, #tpu.memory_space<vmem>>) dst(%dma_wait3A_118 : memref<32x128xf32, #tpu.memory_space<vmem_shared>>)
        tpu.yield
      }) : () -> ()
      %add3A_110 = arith.constant 608 : i32
      %add3A_111 = arith.addi %mul3A_0, %add3A_110 : i32
      "tpu.region"() ({
        %run_scoped3A = tpu.sem_alloc : memref<!tpu.dma_semaphore, #tpu.memory_space<semaphore_mem>>
        %dma_start3A_112 = arith.constant 0 : i32
        %dma_start3A_113 = tpu.memref_slice %arg13[%add3A_111, %dma_start3A_112] : memref<10240x128xf32, #tpu.memory_space<vmem_shared>> -> memref<32x128xf32, #tpu.memory_space<vmem_shared>>
        %dma_start3A_114 = arith.constant 0 : i32
        %dma_start3A_115 = tpu.memref_slice %arg13[%add3A_111, %dma_start3A_114] : memref<10240x128xf32, #tpu.memory_space<vmem_shared>> -> memref<32x128xf32, #tpu.memory_space<vmem_shared>>
        tpu.enqueue_dma source(%arg8 : memref<32x128xf32, #tpu.memory_space<vmem>>) target(%dma_start3A_115 : memref<32x128xf32, #tpu.memory_space<vmem_shared>>) target_semaphore(%run_scoped3A : memref<!tpu.dma_semaphore, #tpu.memory_space<semaphore_mem>>)
        %dma_wait3A = arith.constant 0 : i32
        %dma_wait3A_116 = tpu.memref_slice %arg13[%add3A_111, %dma_wait3A] : memref<10240x128xf32, #tpu.memory_space<vmem_shared>> -> memref<32x128xf32, #tpu.memory_space<vmem_shared>>
        %dma_wait3A_117 = arith.constant 0 : i32
        %dma_wait3A_118 = tpu.memref_slice %arg13[%add3A_111, %dma_wait3A_117] : memref<10240x128xf32, #tpu.memory_space<vmem_shared>> -> memref<32x128xf32, #tpu.memory_space<vmem_shared>>
        tpu.wait_dma2 semaphore(%run_scoped3A : memref<!tpu.dma_semaphore, #tpu.memory_space<semaphore_mem>>) src(%arg8 : memref<32x128xf32, #tpu.memory_space<vmem>>) dst(%dma_wait3A_118 : memref<32x128xf32, #tpu.memory_space<vmem_shared>>)
        tpu.yield
      }) : () -> ()
    } else {
    }
    %barrier3A = arith.constant 0 : index
    tpu.barrier barrier_id(%barrier3A)
    %dma_start3A = arith.constant 0 : i32
    %dma_start3A_11 = tpu.memref_slice %arg6[%dma_start3A] : memref<14080xi32, #tpu.memory_space<vmem>> -> memref<32xi32, #tpu.memory_space<vmem>>
    %dma_start3A_12 = arith.constant 0 : i32
    %dma_start3A_13 = arith.constant 0 : i32
    %dma_start3A_14 = tpu.memref_slice %arg2[%dma_start3A_12, %dma_start3A_13] : memref<10240x128xf32, #tpu.memory_space<hbm>> -> memref<10240x128xf32, #tpu.memory_space<hbm>>
    tpu.enqueue_indirect_dma source(%dma_start3A_14 : memref<10240x128xf32, #tpu.memory_space<hbm>>) target(%arg8 : memref<32x128xf32, #tpu.memory_space<vmem>>) offsets(%dma_start3A_11 : memref<32xi32, #tpu.memory_space<vmem>>) semaphore(%arg14 : memref<!tpu.dma_semaphore, #tpu.memory_space<semaphore_mem>>)
    %dma_start3A_15 = arith.constant 32 : i32
    %dma_start3A_16 = tpu.memref_slice %arg6[%dma_start3A_15] : memref<14080xi32, #tpu.memory_space<vmem>> -> memref<32xi32, #tpu.memory_space<vmem>>
    %dma_start3A_17 = arith.constant 0 : i32
    %dma_start3A_18 = arith.constant 0 : i32
    %dma_start3A_19 = tpu.memref_slice %arg2[%dma_start3A_17, %dma_start3A_18] : memref<10240x128xf32, #tpu.memory_space<hbm>> -> memref<10240x128xf32, #tpu.memory_space<hbm>>
    tpu.enqueue_indirect_dma source(%dma_start3A_19 : memref<10240x128xf32, #tpu.memory_space<hbm>>) target(%arg9 : memref<32x128xf32, #tpu.memory_space<vmem>>) offsets(%dma_start3A_16 : memref<32xi32, #tpu.memory_space<vmem>>) semaphore(%arg15 : memref<!tpu.dma_semaphore, #tpu.memory_space<semaphore_mem>>)
    %dma_start3A_20 = arith.constant 64 : i32
    %dma_start3A_21 = tpu.memref_slice %arg6[%dma_start3A_20] : memref<14080xi32, #tpu.memory_space<vmem>> -> memref<32xi32, #tpu.memory_space<vmem>>
    %dma_start3A_22 = arith.constant 0 : i32
    %dma_start3A_23 = arith.constant 0 : i32
    %dma_start3A_24 = tpu.memref_slice %arg2[%dma_start3A_22, %dma_start3A_23] : memref<10240x128xf32, #tpu.memory_space<hbm>> -> memref<10240x128xf32, #tpu.memory_space<hbm>>
    tpu.enqueue_indirect_dma source(%dma_start3A_24 : memref<10240x128xf32, #tpu.memory_space<hbm>>) target(%arg10 : memref<32x128xf32, #tpu.memory_space<vmem>>) offsets(%dma_start3A_21 : memref<32xi32, #tpu.memory_space<vmem>>) semaphore(%arg16 : memref<!tpu.dma_semaphore, #tpu.memory_space<semaphore_mem>>)
    %dma_start3A_25 = arith.constant 96 : i32
    %dma_start3A_26 = tpu.memref_slice %arg6[%dma_start3A_25] : memref<14080xi32, #tpu.memory_space<vmem>> -> memref<32xi32, #tpu.memory_space<vmem>>
    %dma_start3A_27 = arith.constant 0 : i32
    %dma_start3A_28 = arith.constant 0 : i32
    %dma_start3A_29 = tpu.memref_slice %arg2[%dma_start3A_27, %dma_start3A_28] : memref<10240x128xf32, #tpu.memory_space<hbm>> -> memref<10240x128xf32, #tpu.memory_space<hbm>>
    tpu.enqueue_indirect_dma source(%dma_start3A_29 : memref<10240x128xf32, #tpu.memory_space<hbm>>) target(%arg11 : memref<32x128xf32, #tpu.memory_space<vmem>>) offsets(%dma_start3A_26 : memref<32xi32, #tpu.memory_space<vmem>>) semaphore(%arg17 : memref<!tpu.dma_semaphore, #tpu.memory_space<semaphore_mem>>)
    %dma_start3A_30 = arith.constant 128 : i32
    %dma_start3A_31 = tpu.memref_slice %arg6[%dma_start3A_30] : memref<14080xi32, #tpu.memory_space<vmem>> -> memref<32xi32, #tpu.memory_space<vmem>>
    %dma_start3A_32 = arith.constant 0 : i32
    %dma_start3A_33 = arith.constant 0 : i32
    %dma_start3A_34 = tpu.memref_slice %arg2[%dma_start3A_32, %dma_start3A_33] : memref<10240x128xf32, #tpu.memory_space<hbm>> -> memref<10240x128xf32, #tpu.memory_space<hbm>>
    tpu.enqueue_indirect_dma source(%dma_start3A_34 : memref<10240x128xf32, #tpu.memory_space<hbm>>) target(%arg12 : memref<32x128xf32, #tpu.memory_space<vmem>>) offsets(%dma_start3A_31 : memref<32xi32, #tpu.memory_space<vmem>>) semaphore(%arg18 : memref<!tpu.dma_semaphore, #tpu.memory_space<semaphore_mem>>)
    %jit3A_35 = arith.constant 5 : i32
    %div3A = arith.divsi %select_n3A, %jit3A_35 : i32
    %sign3A = arith.constant 0 : i32
    %sign3A_36 = arith.cmpi sgt, %select_n3A, %sign3A : i32
    %sign3A_37 = arith.extui %sign3A_36 : i1 to i32
    %sign3A_38 = arith.constant 0 : i32
    %sign3A_39 = arith.cmpi slt, %select_n3A, %sign3A_38 : i32
    %sign3A_40 = arith.extui %sign3A_39 : i1 to i32
    %sign3A_41 = arith.subi %sign3A_37, %sign3A_40 : i32
    %sign3A_42 = arith.constant 0 : i32
    %sign3A_43 = arith.cmpi sgt, %jit3A_35, %sign3A_42 : i32
    %sign3A_44 = arith.extui %sign3A_43 : i1 to i32
    %sign3A_45 = arith.constant 0 : i32
    %sign3A_46 = arith.cmpi slt, %jit3A_35, %sign3A_45 : i32
    %sign3A_47 = arith.extui %sign3A_46 : i1 to i32
    %sign3A_48 = arith.subi %sign3A_44, %sign3A_47 : i32
    %ne3A = arith.cmpi ne, %sign3A_41, %sign3A_48 : i32
    %rem3A = arith.remsi %select_n3A, %jit3A_35 : i32
    %ne3A_49 = arith.constant 0 : i32
    %ne3A_50 = arith.cmpi ne, %rem3A, %ne3A_49 : i32
    %and3A = arith.andi %ne3A, %ne3A_50 : i1
    %sub3A = arith.constant 1 : i32
    %sub3A_51 = arith.subi %div3A, %sub3A : i32
    %select_n3A_52 = arith.select %and3A, %sub3A_51, %div3A : i32
    %while3A = arith.constant 0 : i32
    %while3A_53 = arith.constant 0 : i32
    %while3A_54 = arith.subi %select_n3A_52, %while3A_53 : i32
    %while3A_55 = arith.addi %while3A_53, %while3A_54 : i32
    %while3A_56 = arith.constant 1 : i32
    %while3A_57 = arith.divsi %while3A_54, %while3A_56 : i32
    %while3A_58 = arith.muli %while3A_57, %while3A_56 : i32
    %while3A_59 = arith.addi %while3A_53, %while3A_58 : i32
    %while3A_60 = arith.constant 1 : i32
    scf.for %while3A_63 = %while3A_53 to %while3A_59 step %while3A_60  : i32 {
      %mul3A_64 = arith.constant 5 : i32
      %mul3A_65 = arith.muli %while3A_63, %mul3A_64 : i32
      %add3A = arith.constant 0 : i32
      %add3A_66 = arith.addi %mul3A_65, %add3A : i32
      %dma_wait3A = arith.constant 0 : i32
      %dma_wait3A_67 = arith.constant 0 : i32
      %dma_wait3A_68 = tpu.memref_slice %arg2[%dma_wait3A, %dma_wait3A_67] : memref<10240x128xf32, #tpu.memory_space<hbm>> -> memref<32x128xf32, #tpu.memory_space<hbm>>
      %dma_wait3A_69 = arith.constant 0 : i32
      %dma_wait3A_70 = arith.constant 0 : i32
      %dma_wait3A_71 = tpu.memref_slice %arg2[%dma_wait3A_69, %dma_wait3A_70] : memref<10240x128xf32, #tpu.memory_space<hbm>> -> memref<32x128xf32, #tpu.memory_space<hbm>>
      tpu.wait_dma2 semaphore(%arg14 : memref<!tpu.dma_semaphore, #tpu.memory_space<semaphore_mem>>) src(%dma_wait3A_71 : memref<32x128xf32, #tpu.memory_space<hbm>>) dst(%arg8 : memref<32x128xf32, #tpu.memory_space<vmem>>)
      %mul3A_72 = arith.constant 32 : i32
      %mul3A_73 = arith.muli %add3A_66, %mul3A_72 : i32
      %get3A = arith.index_cast %mul3A_73 : i32 to index
      %get3A_74 = tpu.vector_load %arg7[%get3A] {strides = array<i32>} : memref<14080xi32, #tpu.memory_space<vmem>>, vector<16xi32>,
      %get3A_75 = vector.shape_cast %get3A_74 : vector<16xi32> to vector<16xi32>
      %mul3A_76 = arith.constant 32 : i32
      %mul3A_77 = arith.muli %add3A_66, %mul3A_76 : i32
      %add3A_78 = arith.constant 16 : i32
      %add3A_79 = arith.addi %mul3A_77, %add3A_78 : i32
      %get3A_80 = arith.index_cast %add3A_79 : i32 to index
      %get3A_81 = tpu.vector_load %arg7[%get3A_80] {strides = array<i32>} : memref<14080xi32, #tpu.memory_space<vmem>>, vector<16xi32>,
      %get3A_82 = vector.shape_cast %get3A_81 : vector<16xi32> to vector<16xi32>
      %dma_start3A_83 = arith.constant 0 : i32
      %dma_start3A_84 = arith.constant 0 : i32
      %dma_start3A_85 = tpu.memref_slice %arg8[%dma_start3A_83, %dma_start3A_84] : memref<32x128xf32, #tpu.memory_space<vmem>> -> memref<16x128xf32, #tpu.memory_space<vmem>>
      %dma_start3A_86 = arith.constant 0 : i32
      %dma_start3A_87 = arith.constant 0 : i32
      %dma_start3A_88 = tpu.memref_slice %arg13[%dma_start3A_86, %dma_start3A_87] : memref<10240x128xf32, #tpu.memory_space<vmem_shared>> -> memref<10240x128xf32, #tpu.memory_space<vmem_shared>>
      tpu.enqueue_indirect_dma source(%dma_start3A_85 : memref<16x128xf32, #tpu.memory_space<vmem>>) target(%dma_start3A_88 : memref<10240x128xf32, #tpu.memory_space<vmem_shared>>) offsets(%get3A_75 : vector<16xi32>) semaphore(%arg19 : memref<!tpu.dma_semaphore, #tpu.memory_space<semaphore_mem>>) {add = true}
      %dma_start3A_89 = arith.constant 16 : i32
      %dma_start3A_90 = arith.constant 0 : i32
      %dma_start3A_91 = tpu.memref_slice %arg8[%dma_start3A_89, %dma_start3A_90] : memref<32x128xf32, #tpu.memory_space<vmem>> -> memref<16x128xf32, #tpu.memory_space<vmem>>
      %dma_start3A_92 = arith.constant 0 : i32
      %dma_start3A_93 = arith.constant 0 : i32
      %dma_start3A_94 = tpu.memref_slice %arg13[%dma_start3A_92, %dma_start3A_93] : memref<10240x128xf32, #tpu.memory_space<vmem_shared>> -> memref<10240x128xf32, #tpu.memory_space<vmem_shared>>
      tpu.enqueue_indirect_dma source(%dma_start3A_91 : memref<16x128xf32, #tpu.memory_space<vmem>>) target(%dma_start3A_94 : memref<10240x128xf32, #tpu.memory_space<vmem_shared>>) offsets(%get3A_82 : vector<16xi32>) semaphore(%arg20 : memref<!tpu.dma_semaphore, #tpu.memory_space<semaphore_mem>>) {add = true}
      %dma_wait3A_95 = arith.constant 0 : i32
      %dma_wait3A_96 = arith.constant 0 : i32
      %dma_wait3A_97 = tpu.memref_slice %arg8[%dma_wait3A_95, %dma_wait3A_96] : memref<32x128xf32, #tpu.memory_space<vmem>> -> memref<16x128xf32, #tpu.memory_space<vmem>>
      %dma_wait3A_98 = arith.constant 0 : i32
      %dma_wait3A_99 = arith.constant 0 : i32
      %dma_wait3A_100 = tpu.memref_slice %arg13[%dma_wait3A_98, %dma_wait3A_99] : memref<10240x128xf32, #tpu.memory_space<vmem_shared>> -> memref<10240x128xf32, #tpu.memory_space<vmem_shared>>
      tpu.wait_indirect_dma semaphore(%arg19 : memref<!tpu.dma_semaphore, #tpu.memory_space<semaphore_mem>>) src(%dma_wait3A_97 : memref<16x128xf32, #tpu.memory_space<vmem>>) dst(%dma_wait3A_100 : memref<10240x128xf32, #tpu.memory_space<vmem_shared>>)
      %dma_wait3A_101 = arith.constant 16 : i32
      %dma_wait3A_102 = arith.constant 0 : i32
      %dma_wait3A_103 = tpu.memref_slice %arg8[%dma_wait3A_101, %dma_wait3A_102] : memref<32x128xf32, #tpu.memory_space<vmem>> -> memref<16x128xf32, #tpu.memory_space<vmem>>
      %dma_wait3A_104 = arith.constant 0 : i32
      %dma_wait3A_105 = arith.constant 0 : i32
      %dma_wait3A_106 = tpu.memref_slice %arg13[%dma_wait3A_104, %dma_wait3A_105] : memref<10240x128xf32, #tpu.memory_space<vmem_shared>> -> memref<10240x128xf32, #tpu.memory_space<vmem_shared>>
      tpu.wait_indirect_dma semaphore(%arg20 : memref<!tpu.dma_semaphore, #tpu.memory_space<semaphore_mem>>) src(%dma_wait3A_103 : memref<16x128xf32, #tpu.memory_space<vmem>>) dst(%dma_wait3A_106 : memref<10240x128xf32, #tpu.memory_space<vmem_shared>>)
      %add3A_107 = arith.constant 5 : i32
      %add3A_108 = arith.addi %add3A_66, %add3A_107 : i32
      %lt3A = arith.cmpi slt, %add3A_108, %select_n3A : i32
      %convert_element_type3A_109 = arith.extui %lt3A : i1 to i32
      %cond3A_110 = arith.constant 0 : i32
      %cond3A_111 = arith.cmpi ne, %convert_element_type3A_109, %cond3A_110 : i32
      scf.if %cond3A_111 {
        %mul3A_320 = arith.constant 32 : i32
        %mul3A_321 = arith.muli %add3A_108, %mul3A_320 : i32
        %dma_start3A_322 = tpu.memref_slice %arg6[%mul3A_321] : memref<14080xi32, #tpu.memory_space<vmem>> -> memref<32xi32, #tpu.memory_space<vmem>>
        %dma_start3A_323 = arith.constant 0 : i32
        %dma_start3A_324 = arith.constant 0 : i32
        %dma_start3A_325 = tpu.memref_slice %arg2[%dma_start3A_323, %dma_start3A_324] : memref<10240x128xf32, #tpu.memory_space<hbm>> -> memref<10240x128xf32, #tpu.memory_space<hbm>>
        tpu.enqueue_indirect_dma source(%dma_start3A_325 : memref<10240x128xf32, #tpu.memory_space<hbm>>) target(%arg8 : memref<32x128xf32, #tpu.memory_space<vmem>>) offsets(%dma_start3A_322 : memref<32xi32, #tpu.memory_space<vmem>>) semaphore(%arg14 : memref<!tpu.dma_semaphore, #tpu.memory_space<semaphore_mem>>)
      } else {
      }
      %mul3A_112 = arith.constant 5 : i32
      %mul3A_113 = arith.muli %while3A_63, %mul3A_112 : i32
      %add3A_114 = arith.constant 1 : i32
      %add3A_115 = arith.addi %mul3A_113, %add3A_114 : i32
      %dma_wait3A_116 = arith.constant 0 : i32
      %dma_wait3A_117 = arith.constant 0 : i32
      %dma_wait3A_118 = tpu.memref_slice %arg2[%dma_wait3A_116, %dma_wait3A_117] : memref<10240x128xf32, #tpu.memory_space<hbm>> -> memref<32x128xf32, #tpu.memory_space<hbm>>
      %dma_wait3A_119 = arith.constant 0 : i32
      %dma_wait3A_120 = arith.constant 0 : i32
      %dma_wait3A_121 = tpu.memref_slice %arg2[%dma_wait3A_119, %dma_wait3A_120] : memref<10240x128xf32, #tpu.memory_space<hbm>> -> memref<32x128xf32, #tpu.memory_space<hbm>>
      tpu.wait_dma2 semaphore(%arg15 : memref<!tpu.dma_semaphore, #tpu.memory_space<semaphore_mem>>) src(%dma_wait3A_121 : memref<32x128xf32, #tpu.memory_space<hbm>>) dst(%arg9 : memref<32x128xf32, #tpu.memory_space<vmem>>)
      %mul3A_122 = arith.constant 32 : i32
      %mul3A_123 = arith.muli %add3A_115, %mul3A_122 : i32
      %get3A_124 = arith.index_cast %mul3A_123 : i32 to index
      %get3A_125 = tpu.vector_load %arg7[%get3A_124] {strides = array<i32>} : memref<14080xi32, #tpu.memory_space<vmem>>, vector<16xi32>,
      %get3A_126 = vector.shape_cast %get3A_125 : vector<16xi32> to vector<16xi32>
      %mul3A_127 = arith.constant 32 : i32
      %mul3A_128 = arith.muli %add3A_115, %mul3A_127 : i32
      %add3A_129 = arith.constant 16 : i32
      %add3A_130 = arith.addi %mul3A_128, %add3A_129 : i32
      %get3A_131 = arith.index_cast %add3A_130 : i32 to index
      %get3A_132 = tpu.vector_load %arg7[%get3A_131] {strides = array<i32>} : memref<14080xi32, #tpu.memory_space<vmem>>, vector<16xi32>,
      %get3A_133 = vector.shape_cast %get3A_132 : vector<16xi32> to vector<16xi32>
      %dma_start3A_134 = arith.constant 0 : i32
      %dma_start3A_135 = arith.constant 0 : i32
      %dma_start3A_136 = tpu.memref_slice %arg9[%dma_start3A_134, %dma_start3A_135] : memref<32x128xf32, #tpu.memory_space<vmem>> -> memref<16x128xf32, #tpu.memory_space<vmem>>
      %dma_start3A_137 = arith.constant 0 : i32
      %dma_start3A_138 = arith.constant 0 : i32
      %dma_start3A_139 = tpu.memref_slice %arg13[%dma_start3A_137, %dma_start3A_138] : memref<10240x128xf32, #tpu.memory_space<vmem_shared>> -> memref<10240x128xf32, #tpu.memory_space<vmem_shared>>
      tpu.enqueue_indirect_dma source(%dma_start3A_136 : memref<16x128xf32, #tpu.memory_space<vmem>>) target(%dma_start3A_139 : memref<10240x128xf32, #tpu.memory_space<vmem_shared>>) offsets(%get3A_126 : vector<16xi32>) semaphore(%arg19 : memref<!tpu.dma_semaphore, #tpu.memory_space<semaphore_mem>>) {add = true}
      %dma_start3A_140 = arith.constant 16 : i32
      %dma_start3A_141 = arith.constant 0 : i32
      %dma_start3A_142 = tpu.memref_slice %arg9[%dma_start3A_140, %dma_start3A_141] : memref<32x128xf32, #tpu.memory_space<vmem>> -> memref<16x128xf32, #tpu.memory_space<vmem>>
      %dma_start3A_143 = arith.constant 0 : i32
      %dma_start3A_144 = arith.constant 0 : i32
      %dma_start3A_145 = tpu.memref_slice %arg13[%dma_start3A_143, %dma_start3A_144] : memref<10240x128xf32, #tpu.memory_space<vmem_shared>> -> memref<10240x128xf32, #tpu.memory_space<vmem_shared>>
      tpu.enqueue_indirect_dma source(%dma_start3A_142 : memref<16x128xf32, #tpu.memory_space<vmem>>) target(%dma_start3A_145 : memref<10240x128xf32, #tpu.memory_space<vmem_shared>>) offsets(%get3A_133 : vector<16xi32>) semaphore(%arg20 : memref<!tpu.dma_semaphore, #tpu.memory_space<semaphore_mem>>) {add = true}
      %dma_wait3A_146 = arith.constant 0 : i32
      %dma_wait3A_147 = arith.constant 0 : i32
      %dma_wait3A_148 = tpu.memref_slice %arg9[%dma_wait3A_146, %dma_wait3A_147] : memref<32x128xf32, #tpu.memory_space<vmem>> -> memref<16x128xf32, #tpu.memory_space<vmem>>
      %dma_wait3A_149 = arith.constant 0 : i32
      %dma_wait3A_150 = arith.constant 0 : i32
      %dma_wait3A_151 = tpu.memref_slice %arg13[%dma_wait3A_149, %dma_wait3A_150] : memref<10240x128xf32, #tpu.memory_space<vmem_shared>> -> memref<10240x128xf32, #tpu.memory_space<vmem_shared>>
      tpu.wait_indirect_dma semaphore(%arg19 : memref<!tpu.dma_semaphore, #tpu.memory_space<semaphore_mem>>) src(%dma_wait3A_148 : memref<16x128xf32, #tpu.memory_space<vmem>>) dst(%dma_wait3A_151 : memref<10240x128xf32, #tpu.memory_space<vmem_shared>>)
      %dma_wait3A_152 = arith.constant 16 : i32
      %dma_wait3A_153 = arith.constant 0 : i32
      %dma_wait3A_154 = tpu.memref_slice %arg9[%dma_wait3A_152, %dma_wait3A_153] : memref<32x128xf32, #tpu.memory_space<vmem>> -> memref<16x128xf32, #tpu.memory_space<vmem>>
      %dma_wait3A_155 = arith.constant 0 : i32
      %dma_wait3A_156 = arith.constant 0 : i32
      %dma_wait3A_157 = tpu.memref_slice %arg13[%dma_wait3A_155, %dma_wait3A_156] : memref<10240x128xf32, #tpu.memory_space<vmem_shared>> -> memref<10240x128xf32, #tpu.memory_space<vmem_shared>>
      tpu.wait_indirect_dma semaphore(%arg20 : memref<!tpu.dma_semaphore, #tpu.memory_space<semaphore_mem>>) src(%dma_wait3A_154 : memref<16x128xf32, #tpu.memory_space<vmem>>) dst(%dma_wait3A_157 : memref<10240x128xf32, #tpu.memory_space<vmem_shared>>)
      %add3A_158 = arith.constant 5 : i32
      %add3A_159 = arith.addi %add3A_115, %add3A_158 : i32
      %lt3A_160 = arith.cmpi slt, %add3A_159, %select_n3A : i32
      %convert_element_type3A_161 = arith.extui %lt3A_160 : i1 to i32
      %cond3A_162 = arith.constant 0 : i32
      %cond3A_163 = arith.cmpi ne, %convert_element_type3A_161, %cond3A_162 : i32
      scf.if %cond3A_163 {
        %mul3A_320 = arith.constant 32 : i32
        %mul3A_321 = arith.muli %add3A_159, %mul3A_320 : i32
        %dma_start3A_322 = tpu.memref_slice %arg6[%mul3A_321] : memref<14080xi32, #tpu.memory_space<vmem>> -> memref<32xi32, #tpu.memory_space<vmem>>
        %dma_start3A_323 = arith.constant 0 : i32
        %dma_start3A_324 = arith.constant 0 : i32
        %dma_start3A_325 = tpu.memref_slice %arg2[%dma_start3A_323, %dma_start3A_324] : memref<10240x128xf32, #tpu.memory_space<hbm>> -> memref<10240x128xf32, #tpu.memory_space<hbm>>
        tpu.enqueue_indirect_dma source(%dma_start3A_325 : memref<10240x128xf32, #tpu.memory_space<hbm>>) target(%arg9 : memref<32x128xf32, #tpu.memory_space<vmem>>) offsets(%dma_start3A_322 : memref<32xi32, #tpu.memory_space<vmem>>) semaphore(%arg15 : memref<!tpu.dma_semaphore, #tpu.memory_space<semaphore_mem>>)
      } else {
      }
      %mul3A_164 = arith.constant 5 : i32
      %mul3A_165 = arith.muli %while3A_63, %mul3A_164 : i32
      %add3A_166 = arith.constant 2 : i32
      %add3A_167 = arith.addi %mul3A_165, %add3A_166 : i32
      %dma_wait3A_168 = arith.constant 0 : i32
      %dma_wait3A_169 = arith.constant 0 : i32
      %dma_wait3A_170 = tpu.memref_slice %arg2[%dma_wait3A_168, %dma_wait3A_169] : memref<10240x128xf32, #tpu.memory_space<hbm>> -> memref<32x128xf32, #tpu.memory_space<hbm>>
      %dma_wait3A_171 = arith.constant 0 : i32
      %dma_wait3A_172 = arith.constant 0 : i32
      %dma_wait3A_173 = tpu.memref_slice %arg2[%dma_wait3A_171, %dma_wait3A_172] : memref<10240x128xf32, #tpu.memory_space<hbm>> -> memref<32x128xf32, #tpu.memory_space<hbm>>
      tpu.wait_dma2 semaphore(%arg16 : memref<!tpu.dma_semaphore, #tpu.memory_space<semaphore_mem>>) src(%dma_wait3A_173 : memref<32x128xf32, #tpu.memory_space<hbm>>) dst(%arg10 : memref<32x128xf32, #tpu.memory_space<vmem>>)
      %mul3A_174 = arith.constant 32 : i32
      %mul3A_175 = arith.muli %add3A_167, %mul3A_174 : i32
      %get3A_176 = arith.index_cast %mul3A_175 : i32 to index
      %get3A_177 = tpu.vector_load %arg7[%get3A_176] {strides = array<i32>} : memref<14080xi32, #tpu.memory_space<vmem>>, vector<16xi32>,
      %get3A_178 = vector.shape_cast %get3A_177 : vector<16xi32> to vector<16xi32>
      %mul3A_179 = arith.constant 32 : i32
      %mul3A_180 = arith.muli %add3A_167, %mul3A_179 : i32
      %add3A_181 = arith.constant 16 : i32
      %add3A_182 = arith.addi %mul3A_180, %add3A_181 : i32
      %get3A_183 = arith.index_cast %add3A_182 : i32 to index
      %get3A_184 = tpu.vector_load %arg7[%get3A_183] {strides = array<i32>} : memref<14080xi32, #tpu.memory_space<vmem>>, vector<16xi32>,
      %get3A_185 = vector.shape_cast %get3A_184 : vector<16xi32> to vector<16xi32>
      %dma_start3A_186 = arith.constant 0 : i32
      %dma_start3A_187 = arith.constant 0 : i32
      %dma_start3A_188 = tpu.memref_slice %arg10[%dma_start3A_186, %dma_start3A_187] : memref<32x128xf32, #tpu.memory_space<vmem>> -> memref<16x128xf32, #tpu.memory_space<vmem>>
      %dma_start3A_189 = arith.constant 0 : i32
      %dma_start3A_190 = arith.constant 0 : i32
      %dma_start3A_191 = tpu.memref_slice %arg13[%dma_start3A_189, %dma_start3A_190] : memref<10240x128xf32, #tpu.memory_space<vmem_shared>> -> memref<10240x128xf32, #tpu.memory_space<vmem_shared>>
      tpu.enqueue_indirect_dma source(%dma_start3A_188 : memref<16x128xf32, #tpu.memory_space<vmem>>) target(%dma_start3A_191 : memref<10240x128xf32, #tpu.memory_space<vmem_shared>>) offsets(%get3A_178 : vector<16xi32>) semaphore(%arg19 : memref<!tpu.dma_semaphore, #tpu.memory_space<semaphore_mem>>) {add = true}
      %dma_start3A_192 = arith.constant 16 : i32
      %dma_start3A_193 = arith.constant 0 : i32
      %dma_start3A_194 = tpu.memref_slice %arg10[%dma_start3A_192, %dma_start3A_193] : memref<32x128xf32, #tpu.memory_space<vmem>> -> memref<16x128xf32, #tpu.memory_space<vmem>>
      %dma_start3A_195 = arith.constant 0 : i32
      %dma_start3A_196 = arith.constant 0 : i32
      %dma_start3A_197 = tpu.memref_slice %arg13[%dma_start3A_195, %dma_start3A_196] : memref<10240x128xf32, #tpu.memory_space<vmem_shared>> -> memref<10240x128xf32, #tpu.memory_space<vmem_shared>>
      tpu.enqueue_indirect_dma source(%dma_start3A_194 : memref<16x128xf32, #tpu.memory_space<vmem>>) target(%dma_start3A_197 : memref<10240x128xf32, #tpu.memory_space<vmem_shared>>) offsets(%get3A_185 : vector<16xi32>) semaphore(%arg20 : memref<!tpu.dma_semaphore, #tpu.memory_space<semaphore_mem>>) {add = true}
      %dma_wait3A_198 = arith.constant 0 : i32
      %dma_wait3A_199 = arith.constant 0 : i32
      %dma_wait3A_200 = tpu.memref_slice %arg10[%dma_wait3A_198, %dma_wait3A_199] : memref<32x128xf32, #tpu.memory_space<vmem>> -> memref<16x128xf32, #tpu.memory_space<vmem>>
      %dma_wait3A_201 = arith.constant 0 : i32
      %dma_wait3A_202 = arith.constant 0 : i32
      %dma_wait3A_203 = tpu.memref_slice %arg13[%dma_wait3A_201, %dma_wait3A_202] : memref<10240x128xf32, #tpu.memory_space<vmem_shared>> -> memref<10240x128xf32, #tpu.memory_space<vmem_shared>>
      tpu.wait_indirect_dma semaphore(%arg19 : memref<!tpu.dma_semaphore, #tpu.memory_space<semaphore_mem>>) src(%dma_wait3A_200 : memref<16x128xf32, #tpu.memory_space<vmem>>) dst(%dma_wait3A_203 : memref<10240x128xf32, #tpu.memory_space<vmem_shared>>)
      %dma_wait3A_204 = arith.constant 16 : i32
      %dma_wait3A_205 = arith.constant 0 : i32
      %dma_wait3A_206 = tpu.memref_slice %arg10[%dma_wait3A_204, %dma_wait3A_205] : memref<32x128xf32, #tpu.memory_space<vmem>> -> memref<16x128xf32, #tpu.memory_space<vmem>>
      %dma_wait3A_207 = arith.constant 0 : i32
      %dma_wait3A_208 = arith.constant 0 : i32
      %dma_wait3A_209 = tpu.memref_slice %arg13[%dma_wait3A_207, %dma_wait3A_208] : memref<10240x128xf32, #tpu.memory_space<vmem_shared>> -> memref<10240x128xf32, #tpu.memory_space<vmem_shared>>
      tpu.wait_indirect_dma semaphore(%arg20 : memref<!tpu.dma_semaphore, #tpu.memory_space<semaphore_mem>>) src(%dma_wait3A_206 : memref<16x128xf32, #tpu.memory_space<vmem>>) dst(%dma_wait3A_209 : memref<10240x128xf32, #tpu.memory_space<vmem_shared>>)
      %add3A_210 = arith.constant 5 : i32
      %add3A_211 = arith.addi %add3A_167, %add3A_210 : i32
      %lt3A_212 = arith.cmpi slt, %add3A_211, %select_n3A : i32
      %convert_element_type3A_213 = arith.extui %lt3A_212 : i1 to i32
      %cond3A_214 = arith.constant 0 : i32
      %cond3A_215 = arith.cmpi ne, %convert_element_type3A_213, %cond3A_214 : i32
      scf.if %cond3A_215 {
        %mul3A_320 = arith.constant 32 : i32
        %mul3A_321 = arith.muli %add3A_211, %mul3A_320 : i32
        %dma_start3A_322 = tpu.memref_slice %arg6[%mul3A_321] : memref<14080xi32, #tpu.memory_space<vmem>> -> memref<32xi32, #tpu.memory_space<vmem>>
        %dma_start3A_323 = arith.constant 0 : i32
        %dma_start3A_324 = arith.constant 0 : i32
        %dma_start3A_325 = tpu.memref_slice %arg2[%dma_start3A_323, %dma_start3A_324] : memref<10240x128xf32, #tpu.memory_space<hbm>> -> memref<10240x128xf32, #tpu.memory_space<hbm>>
        tpu.enqueue_indirect_dma source(%dma_start3A_325 : memref<10240x128xf32, #tpu.memory_space<hbm>>) target(%arg10 : memref<32x128xf32, #tpu.memory_space<vmem>>) offsets(%dma_start3A_322 : memref<32xi32, #tpu.memory_space<vmem>>) semaphore(%arg16 : memref<!tpu.dma_semaphore, #tpu.memory_space<semaphore_mem>>)
      } else {
      }
      %mul3A_216 = arith.constant 5 : i32
      %mul3A_217 = arith.muli %while3A_63, %mul3A_216 : i32
      %add3A_218 = arith.constant 3 : i32
      %add3A_219 = arith.addi %mul3A_217, %add3A_218 : i32
      %dma_wait3A_220 = arith.constant 0 : i32
      %dma_wait3A_221 = arith.constant 0 : i32
      %dma_wait3A_222 = tpu.memref_slice %arg2[%dma_wait3A_220, %dma_wait3A_221] : memref<10240x128xf32, #tpu.memory_space<hbm>> -> memref<32x128xf32, #tpu.memory_space<hbm>>
      %dma_wait3A_223 = arith.constant 0 : i32
      %dma_wait3A_224 = arith.constant 0 : i32
      %dma_wait3A_225 = tpu.memref_slice %arg2[%dma_wait3A_223, %dma_wait3A_224] : memref<10240x128xf32, #tpu.memory_space<hbm>> -> memref<32x128xf32, #tpu.memory_space<hbm>>
      tpu.wait_dma2 semaphore(%arg17 : memref<!tpu.dma_semaphore, #tpu.memory_space<semaphore_mem>>) src(%dma_wait3A_225 : memref<32x128xf32, #tpu.memory_space<hbm>>) dst(%arg11 : memref<32x128xf32, #tpu.memory_space<vmem>>)
      %mul3A_226 = arith.constant 32 : i32
      %mul3A_227 = arith.muli %add3A_219, %mul3A_226 : i32
      %get3A_228 = arith.index_cast %mul3A_227 : i32 to index
      %get3A_229 = tpu.vector_load %arg7[%get3A_228] {strides = array<i32>} : memref<14080xi32, #tpu.memory_space<vmem>>, vector<16xi32>,
      %get3A_230 = vector.shape_cast %get3A_229 : vector<16xi32> to vector<16xi32>
      %mul3A_231 = arith.constant 32 : i32
      %mul3A_232 = arith.muli %add3A_219, %mul3A_231 : i32
      %add3A_233 = arith.constant 16 : i32
      %add3A_234 = arith.addi %mul3A_232, %add3A_233 : i32
      %get3A_235 = arith.index_cast %add3A_234 : i32 to index
      %get3A_236 = tpu.vector_load %arg7[%get3A_235] {strides = array<i32>} : memref<14080xi32, #tpu.memory_space<vmem>>, vector<16xi32>,
      %get3A_237 = vector.shape_cast %get3A_236 : vector<16xi32> to vector<16xi32>
      %dma_start3A_238 = arith.constant 0 : i32
      %dma_start3A_239 = arith.constant 0 : i32
      %dma_start3A_240 = tpu.memref_slice %arg11[%dma_start3A_238, %dma_start3A_239] : memref<32x128xf32, #tpu.memory_space<vmem>> -> memref<16x128xf32, #tpu.memory_space<vmem>>
      %dma_start3A_241 = arith.constant 0 : i32
      %dma_start3A_242 = arith.constant 0 : i32
      %dma_start3A_243 = tpu.memref_slice %arg13[%dma_start3A_241, %dma_start3A_242] : memref<10240x128xf32, #tpu.memory_space<vmem_shared>> -> memref<10240x128xf32, #tpu.memory_space<vmem_shared>>
      tpu.enqueue_indirect_dma source(%dma_start3A_240 : memref<16x128xf32, #tpu.memory_space<vmem>>) target(%dma_start3A_243 : memref<10240x128xf32, #tpu.memory_space<vmem_shared>>) offsets(%get3A_230 : vector<16xi32>) semaphore(%arg19 : memref<!tpu.dma_semaphore, #tpu.memory_space<semaphore_mem>>) {add = true}
      %dma_start3A_244 = arith.constant 16 : i32
      %dma_start3A_245 = arith.constant 0 : i32
      %dma_start3A_246 = tpu.memref_slice %arg11[%dma_start3A_244, %dma_start3A_245] : memref<32x128xf32, #tpu.memory_space<vmem>> -> memref<16x128xf32, #tpu.memory_space<vmem>>
      %dma_start3A_247 = arith.constant 0 : i32
      %dma_start3A_248 = arith.constant 0 : i32
      %dma_start3A_249 = tpu.memref_slice %arg13[%dma_start3A_247, %dma_start3A_248] : memref<10240x128xf32, #tpu.memory_space<vmem_shared>> -> memref<10240x128xf32, #tpu.memory_space<vmem_shared>>
      tpu.enqueue_indirect_dma source(%dma_start3A_246 : memref<16x128xf32, #tpu.memory_space<vmem>>) target(%dma_start3A_249 : memref<10240x128xf32, #tpu.memory_space<vmem_shared>>) offsets(%get3A_237 : vector<16xi32>) semaphore(%arg20 : memref<!tpu.dma_semaphore, #tpu.memory_space<semaphore_mem>>) {add = true}
      %dma_wait3A_250 = arith.constant 0 : i32
      %dma_wait3A_251 = arith.constant 0 : i32
      %dma_wait3A_252 = tpu.memref_slice %arg11[%dma_wait3A_250, %dma_wait3A_251] : memref<32x128xf32, #tpu.memory_space<vmem>> -> memref<16x128xf32, #tpu.memory_space<vmem>>
      %dma_wait3A_253 = arith.constant 0 : i32
      %dma_wait3A_254 = arith.constant 0 : i32
      %dma_wait3A_255 = tpu.memref_slice %arg13[%dma_wait3A_253, %dma_wait3A_254] : memref<10240x128xf32, #tpu.memory_space<vmem_shared>> -> memref<10240x128xf32, #tpu.memory_space<vmem_shared>>
      tpu.wait_indirect_dma semaphore(%arg19 : memref<!tpu.dma_semaphore, #tpu.memory_space<semaphore_mem>>) src(%dma_wait3A_252 : memref<16x128xf32, #tpu.memory_space<vmem>>) dst(%dma_wait3A_255 : memref<10240x128xf32, #tpu.memory_space<vmem_shared>>)
      %dma_wait3A_256 = arith.constant 16 : i32
      %dma_wait3A_257 = arith.constant 0 : i32
      %dma_wait3A_258 = tpu.memref_slice %arg11[%dma_wait3A_256, %dma_wait3A_257] : memref<32x128xf32, #tpu.memory_space<vmem>> -> memref<16x128xf32, #tpu.memory_space<vmem>>
      %dma_wait3A_259 = arith.constant 0 : i32
      %dma_wait3A_260 = arith.constant 0 : i32
      %dma_wait3A_261 = tpu.memref_slice %arg13[%dma_wait3A_259, %dma_wait3A_260] : memref<10240x128xf32, #tpu.memory_space<vmem_shared>> -> memref<10240x128xf32, #tpu.memory_space<vmem_shared>>
      tpu.wait_indirect_dma semaphore(%arg20 : memref<!tpu.dma_semaphore, #tpu.memory_space<semaphore_mem>>) src(%dma_wait3A_258 : memref<16x128xf32, #tpu.memory_space<vmem>>) dst(%dma_wait3A_261 : memref<10240x128xf32, #tpu.memory_space<vmem_shared>>)
      %add3A_262 = arith.constant 5 : i32
      %add3A_263 = arith.addi %add3A_219, %add3A_262 : i32
      %lt3A_264 = arith.cmpi slt, %add3A_263, %select_n3A : i32
      %convert_element_type3A_265 = arith.extui %lt3A_264 : i1 to i32
      %cond3A_266 = arith.constant 0 : i32
      %cond3A_267 = arith.cmpi ne, %convert_element_type3A_265, %cond3A_266 : i32
      scf.if %cond3A_267 {
        %mul3A_320 = arith.constant 32 : i32
        %mul3A_321 = arith.muli %add3A_263, %mul3A_320 : i32
        %dma_start3A_322 = tpu.memref_slice %arg6[%mul3A_321] : memref<14080xi32, #tpu.memory_space<vmem>> -> memref<32xi32, #tpu.memory_space<vmem>>
        %dma_start3A_323 = arith.constant 0 : i32
        %dma_start3A_324 = arith.constant 0 : i32
        %dma_start3A_325 = tpu.memref_slice %arg2[%dma_start3A_323, %dma_start3A_324] : memref<10240x128xf32, #tpu.memory_space<hbm>> -> memref<10240x128xf32, #tpu.memory_space<hbm>>
        tpu.enqueue_indirect_dma source(%dma_start3A_325 : memref<10240x128xf32, #tpu.memory_space<hbm>>) target(%arg11 : memref<32x128xf32, #tpu.memory_space<vmem>>) offsets(%dma_start3A_322 : memref<32xi32, #tpu.memory_space<vmem>>) semaphore(%arg17 : memref<!tpu.dma_semaphore, #tpu.memory_space<semaphore_mem>>)
      } else {
      }
      %mul3A_268 = arith.constant 5 : i32
      %mul3A_269 = arith.muli %while3A_63, %mul3A_268 : i32
      %add3A_270 = arith.constant 4 : i32
      %add3A_271 = arith.addi %mul3A_269, %add3A_270 : i32
      %dma_wait3A_272 = arith.constant 0 : i32
      %dma_wait3A_273 = arith.constant 0 : i32
      %dma_wait3A_274 = tpu.memref_slice %arg2[%dma_wait3A_272, %dma_wait3A_273] : memref<10240x128xf32, #tpu.memory_space<hbm>> -> memref<32x128xf32, #tpu.memory_space<hbm>>
      %dma_wait3A_275 = arith.constant 0 : i32
      %dma_wait3A_276 = arith.constant 0 : i32
      %dma_wait3A_277 = tpu.memref_slice %arg2[%dma_wait3A_275, %dma_wait3A_276] : memref<10240x128xf32, #tpu.memory_space<hbm>> -> memref<32x128xf32, #tpu.memory_space<hbm>>
      tpu.wait_dma2 semaphore(%arg18 : memref<!tpu.dma_semaphore, #tpu.memory_space<semaphore_mem>>) src(%dma_wait3A_277 : memref<32x128xf32, #tpu.memory_space<hbm>>) dst(%arg12 : memref<32x128xf32, #tpu.memory_space<vmem>>)
      %mul3A_278 = arith.constant 32 : i32
      %mul3A_279 = arith.muli %add3A_271, %mul3A_278 : i32
      %get3A_280 = arith.index_cast %mul3A_279 : i32 to index
      %get3A_281 = tpu.vector_load %arg7[%get3A_280] {strides = array<i32>} : memref<14080xi32, #tpu.memory_space<vmem>>, vector<16xi32>,
      %get3A_282 = vector.shape_cast %get3A_281 : vector<16xi32> to vector<16xi32>
      %mul3A_283 = arith.constant 32 : i32
      %mul3A_284 = arith.muli %add3A_271, %mul3A_283 : i32
      %add3A_285 = arith.constant 16 : i32
      %add3A_286 = arith.addi %mul3A_284, %add3A_285 : i32
      %get3A_287 = arith.index_cast %add3A_286 : i32 to index
      %get3A_288 = tpu.vector_load %arg7[%get3A_287] {strides = array<i32>} : memref<14080xi32, #tpu.memory_space<vmem>>, vector<16xi32>,
      %get3A_289 = vector.shape_cast %get3A_288 : vector<16xi32> to vector<16xi32>
      %dma_start3A_290 = arith.constant 0 : i32
      %dma_start3A_291 = arith.constant 0 : i32
      %dma_start3A_292 = tpu.memref_slice %arg12[%dma_start3A_290, %dma_start3A_291] : memref<32x128xf32, #tpu.memory_space<vmem>> -> memref<16x128xf32, #tpu.memory_space<vmem>>
      %dma_start3A_293 = arith.constant 0 : i32
      %dma_start3A_294 = arith.constant 0 : i32
      %dma_start3A_295 = tpu.memref_slice %arg13[%dma_start3A_293, %dma_start3A_294] : memref<10240x128xf32, #tpu.memory_space<vmem_shared>> -> memref<10240x128xf32, #tpu.memory_space<vmem_shared>>
      tpu.enqueue_indirect_dma source(%dma_start3A_292 : memref<16x128xf32, #tpu.memory_space<vmem>>) target(%dma_start3A_295 : memref<10240x128xf32, #tpu.memory_space<vmem_shared>>) offsets(%get3A_282 : vector<16xi32>) semaphore(%arg19 : memref<!tpu.dma_semaphore, #tpu.memory_space<semaphore_mem>>) {add = true}
      %dma_start3A_296 = arith.constant 16 : i32
      %dma_start3A_297 = arith.constant 0 : i32
      %dma_start3A_298 = tpu.memref_slice %arg12[%dma_start3A_296, %dma_start3A_297] : memref<32x128xf32, #tpu.memory_space<vmem>> -> memref<16x128xf32, #tpu.memory_space<vmem>>
      %dma_start3A_299 = arith.constant 0 : i32
      %dma_start3A_300 = arith.constant 0 : i32
      %dma_start3A_301 = tpu.memref_slice %arg13[%dma_start3A_299, %dma_start3A_300] : memref<10240x128xf32, #tpu.memory_space<vmem_shared>> -> memref<10240x128xf32, #tpu.memory_space<vmem_shared>>
      tpu.enqueue_indirect_dma source(%dma_start3A_298 : memref<16x128xf32, #tpu.memory_space<vmem>>) target(%dma_start3A_301 : memref<10240x128xf32, #tpu.memory_space<vmem_shared>>) offsets(%get3A_289 : vector<16xi32>) semaphore(%arg20 : memref<!tpu.dma_semaphore, #tpu.memory_space<semaphore_mem>>) {add = true}
      %dma_wait3A_302 = arith.constant 0 : i32
      %dma_wait3A_303 = arith.constant 0 : i32
      %dma_wait3A_304 = tpu.memref_slice %arg12[%dma_wait3A_302, %dma_wait3A_303] : memref<32x128xf32, #tpu.memory_space<vmem>> -> memref<16x128xf32, #tpu.memory_space<vmem>>
      %dma_wait3A_305 = arith.constant 0 : i32
      %dma_wait3A_306 = arith.constant 0 : i32
      %dma_wait3A_307 = tpu.memref_slice %arg13[%dma_wait3A_305, %dma_wait3A_306] : memref<10240x128xf32, #tpu.memory_space<vmem_shared>> -> memref<10240x128xf32, #tpu.memory_space<vmem_shared>>
      tpu.wait_indirect_dma semaphore(%arg19 : memref<!tpu.dma_semaphore, #tpu.memory_space<semaphore_mem>>) src(%dma_wait3A_304 : memref<16x128xf32, #tpu.memory_space<vmem>>) dst(%dma_wait3A_307 : memref<10240x128xf32, #tpu.memory_space<vmem_shared>>)
      %dma_wait3A_308 = arith.constant 16 : i32
      %dma_wait3A_309 = arith.constant 0 : i32
      %dma_wait3A_310 = tpu.memref_slice %arg12[%dma_wait3A_308, %dma_wait3A_309] : memref<32x128xf32, #tpu.memory_space<vmem>> -> memref<16x128xf32, #tpu.memory_space<vmem>>
      %dma_wait3A_311 = arith.constant 0 : i32
      %dma_wait3A_312 = arith.constant 0 : i32
      %dma_wait3A_313 = tpu.memref_slice %arg13[%dma_wait3A_311, %dma_wait3A_312] : memref<10240x128xf32, #tpu.memory_space<vmem_shared>> -> memref<10240x128xf32, #tpu.memory_space<vmem_shared>>
      tpu.wait_indirect_dma semaphore(%arg20 : memref<!tpu.dma_semaphore, #tpu.memory_space<semaphore_mem>>) src(%dma_wait3A_310 : memref<16x128xf32, #tpu.memory_space<vmem>>) dst(%dma_wait3A_313 : memref<10240x128xf32, #tpu.memory_space<vmem_shared>>)
      %add3A_314 = arith.constant 5 : i32
      %add3A_315 = arith.addi %add3A_271, %add3A_314 : i32
      %lt3A_316 = arith.cmpi slt, %add3A_315, %select_n3A : i32
      %convert_element_type3A_317 = arith.extui %lt3A_316 : i1 to i32
      %cond3A_318 = arith.constant 0 : i32
      %cond3A_319 = arith.cmpi ne, %convert_element_type3A_317, %cond3A_318 : i32
      scf.if %cond3A_319 {
        %mul3A_320 = arith.constant 32 : i32
        %mul3A_321 = arith.muli %add3A_315, %mul3A_320 : i32
        %dma_start3A_322 = tpu.memref_slice %arg6[%mul3A_321] : memref<14080xi32, #tpu.memory_space<vmem>> -> memref<32xi32, #tpu.memory_space<vmem>>
        %dma_start3A_323 = arith.constant 0 : i32
        %dma_start3A_324 = arith.constant 0 : i32
        %dma_start3A_325 = tpu.memref_slice %arg2[%dma_start3A_323, %dma_start3A_324] : memref<10240x128xf32, #tpu.memory_space<hbm>> -> memref<10240x128xf32, #tpu.memory_space<hbm>>
        tpu.enqueue_indirect_dma source(%dma_start3A_325 : memref<10240x128xf32, #tpu.memory_space<hbm>>) target(%arg12 : memref<32x128xf32, #tpu.memory_space<vmem>>) offsets(%dma_start3A_322 : memref<32xi32, #tpu.memory_space<vmem>>) semaphore(%arg18 : memref<!tpu.dma_semaphore, #tpu.memory_space<semaphore_mem>>)
      } else {
      }
    }
    %while3A_61 = arith.constant 1 : i32
    scf.for %while3A_63 = %while3A_59 to %while3A_55 step %while3A_61  : i32 {
      %mul3A_64 = arith.constant 5 : i32
      %mul3A_65 = arith.muli %while3A_63, %mul3A_64 : i32
      %add3A = arith.constant 0 : i32
      %add3A_66 = arith.addi %mul3A_65, %add3A : i32
      %dma_wait3A = arith.constant 0 : i32
      %dma_wait3A_67 = arith.constant 0 : i32
      %dma_wait3A_68 = tpu.memref_slice %arg2[%dma_wait3A, %dma_wait3A_67] : memref<10240x128xf32, #tpu.memory_space<hbm>> -> memref<32x128xf32, #tpu.memory_space<hbm>>
      %dma_wait3A_69 = arith.constant 0 : i32
      %dma_wait3A_70 = arith.constant 0 : i32
      %dma_wait3A_71 = tpu.memref_slice %arg2[%dma_wait3A_69, %dma_wait3A_70] : memref<10240x128xf32, #tpu.memory_space<hbm>> -> memref<32x128xf32, #tpu.memory_space<hbm>>
      tpu.wait_dma2 semaphore(%arg14 : memref<!tpu.dma_semaphore, #tpu.memory_space<semaphore_mem>>) src(%dma_wait3A_71 : memref<32x128xf32, #tpu.memory_space<hbm>>) dst(%arg8 : memref<32x128xf32, #tpu.memory_space<vmem>>)
      %mul3A_72 = arith.constant 32 : i32
      %mul3A_73 = arith.muli %add3A_66, %mul3A_72 : i32
      %get3A = arith.index_cast %mul3A_73 : i32 to index
      %get3A_74 = tpu.vector_load %arg7[%get3A] {strides = array<i32>} : memref<14080xi32, #tpu.memory_space<vmem>>, vector<16xi32>,
      %get3A_75 = vector.shape_cast %get3A_74 : vector<16xi32> to vector<16xi32>
      %mul3A_76 = arith.constant 32 : i32
      %mul3A_77 = arith.muli %add3A_66, %mul3A_76 : i32
      %add3A_78 = arith.constant 16 : i32
      %add3A_79 = arith.addi %mul3A_77, %add3A_78 : i32
      %get3A_80 = arith.index_cast %add3A_79 : i32 to index
      %get3A_81 = tpu.vector_load %arg7[%get3A_80] {strides = array<i32>} : memref<14080xi32, #tpu.memory_space<vmem>>, vector<16xi32>,
      %get3A_82 = vector.shape_cast %get3A_81 : vector<16xi32> to vector<16xi32>
      %dma_start3A_83 = arith.constant 0 : i32
      %dma_start3A_84 = arith.constant 0 : i32
      %dma_start3A_85 = tpu.memref_slice %arg8[%dma_start3A_83, %dma_start3A_84] : memref<32x128xf32, #tpu.memory_space<vmem>> -> memref<16x128xf32, #tpu.memory_space<vmem>>
      %dma_start3A_86 = arith.constant 0 : i32
      %dma_start3A_87 = arith.constant 0 : i32
      %dma_start3A_88 = tpu.memref_slice %arg13[%dma_start3A_86, %dma_start3A_87] : memref<10240x128xf32, #tpu.memory_space<vmem_shared>> -> memref<10240x128xf32, #tpu.memory_space<vmem_shared>>
      tpu.enqueue_indirect_dma source(%dma_start3A_85 : memref<16x128xf32, #tpu.memory_space<vmem>>) target(%dma_start3A_88 : memref<10240x128xf32, #tpu.memory_space<vmem_shared>>) offsets(%get3A_75 : vector<16xi32>) semaphore(%arg19 : memref<!tpu.dma_semaphore, #tpu.memory_space<semaphore_mem>>) {add = true}
      %dma_start3A_89 = arith.constant 16 : i32
      %dma_start3A_90 = arith.constant 0 : i32
      %dma_start3A_91 = tpu.memref_slice %arg8[%dma_start3A_89, %dma_start3A_90] : memref<32x128xf32, #tpu.memory_space<vmem>> -> memref<16x128xf32, #tpu.memory_space<vmem>>
      %dma_start3A_92 = arith.constant 0 : i32
      %dma_start3A_93 = arith.constant 0 : i32
      %dma_start3A_94 = tpu.memref_slice %arg13[%dma_start3A_92, %dma_start3A_93] : memref<10240x128xf32, #tpu.memory_space<vmem_shared>> -> memref<10240x128xf32, #tpu.memory_space<vmem_shared>>
      tpu.enqueue_indirect_dma source(%dma_start3A_91 : memref<16x128xf32, #tpu.memory_space<vmem>>) target(%dma_start3A_94 : memref<10240x128xf32, #tpu.memory_space<vmem_shared>>) offsets(%get3A_82 : vector<16xi32>) semaphore(%arg20 : memref<!tpu.dma_semaphore, #tpu.memory_space<semaphore_mem>>) {add = true}
      %dma_wait3A_95 = arith.constant 0 : i32
      %dma_wait3A_96 = arith.constant 0 : i32
      %dma_wait3A_97 = tpu.memref_slice %arg8[%dma_wait3A_95, %dma_wait3A_96] : memref<32x128xf32, #tpu.memory_space<vmem>> -> memref<16x128xf32, #tpu.memory_space<vmem>>
      %dma_wait3A_98 = arith.constant 0 : i32
      %dma_wait3A_99 = arith.constant 0 : i32
      %dma_wait3A_100 = tpu.memref_slice %arg13[%dma_wait3A_98, %dma_wait3A_99] : memref<10240x128xf32, #tpu.memory_space<vmem_shared>> -> memref<10240x128xf32, #tpu.memory_space<vmem_shared>>
      tpu.wait_indirect_dma semaphore(%arg19 : memref<!tpu.dma_semaphore, #tpu.memory_space<semaphore_mem>>) src(%dma_wait3A_97 : memref<16x128xf32, #tpu.memory_space<vmem>>) dst(%dma_wait3A_100 : memref<10240x128xf32, #tpu.memory_space<vmem_shared>>)
      %dma_wait3A_101 = arith.constant 16 : i32
      %dma_wait3A_102 = arith.constant 0 : i32
      %dma_wait3A_103 = tpu.memref_slice %arg8[%dma_wait3A_101, %dma_wait3A_102] : memref<32x128xf32, #tpu.memory_space<vmem>> -> memref<16x128xf32, #tpu.memory_space<vmem>>
      %dma_wait3A_104 = arith.constant 0 : i32
      %dma_wait3A_105 = arith.constant 0 : i32
      %dma_wait3A_106 = tpu.memref_slice %arg13[%dma_wait3A_104, %dma_wait3A_105] : memref<10240x128xf32, #tpu.memory_space<vmem_shared>> -> memref<10240x128xf32, #tpu.memory_space<vmem_shared>>
      tpu.wait_indirect_dma semaphore(%arg20 : memref<!tpu.dma_semaphore, #tpu.memory_space<semaphore_mem>>) src(%dma_wait3A_103 : memref<16x128xf32, #tpu.memory_space<vmem>>) dst(%dma_wait3A_106 : memref<10240x128xf32, #tpu.memory_space<vmem_shared>>)
      %add3A_107 = arith.constant 5 : i32
      %add3A_108 = arith.addi %add3A_66, %add3A_107 : i32
      %lt3A = arith.cmpi slt, %add3A_108, %select_n3A : i32
      %convert_element_type3A_109 = arith.extui %lt3A : i1 to i32
      %cond3A_110 = arith.constant 0 : i32
      %cond3A_111 = arith.cmpi ne, %convert_element_type3A_109, %cond3A_110 : i32
      scf.if %cond3A_111 {
        %mul3A_320 = arith.constant 32 : i32
        %mul3A_321 = arith.muli %add3A_108, %mul3A_320 : i32
        %dma_start3A_322 = tpu.memref_slice %arg6[%mul3A_321] : memref<14080xi32, #tpu.memory_space<vmem>> -> memref<32xi32, #tpu.memory_space<vmem>>
        %dma_start3A_323 = arith.constant 0 : i32
        %dma_start3A_324 = arith.constant 0 : i32
        %dma_start3A_325 = tpu.memref_slice %arg2[%dma_start3A_323, %dma_start3A_324] : memref<10240x128xf32, #tpu.memory_space<hbm>> -> memref<10240x128xf32, #tpu.memory_space<hbm>>
        tpu.enqueue_indirect_dma source(%dma_start3A_325 : memref<10240x128xf32, #tpu.memory_space<hbm>>) target(%arg8 : memref<32x128xf32, #tpu.memory_space<vmem>>) offsets(%dma_start3A_322 : memref<32xi32, #tpu.memory_space<vmem>>) semaphore(%arg14 : memref<!tpu.dma_semaphore, #tpu.memory_space<semaphore_mem>>)
      } else {
      }
      %mul3A_112 = arith.constant 5 : i32
      %mul3A_113 = arith.muli %while3A_63, %mul3A_112 : i32
      %add3A_114 = arith.constant 1 : i32
      %add3A_115 = arith.addi %mul3A_113, %add3A_114 : i32
      %dma_wait3A_116 = arith.constant 0 : i32
      %dma_wait3A_117 = arith.constant 0 : i32
      %dma_wait3A_118 = tpu.memref_slice %arg2[%dma_wait3A_116, %dma_wait3A_117] : memref<10240x128xf32, #tpu.memory_space<hbm>> -> memref<32x128xf32, #tpu.memory_space<hbm>>
      %dma_wait3A_119 = arith.constant 0 : i32
      %dma_wait3A_120 = arith.constant 0 : i32
      %dma_wait3A_121 = tpu.memref_slice %arg2[%dma_wait3A_119, %dma_wait3A_120] : memref<10240x128xf32, #tpu.memory_space<hbm>> -> memref<32x128xf32, #tpu.memory_space<hbm>>
      tpu.wait_dma2 semaphore(%arg15 : memref<!tpu.dma_semaphore, #tpu.memory_space<semaphore_mem>>) src(%dma_wait3A_121 : memref<32x128xf32, #tpu.memory_space<hbm>>) dst(%arg9 : memref<32x128xf32, #tpu.memory_space<vmem>>)
      %mul3A_122 = arith.constant 32 : i32
      %mul3A_123 = arith.muli %add3A_115, %mul3A_122 : i32
      %get3A_124 = arith.index_cast %mul3A_123 : i32 to index
      %get3A_125 = tpu.vector_load %arg7[%get3A_124] {strides = array<i32>} : memref<14080xi32, #tpu.memory_space<vmem>>, vector<16xi32>,
      %get3A_126 = vector.shape_cast %get3A_125 : vector<16xi32> to vector<16xi32>
      %mul3A_127 = arith.constant 32 : i32
      %mul3A_128 = arith.muli %add3A_115, %mul3A_127 : i32
      %add3A_129 = arith.constant 16 : i32
      %add3A_130 = arith.addi %mul3A_128, %add3A_129 : i32
      %get3A_131 = arith.index_cast %add3A_130 : i32 to index
      %get3A_132 = tpu.vector_load %arg7[%get3A_131] {strides = array<i32>} : memref<14080xi32, #tpu.memory_space<vmem>>, vector<16xi32>,
      %get3A_133 = vector.shape_cast %get3A_132 : vector<16xi32> to vector<16xi32>
      %dma_start3A_134 = arith.constant 0 : i32
      %dma_start3A_135 = arith.constant 0 : i32
      %dma_start3A_136 = tpu.memref_slice %arg9[%dma_start3A_134, %dma_start3A_135] : memref<32x128xf32, #tpu.memory_space<vmem>> -> memref<16x128xf32, #tpu.memory_space<vmem>>
      %dma_start3A_137 = arith.constant 0 : i32
      %dma_start3A_138 = arith.constant 0 : i32
      %dma_start3A_139 = tpu.memref_slice %arg13[%dma_start3A_137, %dma_start3A_138] : memref<10240x128xf32, #tpu.memory_space<vmem_shared>> -> memref<10240x128xf32, #tpu.memory_space<vmem_shared>>
      tpu.enqueue_indirect_dma source(%dma_start3A_136 : memref<16x128xf32, #tpu.memory_space<vmem>>) target(%dma_start3A_139 : memref<10240x128xf32, #tpu.memory_space<vmem_shared>>) offsets(%get3A_126 : vector<16xi32>) semaphore(%arg19 : memref<!tpu.dma_semaphore, #tpu.memory_space<semaphore_mem>>) {add = true}
      %dma_start3A_140 = arith.constant 16 : i32
      %dma_start3A_141 = arith.constant 0 : i32
      %dma_start3A_142 = tpu.memref_slice %arg9[%dma_start3A_140, %dma_start3A_141] : memref<32x128xf32, #tpu.memory_space<vmem>> -> memref<16x128xf32, #tpu.memory_space<vmem>>
      %dma_start3A_143 = arith.constant 0 : i32
      %dma_start3A_144 = arith.constant 0 : i32
      %dma_start3A_145 = tpu.memref_slice %arg13[%dma_start3A_143, %dma_start3A_144] : memref<10240x128xf32, #tpu.memory_space<vmem_shared>> -> memref<10240x128xf32, #tpu.memory_space<vmem_shared>>
      tpu.enqueue_indirect_dma source(%dma_start3A_142 : memref<16x128xf32, #tpu.memory_space<vmem>>) target(%dma_start3A_145 : memref<10240x128xf32, #tpu.memory_space<vmem_shared>>) offsets(%get3A_133 : vector<16xi32>) semaphore(%arg20 : memref<!tpu.dma_semaphore, #tpu.memory_space<semaphore_mem>>) {add = true}
      %dma_wait3A_146 = arith.constant 0 : i32
      %dma_wait3A_147 = arith.constant 0 : i32
      %dma_wait3A_148 = tpu.memref_slice %arg9[%dma_wait3A_146, %dma_wait3A_147] : memref<32x128xf32, #tpu.memory_space<vmem>> -> memref<16x128xf32, #tpu.memory_space<vmem>>
      %dma_wait3A_149 = arith.constant 0 : i32
      %dma_wait3A_150 = arith.constant 0 : i32
      %dma_wait3A_151 = tpu.memref_slice %arg13[%dma_wait3A_149, %dma_wait3A_150] : memref<10240x128xf32, #tpu.memory_space<vmem_shared>> -> memref<10240x128xf32, #tpu.memory_space<vmem_shared>>
      tpu.wait_indirect_dma semaphore(%arg19 : memref<!tpu.dma_semaphore, #tpu.memory_space<semaphore_mem>>) src(%dma_wait3A_148 : memref<16x128xf32, #tpu.memory_space<vmem>>) dst(%dma_wait3A_151 : memref<10240x128xf32, #tpu.memory_space<vmem_shared>>)
      %dma_wait3A_152 = arith.constant 16 : i32
      %dma_wait3A_153 = arith.constant 0 : i32
      %dma_wait3A_154 = tpu.memref_slice %arg9[%dma_wait3A_152, %dma_wait3A_153] : memref<32x128xf32, #tpu.memory_space<vmem>> -> memref<16x128xf32, #tpu.memory_space<vmem>>
      %dma_wait3A_155 = arith.constant 0 : i32
      %dma_wait3A_156 = arith.constant 0 : i32
      %dma_wait3A_157 = tpu.memref_slice %arg13[%dma_wait3A_155, %dma_wait3A_156] : memref<10240x128xf32, #tpu.memory_space<vmem_shared>> -> memref<10240x128xf32, #tpu.memory_space<vmem_shared>>
      tpu.wait_indirect_dma semaphore(%arg20 : memref<!tpu.dma_semaphore, #tpu.memory_space<semaphore_mem>>) src(%dma_wait3A_154 : memref<16x128xf32, #tpu.memory_space<vmem>>) dst(%dma_wait3A_157 : memref<10240x128xf32, #tpu.memory_space<vmem_shared>>)
      %add3A_158 = arith.constant 5 : i32
      %add3A_159 = arith.addi %add3A_115, %add3A_158 : i32
      %lt3A_160 = arith.cmpi slt, %add3A_159, %select_n3A : i32
      %convert_element_type3A_161 = arith.extui %lt3A_160 : i1 to i32
      %cond3A_162 = arith.constant 0 : i32
      %cond3A_163 = arith.cmpi ne, %convert_element_type3A_161, %cond3A_162 : i32
      scf.if %cond3A_163 {
        %mul3A_320 = arith.constant 32 : i32
        %mul3A_321 = arith.muli %add3A_159, %mul3A_320 : i32
        %dma_start3A_322 = tpu.memref_slice %arg6[%mul3A_321] : memref<14080xi32, #tpu.memory_space<vmem>> -> memref<32xi32, #tpu.memory_space<vmem>>
        %dma_start3A_323 = arith.constant 0 : i32
        %dma_start3A_324 = arith.constant 0 : i32
        %dma_start3A_325 = tpu.memref_slice %arg2[%dma_start3A_323, %dma_start3A_324] : memref<10240x128xf32, #tpu.memory_space<hbm>> -> memref<10240x128xf32, #tpu.memory_space<hbm>>
        tpu.enqueue_indirect_dma source(%dma_start3A_325 : memref<10240x128xf32, #tpu.memory_space<hbm>>) target(%arg9 : memref<32x128xf32, #tpu.memory_space<vmem>>) offsets(%dma_start3A_322 : memref<32xi32, #tpu.memory_space<vmem>>) semaphore(%arg15 : memref<!tpu.dma_semaphore, #tpu.memory_space<semaphore_mem>>)
      } else {
      }
      %mul3A_164 = arith.constant 5 : i32
      %mul3A_165 = arith.muli %while3A_63, %mul3A_164 : i32
      %add3A_166 = arith.constant 2 : i32
      %add3A_167 = arith.addi %mul3A_165, %add3A_166 : i32
      %dma_wait3A_168 = arith.constant 0 : i32
      %dma_wait3A_169 = arith.constant 0 : i32
      %dma_wait3A_170 = tpu.memref_slice %arg2[%dma_wait3A_168, %dma_wait3A_169] : memref<10240x128xf32, #tpu.memory_space<hbm>> -> memref<32x128xf32, #tpu.memory_space<hbm>>
      %dma_wait3A_171 = arith.constant 0 : i32
      %dma_wait3A_172 = arith.constant 0 : i32
      %dma_wait3A_173 = tpu.memref_slice %arg2[%dma_wait3A_171, %dma_wait3A_172] : memref<10240x128xf32, #tpu.memory_space<hbm>> -> memref<32x128xf32, #tpu.memory_space<hbm>>
      tpu.wait_dma2 semaphore(%arg16 : memref<!tpu.dma_semaphore, #tpu.memory_space<semaphore_mem>>) src(%dma_wait3A_173 : memref<32x128xf32, #tpu.memory_space<hbm>>) dst(%arg10 : memref<32x128xf32, #tpu.memory_space<vmem>>)
      %mul3A_174 = arith.constant 32 : i32
      %mul3A_175 = arith.muli %add3A_167, %mul3A_174 : i32
      %get3A_176 = arith.index_cast %mul3A_175 : i32 to index
      %get3A_177 = tpu.vector_load %arg7[%get3A_176] {strides = array<i32>} : memref<14080xi32, #tpu.memory_space<vmem>>, vector<16xi32>,
      %get3A_178 = vector.shape_cast %get3A_177 : vector<16xi32> to vector<16xi32>
      %mul3A_179 = arith.constant 32 : i32
      %mul3A_180 = arith.muli %add3A_167, %mul3A_179 : i32
      %add3A_181 = arith.constant 16 : i32
      %add3A_182 = arith.addi %mul3A_180, %add3A_181 : i32
      %get3A_183 = arith.index_cast %add3A_182 : i32 to index
      %get3A_184 = tpu.vector_load %arg7[%get3A_183] {strides = array<i32>} : memref<14080xi32, #tpu.memory_space<vmem>>, vector<16xi32>,
      %get3A_185 = vector.shape_cast %get3A_184 : vector<16xi32> to vector<16xi32>
      %dma_start3A_186 = arith.constant 0 : i32
      %dma_start3A_187 = arith.constant 0 : i32
      %dma_start3A_188 = tpu.memref_slice %arg10[%dma_start3A_186, %dma_start3A_187] : memref<32x128xf32, #tpu.memory_space<vmem>> -> memref<16x128xf32, #tpu.memory_space<vmem>>
      %dma_start3A_189 = arith.constant 0 : i32
      %dma_start3A_190 = arith.constant 0 : i32
      %dma_start3A_191 = tpu.memref_slice %arg13[%dma_start3A_189, %dma_start3A_190] : memref<10240x128xf32, #tpu.memory_space<vmem_shared>> -> memref<10240x128xf32, #tpu.memory_space<vmem_shared>>
      tpu.enqueue_indirect_dma source(%dma_start3A_188 : memref<16x128xf32, #tpu.memory_space<vmem>>) target(%dma_start3A_191 : memref<10240x128xf32, #tpu.memory_space<vmem_shared>>) offsets(%get3A_178 : vector<16xi32>) semaphore(%arg19 : memref<!tpu.dma_semaphore, #tpu.memory_space<semaphore_mem>>) {add = true}
      %dma_start3A_192 = arith.constant 16 : i32
      %dma_start3A_193 = arith.constant 0 : i32
      %dma_start3A_194 = tpu.memref_slice %arg10[%dma_start3A_192, %dma_start3A_193] : memref<32x128xf32, #tpu.memory_space<vmem>> -> memref<16x128xf32, #tpu.memory_space<vmem>>
      %dma_start3A_195 = arith.constant 0 : i32
      %dma_start3A_196 = arith.constant 0 : i32
      %dma_start3A_197 = tpu.memref_slice %arg13[%dma_start3A_195, %dma_start3A_196] : memref<10240x128xf32, #tpu.memory_space<vmem_shared>> -> memref<10240x128xf32, #tpu.memory_space<vmem_shared>>
      tpu.enqueue_indirect_dma source(%dma_start3A_194 : memref<16x128xf32, #tpu.memory_space<vmem>>) target(%dma_start3A_197 : memref<10240x128xf32, #tpu.memory_space<vmem_shared>>) offsets(%get3A_185 : vector<16xi32>) semaphore(%arg20 : memref<!tpu.dma_semaphore, #tpu.memory_space<semaphore_mem>>) {add = true}
      %dma_wait3A_198 = arith.constant 0 : i32
      %dma_wait3A_199 = arith.constant 0 : i32
      %dma_wait3A_200 = tpu.memref_slice %arg10[%dma_wait3A_198, %dma_wait3A_199] : memref<32x128xf32, #tpu.memory_space<vmem>> -> memref<16x128xf32, #tpu.memory_space<vmem>>
      %dma_wait3A_201 = arith.constant 0 : i32
      %dma_wait3A_202 = arith.constant 0 : i32
      %dma_wait3A_203 = tpu.memref_slice %arg13[%dma_wait3A_201, %dma_wait3A_202] : memref<10240x128xf32, #tpu.memory_space<vmem_shared>> -> memref<10240x128xf32, #tpu.memory_space<vmem_shared>>
      tpu.wait_indirect_dma semaphore(%arg19 : memref<!tpu.dma_semaphore, #tpu.memory_space<semaphore_mem>>) src(%dma_wait3A_200 : memref<16x128xf32, #tpu.memory_space<vmem>>) dst(%dma_wait3A_203 : memref<10240x128xf32, #tpu.memory_space<vmem_shared>>)
      %dma_wait3A_204 = arith.constant 16 : i32
      %dma_wait3A_205 = arith.constant 0 : i32
      %dma_wait3A_206 = tpu.memref_slice %arg10[%dma_wait3A_204, %dma_wait3A_205] : memref<32x128xf32, #tpu.memory_space<vmem>> -> memref<16x128xf32, #tpu.memory_space<vmem>>
      %dma_wait3A_207 = arith.constant 0 : i32
      %dma_wait3A_208 = arith.constant 0 : i32
      %dma_wait3A_209 = tpu.memref_slice %arg13[%dma_wait3A_207, %dma_wait3A_208] : memref<10240x128xf32, #tpu.memory_space<vmem_shared>> -> memref<10240x128xf32, #tpu.memory_space<vmem_shared>>
      tpu.wait_indirect_dma semaphore(%arg20 : memref<!tpu.dma_semaphore, #tpu.memory_space<semaphore_mem>>) src(%dma_wait3A_206 : memref<16x128xf32, #tpu.memory_space<vmem>>) dst(%dma_wait3A_209 : memref<10240x128xf32, #tpu.memory_space<vmem_shared>>)
      %add3A_210 = arith.constant 5 : i32
      %add3A_211 = arith.addi %add3A_167, %add3A_210 : i32
      %lt3A_212 = arith.cmpi slt, %add3A_211, %select_n3A : i32
      %convert_element_type3A_213 = arith.extui %lt3A_212 : i1 to i32
      %cond3A_214 = arith.constant 0 : i32
      %cond3A_215 = arith.cmpi ne, %convert_element_type3A_213, %cond3A_214 : i32
      scf.if %cond3A_215 {
        %mul3A_320 = arith.constant 32 : i32
        %mul3A_321 = arith.muli %add3A_211, %mul3A_320 : i32
        %dma_start3A_322 = tpu.memref_slice %arg6[%mul3A_321] : memref<14080xi32, #tpu.memory_space<vmem>> -> memref<32xi32, #tpu.memory_space<vmem>>
        %dma_start3A_323 = arith.constant 0 : i32
        %dma_start3A_324 = arith.constant 0 : i32
        %dma_start3A_325 = tpu.memref_slice %arg2[%dma_start3A_323, %dma_start3A_324] : memref<10240x128xf32, #tpu.memory_space<hbm>> -> memref<10240x128xf32, #tpu.memory_space<hbm>>
        tpu.enqueue_indirect_dma source(%dma_start3A_325 : memref<10240x128xf32, #tpu.memory_space<hbm>>) target(%arg10 : memref<32x128xf32, #tpu.memory_space<vmem>>) offsets(%dma_start3A_322 : memref<32xi32, #tpu.memory_space<vmem>>) semaphore(%arg16 : memref<!tpu.dma_semaphore, #tpu.memory_space<semaphore_mem>>)
      } else {
      }
      %mul3A_216 = arith.constant 5 : i32
      %mul3A_217 = arith.muli %while3A_63, %mul3A_216 : i32
      %add3A_218 = arith.constant 3 : i32
      %add3A_219 = arith.addi %mul3A_217, %add3A_218 : i32
      %dma_wait3A_220 = arith.constant 0 : i32
      %dma_wait3A_221 = arith.constant 0 : i32
      %dma_wait3A_222 = tpu.memref_slice %arg2[%dma_wait3A_220, %dma_wait3A_221] : memref<10240x128xf32, #tpu.memory_space<hbm>> -> memref<32x128xf32, #tpu.memory_space<hbm>>
      %dma_wait3A_223 = arith.constant 0 : i32
      %dma_wait3A_224 = arith.constant 0 : i32
      %dma_wait3A_225 = tpu.memref_slice %arg2[%dma_wait3A_223, %dma_wait3A_224] : memref<10240x128xf32, #tpu.memory_space<hbm>> -> memref<32x128xf32, #tpu.memory_space<hbm>>
      tpu.wait_dma2 semaphore(%arg17 : memref<!tpu.dma_semaphore, #tpu.memory_space<semaphore_mem>>) src(%dma_wait3A_225 : memref<32x128xf32, #tpu.memory_space<hbm>>) dst(%arg11 : memref<32x128xf32, #tpu.memory_space<vmem>>)
      %mul3A_226 = arith.constant 32 : i32
      %mul3A_227 = arith.muli %add3A_219, %mul3A_226 : i32
      %get3A_228 = arith.index_cast %mul3A_227 : i32 to index
      %get3A_229 = tpu.vector_load %arg7[%get3A_228] {strides = array<i32>} : memref<14080xi32, #tpu.memory_space<vmem>>, vector<16xi32>,
      %get3A_230 = vector.shape_cast %get3A_229 : vector<16xi32> to vector<16xi32>
      %mul3A_231 = arith.constant 32 : i32
      %mul3A_232 = arith.muli %add3A_219, %mul3A_231 : i32
      %add3A_233 = arith.constant 16 : i32
      %add3A_234 = arith.addi %mul3A_232, %add3A_233 : i32
      %get3A_235 = arith.index_cast %add3A_234 : i32 to index
      %get3A_236 = tpu.vector_load %arg7[%get3A_235] {strides = array<i32>} : memref<14080xi32, #tpu.memory_space<vmem>>, vector<16xi32>,
      %get3A_237 = vector.shape_cast %get3A_236 : vector<16xi32> to vector<16xi32>
      %dma_start3A_238 = arith.constant 0 : i32
      %dma_start3A_239 = arith.constant 0 : i32
      %dma_start3A_240 = tpu.memref_slice %arg11[%dma_start3A_238, %dma_start3A_239] : memref<32x128xf32, #tpu.memory_space<vmem>> -> memref<16x128xf32, #tpu.memory_space<vmem>>
      %dma_start3A_241 = arith.constant 0 : i32
      %dma_start3A_242 = arith.constant 0 : i32
      %dma_start3A_243 = tpu.memref_slice %arg13[%dma_start3A_241, %dma_start3A_242] : memref<10240x128xf32, #tpu.memory_space<vmem_shared>> -> memref<10240x128xf32, #tpu.memory_space<vmem_shared>>
      tpu.enqueue_indirect_dma source(%dma_start3A_240 : memref<16x128xf32, #tpu.memory_space<vmem>>) target(%dma_start3A_243 : memref<10240x128xf32, #tpu.memory_space<vmem_shared>>) offsets(%get3A_230 : vector<16xi32>) semaphore(%arg19 : memref<!tpu.dma_semaphore, #tpu.memory_space<semaphore_mem>>) {add = true}
      %dma_start3A_244 = arith.constant 16 : i32
      %dma_start3A_245 = arith.constant 0 : i32
      %dma_start3A_246 = tpu.memref_slice %arg11[%dma_start3A_244, %dma_start3A_245] : memref<32x128xf32, #tpu.memory_space<vmem>> -> memref<16x128xf32, #tpu.memory_space<vmem>>
      %dma_start3A_247 = arith.constant 0 : i32
      %dma_start3A_248 = arith.constant 0 : i32
      %dma_start3A_249 = tpu.memref_slice %arg13[%dma_start3A_247, %dma_start3A_248] : memref<10240x128xf32, #tpu.memory_space<vmem_shared>> -> memref<10240x128xf32, #tpu.memory_space<vmem_shared>>
      tpu.enqueue_indirect_dma source(%dma_start3A_246 : memref<16x128xf32, #tpu.memory_space<vmem>>) target(%dma_start3A_249 : memref<10240x128xf32, #tpu.memory_space<vmem_shared>>) offsets(%get3A_237 : vector<16xi32>) semaphore(%arg20 : memref<!tpu.dma_semaphore, #tpu.memory_space<semaphore_mem>>) {add = true}
      %dma_wait3A_250 = arith.constant 0 : i32
      %dma_wait3A_251 = arith.constant 0 : i32
      %dma_wait3A_252 = tpu.memref_slice %arg11[%dma_wait3A_250, %dma_wait3A_251] : memref<32x128xf32, #tpu.memory_space<vmem>> -> memref<16x128xf32, #tpu.memory_space<vmem>>
      %dma_wait3A_253 = arith.constant 0 : i32
      %dma_wait3A_254 = arith.constant 0 : i32
      %dma_wait3A_255 = tpu.memref_slice %arg13[%dma_wait3A_253, %dma_wait3A_254] : memref<10240x128xf32, #tpu.memory_space<vmem_shared>> -> memref<10240x128xf32, #tpu.memory_space<vmem_shared>>
      tpu.wait_indirect_dma semaphore(%arg19 : memref<!tpu.dma_semaphore, #tpu.memory_space<semaphore_mem>>) src(%dma_wait3A_252 : memref<16x128xf32, #tpu.memory_space<vmem>>) dst(%dma_wait3A_255 : memref<10240x128xf32, #tpu.memory_space<vmem_shared>>)
      %dma_wait3A_256 = arith.constant 16 : i32
      %dma_wait3A_257 = arith.constant 0 : i32
      %dma_wait3A_258 = tpu.memref_slice %arg11[%dma_wait3A_256, %dma_wait3A_257] : memref<32x128xf32, #tpu.memory_space<vmem>> -> memref<16x128xf32, #tpu.memory_space<vmem>>
      %dma_wait3A_259 = arith.constant 0 : i32
      %dma_wait3A_260 = arith.constant 0 : i32
      %dma_wait3A_261 = tpu.memref_slice %arg13[%dma_wait3A_259, %dma_wait3A_260] : memref<10240x128xf32, #tpu.memory_space<vmem_shared>> -> memref<10240x128xf32, #tpu.memory_space<vmem_shared>>
      tpu.wait_indirect_dma semaphore(%arg20 : memref<!tpu.dma_semaphore, #tpu.memory_space<semaphore_mem>>) src(%dma_wait3A_258 : memref<16x128xf32, #tpu.memory_space<vmem>>) dst(%dma_wait3A_261 : memref<10240x128xf32, #tpu.memory_space<vmem_shared>>)
      %add3A_262 = arith.constant 5 : i32
      %add3A_263 = arith.addi %add3A_219, %add3A_262 : i32
      %lt3A_264 = arith.cmpi slt, %add3A_263, %select_n3A : i32
      %convert_element_type3A_265 = arith.extui %lt3A_264 : i1 to i32
      %cond3A_266 = arith.constant 0 : i32
      %cond3A_267 = arith.cmpi ne, %convert_element_type3A_265, %cond3A_266 : i32
      scf.if %cond3A_267 {
        %mul3A_320 = arith.constant 32 : i32
        %mul3A_321 = arith.muli %add3A_263, %mul3A_320 : i32
        %dma_start3A_322 = tpu.memref_slice %arg6[%mul3A_321] : memref<14080xi32, #tpu.memory_space<vmem>> -> memref<32xi32, #tpu.memory_space<vmem>>
        %dma_start3A_323 = arith.constant 0 : i32
        %dma_start3A_324 = arith.constant 0 : i32
        %dma_start3A_325 = tpu.memref_slice %arg2[%dma_start3A_323, %dma_start3A_324] : memref<10240x128xf32, #tpu.memory_space<hbm>> -> memref<10240x128xf32, #tpu.memory_space<hbm>>
        tpu.enqueue_indirect_dma source(%dma_start3A_325 : memref<10240x128xf32, #tpu.memory_space<hbm>>) target(%arg11 : memref<32x128xf32, #tpu.memory_space<vmem>>) offsets(%dma_start3A_322 : memref<32xi32, #tpu.memory_space<vmem>>) semaphore(%arg17 : memref<!tpu.dma_semaphore, #tpu.memory_space<semaphore_mem>>)
      } else {
      }
      %mul3A_268 = arith.constant 5 : i32
      %mul3A_269 = arith.muli %while3A_63, %mul3A_268 : i32
      %add3A_270 = arith.constant 4 : i32
      %add3A_271 = arith.addi %mul3A_269, %add3A_270 : i32
      %dma_wait3A_272 = arith.constant 0 : i32
      %dma_wait3A_273 = arith.constant 0 : i32
      %dma_wait3A_274 = tpu.memref_slice %arg2[%dma_wait3A_272, %dma_wait3A_273] : memref<10240x128xf32, #tpu.memory_space<hbm>> -> memref<32x128xf32, #tpu.memory_space<hbm>>
      %dma_wait3A_275 = arith.constant 0 : i32
      %dma_wait3A_276 = arith.constant 0 : i32
      %dma_wait3A_277 = tpu.memref_slice %arg2[%dma_wait3A_275, %dma_wait3A_276] : memref<10240x128xf32, #tpu.memory_space<hbm>> -> memref<32x128xf32, #tpu.memory_space<hbm>>
      tpu.wait_dma2 semaphore(%arg18 : memref<!tpu.dma_semaphore, #tpu.memory_space<semaphore_mem>>) src(%dma_wait3A_277 : memref<32x128xf32, #tpu.memory_space<hbm>>) dst(%arg12 : memref<32x128xf32, #tpu.memory_space<vmem>>)
      %mul3A_278 = arith.constant 32 : i32
      %mul3A_279 = arith.muli %add3A_271, %mul3A_278 : i32
      %get3A_280 = arith.index_cast %mul3A_279 : i32 to index
      %get3A_281 = tpu.vector_load %arg7[%get3A_280] {strides = array<i32>} : memref<14080xi32, #tpu.memory_space<vmem>>, vector<16xi32>,
      %get3A_282 = vector.shape_cast %get3A_281 : vector<16xi32> to vector<16xi32>
      %mul3A_283 = arith.constant 32 : i32
      %mul3A_284 = arith.muli %add3A_271, %mul3A_283 : i32
      %add3A_285 = arith.constant 16 : i32
      %add3A_286 = arith.addi %mul3A_284, %add3A_285 : i32
      %get3A_287 = arith.index_cast %add3A_286 : i32 to index
      %get3A_288 = tpu.vector_load %arg7[%get3A_287] {strides = array<i32>} : memref<14080xi32, #tpu.memory_space<vmem>>, vector<16xi32>,
      %get3A_289 = vector.shape_cast %get3A_288 : vector<16xi32> to vector<16xi32>
      %dma_start3A_290 = arith.constant 0 : i32
      %dma_start3A_291 = arith.constant 0 : i32
      %dma_start3A_292 = tpu.memref_slice %arg12[%dma_start3A_290, %dma_start3A_291] : memref<32x128xf32, #tpu.memory_space<vmem>> -> memref<16x128xf32, #tpu.memory_space<vmem>>
      %dma_start3A_293 = arith.constant 0 : i32
      %dma_start3A_294 = arith.constant 0 : i32
      %dma_start3A_295 = tpu.memref_slice %arg13[%dma_start3A_293, %dma_start3A_294] : memref<10240x128xf32, #tpu.memory_space<vmem_shared>> -> memref<10240x128xf32, #tpu.memory_space<vmem_shared>>
      tpu.enqueue_indirect_dma source(%dma_start3A_292 : memref<16x128xf32, #tpu.memory_space<vmem>>) target(%dma_start3A_295 : memref<10240x128xf32, #tpu.memory_space<vmem_shared>>) offsets(%get3A_282 : vector<16xi32>) semaphore(%arg19 : memref<!tpu.dma_semaphore, #tpu.memory_space<semaphore_mem>>) {add = true}
      %dma_start3A_296 = arith.constant 16 : i32
      %dma_start3A_297 = arith.constant 0 : i32
      %dma_start3A_298 = tpu.memref_slice %arg12[%dma_start3A_296, %dma_start3A_297] : memref<32x128xf32, #tpu.memory_space<vmem>> -> memref<16x128xf32, #tpu.memory_space<vmem>>
      %dma_start3A_299 = arith.constant 0 : i32
      %dma_start3A_300 = arith.constant 0 : i32
      %dma_start3A_301 = tpu.memref_slice %arg13[%dma_start3A_299, %dma_start3A_300] : memref<10240x128xf32, #tpu.memory_space<vmem_shared>> -> memref<10240x128xf32, #tpu.memory_space<vmem_shared>>
      tpu.enqueue_indirect_dma source(%dma_start3A_298 : memref<16x128xf32, #tpu.memory_space<vmem>>) target(%dma_start3A_301 : memref<10240x128xf32, #tpu.memory_space<vmem_shared>>) offsets(%get3A_289 : vector<16xi32>) semaphore(%arg20 : memref<!tpu.dma_semaphore, #tpu.memory_space<semaphore_mem>>) {add = true}
      %dma_wait3A_302 = arith.constant 0 : i32
      %dma_wait3A_303 = arith.constant 0 : i32
      %dma_wait3A_304 = tpu.memref_slice %arg12[%dma_wait3A_302, %dma_wait3A_303] : memref<32x128xf32, #tpu.memory_space<vmem>> -> memref<16x128xf32, #tpu.memory_space<vmem>>
      %dma_wait3A_305 = arith.constant 0 : i32
      %dma_wait3A_306 = arith.constant 0 : i32
      %dma_wait3A_307 = tpu.memref_slice %arg13[%dma_wait3A_305, %dma_wait3A_306] : memref<10240x128xf32, #tpu.memory_space<vmem_shared>> -> memref<10240x128xf32, #tpu.memory_space<vmem_shared>>
      tpu.wait_indirect_dma semaphore(%arg19 : memref<!tpu.dma_semaphore, #tpu.memory_space<semaphore_mem>>) src(%dma_wait3A_304 : memref<16x128xf32, #tpu.memory_space<vmem>>) dst(%dma_wait3A_307 : memref<10240x128xf32, #tpu.memory_space<vmem_shared>>)
      %dma_wait3A_308 = arith.constant 16 : i32
      %dma_wait3A_309 = arith.constant 0 : i32
      %dma_wait3A_310 = tpu.memref_slice %arg12[%dma_wait3A_308, %dma_wait3A_309] : memref<32x128xf32, #tpu.memory_space<vmem>> -> memref<16x128xf32, #tpu.memory_space<vmem>>
      %dma_wait3A_311 = arith.constant 0 : i32
      %dma_wait3A_312 = arith.constant 0 : i32
      %dma_wait3A_313 = tpu.memref_slice %arg13[%dma_wait3A_311, %dma_wait3A_312] : memref<10240x128xf32, #tpu.memory_space<vmem_shared>> -> memref<10240x128xf32, #tpu.memory_space<vmem_shared>>
      tpu.wait_indirect_dma semaphore(%arg20 : memref<!tpu.dma_semaphore, #tpu.memory_space<semaphore_mem>>) src(%dma_wait3A_310 : memref<16x128xf32, #tpu.memory_space<vmem>>) dst(%dma_wait3A_313 : memref<10240x128xf32, #tpu.memory_space<vmem_shared>>)
      %add3A_314 = arith.constant 5 : i32
      %add3A_315 = arith.addi %add3A_271, %add3A_314 : i32
      %lt3A_316 = arith.cmpi slt, %add3A_315, %select_n3A : i32
      %convert_element_type3A_317 = arith.extui %lt3A_316 : i1 to i32
      %cond3A_318 = arith.constant 0 : i32
      %cond3A_319 = arith.cmpi ne, %convert_element_type3A_317, %cond3A_318 : i32
      scf.if %cond3A_319 {
        %mul3A_320 = arith.constant 32 : i32
        %mul3A_321 = arith.muli %add3A_315, %mul3A_320 : i32
        %dma_start3A_322 = tpu.memref_slice %arg6[%mul3A_321] : memref<14080xi32, #tpu.memory_space<vmem>> -> memref<32xi32, #tpu.memory_space<vmem>>
        %dma_start3A_323 = arith.constant 0 : i32
        %dma_start3A_324 = arith.constant 0 : i32
        %dma_start3A_325 = tpu.memref_slice %arg2[%dma_start3A_323, %dma_start3A_324] : memref<10240x128xf32, #tpu.memory_space<hbm>> -> memref<10240x128xf32, #tpu.memory_space<hbm>>
        tpu.enqueue_indirect_dma source(%dma_start3A_325 : memref<10240x128xf32, #tpu.memory_space<hbm>>) target(%arg12 : memref<32x128xf32, #tpu.memory_space<vmem>>) offsets(%dma_start3A_322 : memref<32xi32, #tpu.memory_space<vmem>>) semaphore(%arg18 : memref<!tpu.dma_semaphore, #tpu.memory_space<semaphore_mem>>)
      } else {
      }
    }
    %barrier3A_62 = arith.constant 0 : index
    tpu.barrier barrier_id(%barrier3A_62)
    "tpu.region"() ({
      %run_scoped3A = tpu.sem_alloc : memref<!tpu.dma_semaphore, #tpu.memory_space<semaphore_mem>>
      %dma_start3A_63 = arith.constant 0 : i32
      %dma_start3A_64 = tpu.memref_slice %arg5[%arg0, %mul3A_0, %dma_start3A_63] : memref<2x10240x128xf32, #tpu.memory_space<hbm>> -> memref<1x640x128xf32, #tpu.memory_space<hbm>>
      %dma_start3A_65 = tpu.memref_squeeze %dma_start3A_64 : memref<1x640x128xf32, #tpu.memory_space<hbm>> -> memref<640x128xf32, #tpu.memory_space<hbm>>
      %dma_start3A_66 = arith.constant 0 : i32
      %dma_start3A_67 = tpu.memref_slice %arg13[%mul3A_0, %dma_start3A_66] : memref<10240x128xf32, #tpu.memory_space<vmem_shared>> -> memref<640x128xf32, #tpu.memory_space<vmem_shared>>
      tpu.enqueue_dma source(%dma_start3A_67 : memref<640x128xf32, #tpu.memory_space<vmem_shared>>) target(%dma_start3A_65 : memref<640x128xf32, #tpu.memory_space<hbm>>) target_semaphore(%run_scoped3A : memref<!tpu.dma_semaphore, #tpu.memory_space<semaphore_mem>>)
      %dma_wait3A = arith.constant 0 : i32
      %dma_wait3A_68 = tpu.memref_slice %arg5[%arg0, %mul3A_0, %dma_wait3A] : memref<2x10240x128xf32, #tpu.memory_space<hbm>> -> memref<1x640x128xf32, #tpu.memory_space<hbm>>
      %dma_wait3A_69 = tpu.memref_squeeze %dma_wait3A_68 : memref<1x640x128xf32, #tpu.memory_space<hbm>> -> memref<640x128xf32, #tpu.memory_space<hbm>>
      %dma_wait3A_70 = arith.constant 0 : i32
      %dma_wait3A_71 = tpu.memref_slice %arg13[%mul3A_0, %dma_wait3A_70] : memref<10240x128xf32, #tpu.memory_space<vmem_shared>> -> memref<640x128xf32, #tpu.memory_space<vmem_shared>>
      tpu.wait_dma2 semaphore(%run_scoped3A : memref<!tpu.dma_semaphore, #tpu.memory_space<semaphore_mem>>) src(%dma_wait3A_71 : memref<640x128xf32, #tpu.memory_space<vmem_shared>>) dst(%dma_wait3A_69 : memref<640x128xf32, #tpu.memory_space<hbm>>)
      tpu.yield
    }) : () -> ()
    return
  }
}

#map = affine_map<(d0, d1) -> (0, 0, 0)>
#map1 = affine_map<(d0, d1) -> (0)>
module attributes {stable_mosaic.version = 14 : i64} {
  func.func @deg(%arg0: i32, %arg1: i32, %arg2: memref<32x315x32xi32, #tpu.memory_space<hbm>>, %arg3: memref<32xf32, #tpu.memory_space<hbm>>, %arg4: memref<640xf32, #tpu.memory_space<hbm>>, %arg5: memref<20480xf32, #tpu.memory_space<hbm>>, %arg6: memref<315x32xi32, #tpu.memory_space<vmem>>, %arg7: memref<32xf32, #tpu.memory_space<vmem>>, %arg8: memref<640xf32, #tpu.memory_space<vmem>>, %arg9: memref<10240xf32, #tpu.memory_space<vmem_shared>>, %arg10: memref<!tpu.dma_semaphore, #tpu.memory_space<semaphore_mem>>) attributes {dimension_semantics = [#tpu.dimension_semantics<core_parallel>, #tpu.dimension_semantics<subcore_parallel>], iteration_bounds = array<i64: 2, 16>, scalar_prefetch = 0 : i64, scratch_operands = 5 : i64, tpu.core_type = #tpu.core_type<sc_vector_subcore>, window_params = [{transform_indices = #map}, {transform_indices = #map1}, {transform_indices = #map1}, {transform_indices = #map1}]} {
    %mul3A = arith.constant 16 : i32
    %mul3A_0 = arith.muli %arg0, %mul3A : i32
    %add3A = arith.addi %mul3A_0, %arg1 : i32
    "tpu.region"() ({
      %run_scoped3A = tpu.sem_alloc : memref<!tpu.dma_semaphore, #tpu.memory_space<semaphore_mem>>
      %dma_start3A = arith.constant 0 : i32
      %dma_start3A_22 = arith.constant 0 : i32
      %dma_start3A_23 = tpu.memref_slice %arg2[%add3A, %dma_start3A, %dma_start3A_22] : memref<32x315x32xi32, #tpu.memory_space<hbm>> -> memref<1x315x32xi32, #tpu.memory_space<hbm>>
      %dma_start3A_24 = tpu.memref_squeeze %dma_start3A_23 : memref<1x315x32xi32, #tpu.memory_space<hbm>> -> memref<315x32xi32, #tpu.memory_space<hbm>>
      %dma_start3A_25 = arith.constant 0 : i32
      %dma_start3A_26 = arith.constant 0 : i32
      %dma_start3A_27 = tpu.memref_slice %arg2[%add3A, %dma_start3A_25, %dma_start3A_26] : memref<32x315x32xi32, #tpu.memory_space<hbm>> -> memref<1x315x32xi32, #tpu.memory_space<hbm>>
      %dma_start3A_28 = tpu.memref_squeeze %dma_start3A_27 : memref<1x315x32xi32, #tpu.memory_space<hbm>> -> memref<315x32xi32, #tpu.memory_space<hbm>>
      tpu.enqueue_dma source(%dma_start3A_28 : memref<315x32xi32, #tpu.memory_space<hbm>>) target(%arg6 : memref<315x32xi32, #tpu.memory_space<vmem>>) target_semaphore(%run_scoped3A : memref<!tpu.dma_semaphore, #tpu.memory_space<semaphore_mem>>)
      %dma_wait3A = arith.constant 0 : i32
      %dma_wait3A_29 = arith.constant 0 : i32
      %dma_wait3A_30 = tpu.memref_slice %arg2[%add3A, %dma_wait3A, %dma_wait3A_29] : memref<32x315x32xi32, #tpu.memory_space<hbm>> -> memref<1x315x32xi32, #tpu.memory_space<hbm>>
      %dma_wait3A_31 = tpu.memref_squeeze %dma_wait3A_30 : memref<1x315x32xi32, #tpu.memory_space<hbm>> -> memref<315x32xi32, #tpu.memory_space<hbm>>
      %dma_wait3A_32 = arith.constant 0 : i32
      %dma_wait3A_33 = arith.constant 0 : i32
      %dma_wait3A_34 = tpu.memref_slice %arg2[%add3A, %dma_wait3A_32, %dma_wait3A_33] : memref<32x315x32xi32, #tpu.memory_space<hbm>> -> memref<1x315x32xi32, #tpu.memory_space<hbm>>
      %dma_wait3A_35 = tpu.memref_squeeze %dma_wait3A_34 : memref<1x315x32xi32, #tpu.memory_space<hbm>> -> memref<315x32xi32, #tpu.memory_space<hbm>>
      tpu.wait_dma2 semaphore(%run_scoped3A : memref<!tpu.dma_semaphore, #tpu.memory_space<semaphore_mem>>) src(%dma_wait3A_35 : memref<315x32xi32, #tpu.memory_space<hbm>>) dst(%arg6 : memref<315x32xi32, #tpu.memory_space<vmem>>)
      tpu.yield
    }) : () -> ()
    "tpu.region"() ({
      %run_scoped3A = tpu.sem_alloc : memref<!tpu.dma_semaphore, #tpu.memory_space<semaphore_mem>>
      tpu.enqueue_dma source(%arg3 : memref<32xf32, #tpu.memory_space<hbm>>) target(%arg7 : memref<32xf32, #tpu.memory_space<vmem>>) target_semaphore(%run_scoped3A : memref<!tpu.dma_semaphore, #tpu.memory_space<semaphore_mem>>)
      tpu.wait_dma2 semaphore(%run_scoped3A : memref<!tpu.dma_semaphore, #tpu.memory_space<semaphore_mem>>) src(%arg3 : memref<32xf32, #tpu.memory_space<hbm>>) dst(%arg7 : memref<32xf32, #tpu.memory_space<vmem>>)
      tpu.yield
    }) : () -> ()
    "tpu.region"() ({
      %run_scoped3A = tpu.sem_alloc : memref<!tpu.dma_semaphore, #tpu.memory_space<semaphore_mem>>
      tpu.enqueue_dma source(%arg4 : memref<640xf32, #tpu.memory_space<hbm>>) target(%arg8 : memref<640xf32, #tpu.memory_space<vmem>>) target_semaphore(%run_scoped3A : memref<!tpu.dma_semaphore, #tpu.memory_space<semaphore_mem>>)
      tpu.wait_dma2 semaphore(%run_scoped3A : memref<!tpu.dma_semaphore, #tpu.memory_space<semaphore_mem>>) src(%arg4 : memref<640xf32, #tpu.memory_space<hbm>>) dst(%arg8 : memref<640xf32, #tpu.memory_space<vmem>>)
      tpu.yield
    }) : () -> ()
    %mul3A_1 = arith.constant 640 : i32
    %mul3A_2 = arith.muli %arg1, %mul3A_1 : i32
    "tpu.region"() ({
      %run_scoped3A = tpu.sem_alloc : memref<!tpu.dma_semaphore, #tpu.memory_space<semaphore_mem>>
      %dma_start3A = tpu.memref_slice %arg9[%mul3A_2] : memref<10240xf32, #tpu.memory_space<vmem_shared>> -> memref<640xf32, #tpu.memory_space<vmem_shared>>
      %dma_start3A_22 = tpu.memref_slice %arg9[%mul3A_2] : memref<10240xf32, #tpu.memory_space<vmem_shared>> -> memref<640xf32, #tpu.memory_space<vmem_shared>>
      tpu.enqueue_dma source(%arg8 : memref<640xf32, #tpu.memory_space<vmem>>) target(%dma_start3A_22 : memref<640xf32, #tpu.memory_space<vmem_shared>>) target_semaphore(%run_scoped3A : memref<!tpu.dma_semaphore, #tpu.memory_space<semaphore_mem>>)
      %dma_wait3A = tpu.memref_slice %arg9[%mul3A_2] : memref<10240xf32, #tpu.memory_space<vmem_shared>> -> memref<640xf32, #tpu.memory_space<vmem_shared>>
      %dma_wait3A_23 = tpu.memref_slice %arg9[%mul3A_2] : memref<10240xf32, #tpu.memory_space<vmem_shared>> -> memref<640xf32, #tpu.memory_space<vmem_shared>>
      tpu.wait_dma2 semaphore(%run_scoped3A : memref<!tpu.dma_semaphore, #tpu.memory_space<semaphore_mem>>) src(%arg8 : memref<640xf32, #tpu.memory_space<vmem>>) dst(%dma_wait3A_23 : memref<640xf32, #tpu.memory_space<vmem_shared>>)
      tpu.yield
    }) : () -> ()
    %barrier3A = arith.constant 0 : index
    tpu.barrier barrier_id(%barrier3A)
    %scan3A = arith.constant 0 : i32
    %scan3A_3 = arith.constant 0 : i32
    %scan3A_4 = arith.constant 315 : i32
    %scan3A_5 = arith.addi %scan3A_3, %scan3A_4 : i32
    %scan3A_6 = arith.constant 1 : i32
    scf.for %scan3A_22 = %scan3A_3 to %scan3A_5 step %scan3A_6  : i32 {
      %dma_start3A = arith.constant 0 : i32
      %dma_start3A_23 = tpu.memref_slice %arg6[%scan3A_22, %dma_start3A] : memref<315x32xi32, #tpu.memory_space<vmem>> -> memref<1x32xi32, #tpu.memory_space<vmem>>
      %dma_start3A_24 = tpu.memref_squeeze %dma_start3A_23 : memref<1x32xi32, #tpu.memory_space<vmem>> -> memref<32xi32, #tpu.memory_space<vmem>>
      %dma_start3A_25 = arith.constant 0 : i32
      %dma_start3A_26 = tpu.memref_slice %arg9[%dma_start3A_25] : memref<10240xf32, #tpu.memory_space<vmem_shared>> -> memref<10240xf32, #tpu.memory_space<vmem_shared>>
      tpu.enqueue_indirect_dma source(%arg7 : memref<32xf32, #tpu.memory_space<vmem>>) target(%dma_start3A_26 : memref<10240xf32, #tpu.memory_space<vmem_shared>>) offsets(%dma_start3A_24 : memref<32xi32, #tpu.memory_space<vmem>>) semaphore(%arg10 : memref<!tpu.dma_semaphore, #tpu.memory_space<semaphore_mem>>) {add = true}
    }
    %scan3A_7 = arith.constant 315 : i32
    %scan3A_8 = arith.constant 0 : i32
    %scan3A_9 = arith.constant 0 : i32
    %scan3A_10 = arith.constant 315 : i32
    %scan3A_11 = arith.addi %scan3A_9, %scan3A_10 : i32
    %scan3A_12 = arith.constant 1 : i32
    scf.for %scan3A_22 = %scan3A_9 to %scan3A_11 step %scan3A_12  : i32 {
      %dma_wait3A = arith.constant 0 : i32
      %dma_wait3A_23 = tpu.memref_slice %arg9[%dma_wait3A] : memref<10240xf32, #tpu.memory_space<vmem_shared>> -> memref<32xf32, #tpu.memory_space<vmem_shared>>
      %dma_wait3A_24 = arith.constant 0 : i32
      %dma_wait3A_25 = tpu.memref_slice %arg9[%dma_wait3A_24] : memref<10240xf32, #tpu.memory_space<vmem_shared>> -> memref<32xf32, #tpu.memory_space<vmem_shared>>
      tpu.wait_dma2 semaphore(%arg10 : memref<!tpu.dma_semaphore, #tpu.memory_space<semaphore_mem>>) src(%arg7 : memref<32xf32, #tpu.memory_space<vmem>>) dst(%dma_wait3A_25 : memref<32xf32, #tpu.memory_space<vmem_shared>>)
    }
    %scan3A_13 = arith.constant 315 : i32
    %barrier3A_14 = arith.constant 0 : index
    tpu.barrier barrier_id(%barrier3A_14)
    %mul3A_15 = arith.constant 640 : i32
    %mul3A_16 = arith.muli %arg1, %mul3A_15 : i32
    "tpu.region"() ({
      %run_scoped3A = tpu.sem_alloc : memref<!tpu.dma_semaphore, #tpu.memory_space<semaphore_mem>>
      %dma_start3A = tpu.memref_slice %arg9[%mul3A_16] : memref<10240xf32, #tpu.memory_space<vmem_shared>> -> memref<640xf32, #tpu.memory_space<vmem_shared>>
      %dma_start3A_22 = tpu.memref_slice %arg9[%mul3A_16] : memref<10240xf32, #tpu.memory_space<vmem_shared>> -> memref<640xf32, #tpu.memory_space<vmem_shared>>
      tpu.enqueue_dma source(%dma_start3A_22 : memref<640xf32, #tpu.memory_space<vmem_shared>>) target(%arg8 : memref<640xf32, #tpu.memory_space<vmem>>) target_semaphore(%run_scoped3A : memref<!tpu.dma_semaphore, #tpu.memory_space<semaphore_mem>>)
      %dma_wait3A = tpu.memref_slice %arg9[%mul3A_16] : memref<10240xf32, #tpu.memory_space<vmem_shared>> -> memref<640xf32, #tpu.memory_space<vmem_shared>>
      %dma_wait3A_23 = tpu.memref_slice %arg9[%mul3A_16] : memref<10240xf32, #tpu.memory_space<vmem_shared>> -> memref<640xf32, #tpu.memory_space<vmem_shared>>
      tpu.wait_dma2 semaphore(%run_scoped3A : memref<!tpu.dma_semaphore, #tpu.memory_space<semaphore_mem>>) src(%dma_wait3A_23 : memref<640xf32, #tpu.memory_space<vmem_shared>>) dst(%arg8 : memref<640xf32, #tpu.memory_space<vmem>>)
      tpu.yield
    }) : () -> ()
    %mul3A_17 = arith.constant 10240 : i32
    %mul3A_18 = arith.muli %arg0, %mul3A_17 : i32
    %mul3A_19 = arith.constant 640 : i32
    %mul3A_20 = arith.muli %arg1, %mul3A_19 : i32
    %add3A_21 = arith.addi %mul3A_18, %mul3A_20 : i32
    "tpu.region"() ({
      %run_scoped3A = tpu.sem_alloc : memref<!tpu.dma_semaphore, #tpu.memory_space<semaphore_mem>>
      %dma_start3A = tpu.memref_slice %arg5[%add3A_21] : memref<20480xf32, #tpu.memory_space<hbm>> -> memref<640xf32, #tpu.memory_space<hbm>>
      %dma_start3A_22 = tpu.memref_slice %arg5[%add3A_21] : memref<20480xf32, #tpu.memory_space<hbm>> -> memref<640xf32, #tpu.memory_space<hbm>>
      tpu.enqueue_dma source(%arg8 : memref<640xf32, #tpu.memory_space<vmem>>) target(%dma_start3A_22 : memref<640xf32, #tpu.memory_space<hbm>>) target_semaphore(%run_scoped3A : memref<!tpu.dma_semaphore, #tpu.memory_space<semaphore_mem>>)
      %dma_wait3A = tpu.memref_slice %arg5[%add3A_21] : memref<20480xf32, #tpu.memory_space<hbm>> -> memref<640xf32, #tpu.memory_space<hbm>>
      %dma_wait3A_23 = tpu.memref_slice %arg5[%add3A_21] : memref<20480xf32, #tpu.memory_space<hbm>> -> memref<640xf32, #tpu.memory_space<hbm>>
      tpu.wait_dma2 semaphore(%run_scoped3A : memref<!tpu.dma_semaphore, #tpu.memory_space<semaphore_mem>>) src(%arg8 : memref<640xf32, #tpu.memory_space<vmem>>) dst(%dma_wait3A_23 : memref<640xf32, #tpu.memory_space<hbm>>)
      tpu.yield
    }) : () -> ()
    return
  }
}

#map = affine_map<(d0, d1) -> (0, 0)>
#map1 = affine_map<(d0, d1) -> (0)>
#map2 = affine_map<(d0, d1) -> (0, 0, 0)>
module attributes {stable_mosaic.version = 14 : i64} {
  func.func @agg(%arg0: i32, %arg1: i32, %arg2: memref<10240x128xf32, #tpu.memory_space<hbm>>, %arg3: memref<322560xi32, #tpu.memory_space<hbm>>, %arg4: memref<322560xi32, #tpu.memory_space<hbm>>, %arg5: memref<2x10240x128xf32, #tpu.memory_space<hbm>>, %arg6: memref<14080xi32, #tpu.memory_space<vmem>>, %arg7: memref<14080xi32, #tpu.memory_space<vmem>>, %arg8: memref<32x128xf32, #tpu.memory_space<vmem>>, %arg9: memref<32x128xf32, #tpu.memory_space<vmem>>, %arg10: memref<32x128xf32, #tpu.memory_space<vmem>>, %arg11: memref<32x128xf32, #tpu.memory_space<vmem>>, %arg12: memref<32x128xf32, #tpu.memory_space<vmem>>, %arg13: memref<10240x128xf32, #tpu.memory_space<vmem_shared>>, %arg14: memref<!tpu.dma_semaphore, #tpu.memory_space<semaphore_mem>>, %arg15: memref<!tpu.dma_semaphore, #tpu.memory_space<semaphore_mem>>, %arg16: memref<!tpu.dma_semaphore, #tpu.memory_space<semaphore_mem>>, %arg17: memref<!tpu.dma_semaphore, #tpu.memory_space<semaphore_mem>>, %arg18: memref<!tpu.dma_semaphore, #tpu.memory_space<semaphore_mem>>, %arg19: memref<!tpu.dma_semaphore, #tpu.memory_space<semaphore_mem>>, %arg20: memref<!tpu.dma_semaphore, #tpu.memory_space<semaphore_mem>>) attributes {dimension_semantics = [#tpu.dimension_semantics<core_parallel>, #tpu.dimension_semantics<subcore_parallel>], iteration_bounds = array<i64: 2, 16>, scalar_prefetch = 0 : i64, scratch_operands = 15 : i64, tpu.core_type = #tpu.core_type<sc_vector_subcore>, window_params = [{transform_indices = #map}, {transform_indices = #map1}, {transform_indices = #map1}, {transform_indices = #map2}]} {
    %mul3A = arith.constant 640 : i32
    %mul3A_0 = arith.muli %arg1, %mul3A : i32
    %eq3A = arith.constant 0 : i32
    %eq3A_1 = arith.cmpi eq, %arg0, %eq3A : i32
    %jit3A = arith.constant 440 : i32
    %jit3A_2 = arith.constant 190 : i32
    %select_n3A = arith.select %eq3A_1, %jit3A, %jit3A_2 : i32
    %eq3A_3 = arith.constant 0 : i32
    %eq3A_4 = arith.cmpi eq, %arg0, %eq3A_3 : i32
    %convert_element_type3A = arith.extui %eq3A_4 : i1 to i32
    %cond3A = arith.constant 0 : i32
    %cond3A_5 = arith.cmpi ne, %convert_element_type3A, %cond3A : i32
    scf.if %cond3A_5 {
      %mul3A_63 = arith.constant 14080 : i32
      %mul3A_64 = arith.muli %arg1, %mul3A_63 : i32
      "tpu.region"() ({
        %run_scoped3A = tpu.sem_alloc : memref<!tpu.dma_semaphore, #tpu.memory_space<semaphore_mem>>
        %dma_start3A_65 = arith.constant 0 : i32
        %dma_start3A_66 = tpu.memref_slice %arg6[%dma_start3A_65] : memref<14080xi32, #tpu.memory_space<vmem>> -> memref<14080xi32, #tpu.memory_space<vmem>>
        %dma_start3A_67 = tpu.memref_slice %arg3[%mul3A_64] : memref<322560xi32, #tpu.memory_space<hbm>> -> memref<14080xi32, #tpu.memory_space<hbm>>
        %dma_start3A_68 = arith.constant 0 : i32
        %dma_start3A_69 = tpu.memref_slice %arg6[%dma_start3A_68] : memref<14080xi32, #tpu.memory_space<vmem>> -> memref<14080xi32, #tpu.memory_space<vmem>>
        %dma_start3A_70 = tpu.memref_slice %arg3[%mul3A_64] : memref<322560xi32, #tpu.memory_space<hbm>> -> memref<14080xi32, #tpu.memory_space<hbm>>
        tpu.enqueue_dma source(%dma_start3A_70 : memref<14080xi32, #tpu.memory_space<hbm>>) target(%dma_start3A_69 : memref<14080xi32, #tpu.memory_space<vmem>>) target_semaphore(%run_scoped3A : memref<!tpu.dma_semaphore, #tpu.memory_space<semaphore_mem>>)
        %dma_wait3A = arith.constant 0 : i32
        %dma_wait3A_71 = tpu.memref_slice %arg6[%dma_wait3A] : memref<14080xi32, #tpu.memory_space<vmem>> -> memref<14080xi32, #tpu.memory_space<vmem>>
        %dma_wait3A_72 = tpu.memref_slice %arg3[%mul3A_64] : memref<322560xi32, #tpu.memory_space<hbm>> -> memref<14080xi32, #tpu.memory_space<hbm>>
        %dma_wait3A_73 = arith.constant 0 : i32
        %dma_wait3A_74 = tpu.memref_slice %arg6[%dma_wait3A_73] : memref<14080xi32, #tpu.memory_space<vmem>> -> memref<14080xi32, #tpu.memory_space<vmem>>
        %dma_wait3A_75 = tpu.memref_slice %arg3[%mul3A_64] : memref<322560xi32, #tpu.memory_space<hbm>> -> memref<14080xi32, #tpu.memory_space<hbm>>
        tpu.wait_dma2 semaphore(%run_scoped3A : memref<!tpu.dma_semaphore, #tpu.memory_space<semaphore_mem>>) src(%dma_wait3A_75 : memref<14080xi32, #tpu.memory_space<hbm>>) dst(%dma_wait3A_74 : memref<14080xi32, #tpu.memory_space<vmem>>)
        tpu.yield
      }) : () -> ()
      "tpu.region"() ({
        %run_scoped3A = tpu.sem_alloc : memref<!tpu.dma_semaphore, #tpu.memory_space<semaphore_mem>>
        %dma_start3A_65 = arith.constant 0 : i32
        %dma_start3A_66 = tpu.memref_slice %arg7[%dma_start3A_65] : memref<14080xi32, #tpu.memory_space<vmem>> -> memref<14080xi32, #tpu.memory_space<vmem>>
        %dma_start3A_67 = tpu.memref_slice %arg4[%mul3A_64] : memref<322560xi32, #tpu.memory_space<hbm>> -> memref<14080xi32, #tpu.memory_space<hbm>>
        %dma_start3A_68 = arith.constant 0 : i32
        %dma_start3A_69 = tpu.memref_slice %arg7[%dma_start3A_68] : memref<14080xi32, #tpu.memory_space<vmem>> -> memref<14080xi32, #tpu.memory_space<vmem>>
        %dma_start3A_70 = tpu.memref_slice %arg4[%mul3A_64] : memref<322560xi32, #tpu.memory_space<hbm>> -> memref<14080xi32, #tpu.memory_space<hbm>>
        tpu.enqueue_dma source(%dma_start3A_70 : memref<14080xi32, #tpu.memory_space<hbm>>) target(%dma_start3A_69 : memref<14080xi32, #tpu.memory_space<vmem>>) target_semaphore(%run_scoped3A : memref<!tpu.dma_semaphore, #tpu.memory_space<semaphore_mem>>)
        %dma_wait3A = arith.constant 0 : i32
        %dma_wait3A_71 = tpu.memref_slice %arg7[%dma_wait3A] : memref<14080xi32, #tpu.memory_space<vmem>> -> memref<14080xi32, #tpu.memory_space<vmem>>
        %dma_wait3A_72 = tpu.memref_slice %arg4[%mul3A_64] : memref<322560xi32, #tpu.memory_space<hbm>> -> memref<14080xi32, #tpu.memory_space<hbm>>
        %dma_wait3A_73 = arith.constant 0 : i32
        %dma_wait3A_74 = tpu.memref_slice %arg7[%dma_wait3A_73] : memref<14080xi32, #tpu.memory_space<vmem>> -> memref<14080xi32, #tpu.memory_space<vmem>>
        %dma_wait3A_75 = tpu.memref_slice %arg4[%mul3A_64] : memref<322560xi32, #tpu.memory_space<hbm>> -> memref<14080xi32, #tpu.memory_space<hbm>>
        tpu.wait_dma2 semaphore(%run_scoped3A : memref<!tpu.dma_semaphore, #tpu.memory_space<semaphore_mem>>) src(%dma_wait3A_75 : memref<14080xi32, #tpu.memory_space<hbm>>) dst(%dma_wait3A_74 : memref<14080xi32, #tpu.memory_space<vmem>>)
        tpu.yield
      }) : () -> ()
      "tpu.region"() ({
        %run_scoped3A = tpu.sem_alloc : memref<!tpu.dma_semaphore, #tpu.memory_space<semaphore_mem>>
        %dma_start3A_65 = arith.constant 0 : i32
        %dma_start3A_66 = tpu.memref_slice %arg13[%mul3A_0, %dma_start3A_65] : memref<10240x128xf32, #tpu.memory_space<vmem_shared>> -> memref<640x128xf32, #tpu.memory_space<vmem_shared>>
        %dma_start3A_67 = arith.constant 0 : i32
        %dma_start3A_68 = tpu.memref_slice %arg2[%mul3A_0, %dma_start3A_67] : memref<10240x128xf32, #tpu.memory_space<hbm>> -> memref<640x128xf32, #tpu.memory_space<hbm>>
        tpu.enqueue_dma source(%dma_start3A_68 : memref<640x128xf32, #tpu.memory_space<hbm>>) target(%dma_start3A_66 : memref<640x128xf32, #tpu.memory_space<vmem_shared>>) target_semaphore(%run_scoped3A : memref<!tpu.dma_semaphore, #tpu.memory_space<semaphore_mem>>)
        %dma_wait3A = arith.constant 0 : i32
        %dma_wait3A_69 = tpu.memref_slice %arg13[%mul3A_0, %dma_wait3A] : memref<10240x128xf32, #tpu.memory_space<vmem_shared>> -> memref<640x128xf32, #tpu.memory_space<vmem_shared>>
        %dma_wait3A_70 = arith.constant 0 : i32
        %dma_wait3A_71 = tpu.memref_slice %arg2[%mul3A_0, %dma_wait3A_70] : memref<10240x128xf32, #tpu.memory_space<hbm>> -> memref<640x128xf32, #tpu.memory_space<hbm>>
        tpu.wait_dma2 semaphore(%run_scoped3A : memref<!tpu.dma_semaphore, #tpu.memory_space<semaphore_mem>>) src(%dma_wait3A_71 : memref<640x128xf32, #tpu.memory_space<hbm>>) dst(%dma_wait3A_69 : memref<640x128xf32, #tpu.memory_space<vmem_shared>>)
        tpu.yield
      }) : () -> ()
    } else {
    }
    %eq3A_6 = arith.constant 1 : i32
    %eq3A_7 = arith.cmpi eq, %arg0, %eq3A_6 : i32
    %convert_element_type3A_8 = arith.extui %eq3A_7 : i1 to i32
    %cond3A_9 = arith.constant 0 : i32
    %cond3A_10 = arith.cmpi ne, %convert_element_type3A_8, %cond3A_9 : i32
    scf.if %cond3A_10 {
      %mul3A_63 = arith.constant 6080 : i32
      %mul3A_64 = arith.muli %arg1, %mul3A_63 : i32
      %add3A = arith.constant 225280 : i32
      %add3A_65 = arith.addi %add3A, %mul3A_64 : i32
      "tpu.region"() ({
        %run_scoped3A = tpu.sem_alloc : memref<!tpu.dma_semaphore, #tpu.memory_space<semaphore_mem>>
        %dma_start3A_112 = arith.constant 0 : i32
        %dma_start3A_113 = tpu.memref_slice %arg6[%dma_start3A_112] : memref<14080xi32, #tpu.memory_space<vmem>> -> memref<6080xi32, #tpu.memory_space<vmem>>
        %dma_start3A_114 = tpu.memref_slice %arg3[%add3A_65] : memref<322560xi32, #tpu.memory_space<hbm>> -> memref<6080xi32, #tpu.memory_space<hbm>>
        %dma_start3A_115 = arith.constant 0 : i32
        %dma_start3A_116 = tpu.memref_slice %arg6[%dma_start3A_115] : memref<14080xi32, #tpu.memory_space<vmem>> -> memref<6080xi32, #tpu.memory_space<vmem>>
        %dma_start3A_117 = tpu.memref_slice %arg3[%add3A_65] : memref<322560xi32, #tpu.memory_space<hbm>> -> memref<6080xi32, #tpu.memory_space<hbm>>
        tpu.enqueue_dma source(%dma_start3A_117 : memref<6080xi32, #tpu.memory_space<hbm>>) target(%dma_start3A_116 : memref<6080xi32, #tpu.memory_space<vmem>>) target_semaphore(%run_scoped3A : memref<!tpu.dma_semaphore, #tpu.memory_space<semaphore_mem>>)
        %dma_wait3A = arith.constant 0 : i32
        %dma_wait3A_118 = tpu.memref_slice %arg6[%dma_wait3A] : memref<14080xi32, #tpu.memory_space<vmem>> -> memref<6080xi32, #tpu.memory_space<vmem>>
        %dma_wait3A_119 = tpu.memref_slice %arg3[%add3A_65] : memref<322560xi32, #tpu.memory_space<hbm>> -> memref<6080xi32, #tpu.memory_space<hbm>>
        %dma_wait3A_120 = arith.constant 0 : i32
        %dma_wait3A_121 = tpu.memref_slice %arg6[%dma_wait3A_120] : memref<14080xi32, #tpu.memory_space<vmem>> -> memref<6080xi32, #tpu.memory_space<vmem>>
        %dma_wait3A_122 = tpu.memref_slice %arg3[%add3A_65] : memref<322560xi32, #tpu.memory_space<hbm>> -> memref<6080xi32, #tpu.memory_space<hbm>>
        tpu.wait_dma2 semaphore(%run_scoped3A : memref<!tpu.dma_semaphore, #tpu.memory_space<semaphore_mem>>) src(%dma_wait3A_122 : memref<6080xi32, #tpu.memory_space<hbm>>) dst(%dma_wait3A_121 : memref<6080xi32, #tpu.memory_space<vmem>>)
        tpu.yield
      }) : () -> ()
      "tpu.region"() ({
        %run_scoped3A = tpu.sem_alloc : memref<!tpu.dma_semaphore, #tpu.memory_space<semaphore_mem>>
        %dma_start3A_112 = arith.constant 0 : i32
        %dma_start3A_113 = tpu.memref_slice %arg7[%dma_start3A_112] : memref<14080xi32, #tpu.memory_space<vmem>> -> memref<6080xi32, #tpu.memory_space<vmem>>
        %dma_start3A_114 = tpu.memref_slice %arg4[%add3A_65] : memref<322560xi32, #tpu.memory_space<hbm>> -> memref<6080xi32, #tpu.memory_space<hbm>>
        %dma_start3A_115 = arith.constant 0 : i32
        %dma_start3A_116 = tpu.memref_slice %arg7[%dma_start3A_115] : memref<14080xi32, #tpu.memory_space<vmem>> -> memref<6080xi32, #tpu.memory_space<vmem>>
        %dma_start3A_117 = tpu.memref_slice %arg4[%add3A_65] : memref<322560xi32, #tpu.memory_space<hbm>> -> memref<6080xi32, #tpu.memory_space<hbm>>
        tpu.enqueue_dma source(%dma_start3A_117 : memref<6080xi32, #tpu.memory_space<hbm>>) target(%dma_start3A_116 : memref<6080xi32, #tpu.memory_space<vmem>>) target_semaphore(%run_scoped3A : memref<!tpu.dma_semaphore, #tpu.memory_space<semaphore_mem>>)
        %dma_wait3A = arith.constant 0 : i32
        %dma_wait3A_118 = tpu.memref_slice %arg7[%dma_wait3A] : memref<14080xi32, #tpu.memory_space<vmem>> -> memref<6080xi32, #tpu.memory_space<vmem>>
        %dma_wait3A_119 = tpu.memref_slice %arg4[%add3A_65] : memref<322560xi32, #tpu.memory_space<hbm>> -> memref<6080xi32, #tpu.memory_space<hbm>>
        %dma_wait3A_120 = arith.constant 0 : i32
        %dma_wait3A_121 = tpu.memref_slice %arg7[%dma_wait3A_120] : memref<14080xi32, #tpu.memory_space<vmem>> -> memref<6080xi32, #tpu.memory_space<vmem>>
        %dma_wait3A_122 = tpu.memref_slice %arg4[%add3A_65] : memref<322560xi32, #tpu.memory_space<hbm>> -> memref<6080xi32, #tpu.memory_space<hbm>>
        tpu.wait_dma2 semaphore(%run_scoped3A : memref<!tpu.dma_semaphore, #tpu.memory_space<semaphore_mem>>) src(%dma_wait3A_122 : memref<6080xi32, #tpu.memory_space<hbm>>) dst(%dma_wait3A_121 : memref<6080xi32, #tpu.memory_space<vmem>>)
        tpu.yield
      }) : () -> ()
      %broadcast_in_dim3A = arith.constant 0.000000e+00 : f32
      %broadcast_in_dim3A_66 = vector.broadcast %broadcast_in_dim3A : f32 to vector<16xf32>
      %scan3A = arith.constant 0 : i32
      %scan3A_67 = arith.constant 0 : i32
      %scan3A_68 = arith.constant 32 : i32
      %scan3A_69 = arith.addi %scan3A_67, %scan3A_68 : i32
      %scan3A_70 = arith.constant 1 : i32
      scf.for %scan3A_112 = %scan3A_67 to %scan3A_69 step %scan3A_70  : i32 {
        %swap3A = arith.index_cast %scan3A_112 : i32 to index
        %swap3A_113 = arith.constant 0 : index
        %swap3A_114 = tpu.vector_load %arg8[%swap3A, %swap3A_113] {strides = array<i32>} : memref<32x128xf32, #tpu.memory_space<vmem>>, vector<1x16xf32>,
        %swap3A_115 = vector.shape_cast %swap3A_114 : vector<1x16xf32> to vector<16xf32>
        %swap3A_116 = vector.shape_cast %broadcast_in_dim3A_66 : vector<16xf32> to vector<1x16xf32>
        tpu.vector_store %arg8[%swap3A, %swap3A_113], %swap3A_116 {strides = array<i32>} : memref<32x128xf32, #tpu.memory_space<vmem>>, vector<1x16xf32>,
        %swap3A_117 = arith.index_cast %scan3A_112 : i32 to index
        %swap3A_118 = arith.constant 16 : index
        %swap3A_119 = tpu.vector_load %arg8[%swap3A_117, %swap3A_118] {strides = array<i32>} : memref<32x128xf32, #tpu.memory_space<vmem>>, vector<1x16xf32>,
        %swap3A_120 = vector.shape_cast %swap3A_119 : vector<1x16xf32> to vector<16xf32>
        %swap3A_121 = vector.shape_cast %broadcast_in_dim3A_66 : vector<16xf32> to vector<1x16xf32>
        tpu.vector_store %arg8[%swap3A_117, %swap3A_118], %swap3A_121 {strides = array<i32>} : memref<32x128xf32, #tpu.memory_space<vmem>>, vector<1x16xf32>,
        %swap3A_122 = arith.index_cast %scan3A_112 : i32 to index
        %swap3A_123 = arith.constant 32 : index
        %swap3A_124 = tpu.vector_load %arg8[%swap3A_122, %swap3A_123] {strides = array<i32>} : memref<32x128xf32, #tpu.memory_space<vmem>>, vector<1x16xf32>,
        %swap3A_125 = vector.shape_cast %swap3A_124 : vector<1x16xf32> to vector<16xf32>
        %swap3A_126 = vector.shape_cast %broadcast_in_dim3A_66 : vector<16xf32> to vector<1x16xf32>
        tpu.vector_store %arg8[%swap3A_122, %swap3A_123], %swap3A_126 {strides = array<i32>} : memref<32x128xf32, #tpu.memory_space<vmem>>, vector<1x16xf32>,
        %swap3A_127 = arith.index_cast %scan3A_112 : i32 to index
        %swap3A_128 = arith.constant 48 : index
        %swap3A_129 = tpu.vector_load %arg8[%swap3A_127, %swap3A_128] {strides = array<i32>} : memref<32x128xf32, #tpu.memory_space<vmem>>, vector<1x16xf32>,
        %swap3A_130 = vector.shape_cast %swap3A_129 : vector<1x16xf32> to vector<16xf32>
        %swap3A_131 = vector.shape_cast %broadcast_in_dim3A_66 : vector<16xf32> to vector<1x16xf32>
        tpu.vector_store %arg8[%swap3A_127, %swap3A_128], %swap3A_131 {strides = array<i32>} : memref<32x128xf32, #tpu.memory_space<vmem>>, vector<1x16xf32>,
        %swap3A_132 = arith.index_cast %scan3A_112 : i32 to index
        %swap3A_133 = arith.constant 64 : index
        %swap3A_134 = tpu.vector_load %arg8[%swap3A_132, %swap3A_133] {strides = array<i32>} : memref<32x128xf32, #tpu.memory_space<vmem>>, vector<1x16xf32>,
        %swap3A_135 = vector.shape_cast %swap3A_134 : vector<1x16xf32> to vector<16xf32>
        %swap3A_136 = vector.shape_cast %broadcast_in_dim3A_66 : vector<16xf32> to vector<1x16xf32>
        tpu.vector_store %arg8[%swap3A_132, %swap3A_133], %swap3A_136 {strides = array<i32>} : memref<32x128xf32, #tpu.memory_space<vmem>>, vector<1x16xf32>,
        %swap3A_137 = arith.index_cast %scan3A_112 : i32 to index
        %swap3A_138 = arith.constant 80 : index
        %swap3A_139 = tpu.vector_load %arg8[%swap3A_137, %swap3A_138] {strides = array<i32>} : memref<32x128xf32, #tpu.memory_space<vmem>>, vector<1x16xf32>,
        %swap3A_140 = vector.shape_cast %swap3A_139 : vector<1x16xf32> to vector<16xf32>
        %swap3A_141 = vector.shape_cast %broadcast_in_dim3A_66 : vector<16xf32> to vector<1x16xf32>
        tpu.vector_store %arg8[%swap3A_137, %swap3A_138], %swap3A_141 {strides = array<i32>} : memref<32x128xf32, #tpu.memory_space<vmem>>, vector<1x16xf32>,
        %swap3A_142 = arith.index_cast %scan3A_112 : i32 to index
        %swap3A_143 = arith.constant 96 : index
        %swap3A_144 = tpu.vector_load %arg8[%swap3A_142, %swap3A_143] {strides = array<i32>} : memref<32x128xf32, #tpu.memory_space<vmem>>, vector<1x16xf32>,
        %swap3A_145 = vector.shape_cast %swap3A_144 : vector<1x16xf32> to vector<16xf32>
        %swap3A_146 = vector.shape_cast %broadcast_in_dim3A_66 : vector<16xf32> to vector<1x16xf32>
        tpu.vector_store %arg8[%swap3A_142, %swap3A_143], %swap3A_146 {strides = array<i32>} : memref<32x128xf32, #tpu.memory_space<vmem>>, vector<1x16xf32>,
        %swap3A_147 = arith.index_cast %scan3A_112 : i32 to index
        %swap3A_148 = arith.constant 112 : index
        %swap3A_149 = tpu.vector_load %arg8[%swap3A_147, %swap3A_148] {strides = array<i32>} : memref<32x128xf32, #tpu.memory_space<vmem>>, vector<1x16xf32>,
        %swap3A_150 = vector.shape_cast %swap3A_149 : vector<1x16xf32> to vector<16xf32>
        %swap3A_151 = vector.shape_cast %broadcast_in_dim3A_66 : vector<16xf32> to vector<1x16xf32>
        tpu.vector_store %arg8[%swap3A_147, %swap3A_148], %swap3A_151 {strides = array<i32>} : memref<32x128xf32, #tpu.memory_space<vmem>>, vector<1x16xf32>,
      }
      %scan3A_71 = arith.constant 32 : i32
      %add3A_72 = arith.constant 0 : i32
      %add3A_73 = arith.addi %mul3A_0, %add3A_72 : i32
      "tpu.region"() ({
        %run_scoped3A = tpu.sem_alloc : memref<!tpu.dma_semaphore, #tpu.memory_space<semaphore_mem>>
        %dma_start3A_112 = arith.constant 0 : i32
        %dma_start3A_113 = tpu.memref_slice %arg13[%add3A_73, %dma_start3A_112] : memref<10240x128xf32, #tpu.memory_space<vmem_shared>> -> memref<32x128xf32, #tpu.memory_space<vmem_shared>>
        %dma_start3A_114 = arith.constant 0 : i32
        %dma_start3A_115 = tpu.memref_slice %arg13[%add3A_73, %dma_start3A_114] : memref<10240x128xf32, #tpu.memory_space<vmem_shared>> -> memref<32x128xf32, #tpu.memory_space<vmem_shared>>
        tpu.enqueue_dma source(%arg8 : memref<32x128xf32, #tpu.memory_space<vmem>>) target(%dma_start3A_115 : memref<32x128xf32, #tpu.memory_space<vmem_shared>>) target_semaphore(%run_scoped3A : memref<!tpu.dma_semaphore, #tpu.memory_space<semaphore_mem>>)
        %dma_wait3A = arith.constant 0 : i32
        %dma_wait3A_116 = tpu.memref_slice %arg13[%add3A_73, %dma_wait3A] : memref<10240x128xf32, #tpu.memory_space<vmem_shared>> -> memref<32x128xf32, #tpu.memory_space<vmem_shared>>
        %dma_wait3A_117 = arith.constant 0 : i32
        %dma_wait3A_118 = tpu.memref_slice %arg13[%add3A_73, %dma_wait3A_117] : memref<10240x128xf32, #tpu.memory_space<vmem_shared>> -> memref<32x128xf32, #tpu.memory_space<vmem_shared>>
        tpu.wait_dma2 semaphore(%run_scoped3A : memref<!tpu.dma_semaphore, #tpu.memory_space<semaphore_mem>>) src(%arg8 : memref<32x128xf32, #tpu.memory_space<vmem>>) dst(%dma_wait3A_118 : memref<32x128xf32, #tpu.memory_space<vmem_shared>>)
        tpu.yield
      }) : () -> ()
      %add3A_74 = arith.constant 32 : i32
      %add3A_75 = arith.addi %mul3A_0, %add3A_74 : i32
      "tpu.region"() ({
        %run_scoped3A = tpu.sem_alloc : memref<!tpu.dma_semaphore, #tpu.memory_space<semaphore_mem>>
        %dma_start3A_112 = arith.constant 0 : i32
        %dma_start3A_113 = tpu.memref_slice %arg13[%add3A_75, %dma_start3A_112] : memref<10240x128xf32, #tpu.memory_space<vmem_shared>> -> memref<32x128xf32, #tpu.memory_space<vmem_shared>>
        %dma_start3A_114 = arith.constant 0 : i32
        %dma_start3A_115 = tpu.memref_slice %arg13[%add3A_75, %dma_start3A_114] : memref<10240x128xf32, #tpu.memory_space<vmem_shared>> -> memref<32x128xf32, #tpu.memory_space<vmem_shared>>
        tpu.enqueue_dma source(%arg8 : memref<32x128xf32, #tpu.memory_space<vmem>>) target(%dma_start3A_115 : memref<32x128xf32, #tpu.memory_space<vmem_shared>>) target_semaphore(%run_scoped3A : memref<!tpu.dma_semaphore, #tpu.memory_space<semaphore_mem>>)
        %dma_wait3A = arith.constant 0 : i32
        %dma_wait3A_116 = tpu.memref_slice %arg13[%add3A_75, %dma_wait3A] : memref<10240x128xf32, #tpu.memory_space<vmem_shared>> -> memref<32x128xf32, #tpu.memory_space<vmem_shared>>
        %dma_wait3A_117 = arith.constant 0 : i32
        %dma_wait3A_118 = tpu.memref_slice %arg13[%add3A_75, %dma_wait3A_117] : memref<10240x128xf32, #tpu.memory_space<vmem_shared>> -> memref<32x128xf32, #tpu.memory_space<vmem_shared>>
        tpu.wait_dma2 semaphore(%run_scoped3A : memref<!tpu.dma_semaphore, #tpu.memory_space<semaphore_mem>>) src(%arg8 : memref<32x128xf32, #tpu.memory_space<vmem>>) dst(%dma_wait3A_118 : memref<32x128xf32, #tpu.memory_space<vmem_shared>>)
        tpu.yield
      }) : () -> ()
      %add3A_76 = arith.constant 64 : i32
      %add3A_77 = arith.addi %mul3A_0, %add3A_76 : i32
      "tpu.region"() ({
        %run_scoped3A = tpu.sem_alloc : memref<!tpu.dma_semaphore, #tpu.memory_space<semaphore_mem>>
        %dma_start3A_112 = arith.constant 0 : i32
        %dma_start3A_113 = tpu.memref_slice %arg13[%add3A_77, %dma_start3A_112] : memref<10240x128xf32, #tpu.memory_space<vmem_shared>> -> memref<32x128xf32, #tpu.memory_space<vmem_shared>>
        %dma_start3A_114 = arith.constant 0 : i32
        %dma_start3A_115 = tpu.memref_slice %arg13[%add3A_77, %dma_start3A_114] : memref<10240x128xf32, #tpu.memory_space<vmem_shared>> -> memref<32x128xf32, #tpu.memory_space<vmem_shared>>
        tpu.enqueue_dma source(%arg8 : memref<32x128xf32, #tpu.memory_space<vmem>>) target(%dma_start3A_115 : memref<32x128xf32, #tpu.memory_space<vmem_shared>>) target_semaphore(%run_scoped3A : memref<!tpu.dma_semaphore, #tpu.memory_space<semaphore_mem>>)
        %dma_wait3A = arith.constant 0 : i32
        %dma_wait3A_116 = tpu.memref_slice %arg13[%add3A_77, %dma_wait3A] : memref<10240x128xf32, #tpu.memory_space<vmem_shared>> -> memref<32x128xf32, #tpu.memory_space<vmem_shared>>
        %dma_wait3A_117 = arith.constant 0 : i32
        %dma_wait3A_118 = tpu.memref_slice %arg13[%add3A_77, %dma_wait3A_117] : memref<10240x128xf32, #tpu.memory_space<vmem_shared>> -> memref<32x128xf32, #tpu.memory_space<vmem_shared>>
        tpu.wait_dma2 semaphore(%run_scoped3A : memref<!tpu.dma_semaphore, #tpu.memory_space<semaphore_mem>>) src(%arg8 : memref<32x128xf32, #tpu.memory_space<vmem>>) dst(%dma_wait3A_118 : memref<32x128xf32, #tpu.memory_space<vmem_shared>>)
        tpu.yield
      }) : () -> ()
      %add3A_78 = arith.constant 96 : i32
      %add3A_79 = arith.addi %mul3A_0, %add3A_78 : i32
      "tpu.region"() ({
        %run_scoped3A = tpu.sem_alloc : memref<!tpu.dma_semaphore, #tpu.memory_space<semaphore_mem>>
        %dma_start3A_112 = arith.constant 0 : i32
        %dma_start3A_113 = tpu.memref_slice %arg13[%add3A_79, %dma_start3A_112] : memref<10240x128xf32, #tpu.memory_space<vmem_shared>> -> memref<32x128xf32, #tpu.memory_space<vmem_shared>>
        %dma_start3A_114 = arith.constant 0 : i32
        %dma_start3A_115 = tpu.memref_slice %arg13[%add3A_79, %dma_start3A_114] : memref<10240x128xf32, #tpu.memory_space<vmem_shared>> -> memref<32x128xf32, #tpu.memory_space<vmem_shared>>
        tpu.enqueue_dma source(%arg8 : memref<32x128xf32, #tpu.memory_space<vmem>>) target(%dma_start3A_115 : memref<32x128xf32, #tpu.memory_space<vmem_shared>>) target_semaphore(%run_scoped3A : memref<!tpu.dma_semaphore, #tpu.memory_space<semaphore_mem>>)
        %dma_wait3A = arith.constant 0 : i32
        %dma_wait3A_116 = tpu.memref_slice %arg13[%add3A_79, %dma_wait3A] : memref<10240x128xf32, #tpu.memory_space<vmem_shared>> -> memref<32x128xf32, #tpu.memory_space<vmem_shared>>
        %dma_wait3A_117 = arith.constant 0 : i32
        %dma_wait3A_118 = tpu.memref_slice %arg13[%add3A_79, %dma_wait3A_117] : memref<10240x128xf32, #tpu.memory_space<vmem_shared>> -> memref<32x128xf32, #tpu.memory_space<vmem_shared>>
        tpu.wait_dma2 semaphore(%run_scoped3A : memref<!tpu.dma_semaphore, #tpu.memory_space<semaphore_mem>>) src(%arg8 : memref<32x128xf32, #tpu.memory_space<vmem>>) dst(%dma_wait3A_118 : memref<32x128xf32, #tpu.memory_space<vmem_shared>>)
        tpu.yield
      }) : () -> ()
      %add3A_80 = arith.constant 128 : i32
      %add3A_81 = arith.addi %mul3A_0, %add3A_80 : i32
      "tpu.region"() ({
        %run_scoped3A = tpu.sem_alloc : memref<!tpu.dma_semaphore, #tpu.memory_space<semaphore_mem>>
        %dma_start3A_112 = arith.constant 0 : i32
        %dma_start3A_113 = tpu.memref_slice %arg13[%add3A_81, %dma_start3A_112] : memref<10240x128xf32, #tpu.memory_space<vmem_shared>> -> memref<32x128xf32, #tpu.memory_space<vmem_shared>>
        %dma_start3A_114 = arith.constant 0 : i32
        %dma_start3A_115 = tpu.memref_slice %arg13[%add3A_81, %dma_start3A_114] : memref<10240x128xf32, #tpu.memory_space<vmem_shared>> -> memref<32x128xf32, #tpu.memory_space<vmem_shared>>
        tpu.enqueue_dma source(%arg8 : memref<32x128xf32, #tpu.memory_space<vmem>>) target(%dma_start3A_115 : memref<32x128xf32, #tpu.memory_space<vmem_shared>>) target_semaphore(%run_scoped3A : memref<!tpu.dma_semaphore, #tpu.memory_space<semaphore_mem>>)
        %dma_wait3A = arith.constant 0 : i32
        %dma_wait3A_116 = tpu.memref_slice %arg13[%add3A_81, %dma_wait3A] : memref<10240x128xf32, #tpu.memory_space<vmem_shared>> -> memref<32x128xf32, #tpu.memory_space<vmem_shared>>
        %dma_wait3A_117 = arith.constant 0 : i32
        %dma_wait3A_118 = tpu.memref_slice %arg13[%add3A_81, %dma_wait3A_117] : memref<10240x128xf32, #tpu.memory_space<vmem_shared>> -> memref<32x128xf32, #tpu.memory_space<vmem_shared>>
        tpu.wait_dma2 semaphore(%run_scoped3A : memref<!tpu.dma_semaphore, #tpu.memory_space<semaphore_mem>>) src(%arg8 : memref<32x128xf32, #tpu.memory_space<vmem>>) dst(%dma_wait3A_118 : memref<32x128xf32, #tpu.memory_space<vmem_shared>>)
        tpu.yield
      }) : () -> ()
      %add3A_82 = arith.constant 160 : i32
      %add3A_83 = arith.addi %mul3A_0, %add3A_82 : i32
      "tpu.region"() ({
        %run_scoped3A = tpu.sem_alloc : memref<!tpu.dma_semaphore, #tpu.memory_space<semaphore_mem>>
        %dma_start3A_112 = arith.constant 0 : i32
        %dma_start3A_113 = tpu.memref_slice %arg13[%add3A_83, %dma_start3A_112] : memref<10240x128xf32, #tpu.memory_space<vmem_shared>> -> memref<32x128xf32, #tpu.memory_space<vmem_shared>>
        %dma_start3A_114 = arith.constant 0 : i32
        %dma_start3A_115 = tpu.memref_slice %arg13[%add3A_83, %dma_start3A_114] : memref<10240x128xf32, #tpu.memory_space<vmem_shared>> -> memref<32x128xf32, #tpu.memory_space<vmem_shared>>
        tpu.enqueue_dma source(%arg8 : memref<32x128xf32, #tpu.memory_space<vmem>>) target(%dma_start3A_115 : memref<32x128xf32, #tpu.memory_space<vmem_shared>>) target_semaphore(%run_scoped3A : memref<!tpu.dma_semaphore, #tpu.memory_space<semaphore_mem>>)
        %dma_wait3A = arith.constant 0 : i32
        %dma_wait3A_116 = tpu.memref_slice %arg13[%add3A_83, %dma_wait3A] : memref<10240x128xf32, #tpu.memory_space<vmem_shared>> -> memref<32x128xf32, #tpu.memory_space<vmem_shared>>
        %dma_wait3A_117 = arith.constant 0 : i32
        %dma_wait3A_118 = tpu.memref_slice %arg13[%add3A_83, %dma_wait3A_117] : memref<10240x128xf32, #tpu.memory_space<vmem_shared>> -> memref<32x128xf32, #tpu.memory_space<vmem_shared>>
        tpu.wait_dma2 semaphore(%run_scoped3A : memref<!tpu.dma_semaphore, #tpu.memory_space<semaphore_mem>>) src(%arg8 : memref<32x128xf32, #tpu.memory_space<vmem>>) dst(%dma_wait3A_118 : memref<32x128xf32, #tpu.memory_space<vmem_shared>>)
        tpu.yield
      }) : () -> ()
      %add3A_84 = arith.constant 192 : i32
      %add3A_85 = arith.addi %mul3A_0, %add3A_84 : i32
      "tpu.region"() ({
        %run_scoped3A = tpu.sem_alloc : memref<!tpu.dma_semaphore, #tpu.memory_space<semaphore_mem>>
        %dma_start3A_112 = arith.constant 0 : i32
        %dma_start3A_113 = tpu.memref_slice %arg13[%add3A_85, %dma_start3A_112] : memref<10240x128xf32, #tpu.memory_space<vmem_shared>> -> memref<32x128xf32, #tpu.memory_space<vmem_shared>>
        %dma_start3A_114 = arith.constant 0 : i32
        %dma_start3A_115 = tpu.memref_slice %arg13[%add3A_85, %dma_start3A_114] : memref<10240x128xf32, #tpu.memory_space<vmem_shared>> -> memref<32x128xf32, #tpu.memory_space<vmem_shared>>
        tpu.enqueue_dma source(%arg8 : memref<32x128xf32, #tpu.memory_space<vmem>>) target(%dma_start3A_115 : memref<32x128xf32, #tpu.memory_space<vmem_shared>>) target_semaphore(%run_scoped3A : memref<!tpu.dma_semaphore, #tpu.memory_space<semaphore_mem>>)
        %dma_wait3A = arith.constant 0 : i32
        %dma_wait3A_116 = tpu.memref_slice %arg13[%add3A_85, %dma_wait3A] : memref<10240x128xf32, #tpu.memory_space<vmem_shared>> -> memref<32x128xf32, #tpu.memory_space<vmem_shared>>
        %dma_wait3A_117 = arith.constant 0 : i32
        %dma_wait3A_118 = tpu.memref_slice %arg13[%add3A_85, %dma_wait3A_117] : memref<10240x128xf32, #tpu.memory_space<vmem_shared>> -> memref<32x128xf32, #tpu.memory_space<vmem_shared>>
        tpu.wait_dma2 semaphore(%run_scoped3A : memref<!tpu.dma_semaphore, #tpu.memory_space<semaphore_mem>>) src(%arg8 : memref<32x128xf32, #tpu.memory_space<vmem>>) dst(%dma_wait3A_118 : memref<32x128xf32, #tpu.memory_space<vmem_shared>>)
        tpu.yield
      }) : () -> ()
      %add3A_86 = arith.constant 224 : i32
      %add3A_87 = arith.addi %mul3A_0, %add3A_86 : i32
      "tpu.region"() ({
        %run_scoped3A = tpu.sem_alloc : memref<!tpu.dma_semaphore, #tpu.memory_space<semaphore_mem>>
        %dma_start3A_112 = arith.constant 0 : i32
        %dma_start3A_113 = tpu.memref_slice %arg13[%add3A_87, %dma_start3A_112] : memref<10240x128xf32, #tpu.memory_space<vmem_shared>> -> memref<32x128xf32, #tpu.memory_space<vmem_shared>>
        %dma_start3A_114 = arith.constant 0 : i32
        %dma_start3A_115 = tpu.memref_slice %arg13[%add3A_87, %dma_start3A_114] : memref<10240x128xf32, #tpu.memory_space<vmem_shared>> -> memref<32x128xf32, #tpu.memory_space<vmem_shared>>
        tpu.enqueue_dma source(%arg8 : memref<32x128xf32, #tpu.memory_space<vmem>>) target(%dma_start3A_115 : memref<32x128xf32, #tpu.memory_space<vmem_shared>>) target_semaphore(%run_scoped3A : memref<!tpu.dma_semaphore, #tpu.memory_space<semaphore_mem>>)
        %dma_wait3A = arith.constant 0 : i32
        %dma_wait3A_116 = tpu.memref_slice %arg13[%add3A_87, %dma_wait3A] : memref<10240x128xf32, #tpu.memory_space<vmem_shared>> -> memref<32x128xf32, #tpu.memory_space<vmem_shared>>
        %dma_wait3A_117 = arith.constant 0 : i32
        %dma_wait3A_118 = tpu.memref_slice %arg13[%add3A_87, %dma_wait3A_117] : memref<10240x128xf32, #tpu.memory_space<vmem_shared>> -> memref<32x128xf32, #tpu.memory_space<vmem_shared>>
        tpu.wait_dma2 semaphore(%run_scoped3A : memref<!tpu.dma_semaphore, #tpu.memory_space<semaphore_mem>>) src(%arg8 : memref<32x128xf32, #tpu.memory_space<vmem>>) dst(%dma_wait3A_118 : memref<32x128xf32, #tpu.memory_space<vmem_shared>>)
        tpu.yield
      }) : () -> ()
      %add3A_88 = arith.constant 256 : i32
      %add3A_89 = arith.addi %mul3A_0, %add3A_88 : i32
      "tpu.region"() ({
        %run_scoped3A = tpu.sem_alloc : memref<!tpu.dma_semaphore, #tpu.memory_space<semaphore_mem>>
        %dma_start3A_112 = arith.constant 0 : i32
        %dma_start3A_113 = tpu.memref_slice %arg13[%add3A_89, %dma_start3A_112] : memref<10240x128xf32, #tpu.memory_space<vmem_shared>> -> memref<32x128xf32, #tpu.memory_space<vmem_shared>>
        %dma_start3A_114 = arith.constant 0 : i32
        %dma_start3A_115 = tpu.memref_slice %arg13[%add3A_89, %dma_start3A_114] : memref<10240x128xf32, #tpu.memory_space<vmem_shared>> -> memref<32x128xf32, #tpu.memory_space<vmem_shared>>
        tpu.enqueue_dma source(%arg8 : memref<32x128xf32, #tpu.memory_space<vmem>>) target(%dma_start3A_115 : memref<32x128xf32, #tpu.memory_space<vmem_shared>>) target_semaphore(%run_scoped3A : memref<!tpu.dma_semaphore, #tpu.memory_space<semaphore_mem>>)
        %dma_wait3A = arith.constant 0 : i32
        %dma_wait3A_116 = tpu.memref_slice %arg13[%add3A_89, %dma_wait3A] : memref<10240x128xf32, #tpu.memory_space<vmem_shared>> -> memref<32x128xf32, #tpu.memory_space<vmem_shared>>
        %dma_wait3A_117 = arith.constant 0 : i32
        %dma_wait3A_118 = tpu.memref_slice %arg13[%add3A_89, %dma_wait3A_117] : memref<10240x128xf32, #tpu.memory_space<vmem_shared>> -> memref<32x128xf32, #tpu.memory_space<vmem_shared>>
        tpu.wait_dma2 semaphore(%run_scoped3A : memref<!tpu.dma_semaphore, #tpu.memory_space<semaphore_mem>>) src(%arg8 : memref<32x128xf32, #tpu.memory_space<vmem>>) dst(%dma_wait3A_118 : memref<32x128xf32, #tpu.memory_space<vmem_shared>>)
        tpu.yield
      }) : () -> ()
      %add3A_90 = arith.constant 288 : i32
      %add3A_91 = arith.addi %mul3A_0, %add3A_90 : i32
      "tpu.region"() ({
        %run_scoped3A = tpu.sem_alloc : memref<!tpu.dma_semaphore, #tpu.memory_space<semaphore_mem>>
        %dma_start3A_112 = arith.constant 0 : i32
        %dma_start3A_113 = tpu.memref_slice %arg13[%add3A_91, %dma_start3A_112] : memref<10240x128xf32, #tpu.memory_space<vmem_shared>> -> memref<32x128xf32, #tpu.memory_space<vmem_shared>>
        %dma_start3A_114 = arith.constant 0 : i32
        %dma_start3A_115 = tpu.memref_slice %arg13[%add3A_91, %dma_start3A_114] : memref<10240x128xf32, #tpu.memory_space<vmem_shared>> -> memref<32x128xf32, #tpu.memory_space<vmem_shared>>
        tpu.enqueue_dma source(%arg8 : memref<32x128xf32, #tpu.memory_space<vmem>>) target(%dma_start3A_115 : memref<32x128xf32, #tpu.memory_space<vmem_shared>>) target_semaphore(%run_scoped3A : memref<!tpu.dma_semaphore, #tpu.memory_space<semaphore_mem>>)
        %dma_wait3A = arith.constant 0 : i32
        %dma_wait3A_116 = tpu.memref_slice %arg13[%add3A_91, %dma_wait3A] : memref<10240x128xf32, #tpu.memory_space<vmem_shared>> -> memref<32x128xf32, #tpu.memory_space<vmem_shared>>
        %dma_wait3A_117 = arith.constant 0 : i32
        %dma_wait3A_118 = tpu.memref_slice %arg13[%add3A_91, %dma_wait3A_117] : memref<10240x128xf32, #tpu.memory_space<vmem_shared>> -> memref<32x128xf32, #tpu.memory_space<vmem_shared>>
        tpu.wait_dma2 semaphore(%run_scoped3A : memref<!tpu.dma_semaphore, #tpu.memory_space<semaphore_mem>>) src(%arg8 : memref<32x128xf32, #tpu.memory_space<vmem>>) dst(%dma_wait3A_118 : memref<32x128xf32, #tpu.memory_space<vmem_shared>>)
        tpu.yield
      }) : () -> ()
      %add3A_92 = arith.constant 320 : i32
      %add3A_93 = arith.addi %mul3A_0, %add3A_92 : i32
      "tpu.region"() ({
        %run_scoped3A = tpu.sem_alloc : memref<!tpu.dma_semaphore, #tpu.memory_space<semaphore_mem>>
        %dma_start3A_112 = arith.constant 0 : i32
        %dma_start3A_113 = tpu.memref_slice %arg13[%add3A_93, %dma_start3A_112] : memref<10240x128xf32, #tpu.memory_space<vmem_shared>> -> memref<32x128xf32, #tpu.memory_space<vmem_shared>>
        %dma_start3A_114 = arith.constant 0 : i32
        %dma_start3A_115 = tpu.memref_slice %arg13[%add3A_93, %dma_start3A_114] : memref<10240x128xf32, #tpu.memory_space<vmem_shared>> -> memref<32x128xf32, #tpu.memory_space<vmem_shared>>
        tpu.enqueue_dma source(%arg8 : memref<32x128xf32, #tpu.memory_space<vmem>>) target(%dma_start3A_115 : memref<32x128xf32, #tpu.memory_space<vmem_shared>>) target_semaphore(%run_scoped3A : memref<!tpu.dma_semaphore, #tpu.memory_space<semaphore_mem>>)
        %dma_wait3A = arith.constant 0 : i32
        %dma_wait3A_116 = tpu.memref_slice %arg13[%add3A_93, %dma_wait3A] : memref<10240x128xf32, #tpu.memory_space<vmem_shared>> -> memref<32x128xf32, #tpu.memory_space<vmem_shared>>
        %dma_wait3A_117 = arith.constant 0 : i32
        %dma_wait3A_118 = tpu.memref_slice %arg13[%add3A_93, %dma_wait3A_117] : memref<10240x128xf32, #tpu.memory_space<vmem_shared>> -> memref<32x128xf32, #tpu.memory_space<vmem_shared>>
        tpu.wait_dma2 semaphore(%run_scoped3A : memref<!tpu.dma_semaphore, #tpu.memory_space<semaphore_mem>>) src(%arg8 : memref<32x128xf32, #tpu.memory_space<vmem>>) dst(%dma_wait3A_118 : memref<32x128xf32, #tpu.memory_space<vmem_shared>>)
        tpu.yield
      }) : () -> ()
      %add3A_94 = arith.constant 352 : i32
      %add3A_95 = arith.addi %mul3A_0, %add3A_94 : i32
      "tpu.region"() ({
        %run_scoped3A = tpu.sem_alloc : memref<!tpu.dma_semaphore, #tpu.memory_space<semaphore_mem>>
        %dma_start3A_112 = arith.constant 0 : i32
        %dma_start3A_113 = tpu.memref_slice %arg13[%add3A_95, %dma_start3A_112] : memref<10240x128xf32, #tpu.memory_space<vmem_shared>> -> memref<32x128xf32, #tpu.memory_space<vmem_shared>>
        %dma_start3A_114 = arith.constant 0 : i32
        %dma_start3A_115 = tpu.memref_slice %arg13[%add3A_95, %dma_start3A_114] : memref<10240x128xf32, #tpu.memory_space<vmem_shared>> -> memref<32x128xf32, #tpu.memory_space<vmem_shared>>
        tpu.enqueue_dma source(%arg8 : memref<32x128xf32, #tpu.memory_space<vmem>>) target(%dma_start3A_115 : memref<32x128xf32, #tpu.memory_space<vmem_shared>>) target_semaphore(%run_scoped3A : memref<!tpu.dma_semaphore, #tpu.memory_space<semaphore_mem>>)
        %dma_wait3A = arith.constant 0 : i32
        %dma_wait3A_116 = tpu.memref_slice %arg13[%add3A_95, %dma_wait3A] : memref<10240x128xf32, #tpu.memory_space<vmem_shared>> -> memref<32x128xf32, #tpu.memory_space<vmem_shared>>
        %dma_wait3A_117 = arith.constant 0 : i32
        %dma_wait3A_118 = tpu.memref_slice %arg13[%add3A_95, %dma_wait3A_117] : memref<10240x128xf32, #tpu.memory_space<vmem_shared>> -> memref<32x128xf32, #tpu.memory_space<vmem_shared>>
        tpu.wait_dma2 semaphore(%run_scoped3A : memref<!tpu.dma_semaphore, #tpu.memory_space<semaphore_mem>>) src(%arg8 : memref<32x128xf32, #tpu.memory_space<vmem>>) dst(%dma_wait3A_118 : memref<32x128xf32, #tpu.memory_space<vmem_shared>>)
        tpu.yield
      }) : () -> ()
      %add3A_96 = arith.constant 384 : i32
      %add3A_97 = arith.addi %mul3A_0, %add3A_96 : i32
      "tpu.region"() ({
        %run_scoped3A = tpu.sem_alloc : memref<!tpu.dma_semaphore, #tpu.memory_space<semaphore_mem>>
        %dma_start3A_112 = arith.constant 0 : i32
        %dma_start3A_113 = tpu.memref_slice %arg13[%add3A_97, %dma_start3A_112] : memref<10240x128xf32, #tpu.memory_space<vmem_shared>> -> memref<32x128xf32, #tpu.memory_space<vmem_shared>>
        %dma_start3A_114 = arith.constant 0 : i32
        %dma_start3A_115 = tpu.memref_slice %arg13[%add3A_97, %dma_start3A_114] : memref<10240x128xf32, #tpu.memory_space<vmem_shared>> -> memref<32x128xf32, #tpu.memory_space<vmem_shared>>
        tpu.enqueue_dma source(%arg8 : memref<32x128xf32, #tpu.memory_space<vmem>>) target(%dma_start3A_115 : memref<32x128xf32, #tpu.memory_space<vmem_shared>>) target_semaphore(%run_scoped3A : memref<!tpu.dma_semaphore, #tpu.memory_space<semaphore_mem>>)
        %dma_wait3A = arith.constant 0 : i32
        %dma_wait3A_116 = tpu.memref_slice %arg13[%add3A_97, %dma_wait3A] : memref<10240x128xf32, #tpu.memory_space<vmem_shared>> -> memref<32x128xf32, #tpu.memory_space<vmem_shared>>
        %dma_wait3A_117 = arith.constant 0 : i32
        %dma_wait3A_118 = tpu.memref_slice %arg13[%add3A_97, %dma_wait3A_117] : memref<10240x128xf32, #tpu.memory_space<vmem_shared>> -> memref<32x128xf32, #tpu.memory_space<vmem_shared>>
        tpu.wait_dma2 semaphore(%run_scoped3A : memref<!tpu.dma_semaphore, #tpu.memory_space<semaphore_mem>>) src(%arg8 : memref<32x128xf32, #tpu.memory_space<vmem>>) dst(%dma_wait3A_118 : memref<32x128xf32, #tpu.memory_space<vmem_shared>>)
        tpu.yield
      }) : () -> ()
      %add3A_98 = arith.constant 416 : i32
      %add3A_99 = arith.addi %mul3A_0, %add3A_98 : i32
      "tpu.region"() ({
        %run_scoped3A = tpu.sem_alloc : memref<!tpu.dma_semaphore, #tpu.memory_space<semaphore_mem>>
        %dma_start3A_112 = arith.constant 0 : i32
        %dma_start3A_113 = tpu.memref_slice %arg13[%add3A_99, %dma_start3A_112] : memref<10240x128xf32, #tpu.memory_space<vmem_shared>> -> memref<32x128xf32, #tpu.memory_space<vmem_shared>>
        %dma_start3A_114 = arith.constant 0 : i32
        %dma_start3A_115 = tpu.memref_slice %arg13[%add3A_99, %dma_start3A_114] : memref<10240x128xf32, #tpu.memory_space<vmem_shared>> -> memref<32x128xf32, #tpu.memory_space<vmem_shared>>
        tpu.enqueue_dma source(%arg8 : memref<32x128xf32, #tpu.memory_space<vmem>>) target(%dma_start3A_115 : memref<32x128xf32, #tpu.memory_space<vmem_shared>>) target_semaphore(%run_scoped3A : memref<!tpu.dma_semaphore, #tpu.memory_space<semaphore_mem>>)
        %dma_wait3A = arith.constant 0 : i32
        %dma_wait3A_116 = tpu.memref_slice %arg13[%add3A_99, %dma_wait3A] : memref<10240x128xf32, #tpu.memory_space<vmem_shared>> -> memref<32x128xf32, #tpu.memory_space<vmem_shared>>
        %dma_wait3A_117 = arith.constant 0 : i32
        %dma_wait3A_118 = tpu.memref_slice %arg13[%add3A_99, %dma_wait3A_117] : memref<10240x128xf32, #tpu.memory_space<vmem_shared>> -> memref<32x128xf32, #tpu.memory_space<vmem_shared>>
        tpu.wait_dma2 semaphore(%run_scoped3A : memref<!tpu.dma_semaphore, #tpu.memory_space<semaphore_mem>>) src(%arg8 : memref<32x128xf32, #tpu.memory_space<vmem>>) dst(%dma_wait3A_118 : memref<32x128xf32, #tpu.memory_space<vmem_shared>>)
        tpu.yield
      }) : () -> ()
      %add3A_100 = arith.constant 448 : i32
      %add3A_101 = arith.addi %mul3A_0, %add3A_100 : i32
      "tpu.region"() ({
        %run_scoped3A = tpu.sem_alloc : memref<!tpu.dma_semaphore, #tpu.memory_space<semaphore_mem>>
        %dma_start3A_112 = arith.constant 0 : i32
        %dma_start3A_113 = tpu.memref_slice %arg13[%add3A_101, %dma_start3A_112] : memref<10240x128xf32, #tpu.memory_space<vmem_shared>> -> memref<32x128xf32, #tpu.memory_space<vmem_shared>>
        %dma_start3A_114 = arith.constant 0 : i32
        %dma_start3A_115 = tpu.memref_slice %arg13[%add3A_101, %dma_start3A_114] : memref<10240x128xf32, #tpu.memory_space<vmem_shared>> -> memref<32x128xf32, #tpu.memory_space<vmem_shared>>
        tpu.enqueue_dma source(%arg8 : memref<32x128xf32, #tpu.memory_space<vmem>>) target(%dma_start3A_115 : memref<32x128xf32, #tpu.memory_space<vmem_shared>>) target_semaphore(%run_scoped3A : memref<!tpu.dma_semaphore, #tpu.memory_space<semaphore_mem>>)
        %dma_wait3A = arith.constant 0 : i32
        %dma_wait3A_116 = tpu.memref_slice %arg13[%add3A_101, %dma_wait3A] : memref<10240x128xf32, #tpu.memory_space<vmem_shared>> -> memref<32x128xf32, #tpu.memory_space<vmem_shared>>
        %dma_wait3A_117 = arith.constant 0 : i32
        %dma_wait3A_118 = tpu.memref_slice %arg13[%add3A_101, %dma_wait3A_117] : memref<10240x128xf32, #tpu.memory_space<vmem_shared>> -> memref<32x128xf32, #tpu.memory_space<vmem_shared>>
        tpu.wait_dma2 semaphore(%run_scoped3A : memref<!tpu.dma_semaphore, #tpu.memory_space<semaphore_mem>>) src(%arg8 : memref<32x128xf32, #tpu.memory_space<vmem>>) dst(%dma_wait3A_118 : memref<32x128xf32, #tpu.memory_space<vmem_shared>>)
        tpu.yield
      }) : () -> ()
      %add3A_102 = arith.constant 480 : i32
      %add3A_103 = arith.addi %mul3A_0, %add3A_102 : i32
      "tpu.region"() ({
        %run_scoped3A = tpu.sem_alloc : memref<!tpu.dma_semaphore, #tpu.memory_space<semaphore_mem>>
        %dma_start3A_112 = arith.constant 0 : i32
        %dma_start3A_113 = tpu.memref_slice %arg13[%add3A_103, %dma_start3A_112] : memref<10240x128xf32, #tpu.memory_space<vmem_shared>> -> memref<32x128xf32, #tpu.memory_space<vmem_shared>>
        %dma_start3A_114 = arith.constant 0 : i32
        %dma_start3A_115 = tpu.memref_slice %arg13[%add3A_103, %dma_start3A_114] : memref<10240x128xf32, #tpu.memory_space<vmem_shared>> -> memref<32x128xf32, #tpu.memory_space<vmem_shared>>
        tpu.enqueue_dma source(%arg8 : memref<32x128xf32, #tpu.memory_space<vmem>>) target(%dma_start3A_115 : memref<32x128xf32, #tpu.memory_space<vmem_shared>>) target_semaphore(%run_scoped3A : memref<!tpu.dma_semaphore, #tpu.memory_space<semaphore_mem>>)
        %dma_wait3A = arith.constant 0 : i32
        %dma_wait3A_116 = tpu.memref_slice %arg13[%add3A_103, %dma_wait3A] : memref<10240x128xf32, #tpu.memory_space<vmem_shared>> -> memref<32x128xf32, #tpu.memory_space<vmem_shared>>
        %dma_wait3A_117 = arith.constant 0 : i32
        %dma_wait3A_118 = tpu.memref_slice %arg13[%add3A_103, %dma_wait3A_117] : memref<10240x128xf32, #tpu.memory_space<vmem_shared>> -> memref<32x128xf32, #tpu.memory_space<vmem_shared>>
        tpu.wait_dma2 semaphore(%run_scoped3A : memref<!tpu.dma_semaphore, #tpu.memory_space<semaphore_mem>>) src(%arg8 : memref<32x128xf32, #tpu.memory_space<vmem>>) dst(%dma_wait3A_118 : memref<32x128xf32, #tpu.memory_space<vmem_shared>>)
        tpu.yield
      }) : () -> ()
      %add3A_104 = arith.constant 512 : i32
      %add3A_105 = arith.addi %mul3A_0, %add3A_104 : i32
      "tpu.region"() ({
        %run_scoped3A = tpu.sem_alloc : memref<!tpu.dma_semaphore, #tpu.memory_space<semaphore_mem>>
        %dma_start3A_112 = arith.constant 0 : i32
        %dma_start3A_113 = tpu.memref_slice %arg13[%add3A_105, %dma_start3A_112] : memref<10240x128xf32, #tpu.memory_space<vmem_shared>> -> memref<32x128xf32, #tpu.memory_space<vmem_shared>>
        %dma_start3A_114 = arith.constant 0 : i32
        %dma_start3A_115 = tpu.memref_slice %arg13[%add3A_105, %dma_start3A_114] : memref<10240x128xf32, #tpu.memory_space<vmem_shared>> -> memref<32x128xf32, #tpu.memory_space<vmem_shared>>
        tpu.enqueue_dma source(%arg8 : memref<32x128xf32, #tpu.memory_space<vmem>>) target(%dma_start3A_115 : memref<32x128xf32, #tpu.memory_space<vmem_shared>>) target_semaphore(%run_scoped3A : memref<!tpu.dma_semaphore, #tpu.memory_space<semaphore_mem>>)
        %dma_wait3A = arith.constant 0 : i32
        %dma_wait3A_116 = tpu.memref_slice %arg13[%add3A_105, %dma_wait3A] : memref<10240x128xf32, #tpu.memory_space<vmem_shared>> -> memref<32x128xf32, #tpu.memory_space<vmem_shared>>
        %dma_wait3A_117 = arith.constant 0 : i32
        %dma_wait3A_118 = tpu.memref_slice %arg13[%add3A_105, %dma_wait3A_117] : memref<10240x128xf32, #tpu.memory_space<vmem_shared>> -> memref<32x128xf32, #tpu.memory_space<vmem_shared>>
        tpu.wait_dma2 semaphore(%run_scoped3A : memref<!tpu.dma_semaphore, #tpu.memory_space<semaphore_mem>>) src(%arg8 : memref<32x128xf32, #tpu.memory_space<vmem>>) dst(%dma_wait3A_118 : memref<32x128xf32, #tpu.memory_space<vmem_shared>>)
        tpu.yield
      }) : () -> ()
      %add3A_106 = arith.constant 544 : i32
      %add3A_107 = arith.addi %mul3A_0, %add3A_106 : i32
      "tpu.region"() ({
        %run_scoped3A = tpu.sem_alloc : memref<!tpu.dma_semaphore, #tpu.memory_space<semaphore_mem>>
        %dma_start3A_112 = arith.constant 0 : i32
        %dma_start3A_113 = tpu.memref_slice %arg13[%add3A_107, %dma_start3A_112] : memref<10240x128xf32, #tpu.memory_space<vmem_shared>> -> memref<32x128xf32, #tpu.memory_space<vmem_shared>>
        %dma_start3A_114 = arith.constant 0 : i32
        %dma_start3A_115 = tpu.memref_slice %arg13[%add3A_107, %dma_start3A_114] : memref<10240x128xf32, #tpu.memory_space<vmem_shared>> -> memref<32x128xf32, #tpu.memory_space<vmem_shared>>
        tpu.enqueue_dma source(%arg8 : memref<32x128xf32, #tpu.memory_space<vmem>>) target(%dma_start3A_115 : memref<32x128xf32, #tpu.memory_space<vmem_shared>>) target_semaphore(%run_scoped3A : memref<!tpu.dma_semaphore, #tpu.memory_space<semaphore_mem>>)
        %dma_wait3A = arith.constant 0 : i32
        %dma_wait3A_116 = tpu.memref_slice %arg13[%add3A_107, %dma_wait3A] : memref<10240x128xf32, #tpu.memory_space<vmem_shared>> -> memref<32x128xf32, #tpu.memory_space<vmem_shared>>
        %dma_wait3A_117 = arith.constant 0 : i32
        %dma_wait3A_118 = tpu.memref_slice %arg13[%add3A_107, %dma_wait3A_117] : memref<10240x128xf32, #tpu.memory_space<vmem_shared>> -> memref<32x128xf32, #tpu.memory_space<vmem_shared>>
        tpu.wait_dma2 semaphore(%run_scoped3A : memref<!tpu.dma_semaphore, #tpu.memory_space<semaphore_mem>>) src(%arg8 : memref<32x128xf32, #tpu.memory_space<vmem>>) dst(%dma_wait3A_118 : memref<32x128xf32, #tpu.memory_space<vmem_shared>>)
        tpu.yield
      }) : () -> ()
      %add3A_108 = arith.constant 576 : i32
      %add3A_109 = arith.addi %mul3A_0, %add3A_108 : i32
      "tpu.region"() ({
        %run_scoped3A = tpu.sem_alloc : memref<!tpu.dma_semaphore, #tpu.memory_space<semaphore_mem>>
        %dma_start3A_112 = arith.constant 0 : i32
        %dma_start3A_113 = tpu.memref_slice %arg13[%add3A_109, %dma_start3A_112] : memref<10240x128xf32, #tpu.memory_space<vmem_shared>> -> memref<32x128xf32, #tpu.memory_space<vmem_shared>>
        %dma_start3A_114 = arith.constant 0 : i32
        %dma_start3A_115 = tpu.memref_slice %arg13[%add3A_109, %dma_start3A_114] : memref<10240x128xf32, #tpu.memory_space<vmem_shared>> -> memref<32x128xf32, #tpu.memory_space<vmem_shared>>
        tpu.enqueue_dma source(%arg8 : memref<32x128xf32, #tpu.memory_space<vmem>>) target(%dma_start3A_115 : memref<32x128xf32, #tpu.memory_space<vmem_shared>>) target_semaphore(%run_scoped3A : memref<!tpu.dma_semaphore, #tpu.memory_space<semaphore_mem>>)
        %dma_wait3A = arith.constant 0 : i32
        %dma_wait3A_116 = tpu.memref_slice %arg13[%add3A_109, %dma_wait3A] : memref<10240x128xf32, #tpu.memory_space<vmem_shared>> -> memref<32x128xf32, #tpu.memory_space<vmem_shared>>
        %dma_wait3A_117 = arith.constant 0 : i32
        %dma_wait3A_118 = tpu.memref_slice %arg13[%add3A_109, %dma_wait3A_117] : memref<10240x128xf32, #tpu.memory_space<vmem_shared>> -> memref<32x128xf32, #tpu.memory_space<vmem_shared>>
        tpu.wait_dma2 semaphore(%run_scoped3A : memref<!tpu.dma_semaphore, #tpu.memory_space<semaphore_mem>>) src(%arg8 : memref<32x128xf32, #tpu.memory_space<vmem>>) dst(%dma_wait3A_118 : memref<32x128xf32, #tpu.memory_space<vmem_shared>>)
        tpu.yield
      }) : () -> ()
      %add3A_110 = arith.constant 608 : i32
      %add3A_111 = arith.addi %mul3A_0, %add3A_110 : i32
      "tpu.region"() ({
        %run_scoped3A = tpu.sem_alloc : memref<!tpu.dma_semaphore, #tpu.memory_space<semaphore_mem>>
        %dma_start3A_112 = arith.constant 0 : i32
        %dma_start3A_113 = tpu.memref_slice %arg13[%add3A_111, %dma_start3A_112] : memref<10240x128xf32, #tpu.memory_space<vmem_shared>> -> memref<32x128xf32, #tpu.memory_space<vmem_shared>>
        %dma_start3A_114 = arith.constant 0 : i32
        %dma_start3A_115 = tpu.memref_slice %arg13[%add3A_111, %dma_start3A_114] : memref<10240x128xf32, #tpu.memory_space<vmem_shared>> -> memref<32x128xf32, #tpu.memory_space<vmem_shared>>
        tpu.enqueue_dma source(%arg8 : memref<32x128xf32, #tpu.memory_space<vmem>>) target(%dma_start3A_115 : memref<32x128xf32, #tpu.memory_space<vmem_shared>>) target_semaphore(%run_scoped3A : memref<!tpu.dma_semaphore, #tpu.memory_space<semaphore_mem>>)
        %dma_wait3A = arith.constant 0 : i32
        %dma_wait3A_116 = tpu.memref_slice %arg13[%add3A_111, %dma_wait3A] : memref<10240x128xf32, #tpu.memory_space<vmem_shared>> -> memref<32x128xf32, #tpu.memory_space<vmem_shared>>
        %dma_wait3A_117 = arith.constant 0 : i32
        %dma_wait3A_118 = tpu.memref_slice %arg13[%add3A_111, %dma_wait3A_117] : memref<10240x128xf32, #tpu.memory_space<vmem_shared>> -> memref<32x128xf32, #tpu.memory_space<vmem_shared>>
        tpu.wait_dma2 semaphore(%run_scoped3A : memref<!tpu.dma_semaphore, #tpu.memory_space<semaphore_mem>>) src(%arg8 : memref<32x128xf32, #tpu.memory_space<vmem>>) dst(%dma_wait3A_118 : memref<32x128xf32, #tpu.memory_space<vmem_shared>>)
        tpu.yield
      }) : () -> ()
    } else {
    }
    %barrier3A = arith.constant 0 : index
    tpu.barrier barrier_id(%barrier3A)
    %dma_start3A = arith.constant 0 : i32
    %dma_start3A_11 = tpu.memref_slice %arg6[%dma_start3A] : memref<14080xi32, #tpu.memory_space<vmem>> -> memref<32xi32, #tpu.memory_space<vmem>>
    %dma_start3A_12 = arith.constant 0 : i32
    %dma_start3A_13 = arith.constant 0 : i32
    %dma_start3A_14 = tpu.memref_slice %arg2[%dma_start3A_12, %dma_start3A_13] : memref<10240x128xf32, #tpu.memory_space<hbm>> -> memref<10240x128xf32, #tpu.memory_space<hbm>>
    tpu.enqueue_indirect_dma source(%dma_start3A_14 : memref<10240x128xf32, #tpu.memory_space<hbm>>) target(%arg8 : memref<32x128xf32, #tpu.memory_space<vmem>>) offsets(%dma_start3A_11 : memref<32xi32, #tpu.memory_space<vmem>>) semaphore(%arg14 : memref<!tpu.dma_semaphore, #tpu.memory_space<semaphore_mem>>)
    %dma_start3A_15 = arith.constant 32 : i32
    %dma_start3A_16 = tpu.memref_slice %arg6[%dma_start3A_15] : memref<14080xi32, #tpu.memory_space<vmem>> -> memref<32xi32, #tpu.memory_space<vmem>>
    %dma_start3A_17 = arith.constant 0 : i32
    %dma_start3A_18 = arith.constant 0 : i32
    %dma_start3A_19 = tpu.memref_slice %arg2[%dma_start3A_17, %dma_start3A_18] : memref<10240x128xf32, #tpu.memory_space<hbm>> -> memref<10240x128xf32, #tpu.memory_space<hbm>>
    tpu.enqueue_indirect_dma source(%dma_start3A_19 : memref<10240x128xf32, #tpu.memory_space<hbm>>) target(%arg9 : memref<32x128xf32, #tpu.memory_space<vmem>>) offsets(%dma_start3A_16 : memref<32xi32, #tpu.memory_space<vmem>>) semaphore(%arg15 : memref<!tpu.dma_semaphore, #tpu.memory_space<semaphore_mem>>)
    %dma_start3A_20 = arith.constant 64 : i32
    %dma_start3A_21 = tpu.memref_slice %arg6[%dma_start3A_20] : memref<14080xi32, #tpu.memory_space<vmem>> -> memref<32xi32, #tpu.memory_space<vmem>>
    %dma_start3A_22 = arith.constant 0 : i32
    %dma_start3A_23 = arith.constant 0 : i32
    %dma_start3A_24 = tpu.memref_slice %arg2[%dma_start3A_22, %dma_start3A_23] : memref<10240x128xf32, #tpu.memory_space<hbm>> -> memref<10240x128xf32, #tpu.memory_space<hbm>>
    tpu.enqueue_indirect_dma source(%dma_start3A_24 : memref<10240x128xf32, #tpu.memory_space<hbm>>) target(%arg10 : memref<32x128xf32, #tpu.memory_space<vmem>>) offsets(%dma_start3A_21 : memref<32xi32, #tpu.memory_space<vmem>>) semaphore(%arg16 : memref<!tpu.dma_semaphore, #tpu.memory_space<semaphore_mem>>)
    %dma_start3A_25 = arith.constant 96 : i32
    %dma_start3A_26 = tpu.memref_slice %arg6[%dma_start3A_25] : memref<14080xi32, #tpu.memory_space<vmem>> -> memref<32xi32, #tpu.memory_space<vmem>>
    %dma_start3A_27 = arith.constant 0 : i32
    %dma_start3A_28 = arith.constant 0 : i32
    %dma_start3A_29 = tpu.memref_slice %arg2[%dma_start3A_27, %dma_start3A_28] : memref<10240x128xf32, #tpu.memory_space<hbm>> -> memref<10240x128xf32, #tpu.memory_space<hbm>>
    tpu.enqueue_indirect_dma source(%dma_start3A_29 : memref<10240x128xf32, #tpu.memory_space<hbm>>) target(%arg11 : memref<32x128xf32, #tpu.memory_space<vmem>>) offsets(%dma_start3A_26 : memref<32xi32, #tpu.memory_space<vmem>>) semaphore(%arg17 : memref<!tpu.dma_semaphore, #tpu.memory_space<semaphore_mem>>)
    %dma_start3A_30 = arith.constant 128 : i32
    %dma_start3A_31 = tpu.memref_slice %arg6[%dma_start3A_30] : memref<14080xi32, #tpu.memory_space<vmem>> -> memref<32xi32, #tpu.memory_space<vmem>>
    %dma_start3A_32 = arith.constant 0 : i32
    %dma_start3A_33 = arith.constant 0 : i32
    %dma_start3A_34 = tpu.memref_slice %arg2[%dma_start3A_32, %dma_start3A_33] : memref<10240x128xf32, #tpu.memory_space<hbm>> -> memref<10240x128xf32, #tpu.memory_space<hbm>>
    tpu.enqueue_indirect_dma source(%dma_start3A_34 : memref<10240x128xf32, #tpu.memory_space<hbm>>) target(%arg12 : memref<32x128xf32, #tpu.memory_space<vmem>>) offsets(%dma_start3A_31 : memref<32xi32, #tpu.memory_space<vmem>>) semaphore(%arg18 : memref<!tpu.dma_semaphore, #tpu.memory_space<semaphore_mem>>)
    %jit3A_35 = arith.constant 5 : i32
    %div3A = arith.divsi %select_n3A, %jit3A_35 : i32
    %sign3A = arith.constant 0 : i32
    %sign3A_36 = arith.cmpi sgt, %select_n3A, %sign3A : i32
    %sign3A_37 = arith.extui %sign3A_36 : i1 to i32
    %sign3A_38 = arith.constant 0 : i32
    %sign3A_39 = arith.cmpi slt, %select_n3A, %sign3A_38 : i32
    %sign3A_40 = arith.extui %sign3A_39 : i1 to i32
    %sign3A_41 = arith.subi %sign3A_37, %sign3A_40 : i32
    %sign3A_42 = arith.constant 0 : i32
    %sign3A_43 = arith.cmpi sgt, %jit3A_35, %sign3A_42 : i32
    %sign3A_44 = arith.extui %sign3A_43 : i1 to i32
    %sign3A_45 = arith.constant 0 : i32
    %sign3A_46 = arith.cmpi slt, %jit3A_35, %sign3A_45 : i32
    %sign3A_47 = arith.extui %sign3A_46 : i1 to i32
    %sign3A_48 = arith.subi %sign3A_44, %sign3A_47 : i32
    %ne3A = arith.cmpi ne, %sign3A_41, %sign3A_48 : i32
    %rem3A = arith.remsi %select_n3A, %jit3A_35 : i32
    %ne3A_49 = arith.constant 0 : i32
    %ne3A_50 = arith.cmpi ne, %rem3A, %ne3A_49 : i32
    %and3A = arith.andi %ne3A, %ne3A_50 : i1
    %sub3A = arith.constant 1 : i32
    %sub3A_51 = arith.subi %div3A, %sub3A : i32
    %select_n3A_52 = arith.select %and3A, %sub3A_51, %div3A : i32
    %while3A = arith.constant 0 : i32
    %while3A_53 = arith.constant 0 : i32
    %while3A_54 = arith.subi %select_n3A_52, %while3A_53 : i32
    %while3A_55 = arith.addi %while3A_53, %while3A_54 : i32
    %while3A_56 = arith.constant 1 : i32
    %while3A_57 = arith.divsi %while3A_54, %while3A_56 : i32
    %while3A_58 = arith.muli %while3A_57, %while3A_56 : i32
    %while3A_59 = arith.addi %while3A_53, %while3A_58 : i32
    %while3A_60 = arith.constant 1 : i32
    scf.for %while3A_63 = %while3A_53 to %while3A_59 step %while3A_60  : i32 {
      %mul3A_64 = arith.constant 5 : i32
      %mul3A_65 = arith.muli %while3A_63, %mul3A_64 : i32
      %add3A = arith.constant 0 : i32
      %add3A_66 = arith.addi %mul3A_65, %add3A : i32
      %dma_wait3A = arith.constant 0 : i32
      %dma_wait3A_67 = arith.constant 0 : i32
      %dma_wait3A_68 = tpu.memref_slice %arg2[%dma_wait3A, %dma_wait3A_67] : memref<10240x128xf32, #tpu.memory_space<hbm>> -> memref<32x128xf32, #tpu.memory_space<hbm>>
      %dma_wait3A_69 = arith.constant 0 : i32
      %dma_wait3A_70 = arith.constant 0 : i32
      %dma_wait3A_71 = tpu.memref_slice %arg2[%dma_wait3A_69, %dma_wait3A_70] : memref<10240x128xf32, #tpu.memory_space<hbm>> -> memref<32x128xf32, #tpu.memory_space<hbm>>
      tpu.wait_dma2 semaphore(%arg14 : memref<!tpu.dma_semaphore, #tpu.memory_space<semaphore_mem>>) src(%dma_wait3A_71 : memref<32x128xf32, #tpu.memory_space<hbm>>) dst(%arg8 : memref<32x128xf32, #tpu.memory_space<vmem>>)
      %mul3A_72 = arith.constant 32 : i32
      %mul3A_73 = arith.muli %add3A_66, %mul3A_72 : i32
      %get3A = arith.index_cast %mul3A_73 : i32 to index
      %get3A_74 = tpu.vector_load %arg7[%get3A] {strides = array<i32>} : memref<14080xi32, #tpu.memory_space<vmem>>, vector<16xi32>,
      %get3A_75 = vector.shape_cast %get3A_74 : vector<16xi32> to vector<16xi32>
      %mul3A_76 = arith.constant 32 : i32
      %mul3A_77 = arith.muli %add3A_66, %mul3A_76 : i32
      %add3A_78 = arith.constant 16 : i32
      %add3A_79 = arith.addi %mul3A_77, %add3A_78 : i32
      %get3A_80 = arith.index_cast %add3A_79 : i32 to index
      %get3A_81 = tpu.vector_load %arg7[%get3A_80] {strides = array<i32>} : memref<14080xi32, #tpu.memory_space<vmem>>, vector<16xi32>,
      %get3A_82 = vector.shape_cast %get3A_81 : vector<16xi32> to vector<16xi32>
      %dma_start3A_83 = arith.constant 0 : i32
      %dma_start3A_84 = arith.constant 0 : i32
      %dma_start3A_85 = tpu.memref_slice %arg8[%dma_start3A_83, %dma_start3A_84] : memref<32x128xf32, #tpu.memory_space<vmem>> -> memref<16x128xf32, #tpu.memory_space<vmem>>
      %dma_start3A_86 = arith.constant 0 : i32
      %dma_start3A_87 = arith.constant 0 : i32
      %dma_start3A_88 = tpu.memref_slice %arg13[%dma_start3A_86, %dma_start3A_87] : memref<10240x128xf32, #tpu.memory_space<vmem_shared>> -> memref<10240x128xf32, #tpu.memory_space<vmem_shared>>
      tpu.enqueue_indirect_dma source(%dma_start3A_85 : memref<16x128xf32, #tpu.memory_space<vmem>>) target(%dma_start3A_88 : memref<10240x128xf32, #tpu.memory_space<vmem_shared>>) offsets(%get3A_75 : vector<16xi32>) semaphore(%arg19 : memref<!tpu.dma_semaphore, #tpu.memory_space<semaphore_mem>>) {add = true}
      %dma_start3A_89 = arith.constant 16 : i32
      %dma_start3A_90 = arith.constant 0 : i32
      %dma_start3A_91 = tpu.memref_slice %arg8[%dma_start3A_89, %dma_start3A_90] : memref<32x128xf32, #tpu.memory_space<vmem>> -> memref<16x128xf32, #tpu.memory_space<vmem>>
      %dma_start3A_92 = arith.constant 0 : i32
      %dma_start3A_93 = arith.constant 0 : i32
      %dma_start3A_94 = tpu.memref_slice %arg13[%dma_start3A_92, %dma_start3A_93] : memref<10240x128xf32, #tpu.memory_space<vmem_shared>> -> memref<10240x128xf32, #tpu.memory_space<vmem_shared>>
      tpu.enqueue_indirect_dma source(%dma_start3A_91 : memref<16x128xf32, #tpu.memory_space<vmem>>) target(%dma_start3A_94 : memref<10240x128xf32, #tpu.memory_space<vmem_shared>>) offsets(%get3A_82 : vector<16xi32>) semaphore(%arg20 : memref<!tpu.dma_semaphore, #tpu.memory_space<semaphore_mem>>) {add = true}
      %dma_wait3A_95 = arith.constant 0 : i32
      %dma_wait3A_96 = arith.constant 0 : i32
      %dma_wait3A_97 = tpu.memref_slice %arg8[%dma_wait3A_95, %dma_wait3A_96] : memref<32x128xf32, #tpu.memory_space<vmem>> -> memref<16x128xf32, #tpu.memory_space<vmem>>
      %dma_wait3A_98 = arith.constant 0 : i32
      %dma_wait3A_99 = arith.constant 0 : i32
      %dma_wait3A_100 = tpu.memref_slice %arg13[%dma_wait3A_98, %dma_wait3A_99] : memref<10240x128xf32, #tpu.memory_space<vmem_shared>> -> memref<10240x128xf32, #tpu.memory_space<vmem_shared>>
      tpu.wait_indirect_dma semaphore(%arg19 : memref<!tpu.dma_semaphore, #tpu.memory_space<semaphore_mem>>) src(%dma_wait3A_97 : memref<16x128xf32, #tpu.memory_space<vmem>>) dst(%dma_wait3A_100 : memref<10240x128xf32, #tpu.memory_space<vmem_shared>>)
      %dma_wait3A_101 = arith.constant 16 : i32
      %dma_wait3A_102 = arith.constant 0 : i32
      %dma_wait3A_103 = tpu.memref_slice %arg8[%dma_wait3A_101, %dma_wait3A_102] : memref<32x128xf32, #tpu.memory_space<vmem>> -> memref<16x128xf32, #tpu.memory_space<vmem>>
      %dma_wait3A_104 = arith.constant 0 : i32
      %dma_wait3A_105 = arith.constant 0 : i32
      %dma_wait3A_106 = tpu.memref_slice %arg13[%dma_wait3A_104, %dma_wait3A_105] : memref<10240x128xf32, #tpu.memory_space<vmem_shared>> -> memref<10240x128xf32, #tpu.memory_space<vmem_shared>>
      tpu.wait_indirect_dma semaphore(%arg20 : memref<!tpu.dma_semaphore, #tpu.memory_space<semaphore_mem>>) src(%dma_wait3A_103 : memref<16x128xf32, #tpu.memory_space<vmem>>) dst(%dma_wait3A_106 : memref<10240x128xf32, #tpu.memory_space<vmem_shared>>)
      %add3A_107 = arith.constant 5 : i32
      %add3A_108 = arith.addi %add3A_66, %add3A_107 : i32
      %lt3A = arith.cmpi slt, %add3A_108, %select_n3A : i32
      %convert_element_type3A_109 = arith.extui %lt3A : i1 to i32
      %cond3A_110 = arith.constant 0 : i32
      %cond3A_111 = arith.cmpi ne, %convert_element_type3A_109, %cond3A_110 : i32
      scf.if %cond3A_111 {
        %mul3A_320 = arith.constant 32 : i32
        %mul3A_321 = arith.muli %add3A_108, %mul3A_320 : i32
        %dma_start3A_322 = tpu.memref_slice %arg6[%mul3A_321] : memref<14080xi32, #tpu.memory_space<vmem>> -> memref<32xi32, #tpu.memory_space<vmem>>
        %dma_start3A_323 = arith.constant 0 : i32
        %dma_start3A_324 = arith.constant 0 : i32
        %dma_start3A_325 = tpu.memref_slice %arg2[%dma_start3A_323, %dma_start3A_324] : memref<10240x128xf32, #tpu.memory_space<hbm>> -> memref<10240x128xf32, #tpu.memory_space<hbm>>
        tpu.enqueue_indirect_dma source(%dma_start3A_325 : memref<10240x128xf32, #tpu.memory_space<hbm>>) target(%arg8 : memref<32x128xf32, #tpu.memory_space<vmem>>) offsets(%dma_start3A_322 : memref<32xi32, #tpu.memory_space<vmem>>) semaphore(%arg14 : memref<!tpu.dma_semaphore, #tpu.memory_space<semaphore_mem>>)
      } else {
      }
      %mul3A_112 = arith.constant 5 : i32
      %mul3A_113 = arith.muli %while3A_63, %mul3A_112 : i32
      %add3A_114 = arith.constant 1 : i32
      %add3A_115 = arith.addi %mul3A_113, %add3A_114 : i32
      %dma_wait3A_116 = arith.constant 0 : i32
      %dma_wait3A_117 = arith.constant 0 : i32
      %dma_wait3A_118 = tpu.memref_slice %arg2[%dma_wait3A_116, %dma_wait3A_117] : memref<10240x128xf32, #tpu.memory_space<hbm>> -> memref<32x128xf32, #tpu.memory_space<hbm>>
      %dma_wait3A_119 = arith.constant 0 : i32
      %dma_wait3A_120 = arith.constant 0 : i32
      %dma_wait3A_121 = tpu.memref_slice %arg2[%dma_wait3A_119, %dma_wait3A_120] : memref<10240x128xf32, #tpu.memory_space<hbm>> -> memref<32x128xf32, #tpu.memory_space<hbm>>
      tpu.wait_dma2 semaphore(%arg15 : memref<!tpu.dma_semaphore, #tpu.memory_space<semaphore_mem>>) src(%dma_wait3A_121 : memref<32x128xf32, #tpu.memory_space<hbm>>) dst(%arg9 : memref<32x128xf32, #tpu.memory_space<vmem>>)
      %mul3A_122 = arith.constant 32 : i32
      %mul3A_123 = arith.muli %add3A_115, %mul3A_122 : i32
      %get3A_124 = arith.index_cast %mul3A_123 : i32 to index
      %get3A_125 = tpu.vector_load %arg7[%get3A_124] {strides = array<i32>} : memref<14080xi32, #tpu.memory_space<vmem>>, vector<16xi32>,
      %get3A_126 = vector.shape_cast %get3A_125 : vector<16xi32> to vector<16xi32>
      %mul3A_127 = arith.constant 32 : i32
      %mul3A_128 = arith.muli %add3A_115, %mul3A_127 : i32
      %add3A_129 = arith.constant 16 : i32
      %add3A_130 = arith.addi %mul3A_128, %add3A_129 : i32
      %get3A_131 = arith.index_cast %add3A_130 : i32 to index
      %get3A_132 = tpu.vector_load %arg7[%get3A_131] {strides = array<i32>} : memref<14080xi32, #tpu.memory_space<vmem>>, vector<16xi32>,
      %get3A_133 = vector.shape_cast %get3A_132 : vector<16xi32> to vector<16xi32>
      %dma_start3A_134 = arith.constant 0 : i32
      %dma_start3A_135 = arith.constant 0 : i32
      %dma_start3A_136 = tpu.memref_slice %arg9[%dma_start3A_134, %dma_start3A_135] : memref<32x128xf32, #tpu.memory_space<vmem>> -> memref<16x128xf32, #tpu.memory_space<vmem>>
      %dma_start3A_137 = arith.constant 0 : i32
      %dma_start3A_138 = arith.constant 0 : i32
      %dma_start3A_139 = tpu.memref_slice %arg13[%dma_start3A_137, %dma_start3A_138] : memref<10240x128xf32, #tpu.memory_space<vmem_shared>> -> memref<10240x128xf32, #tpu.memory_space<vmem_shared>>
      tpu.enqueue_indirect_dma source(%dma_start3A_136 : memref<16x128xf32, #tpu.memory_space<vmem>>) target(%dma_start3A_139 : memref<10240x128xf32, #tpu.memory_space<vmem_shared>>) offsets(%get3A_126 : vector<16xi32>) semaphore(%arg19 : memref<!tpu.dma_semaphore, #tpu.memory_space<semaphore_mem>>) {add = true}
      %dma_start3A_140 = arith.constant 16 : i32
      %dma_start3A_141 = arith.constant 0 : i32
      %dma_start3A_142 = tpu.memref_slice %arg9[%dma_start3A_140, %dma_start3A_141] : memref<32x128xf32, #tpu.memory_space<vmem>> -> memref<16x128xf32, #tpu.memory_space<vmem>>
      %dma_start3A_143 = arith.constant 0 : i32
      %dma_start3A_144 = arith.constant 0 : i32
      %dma_start3A_145 = tpu.memref_slice %arg13[%dma_start3A_143, %dma_start3A_144] : memref<10240x128xf32, #tpu.memory_space<vmem_shared>> -> memref<10240x128xf32, #tpu.memory_space<vmem_shared>>
      tpu.enqueue_indirect_dma source(%dma_start3A_142 : memref<16x128xf32, #tpu.memory_space<vmem>>) target(%dma_start3A_145 : memref<10240x128xf32, #tpu.memory_space<vmem_shared>>) offsets(%get3A_133 : vector<16xi32>) semaphore(%arg20 : memref<!tpu.dma_semaphore, #tpu.memory_space<semaphore_mem>>) {add = true}
      %dma_wait3A_146 = arith.constant 0 : i32
      %dma_wait3A_147 = arith.constant 0 : i32
      %dma_wait3A_148 = tpu.memref_slice %arg9[%dma_wait3A_146, %dma_wait3A_147] : memref<32x128xf32, #tpu.memory_space<vmem>> -> memref<16x128xf32, #tpu.memory_space<vmem>>
      %dma_wait3A_149 = arith.constant 0 : i32
      %dma_wait3A_150 = arith.constant 0 : i32
      %dma_wait3A_151 = tpu.memref_slice %arg13[%dma_wait3A_149, %dma_wait3A_150] : memref<10240x128xf32, #tpu.memory_space<vmem_shared>> -> memref<10240x128xf32, #tpu.memory_space<vmem_shared>>
      tpu.wait_indirect_dma semaphore(%arg19 : memref<!tpu.dma_semaphore, #tpu.memory_space<semaphore_mem>>) src(%dma_wait3A_148 : memref<16x128xf32, #tpu.memory_space<vmem>>) dst(%dma_wait3A_151 : memref<10240x128xf32, #tpu.memory_space<vmem_shared>>)
      %dma_wait3A_152 = arith.constant 16 : i32
      %dma_wait3A_153 = arith.constant 0 : i32
      %dma_wait3A_154 = tpu.memref_slice %arg9[%dma_wait3A_152, %dma_wait3A_153] : memref<32x128xf32, #tpu.memory_space<vmem>> -> memref<16x128xf32, #tpu.memory_space<vmem>>
      %dma_wait3A_155 = arith.constant 0 : i32
      %dma_wait3A_156 = arith.constant 0 : i32
      %dma_wait3A_157 = tpu.memref_slice %arg13[%dma_wait3A_155, %dma_wait3A_156] : memref<10240x128xf32, #tpu.memory_space<vmem_shared>> -> memref<10240x128xf32, #tpu.memory_space<vmem_shared>>
      tpu.wait_indirect_dma semaphore(%arg20 : memref<!tpu.dma_semaphore, #tpu.memory_space<semaphore_mem>>) src(%dma_wait3A_154 : memref<16x128xf32, #tpu.memory_space<vmem>>) dst(%dma_wait3A_157 : memref<10240x128xf32, #tpu.memory_space<vmem_shared>>)
      %add3A_158 = arith.constant 5 : i32
      %add3A_159 = arith.addi %add3A_115, %add3A_158 : i32
      %lt3A_160 = arith.cmpi slt, %add3A_159, %select_n3A : i32
      %convert_element_type3A_161 = arith.extui %lt3A_160 : i1 to i32
      %cond3A_162 = arith.constant 0 : i32
      %cond3A_163 = arith.cmpi ne, %convert_element_type3A_161, %cond3A_162 : i32
      scf.if %cond3A_163 {
        %mul3A_320 = arith.constant 32 : i32
        %mul3A_321 = arith.muli %add3A_159, %mul3A_320 : i32
        %dma_start3A_322 = tpu.memref_slice %arg6[%mul3A_321] : memref<14080xi32, #tpu.memory_space<vmem>> -> memref<32xi32, #tpu.memory_space<vmem>>
        %dma_start3A_323 = arith.constant 0 : i32
        %dma_start3A_324 = arith.constant 0 : i32
        %dma_start3A_325 = tpu.memref_slice %arg2[%dma_start3A_323, %dma_start3A_324] : memref<10240x128xf32, #tpu.memory_space<hbm>> -> memref<10240x128xf32, #tpu.memory_space<hbm>>
        tpu.enqueue_indirect_dma source(%dma_start3A_325 : memref<10240x128xf32, #tpu.memory_space<hbm>>) target(%arg9 : memref<32x128xf32, #tpu.memory_space<vmem>>) offsets(%dma_start3A_322 : memref<32xi32, #tpu.memory_space<vmem>>) semaphore(%arg15 : memref<!tpu.dma_semaphore, #tpu.memory_space<semaphore_mem>>)
      } else {
      }
      %mul3A_164 = arith.constant 5 : i32
      %mul3A_165 = arith.muli %while3A_63, %mul3A_164 : i32
      %add3A_166 = arith.constant 2 : i32
      %add3A_167 = arith.addi %mul3A_165, %add3A_166 : i32
      %dma_wait3A_168 = arith.constant 0 : i32
      %dma_wait3A_169 = arith.constant 0 : i32
      %dma_wait3A_170 = tpu.memref_slice %arg2[%dma_wait3A_168, %dma_wait3A_169] : memref<10240x128xf32, #tpu.memory_space<hbm>> -> memref<32x128xf32, #tpu.memory_space<hbm>>
      %dma_wait3A_171 = arith.constant 0 : i32
      %dma_wait3A_172 = arith.constant 0 : i32
      %dma_wait3A_173 = tpu.memref_slice %arg2[%dma_wait3A_171, %dma_wait3A_172] : memref<10240x128xf32, #tpu.memory_space<hbm>> -> memref<32x128xf32, #tpu.memory_space<hbm>>
      tpu.wait_dma2 semaphore(%arg16 : memref<!tpu.dma_semaphore, #tpu.memory_space<semaphore_mem>>) src(%dma_wait3A_173 : memref<32x128xf32, #tpu.memory_space<hbm>>) dst(%arg10 : memref<32x128xf32, #tpu.memory_space<vmem>>)
      %mul3A_174 = arith.constant 32 : i32
      %mul3A_175 = arith.muli %add3A_167, %mul3A_174 : i32
      %get3A_176 = arith.index_cast %mul3A_175 : i32 to index
      %get3A_177 = tpu.vector_load %arg7[%get3A_176] {strides = array<i32>} : memref<14080xi32, #tpu.memory_space<vmem>>, vector<16xi32>,
      %get3A_178 = vector.shape_cast %get3A_177 : vector<16xi32> to vector<16xi32>
      %mul3A_179 = arith.constant 32 : i32
      %mul3A_180 = arith.muli %add3A_167, %mul3A_179 : i32
      %add3A_181 = arith.constant 16 : i32
      %add3A_182 = arith.addi %mul3A_180, %add3A_181 : i32
      %get3A_183 = arith.index_cast %add3A_182 : i32 to index
      %get3A_184 = tpu.vector_load %arg7[%get3A_183] {strides = array<i32>} : memref<14080xi32, #tpu.memory_space<vmem>>, vector<16xi32>,
      %get3A_185 = vector.shape_cast %get3A_184 : vector<16xi32> to vector<16xi32>
      %dma_start3A_186 = arith.constant 0 : i32
      %dma_start3A_187 = arith.constant 0 : i32
      %dma_start3A_188 = tpu.memref_slice %arg10[%dma_start3A_186, %dma_start3A_187] : memref<32x128xf32, #tpu.memory_space<vmem>> -> memref<16x128xf32, #tpu.memory_space<vmem>>
      %dma_start3A_189 = arith.constant 0 : i32
      %dma_start3A_190 = arith.constant 0 : i32
      %dma_start3A_191 = tpu.memref_slice %arg13[%dma_start3A_189, %dma_start3A_190] : memref<10240x128xf32, #tpu.memory_space<vmem_shared>> -> memref<10240x128xf32, #tpu.memory_space<vmem_shared>>
      tpu.enqueue_indirect_dma source(%dma_start3A_188 : memref<16x128xf32, #tpu.memory_space<vmem>>) target(%dma_start3A_191 : memref<10240x128xf32, #tpu.memory_space<vmem_shared>>) offsets(%get3A_178 : vector<16xi32>) semaphore(%arg19 : memref<!tpu.dma_semaphore, #tpu.memory_space<semaphore_mem>>) {add = true}
      %dma_start3A_192 = arith.constant 16 : i32
      %dma_start3A_193 = arith.constant 0 : i32
      %dma_start3A_194 = tpu.memref_slice %arg10[%dma_start3A_192, %dma_start3A_193] : memref<32x128xf32, #tpu.memory_space<vmem>> -> memref<16x128xf32, #tpu.memory_space<vmem>>
      %dma_start3A_195 = arith.constant 0 : i32
      %dma_start3A_196 = arith.constant 0 : i32
      %dma_start3A_197 = tpu.memref_slice %arg13[%dma_start3A_195, %dma_start3A_196] : memref<10240x128xf32, #tpu.memory_space<vmem_shared>> -> memref<10240x128xf32, #tpu.memory_space<vmem_shared>>
      tpu.enqueue_indirect_dma source(%dma_start3A_194 : memref<16x128xf32, #tpu.memory_space<vmem>>) target(%dma_start3A_197 : memref<10240x128xf32, #tpu.memory_space<vmem_shared>>) offsets(%get3A_185 : vector<16xi32>) semaphore(%arg20 : memref<!tpu.dma_semaphore, #tpu.memory_space<semaphore_mem>>) {add = true}
      %dma_wait3A_198 = arith.constant 0 : i32
      %dma_wait3A_199 = arith.constant 0 : i32
      %dma_wait3A_200 = tpu.memref_slice %arg10[%dma_wait3A_198, %dma_wait3A_199] : memref<32x128xf32, #tpu.memory_space<vmem>> -> memref<16x128xf32, #tpu.memory_space<vmem>>
      %dma_wait3A_201 = arith.constant 0 : i32
      %dma_wait3A_202 = arith.constant 0 : i32
      %dma_wait3A_203 = tpu.memref_slice %arg13[%dma_wait3A_201, %dma_wait3A_202] : memref<10240x128xf32, #tpu.memory_space<vmem_shared>> -> memref<10240x128xf32, #tpu.memory_space<vmem_shared>>
      tpu.wait_indirect_dma semaphore(%arg19 : memref<!tpu.dma_semaphore, #tpu.memory_space<semaphore_mem>>) src(%dma_wait3A_200 : memref<16x128xf32, #tpu.memory_space<vmem>>) dst(%dma_wait3A_203 : memref<10240x128xf32, #tpu.memory_space<vmem_shared>>)
      %dma_wait3A_204 = arith.constant 16 : i32
      %dma_wait3A_205 = arith.constant 0 : i32
      %dma_wait3A_206 = tpu.memref_slice %arg10[%dma_wait3A_204, %dma_wait3A_205] : memref<32x128xf32, #tpu.memory_space<vmem>> -> memref<16x128xf32, #tpu.memory_space<vmem>>
      %dma_wait3A_207 = arith.constant 0 : i32
      %dma_wait3A_208 = arith.constant 0 : i32
      %dma_wait3A_209 = tpu.memref_slice %arg13[%dma_wait3A_207, %dma_wait3A_208] : memref<10240x128xf32, #tpu.memory_space<vmem_shared>> -> memref<10240x128xf32, #tpu.memory_space<vmem_shared>>
      tpu.wait_indirect_dma semaphore(%arg20 : memref<!tpu.dma_semaphore, #tpu.memory_space<semaphore_mem>>) src(%dma_wait3A_206 : memref<16x128xf32, #tpu.memory_space<vmem>>) dst(%dma_wait3A_209 : memref<10240x128xf32, #tpu.memory_space<vmem_shared>>)
      %add3A_210 = arith.constant 5 : i32
      %add3A_211 = arith.addi %add3A_167, %add3A_210 : i32
      %lt3A_212 = arith.cmpi slt, %add3A_211, %select_n3A : i32
      %convert_element_type3A_213 = arith.extui %lt3A_212 : i1 to i32
      %cond3A_214 = arith.constant 0 : i32
      %cond3A_215 = arith.cmpi ne, %convert_element_type3A_213, %cond3A_214 : i32
      scf.if %cond3A_215 {
        %mul3A_320 = arith.constant 32 : i32
        %mul3A_321 = arith.muli %add3A_211, %mul3A_320 : i32
        %dma_start3A_322 = tpu.memref_slice %arg6[%mul3A_321] : memref<14080xi32, #tpu.memory_space<vmem>> -> memref<32xi32, #tpu.memory_space<vmem>>
        %dma_start3A_323 = arith.constant 0 : i32
        %dma_start3A_324 = arith.constant 0 : i32
        %dma_start3A_325 = tpu.memref_slice %arg2[%dma_start3A_323, %dma_start3A_324] : memref<10240x128xf32, #tpu.memory_space<hbm>> -> memref<10240x128xf32, #tpu.memory_space<hbm>>
        tpu.enqueue_indirect_dma source(%dma_start3A_325 : memref<10240x128xf32, #tpu.memory_space<hbm>>) target(%arg10 : memref<32x128xf32, #tpu.memory_space<vmem>>) offsets(%dma_start3A_322 : memref<32xi32, #tpu.memory_space<vmem>>) semaphore(%arg16 : memref<!tpu.dma_semaphore, #tpu.memory_space<semaphore_mem>>)
      } else {
      }
      %mul3A_216 = arith.constant 5 : i32
      %mul3A_217 = arith.muli %while3A_63, %mul3A_216 : i32
      %add3A_218 = arith.constant 3 : i32
      %add3A_219 = arith.addi %mul3A_217, %add3A_218 : i32
      %dma_wait3A_220 = arith.constant 0 : i32
      %dma_wait3A_221 = arith.constant 0 : i32
      %dma_wait3A_222 = tpu.memref_slice %arg2[%dma_wait3A_220, %dma_wait3A_221] : memref<10240x128xf32, #tpu.memory_space<hbm>> -> memref<32x128xf32, #tpu.memory_space<hbm>>
      %dma_wait3A_223 = arith.constant 0 : i32
      %dma_wait3A_224 = arith.constant 0 : i32
      %dma_wait3A_225 = tpu.memref_slice %arg2[%dma_wait3A_223, %dma_wait3A_224] : memref<10240x128xf32, #tpu.memory_space<hbm>> -> memref<32x128xf32, #tpu.memory_space<hbm>>
      tpu.wait_dma2 semaphore(%arg17 : memref<!tpu.dma_semaphore, #tpu.memory_space<semaphore_mem>>) src(%dma_wait3A_225 : memref<32x128xf32, #tpu.memory_space<hbm>>) dst(%arg11 : memref<32x128xf32, #tpu.memory_space<vmem>>)
      %mul3A_226 = arith.constant 32 : i32
      %mul3A_227 = arith.muli %add3A_219, %mul3A_226 : i32
      %get3A_228 = arith.index_cast %mul3A_227 : i32 to index
      %get3A_229 = tpu.vector_load %arg7[%get3A_228] {strides = array<i32>} : memref<14080xi32, #tpu.memory_space<vmem>>, vector<16xi32>,
      %get3A_230 = vector.shape_cast %get3A_229 : vector<16xi32> to vector<16xi32>
      %mul3A_231 = arith.constant 32 : i32
      %mul3A_232 = arith.muli %add3A_219, %mul3A_231 : i32
      %add3A_233 = arith.constant 16 : i32
      %add3A_234 = arith.addi %mul3A_232, %add3A_233 : i32
      %get3A_235 = arith.index_cast %add3A_234 : i32 to index
      %get3A_236 = tpu.vector_load %arg7[%get3A_235] {strides = array<i32>} : memref<14080xi32, #tpu.memory_space<vmem>>, vector<16xi32>,
      %get3A_237 = vector.shape_cast %get3A_236 : vector<16xi32> to vector<16xi32>
      %dma_start3A_238 = arith.constant 0 : i32
      %dma_start3A_239 = arith.constant 0 : i32
      %dma_start3A_240 = tpu.memref_slice %arg11[%dma_start3A_238, %dma_start3A_239] : memref<32x128xf32, #tpu.memory_space<vmem>> -> memref<16x128xf32, #tpu.memory_space<vmem>>
      %dma_start3A_241 = arith.constant 0 : i32
      %dma_start3A_242 = arith.constant 0 : i32
      %dma_start3A_243 = tpu.memref_slice %arg13[%dma_start3A_241, %dma_start3A_242] : memref<10240x128xf32, #tpu.memory_space<vmem_shared>> -> memref<10240x128xf32, #tpu.memory_space<vmem_shared>>
      tpu.enqueue_indirect_dma source(%dma_start3A_240 : memref<16x128xf32, #tpu.memory_space<vmem>>) target(%dma_start3A_243 : memref<10240x128xf32, #tpu.memory_space<vmem_shared>>) offsets(%get3A_230 : vector<16xi32>) semaphore(%arg19 : memref<!tpu.dma_semaphore, #tpu.memory_space<semaphore_mem>>) {add = true}
      %dma_start3A_244 = arith.constant 16 : i32
      %dma_start3A_245 = arith.constant 0 : i32
      %dma_start3A_246 = tpu.memref_slice %arg11[%dma_start3A_244, %dma_start3A_245] : memref<32x128xf32, #tpu.memory_space<vmem>> -> memref<16x128xf32, #tpu.memory_space<vmem>>
      %dma_start3A_247 = arith.constant 0 : i32
      %dma_start3A_248 = arith.constant 0 : i32
      %dma_start3A_249 = tpu.memref_slice %arg13[%dma_start3A_247, %dma_start3A_248] : memref<10240x128xf32, #tpu.memory_space<vmem_shared>> -> memref<10240x128xf32, #tpu.memory_space<vmem_shared>>
      tpu.enqueue_indirect_dma source(%dma_start3A_246 : memref<16x128xf32, #tpu.memory_space<vmem>>) target(%dma_start3A_249 : memref<10240x128xf32, #tpu.memory_space<vmem_shared>>) offsets(%get3A_237 : vector<16xi32>) semaphore(%arg20 : memref<!tpu.dma_semaphore, #tpu.memory_space<semaphore_mem>>) {add = true}
      %dma_wait3A_250 = arith.constant 0 : i32
      %dma_wait3A_251 = arith.constant 0 : i32
      %dma_wait3A_252 = tpu.memref_slice %arg11[%dma_wait3A_250, %dma_wait3A_251] : memref<32x128xf32, #tpu.memory_space<vmem>> -> memref<16x128xf32, #tpu.memory_space<vmem>>
      %dma_wait3A_253 = arith.constant 0 : i32
      %dma_wait3A_254 = arith.constant 0 : i32
      %dma_wait3A_255 = tpu.memref_slice %arg13[%dma_wait3A_253, %dma_wait3A_254] : memref<10240x128xf32, #tpu.memory_space<vmem_shared>> -> memref<10240x128xf32, #tpu.memory_space<vmem_shared>>
      tpu.wait_indirect_dma semaphore(%arg19 : memref<!tpu.dma_semaphore, #tpu.memory_space<semaphore_mem>>) src(%dma_wait3A_252 : memref<16x128xf32, #tpu.memory_space<vmem>>) dst(%dma_wait3A_255 : memref<10240x128xf32, #tpu.memory_space<vmem_shared>>)
      %dma_wait3A_256 = arith.constant 16 : i32
      %dma_wait3A_257 = arith.constant 0 : i32
      %dma_wait3A_258 = tpu.memref_slice %arg11[%dma_wait3A_256, %dma_wait3A_257] : memref<32x128xf32, #tpu.memory_space<vmem>> -> memref<16x128xf32, #tpu.memory_space<vmem>>
      %dma_wait3A_259 = arith.constant 0 : i32
      %dma_wait3A_260 = arith.constant 0 : i32
      %dma_wait3A_261 = tpu.memref_slice %arg13[%dma_wait3A_259, %dma_wait3A_260] : memref<10240x128xf32, #tpu.memory_space<vmem_shared>> -> memref<10240x128xf32, #tpu.memory_space<vmem_shared>>
      tpu.wait_indirect_dma semaphore(%arg20 : memref<!tpu.dma_semaphore, #tpu.memory_space<semaphore_mem>>) src(%dma_wait3A_258 : memref<16x128xf32, #tpu.memory_space<vmem>>) dst(%dma_wait3A_261 : memref<10240x128xf32, #tpu.memory_space<vmem_shared>>)
      %add3A_262 = arith.constant 5 : i32
      %add3A_263 = arith.addi %add3A_219, %add3A_262 : i32
      %lt3A_264 = arith.cmpi slt, %add3A_263, %select_n3A : i32
      %convert_element_type3A_265 = arith.extui %lt3A_264 : i1 to i32
      %cond3A_266 = arith.constant 0 : i32
      %cond3A_267 = arith.cmpi ne, %convert_element_type3A_265, %cond3A_266 : i32
      scf.if %cond3A_267 {
        %mul3A_320 = arith.constant 32 : i32
        %mul3A_321 = arith.muli %add3A_263, %mul3A_320 : i32
        %dma_start3A_322 = tpu.memref_slice %arg6[%mul3A_321] : memref<14080xi32, #tpu.memory_space<vmem>> -> memref<32xi32, #tpu.memory_space<vmem>>
        %dma_start3A_323 = arith.constant 0 : i32
        %dma_start3A_324 = arith.constant 0 : i32
        %dma_start3A_325 = tpu.memref_slice %arg2[%dma_start3A_323, %dma_start3A_324] : memref<10240x128xf32, #tpu.memory_space<hbm>> -> memref<10240x128xf32, #tpu.memory_space<hbm>>
        tpu.enqueue_indirect_dma source(%dma_start3A_325 : memref<10240x128xf32, #tpu.memory_space<hbm>>) target(%arg11 : memref<32x128xf32, #tpu.memory_space<vmem>>) offsets(%dma_start3A_322 : memref<32xi32, #tpu.memory_space<vmem>>) semaphore(%arg17 : memref<!tpu.dma_semaphore, #tpu.memory_space<semaphore_mem>>)
      } else {
      }
      %mul3A_268 = arith.constant 5 : i32
      %mul3A_269 = arith.muli %while3A_63, %mul3A_268 : i32
      %add3A_270 = arith.constant 4 : i32
      %add3A_271 = arith.addi %mul3A_269, %add3A_270 : i32
      %dma_wait3A_272 = arith.constant 0 : i32
      %dma_wait3A_273 = arith.constant 0 : i32
      %dma_wait3A_274 = tpu.memref_slice %arg2[%dma_wait3A_272, %dma_wait3A_273] : memref<10240x128xf32, #tpu.memory_space<hbm>> -> memref<32x128xf32, #tpu.memory_space<hbm>>
      %dma_wait3A_275 = arith.constant 0 : i32
      %dma_wait3A_276 = arith.constant 0 : i32
      %dma_wait3A_277 = tpu.memref_slice %arg2[%dma_wait3A_275, %dma_wait3A_276] : memref<10240x128xf32, #tpu.memory_space<hbm>> -> memref<32x128xf32, #tpu.memory_space<hbm>>
      tpu.wait_dma2 semaphore(%arg18 : memref<!tpu.dma_semaphore, #tpu.memory_space<semaphore_mem>>) src(%dma_wait3A_277 : memref<32x128xf32, #tpu.memory_space<hbm>>) dst(%arg12 : memref<32x128xf32, #tpu.memory_space<vmem>>)
      %mul3A_278 = arith.constant 32 : i32
      %mul3A_279 = arith.muli %add3A_271, %mul3A_278 : i32
      %get3A_280 = arith.index_cast %mul3A_279 : i32 to index
      %get3A_281 = tpu.vector_load %arg7[%get3A_280] {strides = array<i32>} : memref<14080xi32, #tpu.memory_space<vmem>>, vector<16xi32>,
      %get3A_282 = vector.shape_cast %get3A_281 : vector<16xi32> to vector<16xi32>
      %mul3A_283 = arith.constant 32 : i32
      %mul3A_284 = arith.muli %add3A_271, %mul3A_283 : i32
      %add3A_285 = arith.constant 16 : i32
      %add3A_286 = arith.addi %mul3A_284, %add3A_285 : i32
      %get3A_287 = arith.index_cast %add3A_286 : i32 to index
      %get3A_288 = tpu.vector_load %arg7[%get3A_287] {strides = array<i32>} : memref<14080xi32, #tpu.memory_space<vmem>>, vector<16xi32>,
      %get3A_289 = vector.shape_cast %get3A_288 : vector<16xi32> to vector<16xi32>
      %dma_start3A_290 = arith.constant 0 : i32
      %dma_start3A_291 = arith.constant 0 : i32
      %dma_start3A_292 = tpu.memref_slice %arg12[%dma_start3A_290, %dma_start3A_291] : memref<32x128xf32, #tpu.memory_space<vmem>> -> memref<16x128xf32, #tpu.memory_space<vmem>>
      %dma_start3A_293 = arith.constant 0 : i32
      %dma_start3A_294 = arith.constant 0 : i32
      %dma_start3A_295 = tpu.memref_slice %arg13[%dma_start3A_293, %dma_start3A_294] : memref<10240x128xf32, #tpu.memory_space<vmem_shared>> -> memref<10240x128xf32, #tpu.memory_space<vmem_shared>>
      tpu.enqueue_indirect_dma source(%dma_start3A_292 : memref<16x128xf32, #tpu.memory_space<vmem>>) target(%dma_start3A_295 : memref<10240x128xf32, #tpu.memory_space<vmem_shared>>) offsets(%get3A_282 : vector<16xi32>) semaphore(%arg19 : memref<!tpu.dma_semaphore, #tpu.memory_space<semaphore_mem>>) {add = true}
      %dma_start3A_296 = arith.constant 16 : i32
      %dma_start3A_297 = arith.constant 0 : i32
      %dma_start3A_298 = tpu.memref_slice %arg12[%dma_start3A_296, %dma_start3A_297] : memref<32x128xf32, #tpu.memory_space<vmem>> -> memref<16x128xf32, #tpu.memory_space<vmem>>
      %dma_start3A_299 = arith.constant 0 : i32
      %dma_start3A_300 = arith.constant 0 : i32
      %dma_start3A_301 = tpu.memref_slice %arg13[%dma_start3A_299, %dma_start3A_300] : memref<10240x128xf32, #tpu.memory_space<vmem_shared>> -> memref<10240x128xf32, #tpu.memory_space<vmem_shared>>
      tpu.enqueue_indirect_dma source(%dma_start3A_298 : memref<16x128xf32, #tpu.memory_space<vmem>>) target(%dma_start3A_301 : memref<10240x128xf32, #tpu.memory_space<vmem_shared>>) offsets(%get3A_289 : vector<16xi32>) semaphore(%arg20 : memref<!tpu.dma_semaphore, #tpu.memory_space<semaphore_mem>>) {add = true}
      %dma_wait3A_302 = arith.constant 0 : i32
      %dma_wait3A_303 = arith.constant 0 : i32
      %dma_wait3A_304 = tpu.memref_slice %arg12[%dma_wait3A_302, %dma_wait3A_303] : memref<32x128xf32, #tpu.memory_space<vmem>> -> memref<16x128xf32, #tpu.memory_space<vmem>>
      %dma_wait3A_305 = arith.constant 0 : i32
      %dma_wait3A_306 = arith.constant 0 : i32
      %dma_wait3A_307 = tpu.memref_slice %arg13[%dma_wait3A_305, %dma_wait3A_306] : memref<10240x128xf32, #tpu.memory_space<vmem_shared>> -> memref<10240x128xf32, #tpu.memory_space<vmem_shared>>
      tpu.wait_indirect_dma semaphore(%arg19 : memref<!tpu.dma_semaphore, #tpu.memory_space<semaphore_mem>>) src(%dma_wait3A_304 : memref<16x128xf32, #tpu.memory_space<vmem>>) dst(%dma_wait3A_307 : memref<10240x128xf32, #tpu.memory_space<vmem_shared>>)
      %dma_wait3A_308 = arith.constant 16 : i32
      %dma_wait3A_309 = arith.constant 0 : i32
      %dma_wait3A_310 = tpu.memref_slice %arg12[%dma_wait3A_308, %dma_wait3A_309] : memref<32x128xf32, #tpu.memory_space<vmem>> -> memref<16x128xf32, #tpu.memory_space<vmem>>
      %dma_wait3A_311 = arith.constant 0 : i32
      %dma_wait3A_312 = arith.constant 0 : i32
      %dma_wait3A_313 = tpu.memref_slice %arg13[%dma_wait3A_311, %dma_wait3A_312] : memref<10240x128xf32, #tpu.memory_space<vmem_shared>> -> memref<10240x128xf32, #tpu.memory_space<vmem_shared>>
      tpu.wait_indirect_dma semaphore(%arg20 : memref<!tpu.dma_semaphore, #tpu.memory_space<semaphore_mem>>) src(%dma_wait3A_310 : memref<16x128xf32, #tpu.memory_space<vmem>>) dst(%dma_wait3A_313 : memref<10240x128xf32, #tpu.memory_space<vmem_shared>>)
      %add3A_314 = arith.constant 5 : i32
      %add3A_315 = arith.addi %add3A_271, %add3A_314 : i32
      %lt3A_316 = arith.cmpi slt, %add3A_315, %select_n3A : i32
      %convert_element_type3A_317 = arith.extui %lt3A_316 : i1 to i32
      %cond3A_318 = arith.constant 0 : i32
      %cond3A_319 = arith.cmpi ne, %convert_element_type3A_317, %cond3A_318 : i32
      scf.if %cond3A_319 {
        %mul3A_320 = arith.constant 32 : i32
        %mul3A_321 = arith.muli %add3A_315, %mul3A_320 : i32
        %dma_start3A_322 = tpu.memref_slice %arg6[%mul3A_321] : memref<14080xi32, #tpu.memory_space<vmem>> -> memref<32xi32, #tpu.memory_space<vmem>>
        %dma_start3A_323 = arith.constant 0 : i32
        %dma_start3A_324 = arith.constant 0 : i32
        %dma_start3A_325 = tpu.memref_slice %arg2[%dma_start3A_323, %dma_start3A_324] : memref<10240x128xf32, #tpu.memory_space<hbm>> -> memref<10240x128xf32, #tpu.memory_space<hbm>>
        tpu.enqueue_indirect_dma source(%dma_start3A_325 : memref<10240x128xf32, #tpu.memory_space<hbm>>) target(%arg12 : memref<32x128xf32, #tpu.memory_space<vmem>>) offsets(%dma_start3A_322 : memref<32xi32, #tpu.memory_space<vmem>>) semaphore(%arg18 : memref<!tpu.dma_semaphore, #tpu.memory_space<semaphore_mem>>)
      } else {
      }
    }
    %while3A_61 = arith.constant 1 : i32
    scf.for %while3A_63 = %while3A_59 to %while3A_55 step %while3A_61  : i32 {
      %mul3A_64 = arith.constant 5 : i32
      %mul3A_65 = arith.muli %while3A_63, %mul3A_64 : i32
      %add3A = arith.constant 0 : i32
      %add3A_66 = arith.addi %mul3A_65, %add3A : i32
      %dma_wait3A = arith.constant 0 : i32
      %dma_wait3A_67 = arith.constant 0 : i32
      %dma_wait3A_68 = tpu.memref_slice %arg2[%dma_wait3A, %dma_wait3A_67] : memref<10240x128xf32, #tpu.memory_space<hbm>> -> memref<32x128xf32, #tpu.memory_space<hbm>>
      %dma_wait3A_69 = arith.constant 0 : i32
      %dma_wait3A_70 = arith.constant 0 : i32
      %dma_wait3A_71 = tpu.memref_slice %arg2[%dma_wait3A_69, %dma_wait3A_70] : memref<10240x128xf32, #tpu.memory_space<hbm>> -> memref<32x128xf32, #tpu.memory_space<hbm>>
      tpu.wait_dma2 semaphore(%arg14 : memref<!tpu.dma_semaphore, #tpu.memory_space<semaphore_mem>>) src(%dma_wait3A_71 : memref<32x128xf32, #tpu.memory_space<hbm>>) dst(%arg8 : memref<32x128xf32, #tpu.memory_space<vmem>>)
      %mul3A_72 = arith.constant 32 : i32
      %mul3A_73 = arith.muli %add3A_66, %mul3A_72 : i32
      %get3A = arith.index_cast %mul3A_73 : i32 to index
      %get3A_74 = tpu.vector_load %arg7[%get3A] {strides = array<i32>} : memref<14080xi32, #tpu.memory_space<vmem>>, vector<16xi32>,
      %get3A_75 = vector.shape_cast %get3A_74 : vector<16xi32> to vector<16xi32>
      %mul3A_76 = arith.constant 32 : i32
      %mul3A_77 = arith.muli %add3A_66, %mul3A_76 : i32
      %add3A_78 = arith.constant 16 : i32
      %add3A_79 = arith.addi %mul3A_77, %add3A_78 : i32
      %get3A_80 = arith.index_cast %add3A_79 : i32 to index
      %get3A_81 = tpu.vector_load %arg7[%get3A_80] {strides = array<i32>} : memref<14080xi32, #tpu.memory_space<vmem>>, vector<16xi32>,
      %get3A_82 = vector.shape_cast %get3A_81 : vector<16xi32> to vector<16xi32>
      %dma_start3A_83 = arith.constant 0 : i32
      %dma_start3A_84 = arith.constant 0 : i32
      %dma_start3A_85 = tpu.memref_slice %arg8[%dma_start3A_83, %dma_start3A_84] : memref<32x128xf32, #tpu.memory_space<vmem>> -> memref<16x128xf32, #tpu.memory_space<vmem>>
      %dma_start3A_86 = arith.constant 0 : i32
      %dma_start3A_87 = arith.constant 0 : i32
      %dma_start3A_88 = tpu.memref_slice %arg13[%dma_start3A_86, %dma_start3A_87] : memref<10240x128xf32, #tpu.memory_space<vmem_shared>> -> memref<10240x128xf32, #tpu.memory_space<vmem_shared>>
      tpu.enqueue_indirect_dma source(%dma_start3A_85 : memref<16x128xf32, #tpu.memory_space<vmem>>) target(%dma_start3A_88 : memref<10240x128xf32, #tpu.memory_space<vmem_shared>>) offsets(%get3A_75 : vector<16xi32>) semaphore(%arg19 : memref<!tpu.dma_semaphore, #tpu.memory_space<semaphore_mem>>) {add = true}
      %dma_start3A_89 = arith.constant 16 : i32
      %dma_start3A_90 = arith.constant 0 : i32
      %dma_start3A_91 = tpu.memref_slice %arg8[%dma_start3A_89, %dma_start3A_90] : memref<32x128xf32, #tpu.memory_space<vmem>> -> memref<16x128xf32, #tpu.memory_space<vmem>>
      %dma_start3A_92 = arith.constant 0 : i32
      %dma_start3A_93 = arith.constant 0 : i32
      %dma_start3A_94 = tpu.memref_slice %arg13[%dma_start3A_92, %dma_start3A_93] : memref<10240x128xf32, #tpu.memory_space<vmem_shared>> -> memref<10240x128xf32, #tpu.memory_space<vmem_shared>>
      tpu.enqueue_indirect_dma source(%dma_start3A_91 : memref<16x128xf32, #tpu.memory_space<vmem>>) target(%dma_start3A_94 : memref<10240x128xf32, #tpu.memory_space<vmem_shared>>) offsets(%get3A_82 : vector<16xi32>) semaphore(%arg20 : memref<!tpu.dma_semaphore, #tpu.memory_space<semaphore_mem>>) {add = true}
      %dma_wait3A_95 = arith.constant 0 : i32
      %dma_wait3A_96 = arith.constant 0 : i32
      %dma_wait3A_97 = tpu.memref_slice %arg8[%dma_wait3A_95, %dma_wait3A_96] : memref<32x128xf32, #tpu.memory_space<vmem>> -> memref<16x128xf32, #tpu.memory_space<vmem>>
      %dma_wait3A_98 = arith.constant 0 : i32
      %dma_wait3A_99 = arith.constant 0 : i32
      %dma_wait3A_100 = tpu.memref_slice %arg13[%dma_wait3A_98, %dma_wait3A_99] : memref<10240x128xf32, #tpu.memory_space<vmem_shared>> -> memref<10240x128xf32, #tpu.memory_space<vmem_shared>>
      tpu.wait_indirect_dma semaphore(%arg19 : memref<!tpu.dma_semaphore, #tpu.memory_space<semaphore_mem>>) src(%dma_wait3A_97 : memref<16x128xf32, #tpu.memory_space<vmem>>) dst(%dma_wait3A_100 : memref<10240x128xf32, #tpu.memory_space<vmem_shared>>)
      %dma_wait3A_101 = arith.constant 16 : i32
      %dma_wait3A_102 = arith.constant 0 : i32
      %dma_wait3A_103 = tpu.memref_slice %arg8[%dma_wait3A_101, %dma_wait3A_102] : memref<32x128xf32, #tpu.memory_space<vmem>> -> memref<16x128xf32, #tpu.memory_space<vmem>>
      %dma_wait3A_104 = arith.constant 0 : i32
      %dma_wait3A_105 = arith.constant 0 : i32
      %dma_wait3A_106 = tpu.memref_slice %arg13[%dma_wait3A_104, %dma_wait3A_105] : memref<10240x128xf32, #tpu.memory_space<vmem_shared>> -> memref<10240x128xf32, #tpu.memory_space<vmem_shared>>
      tpu.wait_indirect_dma semaphore(%arg20 : memref<!tpu.dma_semaphore, #tpu.memory_space<semaphore_mem>>) src(%dma_wait3A_103 : memref<16x128xf32, #tpu.memory_space<vmem>>) dst(%dma_wait3A_106 : memref<10240x128xf32, #tpu.memory_space<vmem_shared>>)
      %add3A_107 = arith.constant 5 : i32
      %add3A_108 = arith.addi %add3A_66, %add3A_107 : i32
      %lt3A = arith.cmpi slt, %add3A_108, %select_n3A : i32
      %convert_element_type3A_109 = arith.extui %lt3A : i1 to i32
      %cond3A_110 = arith.constant 0 : i32
      %cond3A_111 = arith.cmpi ne, %convert_element_type3A_109, %cond3A_110 : i32
      scf.if %cond3A_111 {
        %mul3A_320 = arith.constant 32 : i32
        %mul3A_321 = arith.muli %add3A_108, %mul3A_320 : i32
        %dma_start3A_322 = tpu.memref_slice %arg6[%mul3A_321] : memref<14080xi32, #tpu.memory_space<vmem>> -> memref<32xi32, #tpu.memory_space<vmem>>
        %dma_start3A_323 = arith.constant 0 : i32
        %dma_start3A_324 = arith.constant 0 : i32
        %dma_start3A_325 = tpu.memref_slice %arg2[%dma_start3A_323, %dma_start3A_324] : memref<10240x128xf32, #tpu.memory_space<hbm>> -> memref<10240x128xf32, #tpu.memory_space<hbm>>
        tpu.enqueue_indirect_dma source(%dma_start3A_325 : memref<10240x128xf32, #tpu.memory_space<hbm>>) target(%arg8 : memref<32x128xf32, #tpu.memory_space<vmem>>) offsets(%dma_start3A_322 : memref<32xi32, #tpu.memory_space<vmem>>) semaphore(%arg14 : memref<!tpu.dma_semaphore, #tpu.memory_space<semaphore_mem>>)
      } else {
      }
      %mul3A_112 = arith.constant 5 : i32
      %mul3A_113 = arith.muli %while3A_63, %mul3A_112 : i32
      %add3A_114 = arith.constant 1 : i32
      %add3A_115 = arith.addi %mul3A_113, %add3A_114 : i32
      %dma_wait3A_116 = arith.constant 0 : i32
      %dma_wait3A_117 = arith.constant 0 : i32
      %dma_wait3A_118 = tpu.memref_slice %arg2[%dma_wait3A_116, %dma_wait3A_117] : memref<10240x128xf32, #tpu.memory_space<hbm>> -> memref<32x128xf32, #tpu.memory_space<hbm>>
      %dma_wait3A_119 = arith.constant 0 : i32
      %dma_wait3A_120 = arith.constant 0 : i32
      %dma_wait3A_121 = tpu.memref_slice %arg2[%dma_wait3A_119, %dma_wait3A_120] : memref<10240x128xf32, #tpu.memory_space<hbm>> -> memref<32x128xf32, #tpu.memory_space<hbm>>
      tpu.wait_dma2 semaphore(%arg15 : memref<!tpu.dma_semaphore, #tpu.memory_space<semaphore_mem>>) src(%dma_wait3A_121 : memref<32x128xf32, #tpu.memory_space<hbm>>) dst(%arg9 : memref<32x128xf32, #tpu.memory_space<vmem>>)
      %mul3A_122 = arith.constant 32 : i32
      %mul3A_123 = arith.muli %add3A_115, %mul3A_122 : i32
      %get3A_124 = arith.index_cast %mul3A_123 : i32 to index
      %get3A_125 = tpu.vector_load %arg7[%get3A_124] {strides = array<i32>} : memref<14080xi32, #tpu.memory_space<vmem>>, vector<16xi32>,
      %get3A_126 = vector.shape_cast %get3A_125 : vector<16xi32> to vector<16xi32>
      %mul3A_127 = arith.constant 32 : i32
      %mul3A_128 = arith.muli %add3A_115, %mul3A_127 : i32
      %add3A_129 = arith.constant 16 : i32
      %add3A_130 = arith.addi %mul3A_128, %add3A_129 : i32
      %get3A_131 = arith.index_cast %add3A_130 : i32 to index
      %get3A_132 = tpu.vector_load %arg7[%get3A_131] {strides = array<i32>} : memref<14080xi32, #tpu.memory_space<vmem>>, vector<16xi32>,
      %get3A_133 = vector.shape_cast %get3A_132 : vector<16xi32> to vector<16xi32>
      %dma_start3A_134 = arith.constant 0 : i32
      %dma_start3A_135 = arith.constant 0 : i32
      %dma_start3A_136 = tpu.memref_slice %arg9[%dma_start3A_134, %dma_start3A_135] : memref<32x128xf32, #tpu.memory_space<vmem>> -> memref<16x128xf32, #tpu.memory_space<vmem>>
      %dma_start3A_137 = arith.constant 0 : i32
      %dma_start3A_138 = arith.constant 0 : i32
      %dma_start3A_139 = tpu.memref_slice %arg13[%dma_start3A_137, %dma_start3A_138] : memref<10240x128xf32, #tpu.memory_space<vmem_shared>> -> memref<10240x128xf32, #tpu.memory_space<vmem_shared>>
      tpu.enqueue_indirect_dma source(%dma_start3A_136 : memref<16x128xf32, #tpu.memory_space<vmem>>) target(%dma_start3A_139 : memref<10240x128xf32, #tpu.memory_space<vmem_shared>>) offsets(%get3A_126 : vector<16xi32>) semaphore(%arg19 : memref<!tpu.dma_semaphore, #tpu.memory_space<semaphore_mem>>) {add = true}
      %dma_start3A_140 = arith.constant 16 : i32
      %dma_start3A_141 = arith.constant 0 : i32
      %dma_start3A_142 = tpu.memref_slice %arg9[%dma_start3A_140, %dma_start3A_141] : memref<32x128xf32, #tpu.memory_space<vmem>> -> memref<16x128xf32, #tpu.memory_space<vmem>>
      %dma_start3A_143 = arith.constant 0 : i32
      %dma_start3A_144 = arith.constant 0 : i32
      %dma_start3A_145 = tpu.memref_slice %arg13[%dma_start3A_143, %dma_start3A_144] : memref<10240x128xf32, #tpu.memory_space<vmem_shared>> -> memref<10240x128xf32, #tpu.memory_space<vmem_shared>>
      tpu.enqueue_indirect_dma source(%dma_start3A_142 : memref<16x128xf32, #tpu.memory_space<vmem>>) target(%dma_start3A_145 : memref<10240x128xf32, #tpu.memory_space<vmem_shared>>) offsets(%get3A_133 : vector<16xi32>) semaphore(%arg20 : memref<!tpu.dma_semaphore, #tpu.memory_space<semaphore_mem>>) {add = true}
      %dma_wait3A_146 = arith.constant 0 : i32
      %dma_wait3A_147 = arith.constant 0 : i32
      %dma_wait3A_148 = tpu.memref_slice %arg9[%dma_wait3A_146, %dma_wait3A_147] : memref<32x128xf32, #tpu.memory_space<vmem>> -> memref<16x128xf32, #tpu.memory_space<vmem>>
      %dma_wait3A_149 = arith.constant 0 : i32
      %dma_wait3A_150 = arith.constant 0 : i32
      %dma_wait3A_151 = tpu.memref_slice %arg13[%dma_wait3A_149, %dma_wait3A_150] : memref<10240x128xf32, #tpu.memory_space<vmem_shared>> -> memref<10240x128xf32, #tpu.memory_space<vmem_shared>>
      tpu.wait_indirect_dma semaphore(%arg19 : memref<!tpu.dma_semaphore, #tpu.memory_space<semaphore_mem>>) src(%dma_wait3A_148 : memref<16x128xf32, #tpu.memory_space<vmem>>) dst(%dma_wait3A_151 : memref<10240x128xf32, #tpu.memory_space<vmem_shared>>)
      %dma_wait3A_152 = arith.constant 16 : i32
      %dma_wait3A_153 = arith.constant 0 : i32
      %dma_wait3A_154 = tpu.memref_slice %arg9[%dma_wait3A_152, %dma_wait3A_153] : memref<32x128xf32, #tpu.memory_space<vmem>> -> memref<16x128xf32, #tpu.memory_space<vmem>>
      %dma_wait3A_155 = arith.constant 0 : i32
      %dma_wait3A_156 = arith.constant 0 : i32
      %dma_wait3A_157 = tpu.memref_slice %arg13[%dma_wait3A_155, %dma_wait3A_156] : memref<10240x128xf32, #tpu.memory_space<vmem_shared>> -> memref<10240x128xf32, #tpu.memory_space<vmem_shared>>
      tpu.wait_indirect_dma semaphore(%arg20 : memref<!tpu.dma_semaphore, #tpu.memory_space<semaphore_mem>>) src(%dma_wait3A_154 : memref<16x128xf32, #tpu.memory_space<vmem>>) dst(%dma_wait3A_157 : memref<10240x128xf32, #tpu.memory_space<vmem_shared>>)
      %add3A_158 = arith.constant 5 : i32
      %add3A_159 = arith.addi %add3A_115, %add3A_158 : i32
      %lt3A_160 = arith.cmpi slt, %add3A_159, %select_n3A : i32
      %convert_element_type3A_161 = arith.extui %lt3A_160 : i1 to i32
      %cond3A_162 = arith.constant 0 : i32
      %cond3A_163 = arith.cmpi ne, %convert_element_type3A_161, %cond3A_162 : i32
      scf.if %cond3A_163 {
        %mul3A_320 = arith.constant 32 : i32
        %mul3A_321 = arith.muli %add3A_159, %mul3A_320 : i32
        %dma_start3A_322 = tpu.memref_slice %arg6[%mul3A_321] : memref<14080xi32, #tpu.memory_space<vmem>> -> memref<32xi32, #tpu.memory_space<vmem>>
        %dma_start3A_323 = arith.constant 0 : i32
        %dma_start3A_324 = arith.constant 0 : i32
        %dma_start3A_325 = tpu.memref_slice %arg2[%dma_start3A_323, %dma_start3A_324] : memref<10240x128xf32, #tpu.memory_space<hbm>> -> memref<10240x128xf32, #tpu.memory_space<hbm>>
        tpu.enqueue_indirect_dma source(%dma_start3A_325 : memref<10240x128xf32, #tpu.memory_space<hbm>>) target(%arg9 : memref<32x128xf32, #tpu.memory_space<vmem>>) offsets(%dma_start3A_322 : memref<32xi32, #tpu.memory_space<vmem>>) semaphore(%arg15 : memref<!tpu.dma_semaphore, #tpu.memory_space<semaphore_mem>>)
      } else {
      }
      %mul3A_164 = arith.constant 5 : i32
      %mul3A_165 = arith.muli %while3A_63, %mul3A_164 : i32
      %add3A_166 = arith.constant 2 : i32
      %add3A_167 = arith.addi %mul3A_165, %add3A_166 : i32
      %dma_wait3A_168 = arith.constant 0 : i32
      %dma_wait3A_169 = arith.constant 0 : i32
      %dma_wait3A_170 = tpu.memref_slice %arg2[%dma_wait3A_168, %dma_wait3A_169] : memref<10240x128xf32, #tpu.memory_space<hbm>> -> memref<32x128xf32, #tpu.memory_space<hbm>>
      %dma_wait3A_171 = arith.constant 0 : i32
      %dma_wait3A_172 = arith.constant 0 : i32
      %dma_wait3A_173 = tpu.memref_slice %arg2[%dma_wait3A_171, %dma_wait3A_172] : memref<10240x128xf32, #tpu.memory_space<hbm>> -> memref<32x128xf32, #tpu.memory_space<hbm>>
      tpu.wait_dma2 semaphore(%arg16 : memref<!tpu.dma_semaphore, #tpu.memory_space<semaphore_mem>>) src(%dma_wait3A_173 : memref<32x128xf32, #tpu.memory_space<hbm>>) dst(%arg10 : memref<32x128xf32, #tpu.memory_space<vmem>>)
      %mul3A_174 = arith.constant 32 : i32
      %mul3A_175 = arith.muli %add3A_167, %mul3A_174 : i32
      %get3A_176 = arith.index_cast %mul3A_175 : i32 to index
      %get3A_177 = tpu.vector_load %arg7[%get3A_176] {strides = array<i32>} : memref<14080xi32, #tpu.memory_space<vmem>>, vector<16xi32>,
      %get3A_178 = vector.shape_cast %get3A_177 : vector<16xi32> to vector<16xi32>
      %mul3A_179 = arith.constant 32 : i32
      %mul3A_180 = arith.muli %add3A_167, %mul3A_179 : i32
      %add3A_181 = arith.constant 16 : i32
      %add3A_182 = arith.addi %mul3A_180, %add3A_181 : i32
      %get3A_183 = arith.index_cast %add3A_182 : i32 to index
      %get3A_184 = tpu.vector_load %arg7[%get3A_183] {strides = array<i32>} : memref<14080xi32, #tpu.memory_space<vmem>>, vector<16xi32>,
      %get3A_185 = vector.shape_cast %get3A_184 : vector<16xi32> to vector<16xi32>
      %dma_start3A_186 = arith.constant 0 : i32
      %dma_start3A_187 = arith.constant 0 : i32
      %dma_start3A_188 = tpu.memref_slice %arg10[%dma_start3A_186, %dma_start3A_187] : memref<32x128xf32, #tpu.memory_space<vmem>> -> memref<16x128xf32, #tpu.memory_space<vmem>>
      %dma_start3A_189 = arith.constant 0 : i32
      %dma_start3A_190 = arith.constant 0 : i32
      %dma_start3A_191 = tpu.memref_slice %arg13[%dma_start3A_189, %dma_start3A_190] : memref<10240x128xf32, #tpu.memory_space<vmem_shared>> -> memref<10240x128xf32, #tpu.memory_space<vmem_shared>>
      tpu.enqueue_indirect_dma source(%dma_start3A_188 : memref<16x128xf32, #tpu.memory_space<vmem>>) target(%dma_start3A_191 : memref<10240x128xf32, #tpu.memory_space<vmem_shared>>) offsets(%get3A_178 : vector<16xi32>) semaphore(%arg19 : memref<!tpu.dma_semaphore, #tpu.memory_space<semaphore_mem>>) {add = true}
      %dma_start3A_192 = arith.constant 16 : i32
      %dma_start3A_193 = arith.constant 0 : i32
      %dma_start3A_194 = tpu.memref_slice %arg10[%dma_start3A_192, %dma_start3A_193] : memref<32x128xf32, #tpu.memory_space<vmem>> -> memref<16x128xf32, #tpu.memory_space<vmem>>
      %dma_start3A_195 = arith.constant 0 : i32
      %dma_start3A_196 = arith.constant 0 : i32
      %dma_start3A_197 = tpu.memref_slice %arg13[%dma_start3A_195, %dma_start3A_196] : memref<10240x128xf32, #tpu.memory_space<vmem_shared>> -> memref<10240x128xf32, #tpu.memory_space<vmem_shared>>
      tpu.enqueue_indirect_dma source(%dma_start3A_194 : memref<16x128xf32, #tpu.memory_space<vmem>>) target(%dma_start3A_197 : memref<10240x128xf32, #tpu.memory_space<vmem_shared>>) offsets(%get3A_185 : vector<16xi32>) semaphore(%arg20 : memref<!tpu.dma_semaphore, #tpu.memory_space<semaphore_mem>>) {add = true}
      %dma_wait3A_198 = arith.constant 0 : i32
      %dma_wait3A_199 = arith.constant 0 : i32
      %dma_wait3A_200 = tpu.memref_slice %arg10[%dma_wait3A_198, %dma_wait3A_199] : memref<32x128xf32, #tpu.memory_space<vmem>> -> memref<16x128xf32, #tpu.memory_space<vmem>>
      %dma_wait3A_201 = arith.constant 0 : i32
      %dma_wait3A_202 = arith.constant 0 : i32
      %dma_wait3A_203 = tpu.memref_slice %arg13[%dma_wait3A_201, %dma_wait3A_202] : memref<10240x128xf32, #tpu.memory_space<vmem_shared>> -> memref<10240x128xf32, #tpu.memory_space<vmem_shared>>
      tpu.wait_indirect_dma semaphore(%arg19 : memref<!tpu.dma_semaphore, #tpu.memory_space<semaphore_mem>>) src(%dma_wait3A_200 : memref<16x128xf32, #tpu.memory_space<vmem>>) dst(%dma_wait3A_203 : memref<10240x128xf32, #tpu.memory_space<vmem_shared>>)
      %dma_wait3A_204 = arith.constant 16 : i32
      %dma_wait3A_205 = arith.constant 0 : i32
      %dma_wait3A_206 = tpu.memref_slice %arg10[%dma_wait3A_204, %dma_wait3A_205] : memref<32x128xf32, #tpu.memory_space<vmem>> -> memref<16x128xf32, #tpu.memory_space<vmem>>
      %dma_wait3A_207 = arith.constant 0 : i32
      %dma_wait3A_208 = arith.constant 0 : i32
      %dma_wait3A_209 = tpu.memref_slice %arg13[%dma_wait3A_207, %dma_wait3A_208] : memref<10240x128xf32, #tpu.memory_space<vmem_shared>> -> memref<10240x128xf32, #tpu.memory_space<vmem_shared>>
      tpu.wait_indirect_dma semaphore(%arg20 : memref<!tpu.dma_semaphore, #tpu.memory_space<semaphore_mem>>) src(%dma_wait3A_206 : memref<16x128xf32, #tpu.memory_space<vmem>>) dst(%dma_wait3A_209 : memref<10240x128xf32, #tpu.memory_space<vmem_shared>>)
      %add3A_210 = arith.constant 5 : i32
      %add3A_211 = arith.addi %add3A_167, %add3A_210 : i32
      %lt3A_212 = arith.cmpi slt, %add3A_211, %select_n3A : i32
      %convert_element_type3A_213 = arith.extui %lt3A_212 : i1 to i32
      %cond3A_214 = arith.constant 0 : i32
      %cond3A_215 = arith.cmpi ne, %convert_element_type3A_213, %cond3A_214 : i32
      scf.if %cond3A_215 {
        %mul3A_320 = arith.constant 32 : i32
        %mul3A_321 = arith.muli %add3A_211, %mul3A_320 : i32
        %dma_start3A_322 = tpu.memref_slice %arg6[%mul3A_321] : memref<14080xi32, #tpu.memory_space<vmem>> -> memref<32xi32, #tpu.memory_space<vmem>>
        %dma_start3A_323 = arith.constant 0 : i32
        %dma_start3A_324 = arith.constant 0 : i32
        %dma_start3A_325 = tpu.memref_slice %arg2[%dma_start3A_323, %dma_start3A_324] : memref<10240x128xf32, #tpu.memory_space<hbm>> -> memref<10240x128xf32, #tpu.memory_space<hbm>>
        tpu.enqueue_indirect_dma source(%dma_start3A_325 : memref<10240x128xf32, #tpu.memory_space<hbm>>) target(%arg10 : memref<32x128xf32, #tpu.memory_space<vmem>>) offsets(%dma_start3A_322 : memref<32xi32, #tpu.memory_space<vmem>>) semaphore(%arg16 : memref<!tpu.dma_semaphore, #tpu.memory_space<semaphore_mem>>)
      } else {
      }
      %mul3A_216 = arith.constant 5 : i32
      %mul3A_217 = arith.muli %while3A_63, %mul3A_216 : i32
      %add3A_218 = arith.constant 3 : i32
      %add3A_219 = arith.addi %mul3A_217, %add3A_218 : i32
      %dma_wait3A_220 = arith.constant 0 : i32
      %dma_wait3A_221 = arith.constant 0 : i32
      %dma_wait3A_222 = tpu.memref_slice %arg2[%dma_wait3A_220, %dma_wait3A_221] : memref<10240x128xf32, #tpu.memory_space<hbm>> -> memref<32x128xf32, #tpu.memory_space<hbm>>
      %dma_wait3A_223 = arith.constant 0 : i32
      %dma_wait3A_224 = arith.constant 0 : i32
      %dma_wait3A_225 = tpu.memref_slice %arg2[%dma_wait3A_223, %dma_wait3A_224] : memref<10240x128xf32, #tpu.memory_space<hbm>> -> memref<32x128xf32, #tpu.memory_space<hbm>>
      tpu.wait_dma2 semaphore(%arg17 : memref<!tpu.dma_semaphore, #tpu.memory_space<semaphore_mem>>) src(%dma_wait3A_225 : memref<32x128xf32, #tpu.memory_space<hbm>>) dst(%arg11 : memref<32x128xf32, #tpu.memory_space<vmem>>)
      %mul3A_226 = arith.constant 32 : i32
      %mul3A_227 = arith.muli %add3A_219, %mul3A_226 : i32
      %get3A_228 = arith.index_cast %mul3A_227 : i32 to index
      %get3A_229 = tpu.vector_load %arg7[%get3A_228] {strides = array<i32>} : memref<14080xi32, #tpu.memory_space<vmem>>, vector<16xi32>,
      %get3A_230 = vector.shape_cast %get3A_229 : vector<16xi32> to vector<16xi32>
      %mul3A_231 = arith.constant 32 : i32
      %mul3A_232 = arith.muli %add3A_219, %mul3A_231 : i32
      %add3A_233 = arith.constant 16 : i32
      %add3A_234 = arith.addi %mul3A_232, %add3A_233 : i32
      %get3A_235 = arith.index_cast %add3A_234 : i32 to index
      %get3A_236 = tpu.vector_load %arg7[%get3A_235] {strides = array<i32>} : memref<14080xi32, #tpu.memory_space<vmem>>, vector<16xi32>,
      %get3A_237 = vector.shape_cast %get3A_236 : vector<16xi32> to vector<16xi32>
      %dma_start3A_238 = arith.constant 0 : i32
      %dma_start3A_239 = arith.constant 0 : i32
      %dma_start3A_240 = tpu.memref_slice %arg11[%dma_start3A_238, %dma_start3A_239] : memref<32x128xf32, #tpu.memory_space<vmem>> -> memref<16x128xf32, #tpu.memory_space<vmem>>
      %dma_start3A_241 = arith.constant 0 : i32
      %dma_start3A_242 = arith.constant 0 : i32
      %dma_start3A_243 = tpu.memref_slice %arg13[%dma_start3A_241, %dma_start3A_242] : memref<10240x128xf32, #tpu.memory_space<vmem_shared>> -> memref<10240x128xf32, #tpu.memory_space<vmem_shared>>
      tpu.enqueue_indirect_dma source(%dma_start3A_240 : memref<16x128xf32, #tpu.memory_space<vmem>>) target(%dma_start3A_243 : memref<10240x128xf32, #tpu.memory_space<vmem_shared>>) offsets(%get3A_230 : vector<16xi32>) semaphore(%arg19 : memref<!tpu.dma_semaphore, #tpu.memory_space<semaphore_mem>>) {add = true}
      %dma_start3A_244 = arith.constant 16 : i32
      %dma_start3A_245 = arith.constant 0 : i32
      %dma_start3A_246 = tpu.memref_slice %arg11[%dma_start3A_244, %dma_start3A_245] : memref<32x128xf32, #tpu.memory_space<vmem>> -> memref<16x128xf32, #tpu.memory_space<vmem>>
      %dma_start3A_247 = arith.constant 0 : i32
      %dma_start3A_248 = arith.constant 0 : i32
      %dma_start3A_249 = tpu.memref_slice %arg13[%dma_start3A_247, %dma_start3A_248] : memref<10240x128xf32, #tpu.memory_space<vmem_shared>> -> memref<10240x128xf32, #tpu.memory_space<vmem_shared>>
      tpu.enqueue_indirect_dma source(%dma_start3A_246 : memref<16x128xf32, #tpu.memory_space<vmem>>) target(%dma_start3A_249 : memref<10240x128xf32, #tpu.memory_space<vmem_shared>>) offsets(%get3A_237 : vector<16xi32>) semaphore(%arg20 : memref<!tpu.dma_semaphore, #tpu.memory_space<semaphore_mem>>) {add = true}
      %dma_wait3A_250 = arith.constant 0 : i32
      %dma_wait3A_251 = arith.constant 0 : i32
      %dma_wait3A_252 = tpu.memref_slice %arg11[%dma_wait3A_250, %dma_wait3A_251] : memref<32x128xf32, #tpu.memory_space<vmem>> -> memref<16x128xf32, #tpu.memory_space<vmem>>
      %dma_wait3A_253 = arith.constant 0 : i32
      %dma_wait3A_254 = arith.constant 0 : i32
      %dma_wait3A_255 = tpu.memref_slice %arg13[%dma_wait3A_253, %dma_wait3A_254] : memref<10240x128xf32, #tpu.memory_space<vmem_shared>> -> memref<10240x128xf32, #tpu.memory_space<vmem_shared>>
      tpu.wait_indirect_dma semaphore(%arg19 : memref<!tpu.dma_semaphore, #tpu.memory_space<semaphore_mem>>) src(%dma_wait3A_252 : memref<16x128xf32, #tpu.memory_space<vmem>>) dst(%dma_wait3A_255 : memref<10240x128xf32, #tpu.memory_space<vmem_shared>>)
      %dma_wait3A_256 = arith.constant 16 : i32
      %dma_wait3A_257 = arith.constant 0 : i32
      %dma_wait3A_258 = tpu.memref_slice %arg11[%dma_wait3A_256, %dma_wait3A_257] : memref<32x128xf32, #tpu.memory_space<vmem>> -> memref<16x128xf32, #tpu.memory_space<vmem>>
      %dma_wait3A_259 = arith.constant 0 : i32
      %dma_wait3A_260 = arith.constant 0 : i32
      %dma_wait3A_261 = tpu.memref_slice %arg13[%dma_wait3A_259, %dma_wait3A_260] : memref<10240x128xf32, #tpu.memory_space<vmem_shared>> -> memref<10240x128xf32, #tpu.memory_space<vmem_shared>>
      tpu.wait_indirect_dma semaphore(%arg20 : memref<!tpu.dma_semaphore, #tpu.memory_space<semaphore_mem>>) src(%dma_wait3A_258 : memref<16x128xf32, #tpu.memory_space<vmem>>) dst(%dma_wait3A_261 : memref<10240x128xf32, #tpu.memory_space<vmem_shared>>)
      %add3A_262 = arith.constant 5 : i32
      %add3A_263 = arith.addi %add3A_219, %add3A_262 : i32
      %lt3A_264 = arith.cmpi slt, %add3A_263, %select_n3A : i32
      %convert_element_type3A_265 = arith.extui %lt3A_264 : i1 to i32
      %cond3A_266 = arith.constant 0 : i32
      %cond3A_267 = arith.cmpi ne, %convert_element_type3A_265, %cond3A_266 : i32
      scf.if %cond3A_267 {
        %mul3A_320 = arith.constant 32 : i32
        %mul3A_321 = arith.muli %add3A_263, %mul3A_320 : i32
        %dma_start3A_322 = tpu.memref_slice %arg6[%mul3A_321] : memref<14080xi32, #tpu.memory_space<vmem>> -> memref<32xi32, #tpu.memory_space<vmem>>
        %dma_start3A_323 = arith.constant 0 : i32
        %dma_start3A_324 = arith.constant 0 : i32
        %dma_start3A_325 = tpu.memref_slice %arg2[%dma_start3A_323, %dma_start3A_324] : memref<10240x128xf32, #tpu.memory_space<hbm>> -> memref<10240x128xf32, #tpu.memory_space<hbm>>
        tpu.enqueue_indirect_dma source(%dma_start3A_325 : memref<10240x128xf32, #tpu.memory_space<hbm>>) target(%arg11 : memref<32x128xf32, #tpu.memory_space<vmem>>) offsets(%dma_start3A_322 : memref<32xi32, #tpu.memory_space<vmem>>) semaphore(%arg17 : memref<!tpu.dma_semaphore, #tpu.memory_space<semaphore_mem>>)
      } else {
      }
      %mul3A_268 = arith.constant 5 : i32
      %mul3A_269 = arith.muli %while3A_63, %mul3A_268 : i32
      %add3A_270 = arith.constant 4 : i32
      %add3A_271 = arith.addi %mul3A_269, %add3A_270 : i32
      %dma_wait3A_272 = arith.constant 0 : i32
      %dma_wait3A_273 = arith.constant 0 : i32
      %dma_wait3A_274 = tpu.memref_slice %arg2[%dma_wait3A_272, %dma_wait3A_273] : memref<10240x128xf32, #tpu.memory_space<hbm>> -> memref<32x128xf32, #tpu.memory_space<hbm>>
      %dma_wait3A_275 = arith.constant 0 : i32
      %dma_wait3A_276 = arith.constant 0 : i32
      %dma_wait3A_277 = tpu.memref_slice %arg2[%dma_wait3A_275, %dma_wait3A_276] : memref<10240x128xf32, #tpu.memory_space<hbm>> -> memref<32x128xf32, #tpu.memory_space<hbm>>
      tpu.wait_dma2 semaphore(%arg18 : memref<!tpu.dma_semaphore, #tpu.memory_space<semaphore_mem>>) src(%dma_wait3A_277 : memref<32x128xf32, #tpu.memory_space<hbm>>) dst(%arg12 : memref<32x128xf32, #tpu.memory_space<vmem>>)
      %mul3A_278 = arith.constant 32 : i32
      %mul3A_279 = arith.muli %add3A_271, %mul3A_278 : i32
      %get3A_280 = arith.index_cast %mul3A_279 : i32 to index
      %get3A_281 = tpu.vector_load %arg7[%get3A_280] {strides = array<i32>} : memref<14080xi32, #tpu.memory_space<vmem>>, vector<16xi32>,
      %get3A_282 = vector.shape_cast %get3A_281 : vector<16xi32> to vector<16xi32>
      %mul3A_283 = arith.constant 32 : i32
      %mul3A_284 = arith.muli %add3A_271, %mul3A_283 : i32
      %add3A_285 = arith.constant 16 : i32
      %add3A_286 = arith.addi %mul3A_284, %add3A_285 : i32
      %get3A_287 = arith.index_cast %add3A_286 : i32 to index
      %get3A_288 = tpu.vector_load %arg7[%get3A_287] {strides = array<i32>} : memref<14080xi32, #tpu.memory_space<vmem>>, vector<16xi32>,
      %get3A_289 = vector.shape_cast %get3A_288 : vector<16xi32> to vector<16xi32>
      %dma_start3A_290 = arith.constant 0 : i32
      %dma_start3A_291 = arith.constant 0 : i32
      %dma_start3A_292 = tpu.memref_slice %arg12[%dma_start3A_290, %dma_start3A_291] : memref<32x128xf32, #tpu.memory_space<vmem>> -> memref<16x128xf32, #tpu.memory_space<vmem>>
      %dma_start3A_293 = arith.constant 0 : i32
      %dma_start3A_294 = arith.constant 0 : i32
      %dma_start3A_295 = tpu.memref_slice %arg13[%dma_start3A_293, %dma_start3A_294] : memref<10240x128xf32, #tpu.memory_space<vmem_shared>> -> memref<10240x128xf32, #tpu.memory_space<vmem_shared>>
      tpu.enqueue_indirect_dma source(%dma_start3A_292 : memref<16x128xf32, #tpu.memory_space<vmem>>) target(%dma_start3A_295 : memref<10240x128xf32, #tpu.memory_space<vmem_shared>>) offsets(%get3A_282 : vector<16xi32>) semaphore(%arg19 : memref<!tpu.dma_semaphore, #tpu.memory_space<semaphore_mem>>) {add = true}
      %dma_start3A_296 = arith.constant 16 : i32
      %dma_start3A_297 = arith.constant 0 : i32
      %dma_start3A_298 = tpu.memref_slice %arg12[%dma_start3A_296, %dma_start3A_297] : memref<32x128xf32, #tpu.memory_space<vmem>> -> memref<16x128xf32, #tpu.memory_space<vmem>>
      %dma_start3A_299 = arith.constant 0 : i32
      %dma_start3A_300 = arith.constant 0 : i32
      %dma_start3A_301 = tpu.memref_slice %arg13[%dma_start3A_299, %dma_start3A_300] : memref<10240x128xf32, #tpu.memory_space<vmem_shared>> -> memref<10240x128xf32, #tpu.memory_space<vmem_shared>>
      tpu.enqueue_indirect_dma source(%dma_start3A_298 : memref<16x128xf32, #tpu.memory_space<vmem>>) target(%dma_start3A_301 : memref<10240x128xf32, #tpu.memory_space<vmem_shared>>) offsets(%get3A_289 : vector<16xi32>) semaphore(%arg20 : memref<!tpu.dma_semaphore, #tpu.memory_space<semaphore_mem>>) {add = true}
      %dma_wait3A_302 = arith.constant 0 : i32
      %dma_wait3A_303 = arith.constant 0 : i32
      %dma_wait3A_304 = tpu.memref_slice %arg12[%dma_wait3A_302, %dma_wait3A_303] : memref<32x128xf32, #tpu.memory_space<vmem>> -> memref<16x128xf32, #tpu.memory_space<vmem>>
      %dma_wait3A_305 = arith.constant 0 : i32
      %dma_wait3A_306 = arith.constant 0 : i32
      %dma_wait3A_307 = tpu.memref_slice %arg13[%dma_wait3A_305, %dma_wait3A_306] : memref<10240x128xf32, #tpu.memory_space<vmem_shared>> -> memref<10240x128xf32, #tpu.memory_space<vmem_shared>>
      tpu.wait_indirect_dma semaphore(%arg19 : memref<!tpu.dma_semaphore, #tpu.memory_space<semaphore_mem>>) src(%dma_wait3A_304 : memref<16x128xf32, #tpu.memory_space<vmem>>) dst(%dma_wait3A_307 : memref<10240x128xf32, #tpu.memory_space<vmem_shared>>)
      %dma_wait3A_308 = arith.constant 16 : i32
      %dma_wait3A_309 = arith.constant 0 : i32
      %dma_wait3A_310 = tpu.memref_slice %arg12[%dma_wait3A_308, %dma_wait3A_309] : memref<32x128xf32, #tpu.memory_space<vmem>> -> memref<16x128xf32, #tpu.memory_space<vmem>>
      %dma_wait3A_311 = arith.constant 0 : i32
      %dma_wait3A_312 = arith.constant 0 : i32
      %dma_wait3A_313 = tpu.memref_slice %arg13[%dma_wait3A_311, %dma_wait3A_312] : memref<10240x128xf32, #tpu.memory_space<vmem_shared>> -> memref<10240x128xf32, #tpu.memory_space<vmem_shared>>
      tpu.wait_indirect_dma semaphore(%arg20 : memref<!tpu.dma_semaphore, #tpu.memory_space<semaphore_mem>>) src(%dma_wait3A_310 : memref<16x128xf32, #tpu.memory_space<vmem>>) dst(%dma_wait3A_313 : memref<10240x128xf32, #tpu.memory_space<vmem_shared>>)
      %add3A_314 = arith.constant 5 : i32
      %add3A_315 = arith.addi %add3A_271, %add3A_314 : i32
      %lt3A_316 = arith.cmpi slt, %add3A_315, %select_n3A : i32
      %convert_element_type3A_317 = arith.extui %lt3A_316 : i1 to i32
      %cond3A_318 = arith.constant 0 : i32
      %cond3A_319 = arith.cmpi ne, %convert_element_type3A_317, %cond3A_318 : i32
      scf.if %cond3A_319 {
        %mul3A_320 = arith.constant 32 : i32
        %mul3A_321 = arith.muli %add3A_315, %mul3A_320 : i32
        %dma_start3A_322 = tpu.memref_slice %arg6[%mul3A_321] : memref<14080xi32, #tpu.memory_space<vmem>> -> memref<32xi32, #tpu.memory_space<vmem>>
        %dma_start3A_323 = arith.constant 0 : i32
        %dma_start3A_324 = arith.constant 0 : i32
        %dma_start3A_325 = tpu.memref_slice %arg2[%dma_start3A_323, %dma_start3A_324] : memref<10240x128xf32, #tpu.memory_space<hbm>> -> memref<10240x128xf32, #tpu.memory_space<hbm>>
        tpu.enqueue_indirect_dma source(%dma_start3A_325 : memref<10240x128xf32, #tpu.memory_space<hbm>>) target(%arg12 : memref<32x128xf32, #tpu.memory_space<vmem>>) offsets(%dma_start3A_322 : memref<32xi32, #tpu.memory_space<vmem>>) semaphore(%arg18 : memref<!tpu.dma_semaphore, #tpu.memory_space<semaphore_mem>>)
      } else {
      }
    }
    %barrier3A_62 = arith.constant 0 : index
    tpu.barrier barrier_id(%barrier3A_62)
    "tpu.region"() ({
      %run_scoped3A = tpu.sem_alloc : memref<!tpu.dma_semaphore, #tpu.memory_space<semaphore_mem>>
      %dma_start3A_63 = arith.constant 0 : i32
      %dma_start3A_64 = tpu.memref_slice %arg5[%arg0, %mul3A_0, %dma_start3A_63] : memref<2x10240x128xf32, #tpu.memory_space<hbm>> -> memref<1x640x128xf32, #tpu.memory_space<hbm>>
      %dma_start3A_65 = tpu.memref_squeeze %dma_start3A_64 : memref<1x640x128xf32, #tpu.memory_space<hbm>> -> memref<640x128xf32, #tpu.memory_space<hbm>>
      %dma_start3A_66 = arith.constant 0 : i32
      %dma_start3A_67 = tpu.memref_slice %arg13[%mul3A_0, %dma_start3A_66] : memref<10240x128xf32, #tpu.memory_space<vmem_shared>> -> memref<640x128xf32, #tpu.memory_space<vmem_shared>>
      tpu.enqueue_dma source(%dma_start3A_67 : memref<640x128xf32, #tpu.memory_space<vmem_shared>>) target(%dma_start3A_65 : memref<640x128xf32, #tpu.memory_space<hbm>>) target_semaphore(%run_scoped3A : memref<!tpu.dma_semaphore, #tpu.memory_space<semaphore_mem>>)
      %dma_wait3A = arith.constant 0 : i32
      %dma_wait3A_68 = tpu.memref_slice %arg5[%arg0, %mul3A_0, %dma_wait3A] : memref<2x10240x128xf32, #tpu.memory_space<hbm>> -> memref<1x640x128xf32, #tpu.memory_space<hbm>>
      %dma_wait3A_69 = tpu.memref_squeeze %dma_wait3A_68 : memref<1x640x128xf32, #tpu.memory_space<hbm>> -> memref<640x128xf32, #tpu.memory_space<hbm>>
      %dma_wait3A_70 = arith.constant 0 : i32
      %dma_wait3A_71 = tpu.memref_slice %arg13[%mul3A_0, %dma_wait3A_70] : memref<10240x128xf32, #tpu.memory_space<vmem_shared>> -> memref<640x128xf32, #tpu.memory_space<vmem_shared>>
      tpu.wait_dma2 semaphore(%run_scoped3A : memref<!tpu.dma_semaphore, #tpu.memory_space<semaphore_mem>>) src(%dma_wait3A_71 : memref<640x128xf32, #tpu.memory_space<vmem_shared>>) dst(%dma_wait3A_69 : memref<640x128xf32, #tpu.memory_space<hbm>>)
      tpu.yield
    }) : () -> ()
    return
  }
}

#map = affine_map<(d0, d1) -> (0, 0)>
#map1 = affine_map<(d0, d1) -> (0)>
module attributes {stable_mosaic.version = 14 : i64} {
  func.func @dec(%arg0: i32, %arg1: i32, %arg2: memref<10240x128xf32, #tpu.memory_space<hbm>>, %arg3: memref<10000xi32, #tpu.memory_space<hbm>>, %arg4: memref<10000xi32, #tpu.memory_space<hbm>>, %arg5: memref<10000x16xf32, #tpu.memory_space<hbm>>, %arg6: memref<80xi32, #tpu.memory_space<vmem>>, %arg7: memref<80xi32, #tpu.memory_space<vmem>>, %arg8: memref<80x128xf32, #tpu.memory_space<vmem>>, %arg9: memref<80x128xf32, #tpu.memory_space<vmem>>, %arg10: memref<80x16xf32, #tpu.memory_space<vmem>>, %arg11: memref<!tpu.dma_semaphore, #tpu.memory_space<semaphore_mem>>, %arg12: memref<!tpu.dma_semaphore, #tpu.memory_space<semaphore_mem>>) attributes {dimension_semantics = [#tpu.dimension_semantics<core_parallel>, #tpu.dimension_semantics<subcore_parallel>], iteration_bounds = array<i64: 2, 16>, scalar_prefetch = 0 : i64, scratch_operands = 7 : i64, tpu.core_type = #tpu.core_type<sc_vector_subcore>, window_params = [{transform_indices = #map}, {transform_indices = #map1}, {transform_indices = #map1}, {transform_indices = #map}]} {
    %mul3A = arith.constant 16 : i32
    %mul3A_0 = arith.muli %arg0, %mul3A : i32
    %add3A = arith.addi %mul3A_0, %arg1 : i32
    %scan3A = arith.constant 0 : i32
    %scan3A_1 = arith.constant 0 : i32
    %scan3A_2 = arith.constant 4 : i32
    %scan3A_3 = arith.addi %scan3A_1, %scan3A_2 : i32
    %scan3A_4 = arith.constant 1 : i32
    scf.for %scan3A_6 = %scan3A_1 to %scan3A_3 step %scan3A_4  : i32 {
      %mul3A_7 = arith.constant 32 : i32
      %mul3A_8 = arith.muli %scan3A_6, %mul3A_7 : i32
      %add3A_9 = arith.addi %add3A, %mul3A_8 : i32
      %lt3A = arith.constant 125 : i32
      %lt3A_10 = arith.cmpi slt, %add3A_9, %lt3A : i32
      %convert_element_type3A = arith.extui %lt3A_10 : i1 to i32
      %cond3A = arith.constant 0 : i32
      %cond3A_11 = arith.cmpi ne, %convert_element_type3A, %cond3A : i32
      scf.if %cond3A_11 {
        %mul3A_12 = arith.constant 80 : i32
        %mul3A_13 = arith.muli %add3A_9, %mul3A_12 : i32
        "tpu.region"() ({
          %run_scoped3A = tpu.sem_alloc : memref<!tpu.dma_semaphore, #tpu.memory_space<semaphore_mem>>
          %dma_start3A_30 = tpu.memref_slice %arg3[%mul3A_13] : memref<10000xi32, #tpu.memory_space<hbm>> -> memref<80xi32, #tpu.memory_space<hbm>>
          %dma_start3A_31 = tpu.memref_slice %arg3[%mul3A_13] : memref<10000xi32, #tpu.memory_space<hbm>> -> memref<80xi32, #tpu.memory_space<hbm>>
          tpu.enqueue_dma source(%dma_start3A_31 : memref<80xi32, #tpu.memory_space<hbm>>) target(%arg6 : memref<80xi32, #tpu.memory_space<vmem>>) target_semaphore(%run_scoped3A : memref<!tpu.dma_semaphore, #tpu.memory_space<semaphore_mem>>)
          %dma_wait3A_32 = tpu.memref_slice %arg3[%mul3A_13] : memref<10000xi32, #tpu.memory_space<hbm>> -> memref<80xi32, #tpu.memory_space<hbm>>
          %dma_wait3A_33 = tpu.memref_slice %arg3[%mul3A_13] : memref<10000xi32, #tpu.memory_space<hbm>> -> memref<80xi32, #tpu.memory_space<hbm>>
          tpu.wait_dma2 semaphore(%run_scoped3A : memref<!tpu.dma_semaphore, #tpu.memory_space<semaphore_mem>>) src(%dma_wait3A_33 : memref<80xi32, #tpu.memory_space<hbm>>) dst(%arg6 : memref<80xi32, #tpu.memory_space<vmem>>)
          tpu.yield
        }) : () -> ()
        "tpu.region"() ({
          %run_scoped3A = tpu.sem_alloc : memref<!tpu.dma_semaphore, #tpu.memory_space<semaphore_mem>>
          %dma_start3A_30 = tpu.memref_slice %arg4[%mul3A_13] : memref<10000xi32, #tpu.memory_space<hbm>> -> memref<80xi32, #tpu.memory_space<hbm>>
          %dma_start3A_31 = tpu.memref_slice %arg4[%mul3A_13] : memref<10000xi32, #tpu.memory_space<hbm>> -> memref<80xi32, #tpu.memory_space<hbm>>
          tpu.enqueue_dma source(%dma_start3A_31 : memref<80xi32, #tpu.memory_space<hbm>>) target(%arg7 : memref<80xi32, #tpu.memory_space<vmem>>) target_semaphore(%run_scoped3A : memref<!tpu.dma_semaphore, #tpu.memory_space<semaphore_mem>>)
          %dma_wait3A_32 = tpu.memref_slice %arg4[%mul3A_13] : memref<10000xi32, #tpu.memory_space<hbm>> -> memref<80xi32, #tpu.memory_space<hbm>>
          %dma_wait3A_33 = tpu.memref_slice %arg4[%mul3A_13] : memref<10000xi32, #tpu.memory_space<hbm>> -> memref<80xi32, #tpu.memory_space<hbm>>
          tpu.wait_dma2 semaphore(%run_scoped3A : memref<!tpu.dma_semaphore, #tpu.memory_space<semaphore_mem>>) src(%dma_wait3A_33 : memref<80xi32, #tpu.memory_space<hbm>>) dst(%arg7 : memref<80xi32, #tpu.memory_space<vmem>>)
          tpu.yield
        }) : () -> ()
        %dma_start3A = arith.constant 0 : i32
        %dma_start3A_14 = arith.constant 0 : i32
        %dma_start3A_15 = tpu.memref_slice %arg2[%dma_start3A, %dma_start3A_14] : memref<10240x128xf32, #tpu.memory_space<hbm>> -> memref<10240x128xf32, #tpu.memory_space<hbm>>
        tpu.enqueue_indirect_dma source(%dma_start3A_15 : memref<10240x128xf32, #tpu.memory_space<hbm>>) target(%arg8 : memref<80x128xf32, #tpu.memory_space<vmem>>) offsets(%arg6 : memref<80xi32, #tpu.memory_space<vmem>>) semaphore(%arg11 : memref<!tpu.dma_semaphore, #tpu.memory_space<semaphore_mem>>)
        %dma_start3A_16 = arith.constant 0 : i32
        %dma_start3A_17 = arith.constant 0 : i32
        %dma_start3A_18 = tpu.memref_slice %arg2[%dma_start3A_16, %dma_start3A_17] : memref<10240x128xf32, #tpu.memory_space<hbm>> -> memref<10240x128xf32, #tpu.memory_space<hbm>>
        tpu.enqueue_indirect_dma source(%dma_start3A_18 : memref<10240x128xf32, #tpu.memory_space<hbm>>) target(%arg9 : memref<80x128xf32, #tpu.memory_space<vmem>>) offsets(%arg7 : memref<80xi32, #tpu.memory_space<vmem>>) semaphore(%arg12 : memref<!tpu.dma_semaphore, #tpu.memory_space<semaphore_mem>>)
        %dma_wait3A = arith.constant 0 : i32
        %dma_wait3A_19 = arith.constant 0 : i32
        %dma_wait3A_20 = tpu.memref_slice %arg2[%dma_wait3A, %dma_wait3A_19] : memref<10240x128xf32, #tpu.memory_space<hbm>> -> memref<10240x128xf32, #tpu.memory_space<hbm>>
        tpu.wait_indirect_dma semaphore(%arg11 : memref<!tpu.dma_semaphore, #tpu.memory_space<semaphore_mem>>) src(%dma_wait3A_20 : memref<10240x128xf32, #tpu.memory_space<hbm>>) dst(%arg8 : memref<80x128xf32, #tpu.memory_space<vmem>>)
        %dma_wait3A_21 = arith.constant 0 : i32
        %dma_wait3A_22 = arith.constant 0 : i32
        %dma_wait3A_23 = tpu.memref_slice %arg2[%dma_wait3A_21, %dma_wait3A_22] : memref<10240x128xf32, #tpu.memory_space<hbm>> -> memref<10240x128xf32, #tpu.memory_space<hbm>>
        tpu.wait_indirect_dma semaphore(%arg12 : memref<!tpu.dma_semaphore, #tpu.memory_space<semaphore_mem>>) src(%dma_wait3A_23 : memref<10240x128xf32, #tpu.memory_space<hbm>>) dst(%arg9 : memref<80x128xf32, #tpu.memory_space<vmem>>)
        %scan3A_24 = arith.constant 0 : i32
        %scan3A_25 = arith.constant 0 : i32
        %scan3A_26 = arith.constant 80 : i32
        %scan3A_27 = arith.addi %scan3A_25, %scan3A_26 : i32
        %scan3A_28 = arith.constant 1 : i32
        scf.for %scan3A_30 = %scan3A_25 to %scan3A_27 step %scan3A_28  : i32 {
          %get3A = arith.index_cast %scan3A_30 : i32 to index
          %get3A_31 = arith.constant 0 : index
          %get3A_32 = tpu.vector_load %arg8[%get3A, %get3A_31] {strides = array<i32>} : memref<80x128xf32, #tpu.memory_space<vmem>>, vector<1x16xf32>,
          %get3A_33 = vector.shape_cast %get3A_32 : vector<1x16xf32> to vector<16xf32>
          %get3A_34 = arith.index_cast %scan3A_30 : i32 to index
          %get3A_35 = arith.constant 0 : index
          %get3A_36 = tpu.vector_load %arg9[%get3A_34, %get3A_35] {strides = array<i32>} : memref<80x128xf32, #tpu.memory_space<vmem>>, vector<1x16xf32>,
          %get3A_37 = vector.shape_cast %get3A_36 : vector<1x16xf32> to vector<16xf32>
          %mul3A_38 = arith.mulf %get3A_33, %get3A_37 : vector<16xf32>
          %get3A_39 = arith.index_cast %scan3A_30 : i32 to index
          %get3A_40 = arith.constant 16 : index
          %get3A_41 = tpu.vector_load %arg8[%get3A_39, %get3A_40] {strides = array<i32>} : memref<80x128xf32, #tpu.memory_space<vmem>>, vector<1x16xf32>,
          %get3A_42 = vector.shape_cast %get3A_41 : vector<1x16xf32> to vector<16xf32>
          %get3A_43 = arith.index_cast %scan3A_30 : i32 to index
          %get3A_44 = arith.constant 16 : index
          %get3A_45 = tpu.vector_load %arg9[%get3A_43, %get3A_44] {strides = array<i32>} : memref<80x128xf32, #tpu.memory_space<vmem>>, vector<1x16xf32>,
          %get3A_46 = vector.shape_cast %get3A_45 : vector<1x16xf32> to vector<16xf32>
          %mul3A_47 = arith.mulf %get3A_42, %get3A_46 : vector<16xf32>
          %add3A_48 = arith.addf %mul3A_38, %mul3A_47 : vector<16xf32>
          %get3A_49 = arith.index_cast %scan3A_30 : i32 to index
          %get3A_50 = arith.constant 32 : index
          %get3A_51 = tpu.vector_load %arg8[%get3A_49, %get3A_50] {strides = array<i32>} : memref<80x128xf32, #tpu.memory_space<vmem>>, vector<1x16xf32>,
          %get3A_52 = vector.shape_cast %get3A_51 : vector<1x16xf32> to vector<16xf32>
          %get3A_53 = arith.index_cast %scan3A_30 : i32 to index
          %get3A_54 = arith.constant 32 : index
          %get3A_55 = tpu.vector_load %arg9[%get3A_53, %get3A_54] {strides = array<i32>} : memref<80x128xf32, #tpu.memory_space<vmem>>, vector<1x16xf32>,
          %get3A_56 = vector.shape_cast %get3A_55 : vector<1x16xf32> to vector<16xf32>
          %mul3A_57 = arith.mulf %get3A_52, %get3A_56 : vector<16xf32>
          %add3A_58 = arith.addf %add3A_48, %mul3A_57 : vector<16xf32>
          %get3A_59 = arith.index_cast %scan3A_30 : i32 to index
          %get3A_60 = arith.constant 48 : index
          %get3A_61 = tpu.vector_load %arg8[%get3A_59, %get3A_60] {strides = array<i32>} : memref<80x128xf32, #tpu.memory_space<vmem>>, vector<1x16xf32>,
          %get3A_62 = vector.shape_cast %get3A_61 : vector<1x16xf32> to vector<16xf32>
          %get3A_63 = arith.index_cast %scan3A_30 : i32 to index
          %get3A_64 = arith.constant 48 : index
          %get3A_65 = tpu.vector_load %arg9[%get3A_63, %get3A_64] {strides = array<i32>} : memref<80x128xf32, #tpu.memory_space<vmem>>, vector<1x16xf32>,
          %get3A_66 = vector.shape_cast %get3A_65 : vector<1x16xf32> to vector<16xf32>
          %mul3A_67 = arith.mulf %get3A_62, %get3A_66 : vector<16xf32>
          %add3A_68 = arith.addf %add3A_58, %mul3A_67 : vector<16xf32>
          %get3A_69 = arith.index_cast %scan3A_30 : i32 to index
          %get3A_70 = arith.constant 64 : index
          %get3A_71 = tpu.vector_load %arg8[%get3A_69, %get3A_70] {strides = array<i32>} : memref<80x128xf32, #tpu.memory_space<vmem>>, vector<1x16xf32>,
          %get3A_72 = vector.shape_cast %get3A_71 : vector<1x16xf32> to vector<16xf32>
          %get3A_73 = arith.index_cast %scan3A_30 : i32 to index
          %get3A_74 = arith.constant 64 : index
          %get3A_75 = tpu.vector_load %arg9[%get3A_73, %get3A_74] {strides = array<i32>} : memref<80x128xf32, #tpu.memory_space<vmem>>, vector<1x16xf32>,
          %get3A_76 = vector.shape_cast %get3A_75 : vector<1x16xf32> to vector<16xf32>
          %mul3A_77 = arith.mulf %get3A_72, %get3A_76 : vector<16xf32>
          %add3A_78 = arith.addf %add3A_68, %mul3A_77 : vector<16xf32>
          %get3A_79 = arith.index_cast %scan3A_30 : i32 to index
          %get3A_80 = arith.constant 80 : index
          %get3A_81 = tpu.vector_load %arg8[%get3A_79, %get3A_80] {strides = array<i32>} : memref<80x128xf32, #tpu.memory_space<vmem>>, vector<1x16xf32>,
          %get3A_82 = vector.shape_cast %get3A_81 : vector<1x16xf32> to vector<16xf32>
          %get3A_83 = arith.index_cast %scan3A_30 : i32 to index
          %get3A_84 = arith.constant 80 : index
          %get3A_85 = tpu.vector_load %arg9[%get3A_83, %get3A_84] {strides = array<i32>} : memref<80x128xf32, #tpu.memory_space<vmem>>, vector<1x16xf32>,
          %get3A_86 = vector.shape_cast %get3A_85 : vector<1x16xf32> to vector<16xf32>
          %mul3A_87 = arith.mulf %get3A_82, %get3A_86 : vector<16xf32>
          %add3A_88 = arith.addf %add3A_78, %mul3A_87 : vector<16xf32>
          %get3A_89 = arith.index_cast %scan3A_30 : i32 to index
          %get3A_90 = arith.constant 96 : index
          %get3A_91 = tpu.vector_load %arg8[%get3A_89, %get3A_90] {strides = array<i32>} : memref<80x128xf32, #tpu.memory_space<vmem>>, vector<1x16xf32>,
          %get3A_92 = vector.shape_cast %get3A_91 : vector<1x16xf32> to vector<16xf32>
          %get3A_93 = arith.index_cast %scan3A_30 : i32 to index
          %get3A_94 = arith.constant 96 : index
          %get3A_95 = tpu.vector_load %arg9[%get3A_93, %get3A_94] {strides = array<i32>} : memref<80x128xf32, #tpu.memory_space<vmem>>, vector<1x16xf32>,
          %get3A_96 = vector.shape_cast %get3A_95 : vector<1x16xf32> to vector<16xf32>
          %mul3A_97 = arith.mulf %get3A_92, %get3A_96 : vector<16xf32>
          %add3A_98 = arith.addf %add3A_88, %mul3A_97 : vector<16xf32>
          %get3A_99 = arith.index_cast %scan3A_30 : i32 to index
          %get3A_100 = arith.constant 112 : index
          %get3A_101 = tpu.vector_load %arg8[%get3A_99, %get3A_100] {strides = array<i32>} : memref<80x128xf32, #tpu.memory_space<vmem>>, vector<1x16xf32>,
          %get3A_102 = vector.shape_cast %get3A_101 : vector<1x16xf32> to vector<16xf32>
          %get3A_103 = arith.index_cast %scan3A_30 : i32 to index
          %get3A_104 = arith.constant 112 : index
          %get3A_105 = tpu.vector_load %arg9[%get3A_103, %get3A_104] {strides = array<i32>} : memref<80x128xf32, #tpu.memory_space<vmem>>, vector<1x16xf32>,
          %get3A_106 = vector.shape_cast %get3A_105 : vector<1x16xf32> to vector<16xf32>
          %mul3A_107 = arith.mulf %get3A_102, %get3A_106 : vector<16xf32>
          %add3A_108 = arith.addf %add3A_98, %mul3A_107 : vector<16xf32>
          %swap3A = arith.index_cast %scan3A_30 : i32 to index
          %swap3A_109 = arith.constant 0 : index
          %swap3A_110 = tpu.vector_load %arg10[%swap3A, %swap3A_109] {strides = array<i32>} : memref<80x16xf32, #tpu.memory_space<vmem>>, vector<1x16xf32>,
          %swap3A_111 = vector.shape_cast %swap3A_110 : vector<1x16xf32> to vector<16xf32>
          %swap3A_112 = vector.shape_cast %add3A_108 : vector<16xf32> to vector<1x16xf32>
          tpu.vector_store %arg10[%swap3A, %swap3A_109], %swap3A_112 {strides = array<i32>} : memref<80x16xf32, #tpu.memory_space<vmem>>, vector<1x16xf32>,
        }
        %scan3A_29 = arith.constant 80 : i32
        "tpu.region"() ({
          %run_scoped3A = tpu.sem_alloc : memref<!tpu.dma_semaphore, #tpu.memory_space<semaphore_mem>>
          %dma_start3A_30 = arith.constant 0 : i32
          %dma_start3A_31 = tpu.memref_slice %arg5[%mul3A_13, %dma_start3A_30] : memref<10000x16xf32, #tpu.memory_space<hbm>> -> memref<80x16xf32, #tpu.memory_space<hbm>>
          %dma_start3A_32 = arith.constant 0 : i32
          %dma_start3A_33 = tpu.memref_slice %arg5[%mul3A_13, %dma_start3A_32] : memref<10000x16xf32, #tpu.memory_space<hbm>> -> memref<80x16xf32, #tpu.memory_space<hbm>>
          tpu.enqueue_dma source(%arg10 : memref<80x16xf32, #tpu.memory_space<vmem>>) target(%dma_start3A_33 : memref<80x16xf32, #tpu.memory_space<hbm>>) target_semaphore(%run_scoped3A : memref<!tpu.dma_semaphore, #tpu.memory_space<semaphore_mem>>)
          %dma_wait3A_34 = arith.constant 0 : i32
          %dma_wait3A_35 = tpu.memref_slice %arg5[%mul3A_13, %dma_wait3A_34] : memref<10000x16xf32, #tpu.memory_space<hbm>> -> memref<80x16xf32, #tpu.memory_space<hbm>>
          %dma_wait3A_36 = arith.constant 0 : i32
          %dma_wait3A_37 = tpu.memref_slice %arg5[%mul3A_13, %dma_wait3A_36] : memref<10000x16xf32, #tpu.memory_space<hbm>> -> memref<80x16xf32, #tpu.memory_space<hbm>>
          tpu.wait_dma2 semaphore(%run_scoped3A : memref<!tpu.dma_semaphore, #tpu.memory_space<semaphore_mem>>) src(%arg10 : memref<80x16xf32, #tpu.memory_space<vmem>>) dst(%dma_wait3A_37 : memref<80x16xf32, #tpu.memory_space<hbm>>)
          tpu.yield
        }) : () -> ()
      } else {
      }
    }
    %scan3A_5 = arith.constant 4 : i32
    return
  }
}

module attributes {stable_mosaic.version = 14 : i64} {
  func.func @_tc1_body(%arg0: i32, %arg1: memref<1024x1xf32, #tpu.memory_space<vmem>>, %arg2: memref<1024x1xf32, #tpu.memory_space<vmem>>, %arg3: memref<1024x128xf32, #tpu.memory_space<vmem>>, %arg4: memref<128x128xf32, #tpu.memory_space<vmem>>, %arg5: memref<1024x128xf32, #tpu.memory_space<vmem>>) attributes {dimension_semantics = [#tpu.dimension_semantics<arbitrary>], iteration_bounds = array<i64: 10>, scalar_prefetch = 0 : i64, scratch_operands = 0 : i64, tpu.core_type = #tpu.core_type<tc>, window_params = [{transform_indices = @transform_0, window_bounds = array<i64: 1024, 1>}, {transform_indices = @transform_1, window_bounds = array<i64: 1024, 1>}, {transform_indices = @transform_2, window_bounds = array<i64: 1024, 128>}, {pipeline_mode = #tpu.pipeline_mode<synchronous>, transform_indices = @transform_3, window_bounds = array<i64: 128, 128>}, {transform_indices = @transform_4, window_bounds = array<i64: 1024, 128>}]} {
    %get3A = arith.constant 0 : index
    %get3A_0 = arith.constant 0 : index
    %get3A_1 = vector.load %arg1[%get3A, %get3A_0] : memref<1024x1xf32, #tpu.memory_space<vmem>>, vector<1024x1xf32>
    %get3A_2 = arith.constant 0 : index
    %get3A_3 = arith.constant 0 : index
    %get3A_4 = vector.load %arg2[%get3A_2, %get3A_3] : memref<1024x1xf32, #tpu.memory_space<vmem>>, vector<1024x1xf32>
    %add3A = arith.addf %get3A_1, %get3A_4 : vector<1024x1xf32>
    %add3A_5 = arith.constant 1.000000e+00 : f32
    %add3A_6 = vector.broadcast %add3A_5 : f32 to vector<1024x1xf32>
    %add3A_7 = arith.addf %add3A, %add3A_6 : vector<1024x1xf32>
    %rsqrt3A = math.rsqrt %add3A_7 : vector<1024x1xf32>
    %get3A_8 = arith.constant 0 : index
    %get3A_9 = arith.constant 0 : index
    %get3A_10 = vector.load %arg3[%get3A_8, %get3A_9] : memref<1024x128xf32, #tpu.memory_space<vmem>>, vector<1024x128xf32>
    %get3A_11 = arith.constant 0 : index
    %get3A_12 = arith.constant 0 : index
    %get3A_13 = vector.load %arg4[%get3A_11, %get3A_12] : memref<128x128xf32, #tpu.memory_space<vmem>>, vector<128x128xf32>
    %dot_general3A = arith.constant dense<0.000000e+00> : vector<1024x128xf32>
    %dot_general3A_14 = tpu.matmul %get3A_10, %get3A_13, %dot_general3A {dimension_numbers = #tpu.dot_dimension_numbers<[1], [0], [0], [1], [0, 0, 1, 1], [], []>, transpose_lhs_hint = false} : vector<1024x128xf32>, vector<128x128xf32>, vector<1024x128xf32> -> vector<1024x128xf32>
    %mul3A = vector.broadcast %rsqrt3A : vector<1024x1xf32> to vector<1024x128xf32>
    %mul3A_15 = arith.mulf %dot_general3A_14, %mul3A : vector<1024x128xf32>
    %swap3A = arith.constant 0 : index
    %swap3A_16 = arith.constant 0 : index
    %swap3A_17 = vector.load %arg5[%swap3A, %swap3A_16] : memref<1024x128xf32, #tpu.memory_space<vmem>>, vector<1024x128xf32>
    tpu.vector_store %arg5[%swap3A, %swap3A_16], %mul3A_15 {strides = array<i32>} : memref<1024x128xf32, #tpu.memory_space<vmem>>, vector<1024x128xf32>,
    return
  }
  func.func @transform_0(%arg0: i32) -> (i32, i32) {
    %c0_i32 = arith.constant 0 : i32
    %c0_i32_0 = arith.constant 0 : i32
    return %arg0, %c0_i32 : i32, i32
  }
  func.func @transform_1(%arg0: i32) -> (i32, i32) {
    %c0_i32 = arith.constant 0 : i32
    %c0_i32_0 = arith.constant 0 : i32
    return %arg0, %c0_i32 : i32, i32
  }
  func.func @transform_2(%arg0: i32) -> (i32, i32) {
    %c0_i32 = arith.constant 0 : i32
    %c0_i32_0 = arith.constant 0 : i32
    return %arg0, %c0_i32 : i32, i32
  }
  func.func @transform_3(%arg0: i32) -> (i32, i32) {
    %c0_i32 = arith.constant 0 : i32
    %c0_i32_0 = arith.constant 0 : i32
    %c0_i32_1 = arith.constant 0 : i32
    return %c0_i32, %c0_i32_0 : i32, i32
  }
  func.func @transform_4(%arg0: i32) -> (i32, i32) {
    %c0_i32 = arith.constant 0 : i32
    %c0_i32_0 = arith.constant 0 : i32
    return %arg0, %c0_i32 : i32, i32
  }
}

module attributes {stable_mosaic.version = 14 : i64} {
  func.func @_tc2_body(%arg0: i32, %arg1: memref<2x1024x128xf32, #tpu.memory_space<vmem>>, %arg2: memref<1024x1xf32, #tpu.memory_space<vmem>>, %arg3: memref<1024x1xf32, #tpu.memory_space<vmem>>, %arg4: memref<1x128xf32, #tpu.memory_space<vmem>>, %arg5: memref<128x128xf32, #tpu.memory_space<vmem>>, %arg6: memref<1024x128xf32, #tpu.memory_space<vmem>>) attributes {dimension_semantics = [#tpu.dimension_semantics<arbitrary>], iteration_bounds = array<i64: 10>, scalar_prefetch = 0 : i64, scratch_operands = 0 : i64, tpu.core_type = #tpu.core_type<tc>, window_params = [{transform_indices = @transform_0, window_bounds = array<i64: 2, 1024, 128>}, {transform_indices = @transform_1, window_bounds = array<i64: 1024, 1>}, {transform_indices = @transform_2, window_bounds = array<i64: 1024, 1>}, {pipeline_mode = #tpu.pipeline_mode<synchronous>, transform_indices = @transform_3, window_bounds = array<i64: 1, 128>}, {pipeline_mode = #tpu.pipeline_mode<synchronous>, transform_indices = @transform_4, window_bounds = array<i64: 128, 128>}, {transform_indices = @transform_5, window_bounds = array<i64: 1024, 128>}]} {
    %get3A = arith.constant 0 : index
    %get3A_0 = arith.constant 0 : index
    %get3A_1 = vector.load %arg2[%get3A, %get3A_0] : memref<1024x1xf32, #tpu.memory_space<vmem>>, vector<1024x1xf32>
    %get3A_2 = arith.constant 0 : index
    %get3A_3 = arith.constant 0 : index
    %get3A_4 = vector.load %arg3[%get3A_2, %get3A_3] : memref<1024x1xf32, #tpu.memory_space<vmem>>, vector<1024x1xf32>
    %add3A = arith.addf %get3A_1, %get3A_4 : vector<1024x1xf32>
    %add3A_5 = arith.constant 1.000000e+00 : f32
    %add3A_6 = vector.broadcast %add3A_5 : f32 to vector<1024x1xf32>
    %add3A_7 = arith.addf %add3A, %add3A_6 : vector<1024x1xf32>
    %rsqrt3A = math.rsqrt %add3A_7 : vector<1024x1xf32>
    %get3A_8 = arith.constant 0 : index
    %get3A_9 = arith.constant 0 : index
    %get3A_10 = arith.constant 0 : index
    %get3A_11 = vector.load %arg1[%get3A_8, %get3A_9, %get3A_10] : memref<2x1024x128xf32, #tpu.memory_space<vmem>>, vector<1x1024x128xf32>
    %get3A_12 = vector.shape_cast %get3A_11 : vector<1x1024x128xf32> to vector<1024x128xf32>
    %get3A_13 = arith.constant 1 : index
    %get3A_14 = arith.constant 0 : index
    %get3A_15 = arith.constant 0 : index
    %get3A_16 = vector.load %arg1[%get3A_13, %get3A_14, %get3A_15] : memref<2x1024x128xf32, #tpu.memory_space<vmem>>, vector<1x1024x128xf32>
    %get3A_17 = vector.shape_cast %get3A_16 : vector<1x1024x128xf32> to vector<1024x128xf32>
    %add3A_18 = arith.addf %get3A_12, %get3A_17 : vector<1024x128xf32>
    %mul3A = vector.broadcast %rsqrt3A : vector<1024x1xf32> to vector<1024x128xf32>
    %mul3A_19 = arith.mulf %add3A_18, %mul3A : vector<1024x128xf32>
    %get3A_20 = arith.constant 0 : index
    %get3A_21 = arith.constant 0 : index
    %get3A_22 = vector.load %arg4[%get3A_20, %get3A_21] : memref<1x128xf32, #tpu.memory_space<vmem>>, vector<1x128xf32>
    %add3A_23 = vector.broadcast %get3A_22 : vector<1x128xf32> to vector<1024x128xf32>
    %add3A_24 = arith.addf %mul3A_19, %add3A_23 : vector<1024x128xf32>
    %max3A = arith.constant 0.000000e+00 : f32
    %max3A_25 = vector.broadcast %max3A : f32 to vector<1024x128xf32>
    %max3A_26 = arith.maximumf %add3A_24, %max3A_25 : vector<1024x128xf32>
    %get3A_27 = arith.constant 0 : index
    %get3A_28 = arith.constant 0 : index
    %get3A_29 = vector.load %arg5[%get3A_27, %get3A_28] : memref<128x128xf32, #tpu.memory_space<vmem>>, vector<128x128xf32>
    %dot_general3A = arith.constant dense<0.000000e+00> : vector<1024x128xf32>
    %dot_general3A_30 = tpu.matmul %max3A_26, %get3A_29, %dot_general3A {dimension_numbers = #tpu.dot_dimension_numbers<[1], [0], [0], [1], [0, 0, 1, 1], [], []>, transpose_lhs_hint = false} : vector<1024x128xf32>, vector<128x128xf32>, vector<1024x128xf32> -> vector<1024x128xf32>
    %mul3A_31 = vector.broadcast %rsqrt3A : vector<1024x1xf32> to vector<1024x128xf32>
    %mul3A_32 = arith.mulf %dot_general3A_30, %mul3A_31 : vector<1024x128xf32>
    %swap3A = arith.constant 0 : index
    %swap3A_33 = arith.constant 0 : index
    %swap3A_34 = vector.load %arg6[%swap3A, %swap3A_33] : memref<1024x128xf32, #tpu.memory_space<vmem>>, vector<1024x128xf32>
    tpu.vector_store %arg6[%swap3A, %swap3A_33], %mul3A_32 {strides = array<i32>} : memref<1024x128xf32, #tpu.memory_space<vmem>>, vector<1024x128xf32>,
    return
  }
  func.func @transform_0(%arg0: i32) -> (i32, i32, i32) {
    %c0_i32 = arith.constant 0 : i32
    %c0_i32_0 = arith.constant 0 : i32
    %c0_i32_1 = arith.constant 0 : i32
    return %c0_i32, %arg0, %c0_i32_0 : i32, i32, i32
  }
  func.func @transform_1(%arg0: i32) -> (i32, i32) {
    %c0_i32 = arith.constant 0 : i32
    %c0_i32_0 = arith.constant 0 : i32
    return %arg0, %c0_i32 : i32, i32
  }
  func.func @transform_2(%arg0: i32) -> (i32, i32) {
    %c0_i32 = arith.constant 0 : i32
    %c0_i32_0 = arith.constant 0 : i32
    return %arg0, %c0_i32 : i32, i32
  }
  func.func @transform_3(%arg0: i32) -> (i32, i32) {
    %c0_i32 = arith.constant 0 : i32
    %c0_i32_0 = arith.constant 0 : i32
    %c0_i32_1 = arith.constant 0 : i32
    return %c0_i32, %c0_i32_0 : i32, i32
  }
  func.func @transform_4(%arg0: i32) -> (i32, i32) {
    %c0_i32 = arith.constant 0 : i32
    %c0_i32_0 = arith.constant 0 : i32
    %c0_i32_1 = arith.constant 0 : i32
    return %c0_i32, %c0_i32_0 : i32, i32
  }
  func.func @transform_5(%arg0: i32) -> (i32, i32) {
    %c0_i32 = arith.constant 0 : i32
    %c0_i32_0 = arith.constant 0 : i32
    return %arg0, %c0_i32 : i32, i32
  }
}

module attributes {stable_mosaic.version = 14 : i64} {
  func.func @_tc3_body(%arg0: i32, %arg1: memref<2x1024x128xf32, #tpu.memory_space<vmem>>, %arg2: memref<1024x1xf32, #tpu.memory_space<vmem>>, %arg3: memref<1024x1xf32, #tpu.memory_space<vmem>>, %arg4: memref<1x128xf32, #tpu.memory_space<vmem>>, %arg5: memref<1024x128xf32, #tpu.memory_space<vmem>>) attributes {dimension_semantics = [#tpu.dimension_semantics<arbitrary>], iteration_bounds = array<i64: 10>, scalar_prefetch = 0 : i64, scratch_operands = 0 : i64, tpu.core_type = #tpu.core_type<tc>, window_params = [{transform_indices = @transform_0, window_bounds = array<i64: 2, 1024, 128>}, {transform_indices = @transform_1, window_bounds = array<i64: 1024, 1>}, {transform_indices = @transform_2, window_bounds = array<i64: 1024, 1>}, {pipeline_mode = #tpu.pipeline_mode<synchronous>, transform_indices = @transform_3, window_bounds = array<i64: 1, 128>}, {transform_indices = @transform_4, window_bounds = array<i64: 1024, 128>}]} {
    %get3A = arith.constant 0 : index
    %get3A_0 = arith.constant 0 : index
    %get3A_1 = vector.load %arg2[%get3A, %get3A_0] : memref<1024x1xf32, #tpu.memory_space<vmem>>, vector<1024x1xf32>
    %get3A_2 = arith.constant 0 : index
    %get3A_3 = arith.constant 0 : index
    %get3A_4 = vector.load %arg3[%get3A_2, %get3A_3] : memref<1024x1xf32, #tpu.memory_space<vmem>>, vector<1024x1xf32>
    %add3A = arith.addf %get3A_1, %get3A_4 : vector<1024x1xf32>
    %add3A_5 = arith.constant 1.000000e+00 : f32
    %add3A_6 = vector.broadcast %add3A_5 : f32 to vector<1024x1xf32>
    %add3A_7 = arith.addf %add3A, %add3A_6 : vector<1024x1xf32>
    %rsqrt3A = math.rsqrt %add3A_7 : vector<1024x1xf32>
    %get3A_8 = arith.constant 0 : index
    %get3A_9 = arith.constant 0 : index
    %get3A_10 = arith.constant 0 : index
    %get3A_11 = vector.load %arg1[%get3A_8, %get3A_9, %get3A_10] : memref<2x1024x128xf32, #tpu.memory_space<vmem>>, vector<1x1024x128xf32>
    %get3A_12 = vector.shape_cast %get3A_11 : vector<1x1024x128xf32> to vector<1024x128xf32>
    %get3A_13 = arith.constant 1 : index
    %get3A_14 = arith.constant 0 : index
    %get3A_15 = arith.constant 0 : index
    %get3A_16 = vector.load %arg1[%get3A_13, %get3A_14, %get3A_15] : memref<2x1024x128xf32, #tpu.memory_space<vmem>>, vector<1x1024x128xf32>
    %get3A_17 = vector.shape_cast %get3A_16 : vector<1x1024x128xf32> to vector<1024x128xf32>
    %add3A_18 = arith.addf %get3A_12, %get3A_17 : vector<1024x128xf32>
    %mul3A = vector.broadcast %rsqrt3A : vector<1024x1xf32> to vector<1024x128xf32>
    %mul3A_19 = arith.mulf %add3A_18, %mul3A : vector<1024x128xf32>
    %get3A_20 = arith.constant 0 : index
    %get3A_21 = arith.constant 0 : index
    %get3A_22 = vector.load %arg4[%get3A_20, %get3A_21] : memref<1x128xf32, #tpu.memory_space<vmem>>, vector<1x128xf32>
    %add3A_23 = vector.broadcast %get3A_22 : vector<1x128xf32> to vector<1024x128xf32>
    %add3A_24 = arith.addf %mul3A_19, %add3A_23 : vector<1024x128xf32>
    %swap3A = arith.constant 0 : index
    %swap3A_25 = arith.constant 0 : index
    %swap3A_26 = vector.load %arg5[%swap3A, %swap3A_25] : memref<1024x128xf32, #tpu.memory_space<vmem>>, vector<1024x128xf32>
    tpu.vector_store %arg5[%swap3A, %swap3A_25], %add3A_24 {strides = array<i32>} : memref<1024x128xf32, #tpu.memory_space<vmem>>, vector<1024x128xf32>,
    return
  }
  func.func @transform_0(%arg0: i32) -> (i32, i32, i32) {
    %c0_i32 = arith.constant 0 : i32
    %c0_i32_0 = arith.constant 0 : i32
    %c0_i32_1 = arith.constant 0 : i32
    return %c0_i32, %arg0, %c0_i32_0 : i32, i32, i32
  }
  func.func @transform_1(%arg0: i32) -> (i32, i32) {
    %c0_i32 = arith.constant 0 : i32
    %c0_i32_0 = arith.constant 0 : i32
    return %arg0, %c0_i32 : i32, i32
  }
  func.func @transform_2(%arg0: i32) -> (i32, i32) {
    %c0_i32 = arith.constant 0 : i32
    %c0_i32_0 = arith.constant 0 : i32
    return %arg0, %c0_i32 : i32, i32
  }
  func.func @transform_3(%arg0: i32) -> (i32, i32) {
    %c0_i32 = arith.constant 0 : i32
    %c0_i32_0 = arith.constant 0 : i32
    %c0_i32_1 = arith.constant 0 : i32
    return %c0_i32, %c0_i32_0 : i32, i32
  }
  func.func @transform_4(%arg0: i32) -> (i32, i32) {
    %c0_i32 = arith.constant 0 : i32
    %c0_i32_0 = arith.constant 0 : i32
    return %arg0, %c0_i32 : i32, i32
  }
}

module attributes {stable_mosaic.version = 14 : i64} {
  func.func @_tc4_body(%arg0: i32, %arg1: memref<2000x16xf32, #tpu.memory_space<vmem>>, %arg2: memref<2000x1xf32, #tpu.memory_space<vmem>>) attributes {dimension_semantics = [#tpu.dimension_semantics<arbitrary>], iteration_bounds = array<i64: 5>, scalar_prefetch = 0 : i64, scratch_operands = 0 : i64, tpu.core_type = #tpu.core_type<tc>, window_params = [{transform_indices = @transform_0, window_bounds = array<i64: 2000, 16>}, {transform_indices = @transform_1, window_bounds = array<i64: 2000, 1>}]} {
    %get3A = arith.constant 0 : index
    %get3A_0 = arith.constant 0 : index
    %get3A_1 = vector.load %arg1[%get3A, %get3A_0] : memref<2000x16xf32, #tpu.memory_space<vmem>>, vector<2000x16xf32>
    %reduce_sum3A = arith.constant dense<0.000000e+00> : vector<2000xf32>
    %reduce_sum3A_2 = vector.multi_reduction <add>, %get3A_1, %reduce_sum3A [1] : vector<2000x16xf32> to vector<2000xf32>
    %broadcast_in_dim3A = vector.shape_cast %reduce_sum3A_2 : vector<2000xf32> to vector<2000x1xf32>
    %swap3A = arith.constant 0 : index
    %swap3A_3 = arith.constant 0 : index
    %swap3A_4 = vector.load %arg2[%swap3A, %swap3A_3] : memref<2000x1xf32, #tpu.memory_space<vmem>>, vector<2000x1xf32>
    tpu.vector_store %arg2[%swap3A, %swap3A_3], %broadcast_in_dim3A {strides = array<i32>} : memref<2000x1xf32, #tpu.memory_space<vmem>>, vector<2000x1xf32>,
    return
  }
  func.func @transform_0(%arg0: i32) -> (i32, i32) {
    %c0_i32 = arith.constant 0 : i32
    %c0_i32_0 = arith.constant 0 : i32
    return %arg0, %c0_i32 : i32, i32
  }
  func.func @transform_1(%arg0: i32) -> (i32, i32) {
    %c0_i32 = arith.constant 0 : i32
    %c0_i32_0 = arith.constant 0 : i32
    return %arg0, %c0_i32 : i32, i32
  }
}

</mosaic_0001>

<sc_bundles>
// kernel: kernel.10.cloned.1.call-start
scs
__scs_entry_jumppad:
0x0: {  	(pc) =	sbr.rel $0x88, $3  }
0x1: {  	(tag) =	ssettag $0x0;
	lr =	simm.s32 $0x1  }
0x2: {  	[smem:$0x3F9A] =	sst lr;
	_ =	strace $0xD0000000  }
0x3: {  	_ = 	snop  }
0x4: {  	_ = 	snop  }
0x5: {  	_ = 	snop  }
0x6: {  	_ = 	snop  }
0x7: {  	_ = 	snop  }
__scs_overlays_trampoline_lowered:
0x8: {  	[smem:$0x3FA9] =	sst s0  }
0x9: {  	[smem:$0x3FAA] =	sst s1  }
0xa: {  	[smem:$0x3FAB] =	sst s2  }
0xb: {  	[smem:$0x3FAC] =	sst s3  }
0xc: {  	[smem:$0x3FAD] =	sst s4  }
0xd: {  	[smem:$0x3FAE] =	sst s5  }
0xe: {  	[smem:$0x3FAF] =	sst s6  }
0xf: {  	[smem:$0x3FB0] =	sst s7  }
0x10: {  	[smem:$0x3FB1] =	sst s8  }
0x11: {  	[smem:$0x3FB2] =	sst s9;
	s0 =	simm.s32 @!p0 $0x0  }
0x12: {  	s1 =	sld [smem:$0x3F98];
	s0 =	simm.s32 @p0 $0x1  }
0x13: {  	[smem:$0x3FB3] =	sst s0;
	s0 =	simm.s32 @!p1 $0x0  }
0x14: {  	s2 =	sld [smem:$0x3F97];
	s0 =	simm.s32 @p1 $0x1  }
0x15: {  	[smem:$0x3FB4] =	sst s0;
	s0 =	simm.s32 @!p2 $0x0  }
0x16: {  	s3 =	sld [smem:$0x3FDB];
	s0 =	simm.s32 @p2 $0x1  }
0x17: {  	s4 =	simm.s32 $0x1BF5;
	[smem:$0x3FB6] =	sst s0  }
0x18: {  	s0 =	sld [smem:$0x3F99];
	_ =	swait.ge [sflag:s4], $0x0  }
0x19: {  	s7 =	sld [smem:$0x3F9A]  }
0x1a: {  	s8 =	sadd.s32 $0xFFFFE003, lr  }
0x1b: {  	s9 =	sadd.s32 $0xFFFFFEF7, lr;
	s5 =	simm.s32 $0xFFFFFFFF;
	p2 =	slt.u32 s8, $0xFFFFF086  }
0x1c: {  	p1 =	slt.u32 s9, $0xF7A;
	s5 =	simm.s32 @!p2 $0x0  }
0x1d: {  	s5 =	simm.s32 @p1 $0x1;
	p0 =	seq.s32 s7, s2  }
0x1e: {  	s7 =	smul.u32 @!p0 $0xF7A, s2;
	p2 =	seq.s32 @!p0 s5, $0x0  }
0x1f: {  	s9 =	smul.u32 $0xF7A, s1;
	s8 =	simm.s32 @!p0 $0x1BF5;
	p2 =	por !p2, p0  }
0x20: {  	[sflag:s8] =	ssyncset.s32 @!p0 $0xFFFFF086;
	s6 =	sadd.s32 @!p0 s3, s7;
	s7 =	simm.s32 @!p0 $0x108  }
0x21: {  	s3 =	sadd.s32 s3, s9;
	s6 =	sadd.s32 @!p0 $0x88, s6;
	s7 =	simm.s32 @p2 $0x1082  }
0x22: {  	[simem:s7], [sflag:s8] =	dma.local @!p0 [hbm:s6], $0xF7A  }
0x23: {  	s9 =	sor.u32 $0xD0000000, s2;
	s6 =	simm.s32 $0x108;
	_ =	swait.ge @!p0 [sflag:s8], $0x0  }
0x24: {  	s3 =	sadd.s32 $0x88, s3;
	s6 =	simm.s32 @!p1 $0x1082;
	[sflag:s4] =	ssyncset.s32 $0xFFFFF086  }
0x25: {  	[simem:s6], [sflag:s4] =	dma.local [hbm:s3], $0xF7A  }
0x26: {  	[smem:$0x3F9A] =	sst s1;
	(tag) =	ssettag s2;
	_ =	strace s9  }
0x27: {  	s1 =	sld [smem:$0x3FAA]  }
0x28: {  	s2 =	sld [smem:$0x3FAB]  }
0x29: {  	s4 =	sld [smem:$0x3FAD]  }
0x2a: {  	p0 =	seq.s32 s5, $0x0;
	s5 =	sld [smem:$0x3FAE]  }
0x2b: {  	s6 =	sld [smem:$0x3FAF]  }
0x2c: {  	s7 =	sld [smem:$0x3FB0]  }
0x2d: {  	s3 =	simm.s32 $0x108;
	s8 =	sld [smem:$0x3FB1]  }
0x2e: {  	s3 =	simm.s32 @!p0 $0x1082;
	s9 =	sld [smem:$0x3FB2]  }
0x2f: {  	lr =	sadd.s32 s0, s3;
	s0 =	sld [smem:$0x3FA9]  }
0x30: {  	s3 =	sld [smem:$0x3FAC]  }
0x31: {  	[smem:$0x3FB5] =	sst s10  }
0x32: {  	s10 =	sld [smem:$0x3FB3];
	_ =	sdelay $0x3  }
0x33: {  	p0 =	seq.s32 s10, $0x1;
	s10 =	sld [smem:$0x3FB5];
	_ =	sdelay $0x3  }
0x34: {  	[smem:$0x3FB5] =	sst s10  }
0x35: {  	s10 =	sld [smem:$0x3FB4];
	_ =	sdelay $0x3  }
0x36: {  	p1 =	seq.s32 s10, $0x1;
	s10 =	sld [smem:$0x3FB5];
	_ =	sdelay $0x3  }
0x37: {  	[smem:$0x3FB5] =	sst s10  }
0x38: {  	s10 =	sld [smem:$0x3FB6]  }
0x39: {  	_ = 	snop;
	(pc) =	sbr.ind lr, $3  }
0x3a: {  	_ = 	snop  }
0x3b: {  	_ = 	snop  }
0x3c: {  	p2 =	seq.s32 s10, $0x1;
	s10 =	sld [smem:$0x3FB5]  }
0x3d: {  	_ =	shalt  }
0x3e: {  	_ =	shalt  }
0x3f: {  	_ =	shalt  }
0x40: {  	_ =	shalt  }
0x41: {  	_ =	shalt  }
0x42: {  	_ =	shalt  }
0x43: {  	_ =	shalt  }
0x44: {  	_ =	shalt  }
0x45: {  	_ =	shalt  }
0x46: {  	_ =	shalt  }
0x47: {  	_ =	shalt  }
0x48: {  	_ =	shalt  }
0x49: {  	_ =	shalt  }
0x4a: {  	_ =	shalt  }
0x4b: {  	_ =	shalt  }
0x4c: {  	_ =	shalt  }
0x4d: {  	_ =	shalt  }
0x4e: {  	_ =	shalt  }
0x4f: {  	_ =	shalt  }
0x50: {  	_ =	shalt  }
0x51: {  	_ =	shalt  }
0x52: {  	_ =	shalt  }
0x53: {  	_ =	shalt  }
0x54: {  	_ =	shalt  }
0x55: {  	_ =	shalt  }
0x56: {  	_ =	shalt  }
0x57: {  	_ =	shalt  }
0x58: {  	_ =	shalt  }
0x59: {  	_ =	shalt  }
0x5a: {  	_ =	shalt  }
0x5b: {  	_ =	shalt  }
0x5c: {  	_ =	shalt  }
0x5d: {  	_ =	shalt  }
0x5e: {  	_ =	shalt  }
0x5f: {  	_ =	shalt  }
0x60: {  	_ =	shalt  }
0x61: {  	_ =	shalt  }
0x62: {  	_ =	shalt  }
0x63: {  	_ =	shalt  }
0x64: {  	_ =	shalt  }
0x65: {  	_ =	shalt  }
0x66: {  	_ =	shalt  }
0x67: {  	_ =	shalt  }
0x68: {  	_ =	shalt  }
0x69: {  	_ =	shalt  }
0x6a: {  	_ =	shalt  }
0x6b: {  	_ =	shalt  }
0x6c: {  	_ =	shalt  }
0x6d: {  	_ =	shalt  }
0x6e: {  	_ =	shalt  }
0x6f: {  	_ =	shalt  }
0x70: {  	_ =	shalt  }
0x71: {  	_ =	shalt  }
0x72: {  	_ =	shalt  }
0x73: {  	_ =	shalt  }
0x74: {  	_ =	shalt  }
0x75: {  	_ =	shalt  }
0x76: {  	_ =	shalt  }
0x77: {  	_ =	shalt  }
0x78: {  	_ =	shalt  }
0x79: {  	_ =	shalt  }
0x7a: {  	_ =	shalt  }
0x7b: {  	_ =	shalt  }
0x7c: {  	_ =	shalt  }
0x7d: {  	_ =	shalt  }
0x7e: {  	_ =	shalt  }
0x7f: {  	_ =	shalt  }
0x80: {  	_ =	shalt  }
0x81: {  	_ =	shalt  }
0x82: {  	_ =	shalt  }
0x83: {  	_ =	shalt  }
0x84: {  	_ =	shalt  }
0x85: {  	_ =	shalt  }
0x86: {  	_ =	shalt  }
0x87: {  	_ =	shalt  }
.Lfunc_end0:
.L_simem_size_0:
called_computation_lowered:
.L_overlay_start_0:
0x88: {  	s2 =	sld [smem:$0x3FD9]  }
0x89: {  	s3 =	sld [smem:$0x3FFE];
	_ =	sdelay $0x1  }
0x8a: {  	s1 =	srdreg.scid  }
0x8b: {  	s0 =	sand.u32 $0x1, s1  }
0x8c: {  	s17 =	sshll.u32 s0, $0xA;
	s2 =	sadd.s32 s3, s2  }
0x8d: {  	s2 =	sadd.s32 s2, s17  }
0x8e: {  	[smem:$0x3FC1] =	sst s2  }
0x8f: {  	_ = 	snop  }
0x90: {  	s2 =	sld [smem:$0x3FD0];
	(tm) =	ssettm $0x1  }
0x91: {  	s18 =	sld [smem:$0x3FFB];
	_ =	sdelay $0x3  }
0x92: {  	_ =	strace s18  }
0x93: {  	s3 =	sld [smem:$0x3FFC];
	_ =	sdelay $0x3  }
0x94: {  	_ =	strace s3  }
0x95: {  	s3 =	sld [smem:$0x3FFD];
	_ =	sdelay $0x3  }
0x96: {  	_ =	strace s3  }
0x97: {  	_ =	strace $0x8FFFFFFF  }
0x98: {  	s19 =	sld [smem:$0x3FDB];
	_ =	sdelay $0x1  }
0x99: {  	s4 =	simm.s32 $_scs_section_size  }
0x9a: {  	s5 =	simm.s32 $_size__tile_overlayer_lowered;
	s6 =	simm.s32 $_tile_overlayer_lowered  }
0x9b: {  	s22 =	simm.s32 $0x1BFF;
	s21 =	sshll.u32 s6, $0x1;
	s3 =	sadd.s32 s4, s19  }
0x9c: {  	s7 =	simm.s32 $0x0;
	s20 =	sshll.u32 s5, $0x1;
	s5 =	sadd.s32 s21, s3  }
0x9d: {  	[timem:s7], [sflag:s22] =	dma.local [hbm:s5], s20  }
0x9e: {  	_ =	swait.ge [sflag:s22], s20  }
0x9f: {  	s4 =	ssub.s32 $0x0, s20;
	[sflag:s22] =	ssyncset.done $0x0  }
0xa0: {  	[sflag:s22] =	ssyncadd.s32 s4;
	_ =	sdelay $0x1  }
0xa1: {  	s23 =	simm.s32 $0x1B8B  }
0xa2: {  	_ =	swait.ge [sflag:s23], $0x1  }
0xa3: {  	[sflag:s23] =	ssyncset.done $0x0  }
0xa4: {  	s25 =	simm.s32 $0x1B8E;
	s24 =	sld [smem:$0x3FFE];
	[sflag:s23] =	ssyncadd.s32 $0xFFFFFFFF  }
0xa5: {  	s26 =	simm.s32 $execute0_lowered;
	[smem:$0x3FD2] =	sst s25  }
0xa6: {  	s5 =	sshll.u32 s26, $0x1;
	_ =	strace $0x80000046;
	[dreg:$0x1] =	wrdreg $0xFFFFFFFF  }
0xa7: {  	s28 =	simm.s32 $_size_execute0_lowered;
	s3 =	sadd.s32 s3, s5;
	[dreg:$0x0] =	wrdreg $0x0  }
0xa8: {  	s5 =	sshll.u32 s28, $0x1;
	[dreg:$0x2] =	wrdreg s3  }
0xa9: {  	[dreg:$0x3] =	wrdreg s5  }
0xaa: {  	[dreg:$0x4] =	wrdreg $0xC0  }
0xab: {  	_ =	task [dreg:s7], $0x5FFFF  }
0xac: {  	[dreg:$0x1] =	wrdreg $0xFFFFFFFF  }
0xad: {  	[dreg:$0x0] =	wrdreg $0x60  }
0xae: {  	[dreg:$0x2] =	wrdreg s24  }
0xaf: {  	[dreg:$0x3] =	wrdreg s2  }
0xb0: {  	[dreg:$0x4] =	wrdreg $0xA3000  }
0xb1: {  	[dreg:$0x5] =	wrdreg $0x9  }
0xb2: {  	_ =	task.clear_ibuf [dreg:s7], $0x6FFFF;
	_ =	strace $0x90000046  }
0xb3: {  	s29 =	simm.s32 $0x9;
	_ =	strace $0x80000048  }
0xb4: {  	_ =	swait.ge [sflag:s29], $0x1  }
0xb5: {  	[sflag:s29] =	ssyncadd.s32 $0xFFFFFFFF  }
0xb6: {  	_ =	strace $0x90000048  }
0xb7: {  	_ =	sfence  }
0xb8: {  	s30 =	sld [smem:$0x0];
	_ =	sdelay $0x2  }
0xb9: {  	s31 =	sshll.u32 s1, $0xD;
	s1 =	sshrl.u32 s1, $0x2  }
0xba: {  	s3 =	sand.u32 $0x4000, s31;
	s1 =	sadd.s32 s1, s30  }
0xbb: {  	s0 =	sor.u32 s3, s0;
	s1 =	sshll.u32 s1, $0x11  }
0xbc: {  	s0 =	sor.u32 s1, s0  }
0xbd: {  	s0 =	sadd.s32 $0x8F2B, s0  }
0xbe: {  	[sflag:s0] =	ssyncadd.remote.s32 $0x1  }
0xbf: {  	_ =	sfence.sel $0xFFFF  }
0xc0: {  	[dreg:$0x0] =	wrdreg $0xFFFFFFFF;
	(pc) =	sbr.abs _section_cstart, $3  }
0xc1: {  	[dreg:$0x1] =	wrdreg $0xFFFFFFFF  }
0xc2: {  	_ =	task.clear_ibuf [dreg:s7], $0x2FFFF;
	_ =	strace $0x9FFFFFFF  }
0xc3: {  	(tm) =	ssettm $0x7FFFFFFF  }
tec
execute0_lowered:
.L_overlay_start_1:
0x0: {  	(tag) =	ssettag $0x1  }
0x1: {  	s6 =	rddreg [dreg:$0x0]  }
0x2: {  	s0 =	srdreg.scid;
	s2 =	rddreg [dreg:$0x1]  }
0x3: {  	s3 =	rddreg [dreg:$0x2];
	s4 =	simm.s32 $0x0;
	s12 =	simm.s32 $0xA080  }
0x4: {  	s13 =	simm.s32 $0x20;
	s5 =	sand.u32 $0x1, s0;
	s0 =	stileid.u32  }
0x5: {  	s14 =	simm.s32 $0x1;
	s15 =	simm.s32 $0x0;
	s8 =	smul.u32 $0x280, s0  }
0x6: {  	[smem:$0x7FF] =	sst s4;
	s1 =	sshll.u32 s5, $0x4;
	s9 =	smul.u32 $0x2800, s5  }
0x7: {  	s10 =	ssub.s32 $0x2, s5;
	s5 =	sadd.s32 $0x33600, s6;
	s1 =	sor.u32 s0, s1  }
0x8: {  	s11 =	sshrl.u32 s10, $0x1;
	s7 =	smul.u32 $0x1400, s1;
	s1 =	rddreg [dreg:$0x3]  }
0x9: {  	_ =	strace $0x80000047;
	s9 =	sadd.s32 s8, s9;
	s10 =	ssub.s32 s10, s11  }
0xa: {  	s11 =	simm.s32 $0xA000;
	s9 =	sshrl.u32 s9, $0x3;
	s7 =	sadd.s32 s7, s6  }
0xb: {  	s9 =	sadd.s32 s9, s6;
	s6 =	sadd.s32 $0xB600, s7;
	s7 =	sadd.s32 s8, s3  }
0xc: {  	s8 =	sadd.s32 $0x33800, s9;
	s9 =	smax.u32 s10, $0x1;
	s10 =	simm.s32 $0x2  }
.LBB2_1:
0xd: {  	[tilespmem:s4], [sflag:$0x2] =	stream.linear.gather [hbm4b:s6+s4], $0x9D80, $0x38;
	[tilespmem:$0xA580] =	vst v63  }
0xe: {  	_ =	swait.ge [sflag:s10], $0x9D80  }
0xf: {  	[sflag:s10] =	ssyncset.done $0x0  }
0x10: {  	[sflag:s10] =	ssyncadd.s32 $0xFFFF6280  }
0x11: {  	[tilespmem:s11], [sflag:$0x2] =	stream.linear.gather [hbm4b:s5+s4], $0x80, $0x38;
	[tilespmem:$0xA580] =	vst v63  }
0x12: {  	_ =	swait.ge [sflag:s10], $0x80  }
0x13: {  	[sflag:s10] =	ssyncset.done $0x0  }
0x14: {  	[sflag:s10] =	ssyncadd.s32 $0xFFFFFF80  }
0x15: {  	[tilespmem:s12], [sflag:$0x2] =	stream.linear.gather [hbm4b:s2+s4], $0x280, $0x38;
	[tilespmem:$0xA580] =	vst v63  }
0x16: {  	_ =	swait.ge [sflag:s10], $0x280  }
0x17: {  	[sflag:s10] =	ssyncset.done $0x0  }
0x18: {  	[sflag:s10] =	ssyncadd.s32 $0xFFFFFD80  }
0x19: {  	[spmem:s7] =	stream.linear.scatter [tilespmem:s12], [sflag:$0x2], $0x280, $0x38;
	[tilespmem:$0xA580] =	vst v63  }
0x1a: {  	_ =	swait.ge [sflag:s10], $0x280  }
0x1b: {  	[sflag:s10] =	ssyncset.done $0x0  }
0x1c: {  	[sflag:s10] =	ssyncadd.s32 $0xFFFFFD80  }
0x1d: {  	s16 =	simm.s32 $0x0;
	[bflag:$0x0] =	sbarrier.arrive $0xFFFF  }
.LBB2_2:
0x1e: {  	p0 =	sne.s32 s16, $0x27400  }
.Ltmp0:
0x1f: {  	_ = 	snop;
	(pc) =	sbr.rel @p0 .LBB2_2-.Ltmp0, $3  }
0x20: {  	_ =	sdelay $0x1  }
0x21: {  	s17 =	sshra.s32 s16, $0x2;
	s16 =	sadd.s32 $0x200, s16  }
0x22: {  	[spmem:s3] =	stream.indirect.scatter.add.f32 [tilespmem:s11], [sflag:$0x1], $0x1, s17, s13, $0xb8;
	[tilespmem:$0xA580] =	vst v63  }
0x23: {  	_ =	swait.ge [sflag:s14], $0x20  }
0x24: {  	s16 =	simm.s32 $0x13A;
	[sflag:s14] =	ssyncset.done $0x0  }
.LBB2_4:
0x25: {  	p0 =	sne.s32 s16, $0x1;
	s16 =	sadd.s32 $0xFFFFFFFF, s16;
	[sflag:s14] =	ssyncadd.s32 $0xFFFFFFE0  }
.Ltmp1:
0x26: {  	(pc) =	sbr.rel @p0 .LBB2_4-.Ltmp1, $3  }
0x27: {  	_ =	sdelay $0x1  }
0x28: {  	_ =	swait.ge [sflag:s14], $0x20  }
0x29: {  	[sflag:s14] =	ssyncset.done $0x0  }
0x2a: {  	[sflag:s14] =	ssyncadd.s32 $0xFFFFFFE0  }
0x2b: {  	[bflag:$0x0] =	sbarrier.arrive $0xFFFF  }
0x2c: {  	[tilespmem:s12], [sflag:$0x2] =	stream.linear.gather [spmem:s7], $0x280, $0x38;
	[tilespmem:$0xA580] =	vst v63  }
0x2d: {  	s15 =	sadd.s32 $0x1, s15;
	_ =	swait.ge [sflag:s10], $0x280  }
0x2e: {  	p0 =	sne.s32 s15, s9;
	[sflag:s10] =	ssyncset.done $0x0  }
.Ltmp2:
0x2f: {  	[sflag:s10] =	ssyncadd.s32 $0xFFFFFD80;
	(pc) =	sbr.rel @p0 .LBB2_1-.Ltmp2, $4  }
0x30: {  	[hbm4b:s8+s4] =	stream.linear.scatter [tilespmem:s12], [sflag:$0x2], $0x280, $0x38;
	[tilespmem:$0xA580] =	vst v63  }
0x31: {  	_ =	swait.ge [sflag:s10], $0x280  }
0x32: {  	[sflag:s10] =	ssyncset.done $0x0  }
0x33: {  	[sflag:s10] =	ssyncadd.s32 $0xFFFFFD80  }
0x34: {  	_ =	sfence.sel $0x180000  }
0x35: {  	[bflag:$0x0] =	sbarrier.arrive $0xFFFF  }
0x36: {  	p0 =	sne.s32 s0, $0x0;
	_ =	strace $0x90000047  }
0x37: {  	s0 =	sadd.s32 @!p0 $0x100000, s1;
	[bflag:$0x2] =	sbarrier.arrive $0xFFFF  }
0x38: {  	[sflag:s0] =	ssyncadd.tile.s32 @!p0 $0x1;
	_ =	shalt  }
.Lfunc_end2:
_tile_overlayer_lowered:
.L_overlay_start_2:
0x39: {  	(tag) =	ssettag $0x2  }
0x3a: {  	s0 =	rddreg [dreg:$0x0];
	s2 =	stileid.u32  }
0x3b: {  	s1 =	rddreg [dreg:$0x1];
	p0 =	sne.s32 s2, $0x0  }
0x3c: {  	s3 =	rddreg [dreg:$0x2];
	[bflag:$0x3] =	sbarrier.arrive $0xFFFF;
	s2 =	simm.s32 @!p0 $0x1C02  }
0x3d: {  	[timem:s3], [sflag:s2] =	dma.local @!p0 [hbm:s0], s1  }
0x3e: {  	s0 =	simm.s32 @!p0 $0x2  }
0x3f: {  	_ =	swait.ge @!p0 [sflag:s0], s1  }
0x40: {  	s1 =	ssub.s32 @!p0 $0x0, s1;
	[sflag:s0] =	ssyncset.done @!p0 $0x0  }
0x41: {  	[sflag:s0] =	ssyncadd.s32 @!p0 s1  }
0x42: {  	[bflag:$0x3] =	sbarrier.arrive $0xFFFF  }
0x43: {  	_ =	shalt  }

// kernel: kernel.13.cloned.1.call-start
scs
__scs_entry_jumppad:
0x0: {  	(pc) =	sbr.rel $0x88, $3  }
0x1: {  	(tag) =	ssettag $0x0;
	lr =	simm.s32 $0x1  }
0x2: {  	[smem:$0x3F9A] =	sst lr;
	_ =	strace $0xD0000000  }
0x3: {  	_ = 	snop  }
0x4: {  	_ = 	snop  }
0x5: {  	_ = 	snop  }
0x6: {  	_ = 	snop  }
0x7: {  	_ = 	snop  }
__scs_overlays_trampoline_lowered:
0x8: {  	[smem:$0x3FA9] =	sst s0  }
0x9: {  	[smem:$0x3FAA] =	sst s1  }
0xa: {  	[smem:$0x3FAB] =	sst s2  }
0xb: {  	[smem:$0x3FAC] =	sst s3  }
0xc: {  	[smem:$0x3FAD] =	sst s4  }
0xd: {  	[smem:$0x3FAE] =	sst s5  }
0xe: {  	[smem:$0x3FAF] =	sst s6  }
0xf: {  	[smem:$0x3FB0] =	sst s7  }
0x10: {  	[smem:$0x3FB1] =	sst s8  }
0x11: {  	[smem:$0x3FB2] =	sst s9;
	s0 =	simm.s32 @!p0 $0x0  }
0x12: {  	s1 =	sld [smem:$0x3F98];
	s0 =	simm.s32 @p0 $0x1  }
0x13: {  	[smem:$0x3FB3] =	sst s0;
	s0 =	simm.s32 @!p1 $0x0  }
0x14: {  	s2 =	sld [smem:$0x3F97];
	s0 =	simm.s32 @p1 $0x1  }
0x15: {  	[smem:$0x3FB4] =	sst s0;
	s0 =	simm.s32 @!p2 $0x0  }
0x16: {  	s3 =	sld [smem:$0x3FDB];
	s0 =	simm.s32 @p2 $0x1  }
0x17: {  	s4 =	simm.s32 $0x1BF5;
	[smem:$0x3FB6] =	sst s0  }
0x18: {  	s0 =	sld [smem:$0x3F99];
	_ =	swait.ge [sflag:s4], $0x0  }
0x19: {  	s7 =	sld [smem:$0x3F9A]  }
0x1a: {  	s8 =	sadd.s32 $0xFFFFE003, lr  }
0x1b: {  	s9 =	sadd.s32 $0xFFFFFEF7, lr;
	s5 =	simm.s32 $0xFFFFFFFF;
	p2 =	slt.u32 s8, $0xFFFFF086  }
0x1c: {  	p1 =	slt.u32 s9, $0xF7A;
	s5 =	simm.s32 @!p2 $0x0  }
0x1d: {  	s5 =	simm.s32 @p1 $0x1;
	p0 =	seq.s32 s7, s2  }
0x1e: {  	s7 =	smul.u32 @!p0 $0xF7A, s2;
	p2 =	seq.s32 @!p0 s5, $0x0  }
0x1f: {  	s9 =	smul.u32 $0xF7A, s1;
	s8 =	simm.s32 @!p0 $0x1BF5;
	p2 =	por !p2, p0  }
0x20: {  	[sflag:s8] =	ssyncset.s32 @!p0 $0xFFFFF086;
	s6 =	sadd.s32 @!p0 s3, s7;
	s7 =	simm.s32 @!p0 $0x108  }
0x21: {  	s3 =	sadd.s32 s3, s9;
	s6 =	sadd.s32 @!p0 $0x88, s6;
	s7 =	simm.s32 @p2 $0x1082  }
0x22: {  	[simem:s7], [sflag:s8] =	dma.local @!p0 [hbm:s6], $0xF7A  }
0x23: {  	s9 =	sor.u32 $0xD0000000, s2;
	s6 =	simm.s32 $0x108;
	_ =	swait.ge @!p0 [sflag:s8], $0x0  }
0x24: {  	s3 =	sadd.s32 $0x88, s3;
	s6 =	simm.s32 @!p1 $0x1082;
	[sflag:s4] =	ssyncset.s32 $0xFFFFF086  }
0x25: {  	[simem:s6], [sflag:s4] =	dma.local [hbm:s3], $0xF7A  }
0x26: {  	[smem:$0x3F9A] =	sst s1;
	(tag) =	ssettag s2;
	_ =	strace s9  }
0x27: {  	s1 =	sld [smem:$0x3FAA]  }
0x28: {  	s2 =	sld [smem:$0x3FAB]  }
0x29: {  	s4 =	sld [smem:$0x3FAD]  }
0x2a: {  	p0 =	seq.s32 s5, $0x0;
	s5 =	sld [smem:$0x3FAE]  }
0x2b: {  	s6 =	sld [smem:$0x3FAF]  }
0x2c: {  	s7 =	sld [smem:$0x3FB0]  }
0x2d: {  	s3 =	simm.s32 $0x108;
	s8 =	sld [smem:$0x3FB1]  }
0x2e: {  	s3 =	simm.s32 @!p0 $0x1082;
	s9 =	sld [smem:$0x3FB2]  }
0x2f: {  	lr =	sadd.s32 s0, s3;
	s0 =	sld [smem:$0x3FA9]  }
0x30: {  	s3 =	sld [smem:$0x3FAC]  }
0x31: {  	[smem:$0x3FB5] =	sst s10  }
0x32: {  	s10 =	sld [smem:$0x3FB3];
	_ =	sdelay $0x3  }
0x33: {  	p0 =	seq.s32 s10, $0x1;
	s10 =	sld [smem:$0x3FB5];
	_ =	sdelay $0x3  }
0x34: {  	[smem:$0x3FB5] =	sst s10  }
0x35: {  	s10 =	sld [smem:$0x3FB4];
	_ =	sdelay $0x3  }
0x36: {  	p1 =	seq.s32 s10, $0x1;
	s10 =	sld [smem:$0x3FB5];
	_ =	sdelay $0x3  }
0x37: {  	[smem:$0x3FB5] =	sst s10  }
0x38: {  	s10 =	sld [smem:$0x3FB6]  }
0x39: {  	_ = 	snop;
	(pc) =	sbr.ind lr, $3  }
0x3a: {  	_ = 	snop  }
0x3b: {  	_ = 	snop  }
0x3c: {  	p2 =	seq.s32 s10, $0x1;
	s10 =	sld [smem:$0x3FB5]  }
0x3d: {  	_ =	shalt  }
0x3e: {  	_ =	shalt  }
0x3f: {  	_ =	shalt  }
0x40: {  	_ =	shalt  }
0x41: {  	_ =	shalt  }
0x42: {  	_ =	shalt  }
0x43: {  	_ =	shalt  }
0x44: {  	_ =	shalt  }
0x45: {  	_ =	shalt  }
0x46: {  	_ =	shalt  }
0x47: {  	_ =	shalt  }
0x48: {  	_ =	shalt  }
0x49: {  	_ =	shalt  }
0x4a: {  	_ =	shalt  }
0x4b: {  	_ =	shalt  }
0x4c: {  	_ =	shalt  }
0x4d: {  	_ =	shalt  }
0x4e: {  	_ =	shalt  }
0x4f: {  	_ =	shalt  }
0x50: {  	_ =	shalt  }
0x51: {  	_ =	shalt  }
0x52: {  	_ =	shalt  }
0x53: {  	_ =	shalt  }
0x54: {  	_ =	shalt  }
0x55: {  	_ =	shalt  }
0x56: {  	_ =	shalt  }
0x57: {  	_ =	shalt  }
0x58: {  	_ =	shalt  }
0x59: {  	_ =	shalt  }
0x5a: {  	_ =	shalt  }
0x5b: {  	_ =	shalt  }
0x5c: {  	_ =	shalt  }
0x5d: {  	_ =	shalt  }
0x5e: {  	_ =	shalt  }
0x5f: {  	_ =	shalt  }
0x60: {  	_ =	shalt  }
0x61: {  	_ =	shalt  }
0x62: {  	_ =	shalt  }
0x63: {  	_ =	shalt  }
0x64: {  	_ =	shalt  }
0x65: {  	_ =	shalt  }
0x66: {  	_ =	shalt  }
0x67: {  	_ =	shalt  }
0x68: {  	_ =	shalt  }
0x69: {  	_ =	shalt  }
0x6a: {  	_ =	shalt  }
0x6b: {  	_ =	shalt  }
0x6c: {  	_ =	shalt  }
0x6d: {  	_ =	shalt  }
0x6e: {  	_ =	shalt  }
0x6f: {  	_ =	shalt  }
0x70: {  	_ =	shalt  }
0x71: {  	_ =	shalt  }
0x72: {  	_ =	shalt  }
0x73: {  	_ =	shalt  }
0x74: {  	_ =	shalt  }
0x75: {  	_ =	shalt  }
0x76: {  	_ =	shalt  }
0x77: {  	_ =	shalt  }
0x78: {  	_ =	shalt  }
0x79: {  	_ =	shalt  }
0x7a: {  	_ =	shalt  }
0x7b: {  	_ =	shalt  }
0x7c: {  	_ =	shalt  }
0x7d: {  	_ =	shalt  }
0x7e: {  	_ =	shalt  }
0x7f: {  	_ =	shalt  }
0x80: {  	_ =	shalt  }
0x81: {  	_ =	shalt  }
0x82: {  	_ =	shalt  }
0x83: {  	_ =	shalt  }
0x84: {  	_ =	shalt  }
0x85: {  	_ =	shalt  }
0x86: {  	_ =	shalt  }
0x87: {  	_ =	shalt  }
.Lfunc_end0:
.L_simem_size_0:
called_computation.1_lowered:
.L_overlay_start_0:
0x88: {  	s2 =	sld [smem:$0x3FD9]  }
0x89: {  	s3 =	sld [smem:$0x3FFE];
	_ =	sdelay $0x1  }
0x8a: {  	s1 =	srdreg.scid  }
0x8b: {  	s0 =	sand.u32 $0x1, s1  }
0x8c: {  	s16 =	sshll.u32 s0, $0xA;
	s2 =	sadd.s32 s3, s2  }
0x8d: {  	s2 =	sadd.s32 s2, s16  }
0x8e: {  	[smem:$0x3FC1] =	sst s2  }
0x8f: {  	_ = 	snop  }
0x90: {  	(tm) =	ssettm $0x1  }
0x91: {  	s17 =	sld [smem:$0x3FFB];
	_ =	sdelay $0x3  }
0x92: {  	_ =	strace s17  }
0x93: {  	s2 =	sld [smem:$0x3FFC];
	_ =	sdelay $0x3  }
0x94: {  	_ =	strace s2  }
0x95: {  	s2 =	sld [smem:$0x3FFD];
	_ =	sdelay $0x3  }
0x96: {  	_ =	strace s2  }
0x97: {  	_ =	strace $0x8FFFFFFF  }
0x98: {  	s18 =	sld [smem:$0x3FDB];
	_ =	sdelay $0x1  }
0x99: {  	s19 =	simm.s32 $_scs_section_size  }
0x9a: {  	s4 =	simm.s32 $_size__tile_overlayer_lowered;
	s5 =	simm.s32 $_tile_overlayer_lowered  }
0x9b: {  	s22 =	simm.s32 $0x1BFF;
	s21 =	sshll.u32 s5, $0x1;
	s2 =	sadd.s32 s19, s18  }
0x9c: {  	s6 =	simm.s32 $0x0;
	s20 =	sshll.u32 s4, $0x1;
	s4 =	sadd.s32 s21, s2  }
0x9d: {  	[timem:s6], [sflag:s22] =	dma.local [hbm:s4], s20  }
0x9e: {  	_ =	swait.ge [sflag:s22], s20  }
0x9f: {  	s3 =	ssub.s32 $0x0, s20;
	[sflag:s22] =	ssyncset.done $0x0  }
0xa0: {  	[sflag:s22] =	ssyncadd.s32 s3;
	_ =	sdelay $0x1  }
0xa1: {  	s23 =	simm.s32 $0x1B8B  }
0xa2: {  	_ =	swait.ge [sflag:s23], $0x1  }
0xa3: {  	[sflag:s23] =	ssyncset.done $0x0  }
0xa4: {  	s25 =	simm.s32 $0x1B8E;
	s24 =	sld [smem:$0x3FFE];
	[sflag:s23] =	ssyncadd.s32 $0xFFFFFFFF  }
0xa5: {  	s26 =	simm.s32 $execute0_lowered;
	[smem:$0x3FD2] =	sst s25  }
0xa6: {  	s4 =	sshll.u32 s26, $0x1;
	_ =	strace $0x80000049;
	[dreg:$0x1] =	wrdreg $0xFFFFFFFF  }
0xa7: {  	s28 =	simm.s32 $_size_execute0_lowered;
	s2 =	sadd.s32 s2, s4;
	[dreg:$0x0] =	wrdreg $0x0  }
0xa8: {  	s4 =	sshll.u32 s28, $0x1;
	[dreg:$0x2] =	wrdreg s2  }
0xa9: {  	[dreg:$0x3] =	wrdreg s4  }
0xaa: {  	[dreg:$0x4] =	wrdreg $0xC0  }
0xab: {  	_ =	task [dreg:s6], $0x5FFFF  }
0xac: {  	[dreg:$0x1] =	wrdreg $0xFFFFFFFF  }
0xad: {  	[dreg:$0x0] =	wrdreg $0x60  }
0xae: {  	[dreg:$0x2] =	wrdreg s24  }
0xaf: {  	[dreg:$0x3] =	wrdreg $0xBE000  }
0xb0: {  	[dreg:$0x4] =	wrdreg $0x9  }
0xb1: {  	_ =	task.clear_ibuf [dreg:s6], $0x5FFFF;
	_ =	strace $0x90000049  }
0xb2: {  	s29 =	simm.s32 $0x9;
	_ =	strace $0x8000004B  }
0xb3: {  	_ =	swait.ge [sflag:s29], $0x1  }
0xb4: {  	[sflag:s29] =	ssyncadd.s32 $0xFFFFFFFF  }
0xb5: {  	_ =	strace $0x9000004B  }
0xb6: {  	_ =	sfence  }
0xb7: {  	s30 =	sld [smem:$0x0];
	_ =	sdelay $0x2  }
0xb8: {  	s31 =	sshll.u32 s1, $0xD;
	s1 =	sshrl.u32 s1, $0x2  }
0xb9: {  	s3 =	sand.u32 $0x4000, s31;
	s1 =	sadd.s32 s1, s30  }
0xba: {  	s0 =	sor.u32 s3, s0;
	s1 =	sshll.u32 s1, $0x11  }
0xbb: {  	s0 =	sor.u32 s1, s0  }
0xbc: {  	s0 =	sadd.s32 $0x8F2B, s0  }
0xbd: {  	[sflag:s0] =	ssyncadd.remote.s32 $0x1  }
0xbe: {  	_ =	sfence.sel $0xFFFF  }
0xbf: {  	[dreg:$0x0] =	wrdreg $0xFFFFFFFF;
	(pc) =	sbr.abs _section_cstart, $3  }
0xc0: {  	[dreg:$0x1] =	wrdreg $0xFFFFFFFF  }
0xc1: {  	_ =	task.clear_ibuf [dreg:s6], $0x2FFFF;
	_ =	strace $0x9FFFFFFF  }
0xc2: {  	(tm) =	ssettm $0x7FFFFFFF  }
0xc3: {  	_ =	shalt  }
tec
execute0_lowered:
.L_overlay_start_1:
0x0: {  	(tag) =	ssettag $0x1  }
0x1: {  	s0 =	rddreg [dreg:$0x0]  }
0x2: {  	s1 =	rddreg [dreg:$0x1]  }
0x3: {  	s2 =	srdreg.scid;
	s4 =	simm.s32 $0x0;
	s14 =	simm.s32 $0x7600  }
0x4: {  	s15 =	simm.s32 $0x8600;
	s16 =	simm.s32 $0x9600;
	s17 =	simm.s32 $0xA600  }
0x5: {  	s3 =	sand.u32 $0x1, s2;
	s2 =	stileid.u32;
	[smem:$0x7FF] =	sst s4  }
0x6: {  	s4 =	sadd.s32 $0xB600, s0;
	s8 =	sadd.s32 $0x34200, s0;
	s5 =	smul.u32 $0x140000, s3  }
0x7: {  	s6 =	smul.u32 $0x14000, s2;
	_ =	strace $0x8000004A;
	[dreg:$0x4] =	wrdreg s14  }
0x8: {  	s9 =	sadd.s32 $0x1800, s0;
	s10 =	smul.u32 $0x17C0, s2;
	[dreg:$0x5] =	wrdreg s15  }
0x9: {  	s19 =	ssub.s32 $0x2, s3;
	s20 =	smul.u32 $0x50000, s2;
	[dreg:$0x6] =	wrdreg s16  }
0xa: {  	p0 =	seq.s32 s3, $0x0;
	s13 =	smul.u32 $0x6E0, s2;
	[dreg:$0x7] =	wrdreg s17  }
0xb: {  	s7 =	sshrl.u32 s19, $0x1;
	s5 =	sadd.s32 s6, s5;
	s10 =	sshrl.u32 s10, $0x3  }
0xc: {  	s6 =	ssub.s32 s19, s7;
	s19 =	simm.s32 $0xB600;
	s10 =	sadd.s32 $0x6E00, s10  }
0xd: {  	s7 =	sshrl.u32 s20, $0x2;
	[dreg:$0x8] =	wrdreg s19;
	s11 =	sadd.s32 s8, s10  }
0xe: {  	s7 =	sadd.s32 s7, s1;
	s10 =	sadd.s32 s9, s10;
	[dreg:$0x9] =	wrdreg s11  }
0xf: {  	s18 =	smul.u32 $0x2800, s2;
	s22 =	sadd.s32 $0x1000, s7;
	[dreg:$0xa] =	wrdreg s10  }
0x10: {  	s15 =	simm.s32 $0x9E00;
	s23 =	sadd.s32 $0x2000, s7;
	[dreg:$0xb] =	wrdreg s22  }
0x11: {  	s16 =	simm.s32 $0x80;
	s24 =	sadd.s32 $0x3000, s7;
	[dreg:$0xc] =	wrdreg s23  }
0x12: {  	s17 =	simm.s32 $0xAE00;
	s25 =	sadd.s32 $0x4000, s7;
	[dreg:$0xd] =	wrdreg s24  }
0x13: {  	s5 =	sshrl.u32 s5, $0x3;
	s28 =	sadd.s32 $0x5000, s7;
	[dreg:$0xe] =	wrdreg s25  }
0x14: {  	s19 =	simm.s32 $0x6;
	s29 =	sadd.s32 $0x6000, s7;
	[dreg:$0xf] =	wrdreg s28  }
0x15: {  	s0 =	sadd.s32 s5, s0;
	s30 =	sadd.s32 $0x7000, s7;
	[dreg:$0x10] =	wrdreg s29  }
0x16: {  	s5 =	simm.s32 $0x1B8;
	s31 =	sadd.s32 $0x8000, s7;
	[dreg:$0x11] =	wrdreg s30  }
0x17: {  	s12 =	sadd.s32 $0x9000, s7;
	s8 =	sadd.s32 s8, s13;
	[dreg:$0x12] =	wrdreg s31  }
0x18: {  	s9 =	sadd.s32 s9, s13;
	s20 =	sadd.s32 $0xB000, s7;
	[dreg:$0x13] =	wrdreg s12  }
0x19: {  	s13 =	simm.s32 $0x8E00;
	s5 =	simm.s32 @!p0 $0xBE;
	[dreg:$0x15] =	wrdreg s8  }
0x1a: {  	s12 =	sadd.s32 $0xA000, s7;
	[dreg:$0x16] =	wrdreg s9;
	p0 =	sne.s32 s3, $0x0  }
0x1b: {  	[dreg:$0x17] =	wrdreg s20;
	s22 =	sadd.s32 s4, s18;
	s24 =	sadd.s32 $0x3E000, s0  }
0x1c: {  	s25 =	smax.u32 s6, $0x1;
	s23 =	sadd.s32 $0xD000, s7;
	[dreg:$0x14] =	wrdreg s12  }
0x1d: {  	s28 =	sadd.s32 $0xF000, s7;
	s29 =	sadd.s32 $0x10000, s7;
	[dreg:$0x19] =	wrdreg s22  }
0x1e: {  	s30 =	sadd.s32 $0x11000, s7;
	s31 =	sadd.s32 $0x12000, s7;
	[dreg:$0x1a] =	wrdreg s23  }
0x1f: {  	s3 =	sadd.s32 $0x13000, s7;
	s6 =	simm.s32 $0x8;
	[dreg:$0x1c] =	wrdreg s28  }
0x20: {  	s9 =	simm.s32 $0x20;
	s11 =	simm.s32 $0x7E00;
	[dreg:$0x1d] =	wrdreg s29  }
0x21: {  	s18 =	simm.s32 $0x1;
	s21 =	smul.u32 $0x3334, s5;
	[dreg:$0x1e] =	wrdreg s30  }
0x22: {  	s20 =	simm.s32 $0x7;
	s8 =	simm.s32 $0x5;
	[dreg:$0x1f] =	wrdreg s31  }
0x23: {  	s22 =	simm.s32 $0x3;
	s26 =	sshrl.u32 s21, $0x10;
	s21 =	sadd.s32 $0xC000, s7  }
0x24: {  	s10 =	smul.u32 $0x280, s26;
	[dreg:$0x18] =	wrdreg s21;
	s26 =	sadd.s32 $0xE000, s7  }
0x25: {  	s23 =	simm.s32 $0x4;
	s21 =	simm.s32 $0x2;
	[dreg:$0x1b] =	wrdreg s26  }
0x26: {  	vm0 =	vmmov $0xffff;
	v0 =	vimm.f32 $0.0e+00;
	s26 =	simm.s32 $0x0;
	[dreg:$0x3] =	wrdreg s10;
	s10 =	simm.s32 $0x6E00  }
.LBB2_1:
.Ltmp0:
0x27: {  	(pc) =	sbr.rel @p0 .LBB2_3-.Ltmp0, $1  }
0x28: {  	_ =	sdelay $0x3  }
0x29: {  	s0 =	simm.s32 $0x0;
	s12 =	rddreg [dreg:$0x15]  }
0x2a: {  	[tilespmem:s0], [sflag:$0x8] =	stream.linear.gather [hbm4b:s12+s0], $0x3700, $0x38;
	[tilespmem:$0x1FE00] =	vst v63  }
0x2b: {  	_ =	swait.ge [sflag:s6], $0x3700  }
0x2c: {  	[sflag:s6] =	ssyncset.done $0x0  }
0x2d: {  	s14 =	simm.s32 $0x3700;
	s29 =	rddreg [dreg:$0x16];
	[sflag:s6] =	ssyncadd.s32 $0xFFFFC900  }
0x2e: {  	[tilespmem:s14], [sflag:$0x8] =	stream.linear.gather [hbm4b:s29+s0], $0x3700, $0x38;
	[tilespmem:$0x1FE00] =	vst v63  }
0x2f: {  	s30 =	sshll.u32 s2, $0x6;
	_ =	swait.ge [sflag:s6], $0x3700  }
0x30: {  	s28 =	sshrl.u32 s7, $0x3;
	s12 =	sor.u32 $0x1C08, s30;
	[sflag:s6] =	ssyncset.done $0x0  }
.Ltmp1:
0x31: {  	s31 =	rddreg [dreg:$0x19];
	[sflag:s6] =	ssyncadd.s32 $0xFFFFC900;
	(pc) =	sbr.rel .LBB2_6-.Ltmp1, $4  }
0x32: {  	[spmem:s28], [sflag:s12] =	dma.local [hbm:s31], $0x2800  }
0x33: {  	_ =	swait.ge [sflag:s6], $0x2800  }
0x34: {  	[sflag:s6] =	ssyncset.done $0x0  }
0x35: {  	[sflag:s6] =	ssyncadd.s32 $0xFFFFD800  }
.LBB2_3:
0x36: {  	s12 =	simm.s32 $0x0;
	s0 =	rddreg [dreg:$0x9]  }
0x37: {  	[tilespmem:s12], [sflag:$0x8] =	stream.linear.gather [hbm4b:s0+s12], $0x17C0, $0x38;
	[tilespmem:$0x1FE00] =	vst v63  }
0x38: {  	_ =	swait.ge [sflag:s6], $0x17C0  }
0x39: {  	[sflag:s6] =	ssyncset.done $0x0  }
0x3a: {  	s14 =	simm.s32 $0x3700;
	s31 =	rddreg [dreg:$0xa];
	[sflag:s6] =	ssyncadd.s32 $0xFFFFE840  }
0x3b: {  	[tilespmem:s14], [sflag:$0x8] =	stream.linear.gather [hbm4b:s31+s12], $0x17C0, $0x38;
	[tilespmem:$0x1FE00] =	vst v63  }
0x3c: {  	_ =	swait.ge [sflag:s6], $0x17C0  }
0x3d: {  	[sflag:s6] =	ssyncset.done $0x0  }
0x3e: {  	s28 =	simm.s32 $0x200;
	s12 =	simm.s32 $0x0;
	[sflag:s6] =	ssyncadd.s32 $0xFFFFE840  }
.LBB2_4:
0x3f: {  	p1 =	sne.s32 s28, $0x3E00;
	[tilespmem:s12+$0x6E70] =	vst v0  }
0x40: {  	[tilespmem:s12+$0x6E00] =	vst v0  }
0x41: {  	[tilespmem:s12+$0x6E10] =	vst v0  }
.Ltmp2:
0x42: {  	[tilespmem:s12+$0x6E20] =	vst v0;
	(pc) =	sbr.rel @p1 .LBB2_4-.Ltmp2, $4  }
0x43: {  	[tilespmem:s12+$0x6E30] =	vst v0  }
0x44: {  	[tilespmem:s12+$0x6E40] =	vst v0  }
0x45: {  	[tilespmem:s12+$0x6E50] =	vst v0  }
0x46: {  	[tilespmem:s12+$0x6E60] =	vst v0;
	s12 =	sshra.s32 s28, $0x2;
	s28 =	sadd.s32 $0x200, s28  }
0x47: {  	[tilespmem:s12+$0x6E70] =	vst v0  }
0x48: {  	[tilespmem:s12+$0x6E00] =	vst v0  }
0x49: {  	[tilespmem:s12+$0x6E10] =	vst v0  }
0x4a: {  	[tilespmem:s12+$0x6E20] =	vst v0  }
0x4b: {  	[tilespmem:s12+$0x6E30] =	vst v0  }
0x4c: {  	[tilespmem:s12+$0x6E40] =	vst v0  }
0x4d: {  	[tilespmem:s12+$0x6E50] =	vst v0  }
0x4e: {  	[tilespmem:s12+$0x6E60] =	vst v0  }
0x4f: {  	[spmem:s7] =	stream.linear.scatter [tilespmem:s10], [sflag:$0x8], $0x1000, $0x38;
	[tilespmem:$0x1FE00] =	vst v63  }
0x50: {  	_ =	swait.ge [sflag:s6], $0x1000  }
0x51: {  	[sflag:s6] =	ssyncset.done $0x0  }
0x52: {  	s0 =	rddreg [dreg:$0xb];
	[sflag:s6] =	ssyncadd.s32 $0xFFFFF000  }
0x53: {  	[spmem:s0] =	stream.linear.scatter [tilespmem:s10], [sflag:$0x8], $0x1000, $0x38;
	[tilespmem:$0x1FE00] =	vst v63  }
0x54: {  	_ =	swait.ge [sflag:s6], $0x1000  }
0x55: {  	[sflag:s6] =	ssyncset.done $0x0  }
0x56: {  	s14 =	rddreg [dreg:$0xc];
	[sflag:s6] =	ssyncadd.s32 $0xFFFFF000  }
0x57: {  	[spmem:s14] =	stream.linear.scatter [tilespmem:s10], [sflag:$0x8], $0x1000, $0x38;
	[tilespmem:$0x1FE00] =	vst v63  }
0x58: {  	_ =	swait.ge [sflag:s6], $0x1000  }
0x59: {  	[sflag:s6] =	ssyncset.done $0x0  }
0x5a: {  	s28 =	rddreg [dreg:$0xd];
	[sflag:s6] =	ssyncadd.s32 $0xFFFFF000  }
0x5b: {  	[spmem:s28] =	stream.linear.scatter [tilespmem:s10], [sflag:$0x8], $0x1000, $0x38;
	[tilespmem:$0x1FE00] =	vst v63  }
0x5c: {  	_ =	swait.ge [sflag:s6], $0x1000  }
0x5d: {  	[sflag:s6] =	ssyncset.done $0x0  }
0x5e: {  	s29 =	rddreg [dreg:$0xe];
	[sflag:s6] =	ssyncadd.s32 $0xFFFFF000  }
0x5f: {  	[spmem:s29] =	stream.linear.scatter [tilespmem:s10], [sflag:$0x8], $0x1000, $0x38;
	[tilespmem:$0x1FE00] =	vst v63  }
0x60: {  	_ =	swait.ge [sflag:s6], $0x1000  }
0x61: {  	[sflag:s6] =	ssyncset.done $0x0  }
0x62: {  	s30 =	rddreg [dreg:$0xf];
	[sflag:s6] =	ssyncadd.s32 $0xFFFFF000  }
0x63: {  	[spmem:s30] =	stream.linear.scatter [tilespmem:s10], [sflag:$0x8], $0x1000, $0x38;
	[tilespmem:$0x1FE00] =	vst v63  }
0x64: {  	_ =	swait.ge [sflag:s6], $0x1000  }
0x65: {  	[sflag:s6] =	ssyncset.done $0x0  }
0x66: {  	s31 =	rddreg [dreg:$0x10];
	[sflag:s6] =	ssyncadd.s32 $0xFFFFF000  }
0x67: {  	[spmem:s31] =	stream.linear.scatter [tilespmem:s10], [sflag:$0x8], $0x1000, $0x38;
	[tilespmem:$0x1FE00] =	vst v63  }
0x68: {  	_ =	swait.ge [sflag:s6], $0x1000  }
0x69: {  	[sflag:s6] =	ssyncset.done $0x0  }
0x6a: {  	s12 =	rddreg [dreg:$0x11];
	[sflag:s6] =	ssyncadd.s32 $0xFFFFF000  }
0x6b: {  	[spmem:s12] =	stream.linear.scatter [tilespmem:s10], [sflag:$0x8], $0x1000, $0x38;
	[tilespmem:$0x1FE00] =	vst v63  }
0x6c: {  	_ =	swait.ge [sflag:s6], $0x1000  }
0x6d: {  	[sflag:s6] =	ssyncset.done $0x0  }
0x6e: {  	s14 =	rddreg [dreg:$0x12];
	[sflag:s6] =	ssyncadd.s32 $0xFFFFF000  }
0x6f: {  	[spmem:s14] =	stream.linear.scatter [tilespmem:s10], [sflag:$0x8], $0x1000, $0x38;
	[tilespmem:$0x1FE00] =	vst v63  }
0x70: {  	_ =	swait.ge [sflag:s6], $0x1000  }
0x71: {  	[sflag:s6] =	ssyncset.done $0x0  }
0x72: {  	s28 =	rddreg [dreg:$0x13];
	[sflag:s6] =	ssyncadd.s32 $0xFFFFF000  }
0x73: {  	[spmem:s28] =	stream.linear.scatter [tilespmem:s10], [sflag:$0x8], $0x1000, $0x38;
	[tilespmem:$0x1FE00] =	vst v63  }
0x74: {  	_ =	swait.ge [sflag:s6], $0x1000  }
0x75: {  	[sflag:s6] =	ssyncset.done $0x0  }
0x76: {  	s29 =	rddreg [dreg:$0x14];
	[sflag:s6] =	ssyncadd.s32 $0xFFFFF000  }
0x77: {  	[spmem:s29] =	stream.linear.scatter [tilespmem:s10], [sflag:$0x8], $0x1000, $0x38;
	[tilespmem:$0x1FE00] =	vst v63  }
0x78: {  	_ =	swait.ge [sflag:s6], $0x1000  }
0x79: {  	[sflag:s6] =	ssyncset.done $0x0  }
0x7a: {  	s30 =	rddreg [dreg:$0x17];
	[sflag:s6] =	ssyncadd.s32 $0xFFFFF000  }
0x7b: {  	[spmem:s30] =	stream.linear.scatter [tilespmem:s10], [sflag:$0x8], $0x1000, $0x38;
	[tilespmem:$0x1FE00] =	vst v63  }
0x7c: {  	_ =	swait.ge [sflag:s6], $0x1000  }
0x7d: {  	[sflag:s6] =	ssyncset.done $0x0  }
0x7e: {  	s31 =	rddreg [dreg:$0x18];
	[sflag:s6] =	ssyncadd.s32 $0xFFFFF000  }
0x7f: {  	[spmem:s31] =	stream.linear.scatter [tilespmem:s10], [sflag:$0x8], $0x1000, $0x38;
	[tilespmem:$0x1FE00] =	vst v63  }
0x80: {  	_ =	swait.ge [sflag:s6], $0x1000  }
0x81: {  	[sflag:s6] =	ssyncset.done $0x0  }
0x82: {  	s12 =	rddreg [dreg:$0x1a];
	[sflag:s6] =	ssyncadd.s32 $0xFFFFF000  }
0x83: {  	[spmem:s12] =	stream.linear.scatter [tilespmem:s10], [sflag:$0x8], $0x1000, $0x38;
	[tilespmem:$0x1FE00] =	vst v63  }
0x84: {  	_ =	swait.ge [sflag:s6], $0x1000  }
0x85: {  	[sflag:s6] =	ssyncset.done $0x0  }
0x86: {  	s14 =	rddreg [dreg:$0x1b];
	[sflag:s6] =	ssyncadd.s32 $0xFFFFF000  }
0x87: {  	[spmem:s14] =	stream.linear.scatter [tilespmem:s10], [sflag:$0x8], $0x1000, $0x38;
	[tilespmem:$0x1FE00] =	vst v63  }
0x88: {  	_ =	swait.ge [sflag:s6], $0x1000  }
0x89: {  	[sflag:s6] =	ssyncset.done $0x0  }
0x8a: {  	s28 =	rddreg [dreg:$0x1c];
	[sflag:s6] =	ssyncadd.s32 $0xFFFFF000  }
0x8b: {  	[spmem:s28] =	stream.linear.scatter [tilespmem:s10], [sflag:$0x8], $0x1000, $0x38;
	[tilespmem:$0x1FE00] =	vst v63  }
0x8c: {  	_ =	swait.ge [sflag:s6], $0x1000  }
0x8d: {  	[sflag:s6] =	ssyncset.done $0x0  }
0x8e: {  	s29 =	rddreg [dreg:$0x1d];
	[sflag:s6] =	ssyncadd.s32 $0xFFFFF000  }
0x8f: {  	[spmem:s29] =	stream.linear.scatter [tilespmem:s10], [sflag:$0x8], $0x1000, $0x38;
	[tilespmem:$0x1FE00] =	vst v63  }
0x90: {  	_ =	swait.ge [sflag:s6], $0x1000  }
0x91: {  	[sflag:s6] =	ssyncset.done $0x0  }
0x92: {  	s30 =	rddreg [dreg:$0x1e];
	[sflag:s6] =	ssyncadd.s32 $0xFFFFF000  }
0x93: {  	[spmem:s30] =	stream.linear.scatter [tilespmem:s10], [sflag:$0x8], $0x1000, $0x38;
	[tilespmem:$0x1FE00] =	vst v63  }
0x94: {  	_ =	swait.ge [sflag:s6], $0x1000  }
0x95: {  	[sflag:s6] =	ssyncset.done $0x0  }
0x96: {  	s31 =	rddreg [dreg:$0x1f];
	[sflag:s6] =	ssyncadd.s32 $0xFFFFF000  }
0x97: {  	[spmem:s31] =	stream.linear.scatter [tilespmem:s10], [sflag:$0x8], $0x1000, $0x38;
	[tilespmem:$0x1FE00] =	vst v63  }
0x98: {  	_ =	swait.ge [sflag:s6], $0x1000  }
0x99: {  	[sflag:s6] =	ssyncset.done $0x0  }
0x9a: {  	[sflag:s6] =	ssyncadd.s32 $0xFFFFF000  }
0x9b: {  	[spmem:s3] =	stream.linear.scatter [tilespmem:s10], [sflag:$0x8], $0x1000, $0x38;
	[tilespmem:$0x1FE00] =	vst v63  }
0x9c: {  	_ =	swait.ge [sflag:s6], $0x1000  }
0x9d: {  	[sflag:s6] =	ssyncset.done $0x0  }
0x9e: {  	[sflag:s6] =	ssyncadd.s32 $0xFFFFF000  }
.LBB2_6:
0x9f: {  	[bflag:$0x0] =	sbarrier.arrive $0xFFFF;
	s28 =	simm.s32 $0x0  }
0xa0: {  	[tilespmem:s10], [sflag:$0x1] =	stream.indirect.gather [hbm4b:s4+s9], $0x80, s28, s9, $0xb8;
	[tilespmem:$0x1FE00] =	vst v63  }
0xa1: {  	_ = 	snop  }
0xa2: {  	[tilespmem:s11], [sflag:$0x2] =	stream.indirect.gather [hbm4b:s4+s9], $0x80, s9, s9, $0xb8;
	[tilespmem:$0x1FE00] =	vst v63  }
0xa3: {  	s0 =	simm.s32 $0x40  }
0xa4: {  	[tilespmem:s13], [sflag:$0x3] =	stream.indirect.gather [hbm4b:s4+s9], $0x80, s0, s9, $0xb8;
	[tilespmem:$0x1FE00] =	vst v63  }
0xa5: {  	s31 =	simm.s32 $0x60  }
0xa6: {  	[tilespmem:s15], [sflag:$0x4] =	stream.indirect.gather [hbm4b:s4+s9], $0x80, s31, s9, $0xb8;
	[tilespmem:$0x1FE00] =	vst v63  }
0xa7: {  	s29 =	simm.s32 $0x5;
	s12 =	simm.s32 $0x0  }
0xa8: {  	[tilespmem:s17], [sflag:$0x5] =	stream.indirect.gather [hbm4b:s4+s9], $0x80, s16, s9, $0xb8;
	[tilespmem:$0x1FE00] =	vst v63  }
.LBB2_7:
0xa9: {  	_ =	swait.ge [sflag:s18], $0x1000  }
0xaa: {  	[sflag:s18] =	ssyncset.done $0x0  }
0xab: {  	s30 =	sshra.s32 s12, $0x2;
	[sflag:s18] =	ssyncadd.s32 $0xFFFFF000  }
0xac: {  	v1 =	vld [tilespmem:s30+$0x3700];
	_ =	sdelay $0x1  }
0xad: {  	v2 =	vld [tilespmem:s30+$0x3710];
	_ =	sdelay $0x5  }
0xae: {  	[spmem:s1] =	stream.indirect_vreg.scatter.add.f32 [tilespmem:s10], [sflag:$0x6], $0x80, v1, vm0, $0xb8;
	[tilespmem:$0x1FE00] =	vst v63  }
0xaf: {  	s31 =	rddreg [dreg:$0x4]  }
0xb0: {  	[spmem:s1] =	stream.indirect_vreg.scatter.add.f32 [tilespmem:s31], [sflag:$0x7], $0x80, v2, vm0, $0xb8;
	[tilespmem:$0x1FE00] =	vst v63  }
0xb1: {  	_ =	swait.ge [sflag:s19], $0x800  }
0xb2: {  	[sflag:s19] =	ssyncset.done $0x0  }
0xb3: {  	[sflag:s19] =	ssyncadd.s32 $0xFFFFF800  }
0xb4: {  	p1 =	sge.u32 s29, s5;
	_ =	swait.ge [sflag:s20], $0x800  }
0xb5: {  	s14 =	simm.s32 @!p1 $0x20;
	s31 =	sshra.s32 @!p1 s12, $0x2;
	[sflag:s20] =	ssyncset.done $0x0  }
0xb6: {  	s0 =	simm.s32 @!p1 $0x6E00;
	s31 =	sadd.s32 @!p1 $0xA0, s31;
	[sflag:s20] =	ssyncadd.s32 $0xFFFFF800  }
0xb7: {  	[tilespmem:s0], [sflag:$0x1] =	stream.indirect.gather @!p1 [hbm4b:s4+s14], $0x80, s31, s14, $0xb8;
	[tilespmem:$0x1FE00] =	vst v63  }
0xb8: {  	_ =	swait.ge [sflag:s21], $0x1000  }
0xb9: {  	[sflag:s21] =	ssyncset.done $0x0  }
0xba: {  	[sflag:s21] =	ssyncadd.s32 $0xFFFFF000  }
0xbb: {  	v1 =	vld [tilespmem:s30+$0x3720];
	_ =	sdelay $0x1  }
0xbc: {  	v2 =	vld [tilespmem:s30+$0x3730];
	_ =	sdelay $0x5  }
0xbd: {  	[spmem:s1] =	stream.indirect_vreg.scatter.add.f32 [tilespmem:s11], [sflag:$0x6], $0x80, v1, vm0, $0xb8;
	[tilespmem:$0x1FE00] =	vst v63  }
0xbe: {  	s14 =	rddreg [dreg:$0x5]  }
0xbf: {  	[spmem:s1] =	stream.indirect_vreg.scatter.add.f32 [tilespmem:s14], [sflag:$0x7], $0x80, v2, vm0, $0xb8;
	[tilespmem:$0x1FE00] =	vst v63  }
0xc0: {  	_ =	swait.ge [sflag:s19], $0x800  }
0xc1: {  	[sflag:s19] =	ssyncset.done $0x0  }
0xc2: {  	s31 =	sadd.s32 $0x1, s29;
	[sflag:s19] =	ssyncadd.s32 $0xFFFFF800  }
0xc3: {  	p1 =	sge.u32 s31, s5;
	_ =	swait.ge [sflag:s20], $0x800  }
0xc4: {  	s0 =	sshra.s32 @!p1 s12, $0x2;
	s31 =	simm.s32 @!p1 $0x7E00;
	[sflag:s20] =	ssyncset.done $0x0  }
0xc5: {  	s0 =	sadd.s32 @!p1 $0xC0, s0;
	s14 =	simm.s32 @!p1 $0x20;
	[sflag:s20] =	ssyncadd.s32 $0xFFFFF800  }
0xc6: {  	[tilespmem:s31], [sflag:$0x2] =	stream.indirect.gather @!p1 [hbm4b:s4+s14], $0x80, s0, s14, $0xb8;
	[tilespmem:$0x1FE00] =	vst v63  }
0xc7: {  	_ =	swait.ge [sflag:s22], $0x1000  }
0xc8: {  	[sflag:s22] =	ssyncset.done $0x0  }
0xc9: {  	[sflag:s22] =	ssyncadd.s32 $0xFFFFF000  }
0xca: {  	v1 =	vld [tilespmem:s30+$0x3740];
	_ =	sdelay $0x1  }
0xcb: {  	v2 =	vld [tilespmem:s30+$0x3750];
	_ =	sdelay $0x5  }
0xcc: {  	[spmem:s1] =	stream.indirect_vreg.scatter.add.f32 [tilespmem:s13], [sflag:$0x6], $0x80, v1, vm0, $0xb8;
	[tilespmem:$0x1FE00] =	vst v63  }
0xcd: {  	s14 =	rddreg [dreg:$0x6]  }
0xce: {  	[spmem:s1] =	stream.indirect_vreg.scatter.add.f32 [tilespmem:s14], [sflag:$0x7], $0x80, v2, vm0, $0xb8;
	[tilespmem:$0x1FE00] =	vst v63  }
0xcf: {  	_ =	swait.ge [sflag:s19], $0x800  }
0xd0: {  	[sflag:s19] =	ssyncset.done $0x0  }
0xd1: {  	s31 =	sadd.s32 $0x2, s29;
	[sflag:s19] =	ssyncadd.s32 $0xFFFFF800  }
0xd2: {  	p1 =	sge.u32 s31, s5;
	_ =	swait.ge [sflag:s20], $0x800  }
0xd3: {  	s0 =	sshra.s32 @!p1 s12, $0x2;
	s31 =	simm.s32 @!p1 $0x8E00;
	[sflag:s20] =	ssyncset.done $0x0  }
0xd4: {  	s0 =	sadd.s32 @!p1 $0xE0, s0;
	s14 =	simm.s32 @!p1 $0x20;
	[sflag:s20] =	ssyncadd.s32 $0xFFFFF800  }
0xd5: {  	[tilespmem:s31], [sflag:$0x3] =	stream.indirect.gather @!p1 [hbm4b:s4+s14], $0x80, s0, s14, $0xb8;
	[tilespmem:$0x1FE00] =	vst v63  }
0xd6: {  	_ =	swait.ge [sflag:s23], $0x1000  }
0xd7: {  	[sflag:s23] =	ssyncset.done $0x0  }
0xd8: {  	[sflag:s23] =	ssyncadd.s32 $0xFFFFF000  }
0xd9: {  	v1 =	vld [tilespmem:s30+$0x3760];
	_ =	sdelay $0x1  }
0xda: {  	v2 =	vld [tilespmem:s30+$0x3770];
	_ =	sdelay $0x5  }
0xdb: {  	[spmem:s1] =	stream.indirect_vreg.scatter.add.f32 [tilespmem:s15], [sflag:$0x6], $0x80, v1, vm0, $0xb8;
	[tilespmem:$0x1FE00] =	vst v63  }
0xdc: {  	s14 =	rddreg [dreg:$0x7]  }
0xdd: {  	[spmem:s1] =	stream.indirect_vreg.scatter.add.f32 [tilespmem:s14], [sflag:$0x7], $0x80, v2, vm0, $0xb8;
	[tilespmem:$0x1FE00] =	vst v63  }
0xde: {  	_ =	swait.ge [sflag:s19], $0x800  }
0xdf: {  	[sflag:s19] =	ssyncset.done $0x0  }
0xe0: {  	s31 =	sadd.s32 $0x3, s29;
	[sflag:s19] =	ssyncadd.s32 $0xFFFFF800  }
0xe1: {  	p1 =	sge.u32 s31, s5;
	_ =	swait.ge [sflag:s20], $0x800  }
0xe2: {  	s0 =	sshra.s32 @!p1 s12, $0x2;
	s31 =	simm.s32 @!p1 $0x9E00;
	[sflag:s20] =	ssyncset.done $0x0  }
0xe3: {  	s0 =	sadd.s32 @!p1 $0x100, s0;
	s14 =	simm.s32 @!p1 $0x20;
	[sflag:s20] =	ssyncadd.s32 $0xFFFFF800  }
0xe4: {  	[tilespmem:s31], [sflag:$0x4] =	stream.indirect.gather @!p1 [hbm4b:s4+s14], $0x80, s0, s14, $0xb8;
	[tilespmem:$0x1FE00] =	vst v63  }
0xe5: {  	_ =	swait.ge [sflag:s8], $0x1000  }
0xe6: {  	[sflag:s8] =	ssyncset.done $0x0  }
0xe7: {  	s14 =	sand.u32 $0x7FFFFFE0, s28;
	[sflag:s8] =	ssyncadd.s32 $0xFFFFF000  }
0xe8: {  	v1 =	vld [tilespmem:s14+$0x3780];
	_ =	sdelay $0x1  }
0xe9: {  	v2 =	vld [tilespmem:s30+$0x3790];
	_ =	sdelay $0x5  }
0xea: {  	[spmem:s1] =	stream.indirect_vreg.scatter.add.f32 [tilespmem:s17], [sflag:$0x6], $0x80, v1, vm0, $0xb8;
	[tilespmem:$0x1FE00] =	vst v63  }
0xeb: {  	s30 =	rddreg [dreg:$0x8]  }
0xec: {  	[spmem:s1] =	stream.indirect_vreg.scatter.add.f32 [tilespmem:s30], [sflag:$0x7], $0x80, v2, vm0, $0xb8;
	[tilespmem:$0x1FE00] =	vst v63  }
0xed: {  	_ =	swait.ge [sflag:s19], $0x800  }
0xee: {  	s31 =	sadd.s32 $0x4, s29;
	[sflag:s19] =	ssyncset.done $0x0  }
0xef: {  	p1 =	sge.u32 s31, s5;
	[sflag:s19] =	ssyncadd.s32 $0xFFFFF800  }
0xf0: {  	s0 =	sshra.s32 @!p1 s12, $0x2;
	s12 =	sadd.s32 $0x280, s12;
	_ =	swait.ge [sflag:s20], $0x800  }
0xf1: {  	s0 =	sadd.s32 @!p1 $0x120, s0;
	s14 =	simm.s32 @!p1 $0x20;
	[sflag:s20] =	ssyncset.done $0x0  }
0xf2: {  	s30 =	simm.s32 @!p1 $0xAE00;
	s31 =	rddreg [dreg:$0x3];
	[sflag:s20] =	ssyncadd.s32 $0xFFFFF800  }
0xf3: {  	[tilespmem:s30], [sflag:$0x5] =	stream.indirect.gather @!p1 [hbm4b:s4+s14], $0x80, s0, s14, $0xb8;
	[tilespmem:$0x1FE00] =	vst v63  }
0xf4: {  	p1 =	sne.s32 s31, s12  }
.Ltmp3:
0xf5: {  	_ = 	snop;
	(pc) =	sbr.rel @p1 .LBB2_7-.Ltmp3, $2  }
0xf6: {  	_ =	sdelay $0x2  }
0xf7: {  	s28 =	sadd.s32 $0xA0, s28;
	s29 =	sadd.s32 $0x5, s29  }
0xf8: {  	s26 =	sadd.s32 $0x1, s26  }
0xf9: {  	s0 =	sshll.u32 s2, $0x6;
	[bflag:$0x0] =	sbarrier.arrive $0xFFFF;
	p1 =	sne.s32 s26, s25  }
.Ltmp4:
0xfa: {  	s12 =	sshrl.u32 s7, $0x3;
	s0 =	sor.u32 $0x1C08, s0;
	(pc) =	sbr.rel @p1 .LBB2_1-.Ltmp4, $4  }
0xfb: {  	[hbm:s24], [sflag:s0] =	dma.local [spmem:s12], $0x2800  }
0xfc: {  	_ =	swait.ge [sflag:s6], $0x2800  }
0xfd: {  	[sflag:s6] =	ssyncset.done $0x0  }
0xfe: {  	[sflag:s6] =	ssyncadd.s32 $0xFFFFD800  }
0xff: {  	_ =	sfence.sel $0x180000  }
0x100: {  	[bflag:$0x0] =	sbarrier.arrive $0xFFFF  }
0x101: {  	_ =	strace $0x9000004A  }
0x102: {  	[bflag:$0x2] =	sbarrier.arrive $0xFFFF  }
0x103: {  	p0 =	sne.s32 s2, $0x0;
	s0 =	rddreg [dreg:$0x2]  }
0x104: {  	s0 =	sadd.s32 @!p0 $0x100000, s0  }
0x105: {  	[sflag:s0] =	ssyncadd.tile.s32 @!p0 $0x1;
	_ =	shalt  }
.Lfunc_end2:
_tile_overlayer_lowered:
.L_overlay_start_2:
0x106: {  	(tag) =	ssettag $0x2  }
0x107: {  	s0 =	rddreg [dreg:$0x0];
	s2 =	stileid.u32  }
0x108: {  	s1 =	rddreg [dreg:$0x1];
	p0 =	sne.s32 s2, $0x0  }
0x109: {  	s3 =	rddreg [dreg:$0x2];
	[bflag:$0x3] =	sbarrier.arrive $0xFFFF;
	s2 =	simm.s32 @!p0 $0x1C08  }
0x10a: {  	[timem:s3], [sflag:s2] =	dma.local @!p0 [hbm:s0], s1  }
0x10b: {  	s0 =	simm.s32 @!p0 $0x8  }
0x10c: {  	_ =	swait.ge @!p0 [sflag:s0], s1  }
0x10d: {  	s1 =	ssub.s32 @!p0 $0x0, s1;
	[sflag:s0] =	ssyncset.done @!p0 $0x0  }
0x10e: {  	[sflag:s0] =	ssyncadd.s32 @!p0 s1  }
0x10f: {  	[bflag:$0x3] =	sbarrier.arrive $0xFFFF  }
0x110: {  	_ =	shalt  }

// kernel: kernel.16.cloned.1.call-start
scs
__scs_entry_jumppad:
0x0: {  	(pc) =	sbr.rel $0x88, $3  }
0x1: {  	(tag) =	ssettag $0x0;
	lr =	simm.s32 $0x1  }
0x2: {  	[smem:$0x3F9A] =	sst lr;
	_ =	strace $0xD0000000  }
0x3: {  	_ = 	snop  }
0x4: {  	_ = 	snop  }
0x5: {  	_ = 	snop  }
0x6: {  	_ = 	snop  }
0x7: {  	_ = 	snop  }
__scs_overlays_trampoline_lowered:
0x8: {  	[smem:$0x3FA9] =	sst s0  }
0x9: {  	[smem:$0x3FAA] =	sst s1  }
0xa: {  	[smem:$0x3FAB] =	sst s2  }
0xb: {  	[smem:$0x3FAC] =	sst s3  }
0xc: {  	[smem:$0x3FAD] =	sst s4  }
0xd: {  	[smem:$0x3FAE] =	sst s5  }
0xe: {  	[smem:$0x3FAF] =	sst s6  }
0xf: {  	[smem:$0x3FB0] =	sst s7  }
0x10: {  	[smem:$0x3FB1] =	sst s8  }
0x11: {  	[smem:$0x3FB2] =	sst s9;
	s0 =	simm.s32 @!p0 $0x0  }
0x12: {  	s1 =	sld [smem:$0x3F98];
	s0 =	simm.s32 @p0 $0x1  }
0x13: {  	[smem:$0x3FB3] =	sst s0;
	s0 =	simm.s32 @!p1 $0x0  }
0x14: {  	s2 =	sld [smem:$0x3F97];
	s0 =	simm.s32 @p1 $0x1  }
0x15: {  	[smem:$0x3FB4] =	sst s0;
	s0 =	simm.s32 @!p2 $0x0  }
0x16: {  	s3 =	sld [smem:$0x3FDB];
	s0 =	simm.s32 @p2 $0x1  }
0x17: {  	s4 =	simm.s32 $0x1BF5;
	[smem:$0x3FB6] =	sst s0  }
0x18: {  	s0 =	sld [smem:$0x3F99];
	_ =	swait.ge [sflag:s4], $0x0  }
0x19: {  	s7 =	sld [smem:$0x3F9A]  }
0x1a: {  	s8 =	sadd.s32 $0xFFFFE003, lr  }
0x1b: {  	s9 =	sadd.s32 $0xFFFFFEF7, lr;
	s5 =	simm.s32 $0xFFFFFFFF;
	p2 =	slt.u32 s8, $0xFFFFF086  }
0x1c: {  	p1 =	slt.u32 s9, $0xF7A;
	s5 =	simm.s32 @!p2 $0x0  }
0x1d: {  	s5 =	simm.s32 @p1 $0x1;
	p0 =	seq.s32 s7, s2  }
0x1e: {  	s7 =	smul.u32 @!p0 $0xF7A, s2;
	p2 =	seq.s32 @!p0 s5, $0x0  }
0x1f: {  	s9 =	smul.u32 $0xF7A, s1;
	s8 =	simm.s32 @!p0 $0x1BF5;
	p2 =	por !p2, p0  }
0x20: {  	[sflag:s8] =	ssyncset.s32 @!p0 $0xFFFFF086;
	s6 =	sadd.s32 @!p0 s3, s7;
	s7 =	simm.s32 @!p0 $0x108  }
0x21: {  	s3 =	sadd.s32 s3, s9;
	s6 =	sadd.s32 @!p0 $0x88, s6;
	s7 =	simm.s32 @p2 $0x1082  }
0x22: {  	[simem:s7], [sflag:s8] =	dma.local @!p0 [hbm:s6], $0xF7A  }
0x23: {  	s9 =	sor.u32 $0xD0000000, s2;
	s6 =	simm.s32 $0x108;
	_ =	swait.ge @!p0 [sflag:s8], $0x0  }
0x24: {  	s3 =	sadd.s32 $0x88, s3;
	s6 =	simm.s32 @!p1 $0x1082;
	[sflag:s4] =	ssyncset.s32 $0xFFFFF086  }
0x25: {  	[simem:s6], [sflag:s4] =	dma.local [hbm:s3], $0xF7A  }
0x26: {  	[smem:$0x3F9A] =	sst s1;
	(tag) =	ssettag s2;
	_ =	strace s9  }
0x27: {  	s1 =	sld [smem:$0x3FAA]  }
0x28: {  	s2 =	sld [smem:$0x3FAB]  }
0x29: {  	s4 =	sld [smem:$0x3FAD]  }
0x2a: {  	p0 =	seq.s32 s5, $0x0;
	s5 =	sld [smem:$0x3FAE]  }
0x2b: {  	s6 =	sld [smem:$0x3FAF]  }
0x2c: {  	s7 =	sld [smem:$0x3FB0]  }
0x2d: {  	s3 =	simm.s32 $0x108;
	s8 =	sld [smem:$0x3FB1]  }
0x2e: {  	s3 =	simm.s32 @!p0 $0x1082;
	s9 =	sld [smem:$0x3FB2]  }
0x2f: {  	lr =	sadd.s32 s0, s3;
	s0 =	sld [smem:$0x3FA9]  }
0x30: {  	s3 =	sld [smem:$0x3FAC]  }
0x31: {  	[smem:$0x3FB5] =	sst s10  }
0x32: {  	s10 =	sld [smem:$0x3FB3];
	_ =	sdelay $0x3  }
0x33: {  	p0 =	seq.s32 s10, $0x1;
	s10 =	sld [smem:$0x3FB5];
	_ =	sdelay $0x3  }
0x34: {  	[smem:$0x3FB5] =	sst s10  }
0x35: {  	s10 =	sld [smem:$0x3FB4];
	_ =	sdelay $0x3  }
0x36: {  	p1 =	seq.s32 s10, $0x1;
	s10 =	sld [smem:$0x3FB5];
	_ =	sdelay $0x3  }
0x37: {  	[smem:$0x3FB5] =	sst s10  }
0x38: {  	s10 =	sld [smem:$0x3FB6]  }
0x39: {  	_ = 	snop;
	(pc) =	sbr.ind lr, $3  }
0x3a: {  	_ = 	snop  }
0x3b: {  	_ = 	snop  }
0x3c: {  	p2 =	seq.s32 s10, $0x1;
	s10 =	sld [smem:$0x3FB5]  }
0x3d: {  	_ =	shalt  }
0x3e: {  	_ =	shalt  }
0x3f: {  	_ =	shalt  }
0x40: {  	_ =	shalt  }
0x41: {  	_ =	shalt  }
0x42: {  	_ =	shalt  }
0x43: {  	_ =	shalt  }
0x44: {  	_ =	shalt  }
0x45: {  	_ =	shalt  }
0x46: {  	_ =	shalt  }
0x47: {  	_ =	shalt  }
0x48: {  	_ =	shalt  }
0x49: {  	_ =	shalt  }
0x4a: {  	_ =	shalt  }
0x4b: {  	_ =	shalt  }
0x4c: {  	_ =	shalt  }
0x4d: {  	_ =	shalt  }
0x4e: {  	_ =	shalt  }
0x4f: {  	_ =	shalt  }
0x50: {  	_ =	shalt  }
0x51: {  	_ =	shalt  }
0x52: {  	_ =	shalt  }
0x53: {  	_ =	shalt  }
0x54: {  	_ =	shalt  }
0x55: {  	_ =	shalt  }
0x56: {  	_ =	shalt  }
0x57: {  	_ =	shalt  }
0x58: {  	_ =	shalt  }
0x59: {  	_ =	shalt  }
0x5a: {  	_ =	shalt  }
0x5b: {  	_ =	shalt  }
0x5c: {  	_ =	shalt  }
0x5d: {  	_ =	shalt  }
0x5e: {  	_ =	shalt  }
0x5f: {  	_ =	shalt  }
0x60: {  	_ =	shalt  }
0x61: {  	_ =	shalt  }
0x62: {  	_ =	shalt  }
0x63: {  	_ =	shalt  }
0x64: {  	_ =	shalt  }
0x65: {  	_ =	shalt  }
0x66: {  	_ =	shalt  }
0x67: {  	_ =	shalt  }
0x68: {  	_ =	shalt  }
0x69: {  	_ =	shalt  }
0x6a: {  	_ =	shalt  }
0x6b: {  	_ =	shalt  }
0x6c: {  	_ =	shalt  }
0x6d: {  	_ =	shalt  }
0x6e: {  	_ =	shalt  }
0x6f: {  	_ =	shalt  }
0x70: {  	_ =	shalt  }
0x71: {  	_ =	shalt  }
0x72: {  	_ =	shalt  }
0x73: {  	_ =	shalt  }
0x74: {  	_ =	shalt  }
0x75: {  	_ =	shalt  }
0x76: {  	_ =	shalt  }
0x77: {  	_ =	shalt  }
0x78: {  	_ =	shalt  }
0x79: {  	_ =	shalt  }
0x7a: {  	_ =	shalt  }
0x7b: {  	_ =	shalt  }
0x7c: {  	_ =	shalt  }
0x7d: {  	_ =	shalt  }
0x7e: {  	_ =	shalt  }
0x7f: {  	_ =	shalt  }
0x80: {  	_ =	shalt  }
0x81: {  	_ =	shalt  }
0x82: {  	_ =	shalt  }
0x83: {  	_ =	shalt  }
0x84: {  	_ =	shalt  }
0x85: {  	_ =	shalt  }
0x86: {  	_ =	shalt  }
0x87: {  	_ =	shalt  }
.Lfunc_end0:
.L_simem_size_0:
called_computation.2_lowered:
.L_overlay_start_0:
0x88: {  	s2 =	sld [smem:$0x3FD9]  }
0x89: {  	s3 =	sld [smem:$0x3FFE];
	_ =	sdelay $0x1  }
0x8a: {  	s1 =	srdreg.scid  }
0x8b: {  	s0 =	sand.u32 $0x1, s1  }
0x8c: {  	s16 =	sshll.u32 s0, $0xA;
	s2 =	sadd.s32 s3, s2  }
0x8d: {  	s2 =	sadd.s32 s2, s16  }
0x8e: {  	[smem:$0x3FC1] =	sst s2  }
0x8f: {  	_ = 	snop  }
0x90: {  	(tm) =	ssettm $0x1  }
0x91: {  	s17 =	sld [smem:$0x3FFB];
	_ =	sdelay $0x3  }
0x92: {  	_ =	strace s17  }
0x93: {  	s2 =	sld [smem:$0x3FFC];
	_ =	sdelay $0x3  }
0x94: {  	_ =	strace s2  }
0x95: {  	s2 =	sld [smem:$0x3FFD];
	_ =	sdelay $0x3  }
0x96: {  	_ =	strace s2  }
0x97: {  	_ =	strace $0x8FFFFFFF  }
0x98: {  	s18 =	sld [smem:$0x3FDB];
	_ =	sdelay $0x1  }
0x99: {  	s19 =	simm.s32 $_scs_section_size  }
0x9a: {  	s4 =	simm.s32 $_size__tile_overlayer_lowered;
	s5 =	simm.s32 $_tile_overlayer_lowered  }
0x9b: {  	s22 =	simm.s32 $0x1BFF;
	s21 =	sshll.u32 s5, $0x1;
	s2 =	sadd.s32 s19, s18  }
0x9c: {  	s6 =	simm.s32 $0x0;
	s20 =	sshll.u32 s4, $0x1;
	s4 =	sadd.s32 s21, s2  }
0x9d: {  	[timem:s6], [sflag:s22] =	dma.local [hbm:s4], s20  }
0x9e: {  	_ =	swait.ge [sflag:s22], s20  }
0x9f: {  	s3 =	ssub.s32 $0x0, s20;
	[sflag:s22] =	ssyncset.done $0x0  }
0xa0: {  	[sflag:s22] =	ssyncadd.s32 s3;
	_ =	sdelay $0x1  }
0xa1: {  	s23 =	simm.s32 $0x1B8B  }
0xa2: {  	_ =	swait.ge [sflag:s23], $0x1  }
0xa3: {  	[sflag:s23] =	ssyncset.done $0x0  }
0xa4: {  	s25 =	simm.s32 $0x1B8E;
	s24 =	sld [smem:$0x3FFE];
	[sflag:s23] =	ssyncadd.s32 $0xFFFFFFFF  }
0xa5: {  	s26 =	simm.s32 $execute0_lowered;
	[smem:$0x3FD2] =	sst s25  }
0xa6: {  	s4 =	sshll.u32 s26, $0x1;
	_ =	strace $0x8000004C;
	[dreg:$0x1] =	wrdreg $0xFFFFFFFF  }
0xa7: {  	s28 =	simm.s32 $_size_execute0_lowered;
	s2 =	sadd.s32 s2, s4;
	[dreg:$0x0] =	wrdreg $0x0  }
0xa8: {  	s4 =	sshll.u32 s28, $0x1;
	[dreg:$0x2] =	wrdreg s2  }
0xa9: {  	[dreg:$0x3] =	wrdreg s4  }
0xaa: {  	[dreg:$0x4] =	wrdreg $0xC0  }
0xab: {  	_ =	task [dreg:s6], $0x5FFFF  }
0xac: {  	[dreg:$0x1] =	wrdreg $0xFFFFFFFF  }
0xad: {  	[dreg:$0x0] =	wrdreg $0x60  }
0xae: {  	[dreg:$0x2] =	wrdreg s24  }
0xaf: {  	[dreg:$0x3] =	wrdreg $0xBE000  }
0xb0: {  	[dreg:$0x4] =	wrdreg $0x9  }
0xb1: {  	_ =	task.clear_ibuf [dreg:s6], $0x5FFFF;
	_ =	strace $0x9000004C  }
0xb2: {  	s29 =	simm.s32 $0x9;
	_ =	strace $0x8000004E  }
0xb3: {  	_ =	swait.ge [sflag:s29], $0x1  }
0xb4: {  	[sflag:s29] =	ssyncadd.s32 $0xFFFFFFFF  }
0xb5: {  	_ =	strace $0x9000004E  }
0xb6: {  	_ =	sfence  }
0xb7: {  	s30 =	sld [smem:$0x0];
	_ =	sdelay $0x2  }
0xb8: {  	s31 =	sshll.u32 s1, $0xD;
	s1 =	sshrl.u32 s1, $0x2  }
0xb9: {  	s3 =	sand.u32 $0x4000, s31;
	s1 =	sadd.s32 s1, s30  }
0xba: {  	s0 =	sor.u32 s3, s0;
	s1 =	sshll.u32 s1, $0x11  }
0xbb: {  	s0 =	sor.u32 s1, s0  }
0xbc: {  	s0 =	sadd.s32 $0x8F2B, s0  }
0xbd: {  	[sflag:s0] =	ssyncadd.remote.s32 $0x1  }
0xbe: {  	_ =	sfence.sel $0xFFFF  }
0xbf: {  	[dreg:$0x0] =	wrdreg $0xFFFFFFFF;
	(pc) =	sbr.abs _section_cstart, $3  }
0xc0: {  	[dreg:$0x1] =	wrdreg $0xFFFFFFFF  }
0xc1: {  	_ =	task.clear_ibuf [dreg:s6], $0x2FFFF;
	_ =	strace $0x9FFFFFFF  }
0xc2: {  	(tm) =	ssettm $0x7FFFFFFF  }
0xc3: {  	_ =	shalt  }
tec
execute0_lowered:
.L_overlay_start_1:
0x0: {  	(tag) =	ssettag $0x1  }
0x1: {  	s0 =	rddreg [dreg:$0x0]  }
0x2: {  	s1 =	rddreg [dreg:$0x1]  }
0x3: {  	s2 =	srdreg.scid;
	s4 =	simm.s32 $0x0;
	s14 =	simm.s32 $0x7600  }
0x4: {  	s15 =	simm.s32 $0x8600;
	s16 =	simm.s32 $0x9600;
	s17 =	simm.s32 $0xA600  }
0x5: {  	s3 =	sand.u32 $0x1, s2;
	s2 =	stileid.u32;
	[smem:$0x7FF] =	sst s4  }
0x6: {  	s4 =	sadd.s32 $0xB600, s0;
	s8 =	sadd.s32 $0x34200, s0;
	s5 =	smul.u32 $0x140000, s3  }
0x7: {  	s6 =	smul.u32 $0x14000, s2;
	_ =	strace $0x8000004D;
	[dreg:$0x4] =	wrdreg s14  }
0x8: {  	s9 =	sadd.s32 $0x1800, s0;
	s10 =	smul.u32 $0x17C0, s2;
	[dreg:$0x5] =	wrdreg s15  }
0x9: {  	s19 =	ssub.s32 $0x2, s3;
	s20 =	smul.u32 $0x50000, s2;
	[dreg:$0x6] =	wrdreg s16  }
0xa: {  	p0 =	seq.s32 s3, $0x0;
	s13 =	smul.u32 $0x6E0, s2;
	[dreg:$0x7] =	wrdreg s17  }
0xb: {  	s7 =	sshrl.u32 s19, $0x1;
	s5 =	sadd.s32 s6, s5;
	s10 =	sshrl.u32 s10, $0x3  }
0xc: {  	s6 =	ssub.s32 s19, s7;
	s19 =	simm.s32 $0xB600;
	s10 =	sadd.s32 $0x6E00, s10  }
0xd: {  	s7 =	sshrl.u32 s20, $0x2;
	[dreg:$0x8] =	wrdreg s19;
	s11 =	sadd.s32 s8, s10  }
0xe: {  	s7 =	sadd.s32 s7, s1;
	s10 =	sadd.s32 s9, s10;
	[dreg:$0x9] =	wrdreg s11  }
0xf: {  	s18 =	smul.u32 $0x2800, s2;
	s22 =	sadd.s32 $0x1000, s7;
	[dreg:$0xa] =	wrdreg s10  }
0x10: {  	s15 =	simm.s32 $0x9E00;
	s23 =	sadd.s32 $0x2000, s7;
	[dreg:$0xb] =	wrdreg s22  }
0x11: {  	s16 =	simm.s32 $0x80;
	s24 =	sadd.s32 $0x3000, s7;
	[dreg:$0xc] =	wrdreg s23  }
0x12: {  	s17 =	simm.s32 $0xAE00;
	s25 =	sadd.s32 $0x4000, s7;
	[dreg:$0xd] =	wrdreg s24  }
0x13: {  	s5 =	sshrl.u32 s5, $0x3;
	s28 =	sadd.s32 $0x5000, s7;
	[dreg:$0xe] =	wrdreg s25  }
0x14: {  	s19 =	simm.s32 $0x6;
	s29 =	sadd.s32 $0x6000, s7;
	[dreg:$0xf] =	wrdreg s28  }
0x15: {  	s0 =	sadd.s32 s5, s0;
	s30 =	sadd.s32 $0x7000, s7;
	[dreg:$0x10] =	wrdreg s29  }
0x16: {  	s5 =	simm.s32 $0x1B8;
	s31 =	sadd.s32 $0x8000, s7;
	[dreg:$0x11] =	wrdreg s30  }
0x17: {  	s12 =	sadd.s32 $0x9000, s7;
	s8 =	sadd.s32 s8, s13;
	[dreg:$0x12] =	wrdreg s31  }
0x18: {  	s9 =	sadd.s32 s9, s13;
	s20 =	sadd.s32 $0xB000, s7;
	[dreg:$0x13] =	wrdreg s12  }
0x19: {  	s13 =	simm.s32 $0x8E00;
	s5 =	simm.s32 @!p0 $0xBE;
	[dreg:$0x15] =	wrdreg s8  }
0x1a: {  	s12 =	sadd.s32 $0xA000, s7;
	[dreg:$0x16] =	wrdreg s9;
	p0 =	sne.s32 s3, $0x0  }
0x1b: {  	[dreg:$0x17] =	wrdreg s20;
	s22 =	sadd.s32 s4, s18;
	s24 =	sadd.s32 $0x3E000, s0  }
0x1c: {  	s25 =	smax.u32 s6, $0x1;
	s23 =	sadd.s32 $0xD000, s7;
	[dreg:$0x14] =	wrdreg s12  }
0x1d: {  	s28 =	sadd.s32 $0xF000, s7;
	s29 =	sadd.s32 $0x10000, s7;
	[dreg:$0x19] =	wrdreg s22  }
0x1e: {  	s30 =	sadd.s32 $0x11000, s7;
	s31 =	sadd.s32 $0x12000, s7;
	[dreg:$0x1a] =	wrdreg s23  }
0x1f: {  	s3 =	sadd.s32 $0x13000, s7;
	s6 =	simm.s32 $0x8;
	[dreg:$0x1c] =	wrdreg s28  }
0x20: {  	s9 =	simm.s32 $0x20;
	s11 =	simm.s32 $0x7E00;
	[dreg:$0x1d] =	wrdreg s29  }
0x21: {  	s18 =	simm.s32 $0x1;
	s21 =	smul.u32 $0x3334, s5;
	[dreg:$0x1e] =	wrdreg s30  }
0x22: {  	s20 =	simm.s32 $0x7;
	s8 =	simm.s32 $0x5;
	[dreg:$0x1f] =	wrdreg s31  }
0x23: {  	s22 =	simm.s32 $0x3;
	s26 =	sshrl.u32 s21, $0x10;
	s21 =	sadd.s32 $0xC000, s7  }
0x24: {  	s10 =	smul.u32 $0x280, s26;
	[dreg:$0x18] =	wrdreg s21;
	s26 =	sadd.s32 $0xE000, s7  }
0x25: {  	s23 =	simm.s32 $0x4;
	s21 =	simm.s32 $0x2;
	[dreg:$0x1b] =	wrdreg s26  }
0x26: {  	vm0 =	vmmov $0xffff;
	v0 =	vimm.f32 $0.0e+00;
	s26 =	simm.s32 $0x0;
	[dreg:$0x3] =	wrdreg s10;
	s10 =	simm.s32 $0x6E00  }
.LBB2_1:
.Ltmp0:
0x27: {  	(pc) =	sbr.rel @p0 .LBB2_3-.Ltmp0, $1  }
0x28: {  	_ =	sdelay $0x3  }
0x29: {  	s0 =	simm.s32 $0x0;
	s12 =	rddreg [dreg:$0x15]  }
0x2a: {  	[tilespmem:s0], [sflag:$0x8] =	stream.linear.gather [hbm4b:s12+s0], $0x3700, $0x38;
	[tilespmem:$0x1FE00] =	vst v63  }
0x2b: {  	_ =	swait.ge [sflag:s6], $0x3700  }
0x2c: {  	[sflag:s6] =	ssyncset.done $0x0  }
0x2d: {  	s14 =	simm.s32 $0x3700;
	s29 =	rddreg [dreg:$0x16];
	[sflag:s6] =	ssyncadd.s32 $0xFFFFC900  }
0x2e: {  	[tilespmem:s14], [sflag:$0x8] =	stream.linear.gather [hbm4b:s29+s0], $0x3700, $0x38;
	[tilespmem:$0x1FE00] =	vst v63  }
0x2f: {  	s30 =	sshll.u32 s2, $0x6;
	_ =	swait.ge [sflag:s6], $0x3700  }
0x30: {  	s28 =	sshrl.u32 s7, $0x3;
	s12 =	sor.u32 $0x1C08, s30;
	[sflag:s6] =	ssyncset.done $0x0  }
.Ltmp1:
0x31: {  	s31 =	rddreg [dreg:$0x19];
	[sflag:s6] =	ssyncadd.s32 $0xFFFFC900;
	(pc) =	sbr.rel .LBB2_6-.Ltmp1, $4  }
0x32: {  	[spmem:s28], [sflag:s12] =	dma.local [hbm:s31], $0x2800  }
0x33: {  	_ =	swait.ge [sflag:s6], $0x2800  }
0x34: {  	[sflag:s6] =	ssyncset.done $0x0  }
0x35: {  	[sflag:s6] =	ssyncadd.s32 $0xFFFFD800  }
.LBB2_3:
0x36: {  	s12 =	simm.s32 $0x0;
	s0 =	rddreg [dreg:$0x9]  }
0x37: {  	[tilespmem:s12], [sflag:$0x8] =	stream.linear.gather [hbm4b:s0+s12], $0x17C0, $0x38;
	[tilespmem:$0x1FE00] =	vst v63  }
0x38: {  	_ =	swait.ge [sflag:s6], $0x17C0  }
0x39: {  	[sflag:s6] =	ssyncset.done $0x0  }
0x3a: {  	s14 =	simm.s32 $0x3700;
	s31 =	rddreg [dreg:$0xa];
	[sflag:s6] =	ssyncadd.s32 $0xFFFFE840  }
0x3b: {  	[tilespmem:s14], [sflag:$0x8] =	stream.linear.gather [hbm4b:s31+s12], $0x17C0, $0x38;
	[tilespmem:$0x1FE00] =	vst v63  }
0x3c: {  	_ =	swait.ge [sflag:s6], $0x17C0  }
0x3d: {  	[sflag:s6] =	ssyncset.done $0x0  }
0x3e: {  	s28 =	simm.s32 $0x200;
	s12 =	simm.s32 $0x0;
	[sflag:s6] =	ssyncadd.s32 $0xFFFFE840  }
.LBB2_4:
0x3f: {  	p1 =	sne.s32 s28, $0x3E00;
	[tilespmem:s12+$0x6E70] =	vst v0  }
0x40: {  	[tilespmem:s12+$0x6E00] =	vst v0  }
0x41: {  	[tilespmem:s12+$0x6E10] =	vst v0  }
.Ltmp2:
0x42: {  	[tilespmem:s12+$0x6E20] =	vst v0;
	(pc) =	sbr.rel @p1 .LBB2_4-.Ltmp2, $4  }
0x43: {  	[tilespmem:s12+$0x6E30] =	vst v0  }
0x44: {  	[tilespmem:s12+$0x6E40] =	vst v0  }
0x45: {  	[tilespmem:s12+$0x6E50] =	vst v0  }
0x46: {  	[tilespmem:s12+$0x6E60] =	vst v0;
	s12 =	sshra.s32 s28, $0x2;
	s28 =	sadd.s32 $0x200, s28  }
0x47: {  	[tilespmem:s12+$0x6E70] =	vst v0  }
0x48: {  	[tilespmem:s12+$0x6E00] =	vst v0  }
0x49: {  	[tilespmem:s12+$0x6E10] =	vst v0  }
0x4a: {  	[tilespmem:s12+$0x6E20] =	vst v0  }
0x4b: {  	[tilespmem:s12+$0x6E30] =	vst v0  }
0x4c: {  	[tilespmem:s12+$0x6E40] =	vst v0  }
0x4d: {  	[tilespmem:s12+$0x6E50] =	vst v0  }
0x4e: {  	[tilespmem:s12+$0x6E60] =	vst v0  }
0x4f: {  	[spmem:s7] =	stream.linear.scatter [tilespmem:s10], [sflag:$0x8], $0x1000, $0x38;
	[tilespmem:$0x1FE00] =	vst v63  }
0x50: {  	_ =	swait.ge [sflag:s6], $0x1000  }
0x51: {  	[sflag:s6] =	ssyncset.done $0x0  }
0x52: {  	s0 =	rddreg [dreg:$0xb];
	[sflag:s6] =	ssyncadd.s32 $0xFFFFF000  }
0x53: {  	[spmem:s0] =	stream.linear.scatter [tilespmem:s10], [sflag:$0x8], $0x1000, $0x38;
	[tilespmem:$0x1FE00] =	vst v63  }
0x54: {  	_ =	swait.ge [sflag:s6], $0x1000  }
0x55: {  	[sflag:s6] =	ssyncset.done $0x0  }
0x56: {  	s14 =	rddreg [dreg:$0xc];
	[sflag:s6] =	ssyncadd.s32 $0xFFFFF000  }
0x57: {  	[spmem:s14] =	stream.linear.scatter [tilespmem:s10], [sflag:$0x8], $0x1000, $0x38;
	[tilespmem:$0x1FE00] =	vst v63  }
0x58: {  	_ =	swait.ge [sflag:s6], $0x1000  }
0x59: {  	[sflag:s6] =	ssyncset.done $0x0  }
0x5a: {  	s28 =	rddreg [dreg:$0xd];
	[sflag:s6] =	ssyncadd.s32 $0xFFFFF000  }
0x5b: {  	[spmem:s28] =	stream.linear.scatter [tilespmem:s10], [sflag:$0x8], $0x1000, $0x38;
	[tilespmem:$0x1FE00] =	vst v63  }
0x5c: {  	_ =	swait.ge [sflag:s6], $0x1000  }
0x5d: {  	[sflag:s6] =	ssyncset.done $0x0  }
0x5e: {  	s29 =	rddreg [dreg:$0xe];
	[sflag:s6] =	ssyncadd.s32 $0xFFFFF000  }
0x5f: {  	[spmem:s29] =	stream.linear.scatter [tilespmem:s10], [sflag:$0x8], $0x1000, $0x38;
	[tilespmem:$0x1FE00] =	vst v63  }
0x60: {  	_ =	swait.ge [sflag:s6], $0x1000  }
0x61: {  	[sflag:s6] =	ssyncset.done $0x0  }
0x62: {  	s30 =	rddreg [dreg:$0xf];
	[sflag:s6] =	ssyncadd.s32 $0xFFFFF000  }
0x63: {  	[spmem:s30] =	stream.linear.scatter [tilespmem:s10], [sflag:$0x8], $0x1000, $0x38;
	[tilespmem:$0x1FE00] =	vst v63  }
0x64: {  	_ =	swait.ge [sflag:s6], $0x1000  }
0x65: {  	[sflag:s6] =	ssyncset.done $0x0  }
0x66: {  	s31 =	rddreg [dreg:$0x10];
	[sflag:s6] =	ssyncadd.s32 $0xFFFFF000  }
0x67: {  	[spmem:s31] =	stream.linear.scatter [tilespmem:s10], [sflag:$0x8], $0x1000, $0x38;
	[tilespmem:$0x1FE00] =	vst v63  }
0x68: {  	_ =	swait.ge [sflag:s6], $0x1000  }
0x69: {  	[sflag:s6] =	ssyncset.done $0x0  }
0x6a: {  	s12 =	rddreg [dreg:$0x11];
	[sflag:s6] =	ssyncadd.s32 $0xFFFFF000  }
0x6b: {  	[spmem:s12] =	stream.linear.scatter [tilespmem:s10], [sflag:$0x8], $0x1000, $0x38;
	[tilespmem:$0x1FE00] =	vst v63  }
0x6c: {  	_ =	swait.ge [sflag:s6], $0x1000  }
0x6d: {  	[sflag:s6] =	ssyncset.done $0x0  }
0x6e: {  	s14 =	rddreg [dreg:$0x12];
	[sflag:s6] =	ssyncadd.s32 $0xFFFFF000  }
0x6f: {  	[spmem:s14] =	stream.linear.scatter [tilespmem:s10], [sflag:$0x8], $0x1000, $0x38;
	[tilespmem:$0x1FE00] =	vst v63  }
0x70: {  	_ =	swait.ge [sflag:s6], $0x1000  }
0x71: {  	[sflag:s6] =	ssyncset.done $0x0  }
0x72: {  	s28 =	rddreg [dreg:$0x13];
	[sflag:s6] =	ssyncadd.s32 $0xFFFFF000  }
0x73: {  	[spmem:s28] =	stream.linear.scatter [tilespmem:s10], [sflag:$0x8], $0x1000, $0x38;
	[tilespmem:$0x1FE00] =	vst v63  }
0x74: {  	_ =	swait.ge [sflag:s6], $0x1000  }
0x75: {  	[sflag:s6] =	ssyncset.done $0x0  }
0x76: {  	s29 =	rddreg [dreg:$0x14];
	[sflag:s6] =	ssyncadd.s32 $0xFFFFF000  }
0x77: {  	[spmem:s29] =	stream.linear.scatter [tilespmem:s10], [sflag:$0x8], $0x1000, $0x38;
	[tilespmem:$0x1FE00] =	vst v63  }
0x78: {  	_ =	swait.ge [sflag:s6], $0x1000  }
0x79: {  	[sflag:s6] =	ssyncset.done $0x0  }
0x7a: {  	s30 =	rddreg [dreg:$0x17];
	[sflag:s6] =	ssyncadd.s32 $0xFFFFF000  }
0x7b: {  	[spmem:s30] =	stream.linear.scatter [tilespmem:s10], [sflag:$0x8], $0x1000, $0x38;
	[tilespmem:$0x1FE00] =	vst v63  }
0x7c: {  	_ =	swait.ge [sflag:s6], $0x1000  }
0x7d: {  	[sflag:s6] =	ssyncset.done $0x0  }
0x7e: {  	s31 =	rddreg [dreg:$0x18];
	[sflag:s6] =	ssyncadd.s32 $0xFFFFF000  }
0x7f: {  	[spmem:s31] =	stream.linear.scatter [tilespmem:s10], [sflag:$0x8], $0x1000, $0x38;
	[tilespmem:$0x1FE00] =	vst v63  }
0x80: {  	_ =	swait.ge [sflag:s6], $0x1000  }
0x81: {  	[sflag:s6] =	ssyncset.done $0x0  }
0x82: {  	s12 =	rddreg [dreg:$0x1a];
	[sflag:s6] =	ssyncadd.s32 $0xFFFFF000  }
0x83: {  	[spmem:s12] =	stream.linear.scatter [tilespmem:s10], [sflag:$0x8], $0x1000, $0x38;
	[tilespmem:$0x1FE00] =	vst v63  }
0x84: {  	_ =	swait.ge [sflag:s6], $0x1000  }
0x85: {  	[sflag:s6] =	ssyncset.done $0x0  }
0x86: {  	s14 =	rddreg [dreg:$0x1b];
	[sflag:s6] =	ssyncadd.s32 $0xFFFFF000  }
0x87: {  	[spmem:s14] =	stream.linear.scatter [tilespmem:s10], [sflag:$0x8], $0x1000, $0x38;
	[tilespmem:$0x1FE00] =	vst v63  }
0x88: {  	_ =	swait.ge [sflag:s6], $0x1000  }
0x89: {  	[sflag:s6] =	ssyncset.done $0x0  }
0x8a: {  	s28 =	rddreg [dreg:$0x1c];
	[sflag:s6] =	ssyncadd.s32 $0xFFFFF000  }
0x8b: {  	[spmem:s28] =	stream.linear.scatter [tilespmem:s10], [sflag:$0x8], $0x1000, $0x38;
	[tilespmem:$0x1FE00] =	vst v63  }
0x8c: {  	_ =	swait.ge [sflag:s6], $0x1000  }
0x8d: {  	[sflag:s6] =	ssyncset.done $0x0  }
0x8e: {  	s29 =	rddreg [dreg:$0x1d];
	[sflag:s6] =	ssyncadd.s32 $0xFFFFF000  }
0x8f: {  	[spmem:s29] =	stream.linear.scatter [tilespmem:s10], [sflag:$0x8], $0x1000, $0x38;
	[tilespmem:$0x1FE00] =	vst v63  }
0x90: {  	_ =	swait.ge [sflag:s6], $0x1000  }
0x91: {  	[sflag:s6] =	ssyncset.done $0x0  }
0x92: {  	s30 =	rddreg [dreg:$0x1e];
	[sflag:s6] =	ssyncadd.s32 $0xFFFFF000  }
0x93: {  	[spmem:s30] =	stream.linear.scatter [tilespmem:s10], [sflag:$0x8], $0x1000, $0x38;
	[tilespmem:$0x1FE00] =	vst v63  }
0x94: {  	_ =	swait.ge [sflag:s6], $0x1000  }
0x95: {  	[sflag:s6] =	ssyncset.done $0x0  }
0x96: {  	s31 =	rddreg [dreg:$0x1f];
	[sflag:s6] =	ssyncadd.s32 $0xFFFFF000  }
0x97: {  	[spmem:s31] =	stream.linear.scatter [tilespmem:s10], [sflag:$0x8], $0x1000, $0x38;
	[tilespmem:$0x1FE00] =	vst v63  }
0x98: {  	_ =	swait.ge [sflag:s6], $0x1000  }
0x99: {  	[sflag:s6] =	ssyncset.done $0x0  }
0x9a: {  	[sflag:s6] =	ssyncadd.s32 $0xFFFFF000  }
0x9b: {  	[spmem:s3] =	stream.linear.scatter [tilespmem:s10], [sflag:$0x8], $0x1000, $0x38;
	[tilespmem:$0x1FE00] =	vst v63  }
0x9c: {  	_ =	swait.ge [sflag:s6], $0x1000  }
0x9d: {  	[sflag:s6] =	ssyncset.done $0x0  }
0x9e: {  	[sflag:s6] =	ssyncadd.s32 $0xFFFFF000  }
.LBB2_6:
0x9f: {  	[bflag:$0x0] =	sbarrier.arrive $0xFFFF;
	s28 =	simm.s32 $0x0  }
0xa0: {  	[tilespmem:s10], [sflag:$0x1] =	stream.indirect.gather [hbm4b:s4+s9], $0x80, s28, s9, $0xb8;
	[tilespmem:$0x1FE00] =	vst v63  }
0xa1: {  	_ = 	snop  }
0xa2: {  	[tilespmem:s11], [sflag:$0x2] =	stream.indirect.gather [hbm4b:s4+s9], $0x80, s9, s9, $0xb8;
	[tilespmem:$0x1FE00] =	vst v63  }
0xa3: {  	s0 =	simm.s32 $0x40  }
0xa4: {  	[tilespmem:s13], [sflag:$0x3] =	stream.indirect.gather [hbm4b:s4+s9], $0x80, s0, s9, $0xb8;
	[tilespmem:$0x1FE00] =	vst v63  }
0xa5: {  	s31 =	simm.s32 $0x60  }
0xa6: {  	[tilespmem:s15], [sflag:$0x4] =	stream.indirect.gather [hbm4b:s4+s9], $0x80, s31, s9, $0xb8;
	[tilespmem:$0x1FE00] =	vst v63  }
0xa7: {  	s29 =	simm.s32 $0x5;
	s12 =	simm.s32 $0x0  }
0xa8: {  	[tilespmem:s17], [sflag:$0x5] =	stream.indirect.gather [hbm4b:s4+s9], $0x80, s16, s9, $0xb8;
	[tilespmem:$0x1FE00] =	vst v63  }
.LBB2_7:
0xa9: {  	_ =	swait.ge [sflag:s18], $0x1000  }
0xaa: {  	[sflag:s18] =	ssyncset.done $0x0  }
0xab: {  	s30 =	sshra.s32 s12, $0x2;
	[sflag:s18] =	ssyncadd.s32 $0xFFFFF000  }
0xac: {  	v1 =	vld [tilespmem:s30+$0x3700];
	_ =	sdelay $0x1  }
0xad: {  	v2 =	vld [tilespmem:s30+$0x3710];
	_ =	sdelay $0x5  }
0xae: {  	[spmem:s1] =	stream.indirect_vreg.scatter.add.f32 [tilespmem:s10], [sflag:$0x6], $0x80, v1, vm0, $0xb8;
	[tilespmem:$0x1FE00] =	vst v63  }
0xaf: {  	s31 =	rddreg [dreg:$0x4]  }
0xb0: {  	[spmem:s1] =	stream.indirect_vreg.scatter.add.f32 [tilespmem:s31], [sflag:$0x7], $0x80, v2, vm0, $0xb8;
	[tilespmem:$0x1FE00] =	vst v63  }
0xb1: {  	_ =	swait.ge [sflag:s19], $0x800  }
0xb2: {  	[sflag:s19] =	ssyncset.done $0x0  }
0xb3: {  	[sflag:s19] =	ssyncadd.s32 $0xFFFFF800  }
0xb4: {  	p1 =	sge.u32 s29, s5;
	_ =	swait.ge [sflag:s20], $0x800  }
0xb5: {  	s14 =	simm.s32 @!p1 $0x20;
	s31 =	sshra.s32 @!p1 s12, $0x2;
	[sflag:s20] =	ssyncset.done $0x0  }
0xb6: {  	s0 =	simm.s32 @!p1 $0x6E00;
	s31 =	sadd.s32 @!p1 $0xA0, s31;
	[sflag:s20] =	ssyncadd.s32 $0xFFFFF800  }
0xb7: {  	[tilespmem:s0], [sflag:$0x1] =	stream.indirect.gather @!p1 [hbm4b:s4+s14], $0x80, s31, s14, $0xb8;
	[tilespmem:$0x1FE00] =	vst v63  }
0xb8: {  	_ =	swait.ge [sflag:s21], $0x1000  }
0xb9: {  	[sflag:s21] =	ssyncset.done $0x0  }
0xba: {  	[sflag:s21] =	ssyncadd.s32 $0xFFFFF000  }
0xbb: {  	v1 =	vld [tilespmem:s30+$0x3720];
	_ =	sdelay $0x1  }
0xbc: {  	v2 =	vld [tilespmem:s30+$0x3730];
	_ =	sdelay $0x5  }
0xbd: {  	[spmem:s1] =	stream.indirect_vreg.scatter.add.f32 [tilespmem:s11], [sflag:$0x6], $0x80, v1, vm0, $0xb8;
	[tilespmem:$0x1FE00] =	vst v63  }
0xbe: {  	s14 =	rddreg [dreg:$0x5]  }
0xbf: {  	[spmem:s1] =	stream.indirect_vreg.scatter.add.f32 [tilespmem:s14], [sflag:$0x7], $0x80, v2, vm0, $0xb8;
	[tilespmem:$0x1FE00] =	vst v63  }
0xc0: {  	_ =	swait.ge [sflag:s19], $0x800  }
0xc1: {  	[sflag:s19] =	ssyncset.done $0x0  }
0xc2: {  	s31 =	sadd.s32 $0x1, s29;
	[sflag:s19] =	ssyncadd.s32 $0xFFFFF800  }
0xc3: {  	p1 =	sge.u32 s31, s5;
	_ =	swait.ge [sflag:s20], $0x800  }
0xc4: {  	s0 =	sshra.s32 @!p1 s12, $0x2;
	s31 =	simm.s32 @!p1 $0x7E00;
	[sflag:s20] =	ssyncset.done $0x0  }
0xc5: {  	s0 =	sadd.s32 @!p1 $0xC0, s0;
	s14 =	simm.s32 @!p1 $0x20;
	[sflag:s20] =	ssyncadd.s32 $0xFFFFF800  }
0xc6: {  	[tilespmem:s31], [sflag:$0x2] =	stream.indirect.gather @!p1 [hbm4b:s4+s14], $0x80, s0, s14, $0xb8;
	[tilespmem:$0x1FE00] =	vst v63  }
0xc7: {  	_ =	swait.ge [sflag:s22], $0x1000  }
0xc8: {  	[sflag:s22] =	ssyncset.done $0x0  }
0xc9: {  	[sflag:s22] =	ssyncadd.s32 $0xFFFFF000  }
0xca: {  	v1 =	vld [tilespmem:s30+$0x3740];
	_ =	sdelay $0x1  }
0xcb: {  	v2 =	vld [tilespmem:s30+$0x3750];
	_ =	sdelay $0x5  }
0xcc: {  	[spmem:s1] =	stream.indirect_vreg.scatter.add.f32 [tilespmem:s13], [sflag:$0x6], $0x80, v1, vm0, $0xb8;
	[tilespmem:$0x1FE00] =	vst v63  }
0xcd: {  	s14 =	rddreg [dreg:$0x6]  }
0xce: {  	[spmem:s1] =	stream.indirect_vreg.scatter.add.f32 [tilespmem:s14], [sflag:$0x7], $0x80, v2, vm0, $0xb8;
	[tilespmem:$0x1FE00] =	vst v63  }
0xcf: {  	_ =	swait.ge [sflag:s19], $0x800  }
0xd0: {  	[sflag:s19] =	ssyncset.done $0x0  }
0xd1: {  	s31 =	sadd.s32 $0x2, s29;
	[sflag:s19] =	ssyncadd.s32 $0xFFFFF800  }
0xd2: {  	p1 =	sge.u32 s31, s5;
	_ =	swait.ge [sflag:s20], $0x800  }
0xd3: {  	s0 =	sshra.s32 @!p1 s12, $0x2;
	s31 =	simm.s32 @!p1 $0x8E00;
	[sflag:s20] =	ssyncset.done $0x0  }
0xd4: {  	s0 =	sadd.s32 @!p1 $0xE0, s0;
	s14 =	simm.s32 @!p1 $0x20;
	[sflag:s20] =	ssyncadd.s32 $0xFFFFF800  }
0xd5: {  	[tilespmem:s31], [sflag:$0x3] =	stream.indirect.gather @!p1 [hbm4b:s4+s14], $0x80, s0, s14, $0xb8;
	[tilespmem:$0x1FE00] =	vst v63  }
0xd6: {  	_ =	swait.ge [sflag:s23], $0x1000  }
0xd7: {  	[sflag:s23] =	ssyncset.done $0x0  }
0xd8: {  	[sflag:s23] =	ssyncadd.s32 $0xFFFFF000  }
0xd9: {  	v1 =	vld [tilespmem:s30+$0x3760];
	_ =	sdelay $0x1  }
0xda: {  	v2 =	vld [tilespmem:s30+$0x3770];
	_ =	sdelay $0x5  }
0xdb: {  	[spmem:s1] =	stream.indirect_vreg.scatter.add.f32 [tilespmem:s15], [sflag:$0x6], $0x80, v1, vm0, $0xb8;
	[tilespmem:$0x1FE00] =	vst v63  }
0xdc: {  	s14 =	rddreg [dreg:$0x7]  }
0xdd: {  	[spmem:s1] =	stream.indirect_vreg.scatter.add.f32 [tilespmem:s14], [sflag:$0x7], $0x80, v2, vm0, $0xb8;
	[tilespmem:$0x1FE00] =	vst v63  }
0xde: {  	_ =	swait.ge [sflag:s19], $0x800  }
0xdf: {  	[sflag:s19] =	ssyncset.done $0x0  }
0xe0: {  	s31 =	sadd.s32 $0x3, s29;
	[sflag:s19] =	ssyncadd.s32 $0xFFFFF800  }
0xe1: {  	p1 =	sge.u32 s31, s5;
	_ =	swait.ge [sflag:s20], $0x800  }
0xe2: {  	s0 =	sshra.s32 @!p1 s12, $0x2;
	s31 =	simm.s32 @!p1 $0x9E00;
	[sflag:s20] =	ssyncset.done $0x0  }
0xe3: {  	s0 =	sadd.s32 @!p1 $0x100, s0;
	s14 =	simm.s32 @!p1 $0x20;
	[sflag:s20] =	ssyncadd.s32 $0xFFFFF800  }
0xe4: {  	[tilespmem:s31], [sflag:$0x4] =	stream.indirect.gather @!p1 [hbm4b:s4+s14], $0x80, s0, s14, $0xb8;
	[tilespmem:$0x1FE00] =	vst v63  }
0xe5: {  	_ =	swait.ge [sflag:s8], $0x1000  }
0xe6: {  	[sflag:s8] =	ssyncset.done $0x0  }
0xe7: {  	s14 =	sand.u32 $0x7FFFFFE0, s28;
	[sflag:s8] =	ssyncadd.s32 $0xFFFFF000  }
0xe8: {  	v1 =	vld [tilespmem:s14+$0x3780];
	_ =	sdelay $0x1  }
0xe9: {  	v2 =	vld [tilespmem:s30+$0x3790];
	_ =	sdelay $0x5  }
0xea: {  	[spmem:s1] =	stream.indirect_vreg.scatter.add.f32 [tilespmem:s17], [sflag:$0x6], $0x80, v1, vm0, $0xb8;
	[tilespmem:$0x1FE00] =	vst v63  }
0xeb: {  	s30 =	rddreg [dreg:$0x8]  }
0xec: {  	[spmem:s1] =	stream.indirect_vreg.scatter.add.f32 [tilespmem:s30], [sflag:$0x7], $0x80, v2, vm0, $0xb8;
	[tilespmem:$0x1FE00] =	vst v63  }
0xed: {  	_ =	swait.ge [sflag:s19], $0x800  }
0xee: {  	s31 =	sadd.s32 $0x4, s29;
	[sflag:s19] =	ssyncset.done $0x0  }
0xef: {  	p1 =	sge.u32 s31, s5;
	[sflag:s19] =	ssyncadd.s32 $0xFFFFF800  }
0xf0: {  	s0 =	sshra.s32 @!p1 s12, $0x2;
	s12 =	sadd.s32 $0x280, s12;
	_ =	swait.ge [sflag:s20], $0x800  }
0xf1: {  	s0 =	sadd.s32 @!p1 $0x120, s0;
	s14 =	simm.s32 @!p1 $0x20;
	[sflag:s20] =	ssyncset.done $0x0  }
0xf2: {  	s30 =	simm.s32 @!p1 $0xAE00;
	s31 =	rddreg [dreg:$0x3];
	[sflag:s20] =	ssyncadd.s32 $0xFFFFF800  }
0xf3: {  	[tilespmem:s30], [sflag:$0x5] =	stream.indirect.gather @!p1 [hbm4b:s4+s14], $0x80, s0, s14, $0xb8;
	[tilespmem:$0x1FE00] =	vst v63  }
0xf4: {  	p1 =	sne.s32 s31, s12  }
.Ltmp3:
0xf5: {  	_ = 	snop;
	(pc) =	sbr.rel @p1 .LBB2_7-.Ltmp3, $2  }
0xf6: {  	_ =	sdelay $0x2  }
0xf7: {  	s28 =	sadd.s32 $0xA0, s28;
	s29 =	sadd.s32 $0x5, s29  }
0xf8: {  	s26 =	sadd.s32 $0x1, s26  }
0xf9: {  	s0 =	sshll.u32 s2, $0x6;
	[bflag:$0x0] =	sbarrier.arrive $0xFFFF;
	p1 =	sne.s32 s26, s25  }
.Ltmp4:
0xfa: {  	s12 =	sshrl.u32 s7, $0x3;
	s0 =	sor.u32 $0x1C08, s0;
	(pc) =	sbr.rel @p1 .LBB2_1-.Ltmp4, $4  }
0xfb: {  	[hbm:s24], [sflag:s0] =	dma.local [spmem:s12], $0x2800  }
0xfc: {  	_ =	swait.ge [sflag:s6], $0x2800  }
0xfd: {  	[sflag:s6] =	ssyncset.done $0x0  }
0xfe: {  	[sflag:s6] =	ssyncadd.s32 $0xFFFFD800  }
0xff: {  	_ =	sfence.sel $0x180000  }
0x100: {  	[bflag:$0x0] =	sbarrier.arrive $0xFFFF  }
0x101: {  	_ =	strace $0x9000004D  }
0x102: {  	[bflag:$0x2] =	sbarrier.arrive $0xFFFF  }
0x103: {  	p0 =	sne.s32 s2, $0x0;
	s0 =	rddreg [dreg:$0x2]  }
0x104: {  	s0 =	sadd.s32 @!p0 $0x100000, s0  }
0x105: {  	[sflag:s0] =	ssyncadd.tile.s32 @!p0 $0x1;
	_ =	shalt  }
.Lfunc_end2:
_tile_overlayer_lowered:
.L_overlay_start_2:
0x106: {  	(tag) =	ssettag $0x2  }
0x107: {  	s0 =	rddreg [dreg:$0x0];
	s2 =	stileid.u32  }
0x108: {  	s1 =	rddreg [dreg:$0x1];
	p0 =	sne.s32 s2, $0x0  }
0x109: {  	s3 =	rddreg [dreg:$0x2];
	[bflag:$0x3] =	sbarrier.arrive $0xFFFF;
	s2 =	simm.s32 @!p0 $0x1C08  }
0x10a: {  	[timem:s3], [sflag:s2] =	dma.local @!p0 [hbm:s0], s1  }
0x10b: {  	s0 =	simm.s32 @!p0 $0x8  }
0x10c: {  	_ =	swait.ge @!p0 [sflag:s0], s1  }
0x10d: {  	s1 =	ssub.s32 @!p0 $0x0, s1;
	[sflag:s0] =	ssyncset.done @!p0 $0x0  }
0x10e: {  	[sflag:s0] =	ssyncadd.s32 @!p0 s1  }
0x10f: {  	[bflag:$0x3] =	sbarrier.arrive $0xFFFF  }
0x110: {  	_ =	shalt  }

// kernel: kernel.19.cloned.1.call-start
scs
__scs_entry_jumppad:
0x0: {  	(pc) =	sbr.rel $0x88, $3  }
0x1: {  	(tag) =	ssettag $0x0;
	lr =	simm.s32 $0x1  }
0x2: {  	[smem:$0x3F9A] =	sst lr;
	_ =	strace $0xD0000000  }
0x3: {  	_ = 	snop  }
0x4: {  	_ = 	snop  }
0x5: {  	_ = 	snop  }
0x6: {  	_ = 	snop  }
0x7: {  	_ = 	snop  }
__scs_overlays_trampoline_lowered:
0x8: {  	[smem:$0x3FA9] =	sst s0  }
0x9: {  	[smem:$0x3FAA] =	sst s1  }
0xa: {  	[smem:$0x3FAB] =	sst s2  }
0xb: {  	[smem:$0x3FAC] =	sst s3  }
0xc: {  	[smem:$0x3FAD] =	sst s4  }
0xd: {  	[smem:$0x3FAE] =	sst s5  }
0xe: {  	[smem:$0x3FAF] =	sst s6  }
0xf: {  	[smem:$0x3FB0] =	sst s7  }
0x10: {  	[smem:$0x3FB1] =	sst s8  }
0x11: {  	[smem:$0x3FB2] =	sst s9;
	s0 =	simm.s32 @!p0 $0x0  }
0x12: {  	s1 =	sld [smem:$0x3F98];
	s0 =	simm.s32 @p0 $0x1  }
0x13: {  	[smem:$0x3FB3] =	sst s0;
	s0 =	simm.s32 @!p1 $0x0  }
0x14: {  	s2 =	sld [smem:$0x3F97];
	s0 =	simm.s32 @p1 $0x1  }
0x15: {  	[smem:$0x3FB4] =	sst s0;
	s0 =	simm.s32 @!p2 $0x0  }
0x16: {  	s3 =	sld [smem:$0x3FDB];
	s0 =	simm.s32 @p2 $0x1  }
0x17: {  	s4 =	simm.s32 $0x1BF5;
	[smem:$0x3FB6] =	sst s0  }
0x18: {  	s0 =	sld [smem:$0x3F99];
	_ =	swait.ge [sflag:s4], $0x0  }
0x19: {  	s7 =	sld [smem:$0x3F9A]  }
0x1a: {  	s8 =	sadd.s32 $0xFFFFE003, lr  }
0x1b: {  	s9 =	sadd.s32 $0xFFFFFEF7, lr;
	s5 =	simm.s32 $0xFFFFFFFF;
	p2 =	slt.u32 s8, $0xFFFFF086  }
0x1c: {  	p1 =	slt.u32 s9, $0xF7A;
	s5 =	simm.s32 @!p2 $0x0  }
0x1d: {  	s5 =	simm.s32 @p1 $0x1;
	p0 =	seq.s32 s7, s2  }
0x1e: {  	s7 =	smul.u32 @!p0 $0xF7A, s2;
	p2 =	seq.s32 @!p0 s5, $0x0  }
0x1f: {  	s9 =	smul.u32 $0xF7A, s1;
	s8 =	simm.s32 @!p0 $0x1BF5;
	p2 =	por !p2, p0  }
0x20: {  	[sflag:s8] =	ssyncset.s32 @!p0 $0xFFFFF086;
	s6 =	sadd.s32 @!p0 s3, s7;
	s7 =	simm.s32 @!p0 $0x108  }
0x21: {  	s3 =	sadd.s32 s3, s9;
	s6 =	sadd.s32 @!p0 $0x88, s6;
	s7 =	simm.s32 @p2 $0x1082  }
0x22: {  	[simem:s7], [sflag:s8] =	dma.local @!p0 [hbm:s6], $0xF7A  }
0x23: {  	s9 =	sor.u32 $0xD0000000, s2;
	s6 =	simm.s32 $0x108;
	_ =	swait.ge @!p0 [sflag:s8], $0x0  }
0x24: {  	s3 =	sadd.s32 $0x88, s3;
	s6 =	simm.s32 @!p1 $0x1082;
	[sflag:s4] =	ssyncset.s32 $0xFFFFF086  }
0x25: {  	[simem:s6], [sflag:s4] =	dma.local [hbm:s3], $0xF7A  }
0x26: {  	[smem:$0x3F9A] =	sst s1;
	(tag) =	ssettag s2;
	_ =	strace s9  }
0x27: {  	s1 =	sld [smem:$0x3FAA]  }
0x28: {  	s2 =	sld [smem:$0x3FAB]  }
0x29: {  	s4 =	sld [smem:$0x3FAD]  }
0x2a: {  	p0 =	seq.s32 s5, $0x0;
	s5 =	sld [smem:$0x3FAE]  }
0x2b: {  	s6 =	sld [smem:$0x3FAF]  }
0x2c: {  	s7 =	sld [smem:$0x3FB0]  }
0x2d: {  	s3 =	simm.s32 $0x108;
	s8 =	sld [smem:$0x3FB1]  }
0x2e: {  	s3 =	simm.s32 @!p0 $0x1082;
	s9 =	sld [smem:$0x3FB2]  }
0x2f: {  	lr =	sadd.s32 s0, s3;
	s0 =	sld [smem:$0x3FA9]  }
0x30: {  	s3 =	sld [smem:$0x3FAC]  }
0x31: {  	[smem:$0x3FB5] =	sst s10  }
0x32: {  	s10 =	sld [smem:$0x3FB3];
	_ =	sdelay $0x3  }
0x33: {  	p0 =	seq.s32 s10, $0x1;
	s10 =	sld [smem:$0x3FB5];
	_ =	sdelay $0x3  }
0x34: {  	[smem:$0x3FB5] =	sst s10  }
0x35: {  	s10 =	sld [smem:$0x3FB4];
	_ =	sdelay $0x3  }
0x36: {  	p1 =	seq.s32 s10, $0x1;
	s10 =	sld [smem:$0x3FB5];
	_ =	sdelay $0x3  }
0x37: {  	[smem:$0x3FB5] =	sst s10  }
0x38: {  	s10 =	sld [smem:$0x3FB6]  }
0x39: {  	_ = 	snop;
	(pc) =	sbr.ind lr, $3  }
0x3a: {  	_ = 	snop  }
0x3b: {  	_ = 	snop  }
0x3c: {  	p2 =	seq.s32 s10, $0x1;
	s10 =	sld [smem:$0x3FB5]  }
0x3d: {  	_ =	shalt  }
0x3e: {  	_ =	shalt  }
0x3f: {  	_ =	shalt  }
0x40: {  	_ =	shalt  }
0x41: {  	_ =	shalt  }
0x42: {  	_ =	shalt  }
0x43: {  	_ =	shalt  }
0x44: {  	_ =	shalt  }
0x45: {  	_ =	shalt  }
0x46: {  	_ =	shalt  }
0x47: {  	_ =	shalt  }
0x48: {  	_ =	shalt  }
0x49: {  	_ =	shalt  }
0x4a: {  	_ =	shalt  }
0x4b: {  	_ =	shalt  }
0x4c: {  	_ =	shalt  }
0x4d: {  	_ =	shalt  }
0x4e: {  	_ =	shalt  }
0x4f: {  	_ =	shalt  }
0x50: {  	_ =	shalt  }
0x51: {  	_ =	shalt  }
0x52: {  	_ =	shalt  }
0x53: {  	_ =	shalt  }
0x54: {  	_ =	shalt  }
0x55: {  	_ =	shalt  }
0x56: {  	_ =	shalt  }
0x57: {  	_ =	shalt  }
0x58: {  	_ =	shalt  }
0x59: {  	_ =	shalt  }
0x5a: {  	_ =	shalt  }
0x5b: {  	_ =	shalt  }
0x5c: {  	_ =	shalt  }
0x5d: {  	_ =	shalt  }
0x5e: {  	_ =	shalt  }
0x5f: {  	_ =	shalt  }
0x60: {  	_ =	shalt  }
0x61: {  	_ =	shalt  }
0x62: {  	_ =	shalt  }
0x63: {  	_ =	shalt  }
0x64: {  	_ =	shalt  }
0x65: {  	_ =	shalt  }
0x66: {  	_ =	shalt  }
0x67: {  	_ =	shalt  }
0x68: {  	_ =	shalt  }
0x69: {  	_ =	shalt  }
0x6a: {  	_ =	shalt  }
0x6b: {  	_ =	shalt  }
0x6c: {  	_ =	shalt  }
0x6d: {  	_ =	shalt  }
0x6e: {  	_ =	shalt  }
0x6f: {  	_ =	shalt  }
0x70: {  	_ =	shalt  }
0x71: {  	_ =	shalt  }
0x72: {  	_ =	shalt  }
0x73: {  	_ =	shalt  }
0x74: {  	_ =	shalt  }
0x75: {  	_ =	shalt  }
0x76: {  	_ =	shalt  }
0x77: {  	_ =	shalt  }
0x78: {  	_ =	shalt  }
0x79: {  	_ =	shalt  }
0x7a: {  	_ =	shalt  }
0x7b: {  	_ =	shalt  }
0x7c: {  	_ =	shalt  }
0x7d: {  	_ =	shalt  }
0x7e: {  	_ =	shalt  }
0x7f: {  	_ =	shalt  }
0x80: {  	_ =	shalt  }
0x81: {  	_ =	shalt  }
0x82: {  	_ =	shalt  }
0x83: {  	_ =	shalt  }
0x84: {  	_ =	shalt  }
0x85: {  	_ =	shalt  }
0x86: {  	_ =	shalt  }
0x87: {  	_ =	shalt  }
.Lfunc_end0:
.L_simem_size_0:
called_computation.3_lowered:
.L_overlay_start_0:
0x88: {  	s2 =	sld [smem:$0x3FD9]  }
0x89: {  	s3 =	sld [smem:$0x3FFE];
	_ =	sdelay $0x1  }
0x8a: {  	s1 =	srdreg.scid  }
0x8b: {  	s0 =	sand.u32 $0x1, s1  }
0x8c: {  	s17 =	sshll.u32 s0, $0xA;
	s2 =	sadd.s32 s3, s2  }
0x8d: {  	s2 =	sadd.s32 s2, s17  }
0x8e: {  	[smem:$0x3FC1] =	sst s2  }
0x8f: {  	_ = 	snop  }
0x90: {  	s2 =	sld [smem:$0x3FD0];
	(tm) =	ssettm $0x1  }
0x91: {  	s18 =	sld [smem:$0x3FFB];
	_ =	sdelay $0x3  }
0x92: {  	_ =	strace s18  }
0x93: {  	s3 =	sld [smem:$0x3FFC];
	_ =	sdelay $0x3  }
0x94: {  	_ =	strace s3  }
0x95: {  	s3 =	sld [smem:$0x3FFD];
	_ =	sdelay $0x3  }
0x96: {  	_ =	strace s3  }
0x97: {  	_ =	strace $0x8FFFFFFF  }
0x98: {  	s19 =	sld [smem:$0x3FDB];
	_ =	sdelay $0x1  }
0x99: {  	s4 =	simm.s32 $_scs_section_size  }
0x9a: {  	s5 =	simm.s32 $_size__tile_overlayer_lowered;
	s6 =	simm.s32 $_tile_overlayer_lowered  }
0x9b: {  	s22 =	simm.s32 $0x1BFF;
	s21 =	sshll.u32 s6, $0x1;
	s3 =	sadd.s32 s4, s19  }
0x9c: {  	s7 =	simm.s32 $0x0;
	s20 =	sshll.u32 s5, $0x1;
	s5 =	sadd.s32 s21, s3  }
0x9d: {  	[timem:s7], [sflag:s22] =	dma.local [hbm:s5], s20  }
0x9e: {  	_ =	swait.ge [sflag:s22], s20  }
0x9f: {  	s4 =	ssub.s32 $0x0, s20;
	[sflag:s22] =	ssyncset.done $0x0  }
0xa0: {  	[sflag:s22] =	ssyncadd.s32 s4;
	_ =	sdelay $0x1  }
0xa1: {  	s23 =	simm.s32 $0x1B8B  }
0xa2: {  	_ =	swait.ge [sflag:s23], $0x1  }
0xa3: {  	[sflag:s23] =	ssyncset.done $0x0  }
0xa4: {  	s25 =	simm.s32 $0x1B8E;
	s24 =	sld [smem:$0x3FFE];
	[sflag:s23] =	ssyncadd.s32 $0xFFFFFFFF  }
0xa5: {  	s26 =	simm.s32 $execute0_lowered;
	[smem:$0x3FD2] =	sst s25  }
0xa6: {  	s5 =	sshll.u32 s26, $0x1;
	_ =	strace $0x8000004F;
	[dreg:$0x1] =	wrdreg $0xFFFFFFFF  }
0xa7: {  	s28 =	simm.s32 $_size_execute0_lowered;
	s3 =	sadd.s32 s3, s5;
	[dreg:$0x0] =	wrdreg $0x0  }
0xa8: {  	s5 =	sshll.u32 s28, $0x1;
	[dreg:$0x2] =	wrdreg s3  }
0xa9: {  	[dreg:$0x3] =	wrdreg s5  }
0xaa: {  	[dreg:$0x4] =	wrdreg $0xC0  }
0xab: {  	_ =	task [dreg:s7], $0x5FFFF  }
0xac: {  	[dreg:$0x1] =	wrdreg $0xFFFFFFFF  }
0xad: {  	[dreg:$0x0] =	wrdreg $0x60  }
0xae: {  	[dreg:$0x2] =	wrdreg s24  }
0xaf: {  	[dreg:$0x3] =	wrdreg s2  }
0xb0: {  	[dreg:$0x4] =	wrdreg $0x9  }
0xb1: {  	_ =	task.clear_ibuf [dreg:s7], $0x5FFFF;
	_ =	strace $0x9000004F  }
0xb2: {  	s29 =	simm.s32 $0x9;
	_ =	strace $0x80000051  }
0xb3: {  	_ =	swait.ge [sflag:s29], $0x1  }
0xb4: {  	[sflag:s29] =	ssyncadd.s32 $0xFFFFFFFF  }
0xb5: {  	_ =	strace $0x90000051  }
0xb6: {  	_ =	sfence  }
0xb7: {  	s30 =	sld [smem:$0x0];
	_ =	sdelay $0x2  }
0xb8: {  	s31 =	sshll.u32 s1, $0xD;
	s1 =	sshrl.u32 s1, $0x2  }
0xb9: {  	s3 =	sand.u32 $0x4000, s31;
	s1 =	sadd.s32 s1, s30  }
0xba: {  	s0 =	sor.u32 s3, s0;
	s1 =	sshll.u32 s1, $0x11  }
0xbb: {  	s0 =	sor.u32 s1, s0  }
0xbc: {  	s0 =	sadd.s32 $0x8F2B, s0  }
0xbd: {  	[sflag:s0] =	ssyncadd.remote.s32 $0x1  }
0xbe: {  	_ =	sfence.sel $0xFFFF  }
0xbf: {  	[dreg:$0x0] =	wrdreg $0xFFFFFFFF;
	(pc) =	sbr.abs _section_cstart, $3  }
0xc0: {  	[dreg:$0x1] =	wrdreg $0xFFFFFFFF  }
0xc1: {  	_ =	task.clear_ibuf [dreg:s7], $0x2FFFF;
	_ =	strace $0x9FFFFFFF  }
0xc2: {  	(tm) =	ssettm $0x7FFFFFFF  }
0xc3: {  	_ =	shalt  }
tec
execute0_lowered:
.L_overlay_start_1:
0x0: {  	(tag) =	ssettag $0x1  }
0x1: {  	s3 =	rddreg [dreg:$0x0]  }
0x2: {  	s1 =	rddreg [dreg:$0x1]  }
0x3: {  	s0 =	rddreg [dreg:$0x2];
	s2 =	simm.s32 $0x0  }
0x4: {  	s4 =	srdreg.scid;
	s10 =	simm.s32 $0x80;
	s11 =	simm.s32 $0x50  }
0x5: {  	s12 =	simm.s32 $0x100;
	s13 =	simm.s32 $0x2900;
	s14 =	simm.s32 $0x1  }
0x6: {  	s15 =	simm.s32 $0x2;
	s16 =	simm.s32 $0x5100;
	s17 =	simm.s32 $0x3  }
.Ltmp0:
0x7: {  	s18 =	simm.s32 $0x0;
	s7 =	sand.u32 $0x1, s4;
	(pc) =	sbr.rel .LBB2_1-.Ltmp0, $4  }
0x8: {  	[smem:$0x7FF] =	sst s2;
	s4 =	sadd.s32 $0x1800, s3;
	s8 =	ssub.s32 $0x2, s7  }
0x9: {  	s5 =	sadd.s32 $0x33600, s3;
	s6 =	sadd.s32 $0x33C00, s3;
	s9 =	sshrl.u32 s8, $0x1  }
0xa: {  	s3 =	stileid.u32;
	_ =	strace $0x80000050;
	s8 =	ssub.s32 s8, s9  }
0xb: {  	s7 =	sshll.u32 s7, $0x4;
	s9 =	simm.s32 $0x4;
	s8 =	smax.u32 s8, $0x1  }
.LBB2_7:
0xc: {  	s18 =	sadd.s32 $0x1, s18  }
0xd: {  	p0 =	sne.s32 s18, s8  }
.Ltmp1:
0xe: {  	_ = 	snop;
	(pc) =	sbr.rel @!p0 .LBB2_8-.Ltmp1, $1  }
0xf: {  	_ =	sdelay $0x3  }
.LBB2_1:
.Ltmp2:
0x10: {  	(pc) =	sbr.rel .LBB2_2-.Ltmp2, $2  }
0x11: {  	_ =	sdelay $0x2  }
0x12: {  	s19 =	simm.s32 $0x0  }
.LBB2_6:
0x13: {  	s19 =	sadd.s32 $0x1, s19  }
0x14: {  	p0 =	sne.s32 s19, $0x4  }
.Ltmp3:
0x15: {  	_ = 	snop;
	(pc) =	sbr.rel @!p0 .LBB2_7-.Ltmp3, $1  }
0x16: {  	_ =	sdelay $0x3  }
.LBB2_2:
0x17: {  	s20 =	sshll.u32 s19, $0x5  }
0x18: {  	s20 =	sor.u32 s20, s7  }
0x19: {  	s20 =	sor.u32 s3, s20  }
0x1a: {  	p0 =	sgt.u32 s20, $0x7C  }
.Ltmp4:
0x1b: {  	_ = 	snop;
	(pc) =	sbr.rel @p0 .LBB2_6-.Ltmp4, $1  }
0x1c: {  	_ =	sdelay $0x3  }
0x1d: {  	s21 =	smul.u32 $0xA, s20;
	_ =	sdelay $0x1  }
0x1e: {  	s23 =	simm.s32 $0x0;
	s22 =	sadd.s32 s5, s21  }
0x1f: {  	[tilespmem:s23], [sflag:$0x4] =	stream.linear.gather [hbm4b:s22+s23], $0x50, $0x38;
	[tilespmem:$0x7900] =	vst v63  }
0x20: {  	_ =	swait.ge [sflag:s9], $0x50  }
0x21: {  	[sflag:s9] =	ssyncset.done $0x0  }
0x22: {  	s21 =	sadd.s32 s1, s21;
	[sflag:s9] =	ssyncadd.s32 $0xFFFFFFB0  }
0x23: {  	[tilespmem:s10], [sflag:$0x4] =	stream.linear.gather [hbm4b:s21+s23], $0x50, $0x38;
	[tilespmem:$0x7900] =	vst v63  }
0x24: {  	_ =	swait.ge [sflag:s9], $0x50  }
0x25: {  	[sflag:s9] =	ssyncset.done $0x0  }
0x26: {  	[sflag:s9] =	ssyncadd.s32 $0xFFFFFFB0  }
0x27: {  	[tilespmem:s12], [sflag:$0x1] =	stream.indirect.gather [hbm4b:s4+s11], $0x80, s23, s11, $0xb8;
	[tilespmem:$0x7900] =	vst v63  }
0x28: {  	_ = 	snop  }
0x29: {  	[tilespmem:s13], [sflag:$0x2] =	stream.indirect.gather [hbm4b:s4+s11], $0x80, s10, s11, $0xb8;
	[tilespmem:$0x7900] =	vst v63  }
0x2a: {  	_ =	swait.ge [sflag:s14], $0x2800  }
0x2b: {  	[sflag:s14] =	ssyncset.done $0x0  }
0x2c: {  	[sflag:s14] =	ssyncadd.s32 $0xFFFFD800  }
0x2d: {  	_ =	swait.ge [sflag:s15], $0x2800  }
0x2e: {  	[sflag:s15] =	ssyncset.done $0x0  }
0x2f: {  	s21 =	simm.s32 $0x0;
	[sflag:s15] =	ssyncadd.s32 $0xFFFFD800  }
0x30: {  	v0 =	vld [tilespmem:s21+$0x100]  }
0x31: {  	v1 =	vld [tilespmem:s21+$0x2900]  }
0x32: {  	v2 =	vld [tilespmem:s21+$0x110]  }
0x33: {  	v3 =	vld [tilespmem:s21+$0x2910]  }
0x34: {  	v4 =	vld [tilespmem:s21+$0x120]  }
0x35: {  	v5 =	vld [tilespmem:s21+$0x2920]  }
0x36: {  	v6 =	vld [tilespmem:s21+$0x130]  }
0x37: {  	v7 =	vld [tilespmem:s21+$0x2930]  }
0x38: {  	v0 =	vmul.f32 v1, v0;
	v1 =	vmul.f32 v3, v2;
	v2 =	vld [tilespmem:s21+$0x140]  }
0x39: {  	v3 =	vld [tilespmem:s21+$0x2940]  }
0x3a: {  	v8 =	vld [tilespmem:s21+$0x2950];
	v0 =	vadd.f32 v1, v0;
	v1 =	vmul.f32 v5, v4  }
0x3b: {  	v5 =	vld [tilespmem:s21+$0x150]  }
0x3c: {  	v0 =	vadd.f32 v1, v0;
	v1 =	vmul.f32 v7, v6;
	v6 =	vld [tilespmem:s21+$0x160]  }
0x3d: {  	v7 =	vld [tilespmem:s21+$0x2960]  }
0x3e: {  	v4 =	vld [tilespmem:s21+$0x2970];
	v2 =	vmul.f32 v3, v2;
	v9 =	vadd.f32 v1, v0  }
0x3f: {  	s22 =	simm.s32 $0x80;
	v1 =	vld [tilespmem:s21+$0x170]  }
0x40: {  	v3 =	vld [tilespmem:s22+$0x110];
	v5 =	vmul.f32 v8, v5;
	v9 =	vadd.f32 v2, v9  }
0x41: {  	v0 =	vld [tilespmem:s22+$0x100]  }
0x42: {  	s23 =	simm.s32 $0x400;
	v2 =	vld [tilespmem:s22+$0x2900];
	v6 =	vmul.f32 v7, v6;
	v5 =	vadd.f32 v5, v9  }
.LBB2_4:
0x43: {  	p0 =	sne.s32 s23, $0x9E00;
	v7 =	vld [tilespmem:s22+$0x2910]  }
0x44: {  	v8 =	vld [tilespmem:s22+$0x120];
	v5 =	vadd.f32 v6, v5;
	v1 =	vmul.f32 v4, v1  }
0x45: {  	v4 =	vld [tilespmem:s22+$0x2920]  }
0x46: {  	v6 =	vld [tilespmem:s22+$0x130];
	v1 =	vadd.f32 v1, v5  }
0x47: {  	v5 =	vld [tilespmem:s22+$0x2930]  }
0x48: {  	v0 =	vmul.f32 v2, v0;
	v2 =	vmul.f32 v7, v3;
	v3 =	vld [tilespmem:s22+$0x140];
	[tilespmem:s21+$0x5100] =	vst v1;
	s21 =	smov.u32 s22  }
0x49: {  	v1 =	vld [tilespmem:s21+$0x2940]  }
0x4a: {  	v0 =	vadd.f32 v2, v0;
	v2 =	vmul.f32 v4, v8;
	v7 =	vld [tilespmem:s21+$0x150]  }
0x4b: {  	v8 =	vld [tilespmem:s21+$0x2950]  }
0x4c: {  	v0 =	vadd.f32 v2, v0;
	v2 =	vmul.f32 v5, v6;
	v6 =	vld [tilespmem:s21+$0x160]  }
0x4d: {  	v9 =	vld [tilespmem:s21+$0x2960]  }
.Ltmp5:
0x4e: {  	v2 =	vadd.f32 v2, v0;
	v3 =	vmul.f32 v1, v3;
	v1 =	vld [tilespmem:s21+$0x170];
	(pc) =	sbr.rel @p0 .LBB2_4-.Ltmp5, $4  }
0x4f: {  	s22 =	sshra.s32 s23, $0x2;
	v4 =	vld [tilespmem:s21+$0x2970]  }
0x50: {  	v0 =	vld [tilespmem:s22+$0x100];
	v5 =	vadd.f32 v3, v2;
	v7 =	vmul.f32 v8, v7  }
0x51: {  	v2 =	vld [tilespmem:s22+$0x2900]  }
0x52: {  	s23 =	sadd.s32 $0x200, s23;
	v3 =	vld [tilespmem:s22+$0x110];
	v5 =	vadd.f32 v7, v5;
	v6 =	vmul.f32 v9, v6  }
0x53: {  	v7 =	vld [tilespmem:s22+$0x2910]  }
0x54: {  	v8 =	vld [tilespmem:s22+$0x120];
	v5 =	vadd.f32 v6, v5;
	v1 =	vmul.f32 v4, v1  }
0x55: {  	v49 =	vld [tilespmem:s22+$0x2920]  }
0x56: {  	v50 =	vld [tilespmem:s22+$0x130];
	v1 =	vadd.f32 v1, v5  }
0x57: {  	v51 =	vld [tilespmem:s22+$0x2930]  }
0x58: {  	v9 =	vld [tilespmem:s22+$0x140];
	v0 =	vmul.f32 v2, v0;
	v52 =	vmul.f32 v7, v3;
	[tilespmem:s21+$0x5100] =	vst v1  }
0x59: {  	v1 =	vld [tilespmem:s22+$0x2940]  }
0x5a: {  	v53 =	vmul.f32 v49, v8;
	v54 =	vld [tilespmem:s22+$0x150];
	v0 =	vadd.f32 v52, v0  }
0x5b: {  	v55 =	vld [tilespmem:s22+$0x2950]  }
0x5c: {  	v56 =	vmul.f32 v51, v50;
	v57 =	vld [tilespmem:s22+$0x160];
	v0 =	vadd.f32 v53, v0  }
0x5d: {  	v58 =	vld [tilespmem:s22+$0x2960]  }
0x5e: {  	v59 =	vld [tilespmem:s22+$0x170];
	v0 =	vadd.f32 v56, v0;
	v1 =	vmul.f32 v1, v9  }
0x5f: {  	v60 =	vld [tilespmem:s22+$0x2970]  }
0x60: {  	v61 =	vmul.f32 v55, v54;
	v0 =	vadd.f32 v1, v0;
	_ =	sdelay $0x1  }
0x61: {  	v62 =	vmul.f32 v58, v57;
	v0 =	vadd.f32 v61, v0;
	_ =	sdelay $0x1  }
0x62: {  	v63 =	vmul.f32 v60, v59;
	v0 =	vadd.f32 v62, v0;
	_ =	sdelay $0x1  }
0x63: {  	s20 =	smul.u32 $0x500, s20;
	v0 =	vadd.f32 v63, v0;
	_ =	sdelay $0x1  }
.Ltmp6:
0x64: {  	s20 =	sadd.s32 s6, s20;
	[tilespmem:s22+$0x5100] =	vst v0;
	(pc) =	sbr.rel .LBB2_6-.Ltmp6, $4  }
0x65: {  	[hbm4b:s20+s2] =	stream.linear.scatter [tilespmem:s16], [sflag:$0x3], $0x2800, $0x38;
	[tilespmem:$0x7900] =	vst v63  }
0x66: {  	_ =	swait.ge [sflag:s17], $0x2800  }
0x67: {  	[sflag:s17] =	ssyncset.done $0x0  }
0x68: {  	[sflag:s17] =	ssyncadd.s32 $0xFFFFD800  }
.LBB2_8:
0x69: {  	_ =	sfence.sel $0x180000  }
0x6a: {  	[bflag:$0x0] =	sbarrier.arrive $0xFFFF  }
0x6b: {  	p0 =	sne.s32 s3, $0x0;
	_ =	strace $0x90000050  }
0x6c: {  	s0 =	sadd.s32 @!p0 $0x100000, s0;
	[bflag:$0x2] =	sbarrier.arrive $0xFFFF  }
0x6d: {  	[sflag:s0] =	ssyncadd.tile.s32 @!p0 $0x1;
	_ =	shalt  }
.Lfunc_end2:
_tile_overlayer_lowered:
.L_overlay_start_2:
0x6e: {  	(tag) =	ssettag $0x2  }
0x6f: {  	s0 =	rddreg [dreg:$0x0];
	s2 =	stileid.u32  }
0x70: {  	s1 =	rddreg [dreg:$0x1];
	p0 =	sne.s32 s2, $0x0  }
0x71: {  	s3 =	rddreg [dreg:$0x2];
	[bflag:$0x3] =	sbarrier.arrive $0xFFFF;
	s2 =	simm.s32 @!p0 $0x1C03  }
0x72: {  	[timem:s3], [sflag:s2] =	dma.local @!p0 [hbm:s0], s1  }
0x73: {  	s0 =	simm.s32 @!p0 $0x3  }
0x74: {  	_ =	swait.ge @!p0 [sflag:s0], s1  }
0x75: {  	s1 =	ssub.s32 @!p0 $0x0, s1;
	[sflag:s0] =	ssyncset.done @!p0 $0x0  }
0x76: {  	[sflag:s0] =	ssyncadd.s32 @!p0 s1  }
0x77: {  	[bflag:$0x3] =	sbarrier.arrive $0xFFFF  }
0x78: {  	_ =	shalt  }

</sc_bundles>
